<compile_context>
chip_gen: v7x
topology: tpu7x:2x2x1
jax: 0.10.2.dev20260603
libtpu: 0.0.44.dev20260713+nightly
codegen_flags: <defaults>
</compile_context>

<pallas_src>
import jax
import jax.numpy as jnp
from jax import lax
from jax.experimental import pallas as pl
from jax.experimental.pallas import tpu as pltpu
from jax.experimental.pallas import tpu_sc as plsc

NUM_EMB = 1_000_000
D = 32
R = 16
SCALING = 2.0

BLKJ = 2048
NGRID = (NUM_EMB // 4 + BLKJ - 1) // BLKJ
NROW_J = NGRID * BLKJ

NC = 2
NS = 16
NW = NC * NS

LSEQ = 50
FL = 5
NFL = LSEQ // FL


def _fuse_body(wt_ref, a_ref, rhs_ref, o_ref):
    a = a_ref[...]
    wt = wt_ref[...]
    aug = jnp.concatenate([a, wt], axis=0)
    rhs = rhs_ref[...]
    d128 = lax.dot_general(aug.astype(jnp.bfloat16), rhs.astype(jnp.bfloat16),
                           (((0,), (1,)), ((), ())),
                           preferred_element_type=jnp.float32)
    lanes = lax.broadcasted_iota(jnp.int32, (BLKJ, 4 * D), 1)
    r = [d128[BLKJ * c:BLKJ * (c + 1), :] for c in range(4)]
    o_ref[...] = jnp.where(
        lanes < D, r[0],
        jnp.where(lanes < 2 * D, r[1], jnp.where(lanes < 3 * D, r[2], r[3])))


def _build_fused(wt, lora_a, rhs):
    return pl.pallas_call(
        _fuse_body,
        grid=(NGRID,),
        in_specs=[
            pl.BlockSpec((D, 4 * BLKJ), lambda i: (0, i)),
            pl.BlockSpec((R, 4 * BLKJ), lambda i: (0, i)),
            pl.BlockSpec((4 * D, R + D), lambda i: (0, 0)),
        ],
        out_specs=pl.BlockSpec((BLKJ, 4 * D), lambda i: (i, 0)),
        out_shape=jax.ShapeDtypeStruct((NROW_J, 4 * D), jnp.float32),
    )(wt, lora_a, rhs)


def _lane_rot(x, iota16, r):
    idx = (iota16 - r) & 15
    dn = lax.GatherDimensionNumbers(
        offset_dims=(), collapsed_slice_dims=(0,), start_index_map=(0,))
    return lax.gather(x, idx[:, None], dn, (1,),
                      mode=lax.GatherScatterMode.PROMISE_IN_BOUNDS)


def _gather_body(fused_hbm, idx_hbm, out_hbm,
                 idx_v, buf_a, buf_b, t_a, t_b,
                 sem_ga, sem_gb, sem_oa, sem_ob):
    wid = lax.axis_index("s") * NC + lax.axis_index("c")
    iota16 = lax.iota(jnp.int32, 16)
    masks = {k: (iota16 & k) == 0 for k in (1, 2, 4, 8)}
    pltpu.sync_copy(idx_hbm.at[:, pl.ds(wid * 128, 128)], idx_v)

    def fire(m, buf, sem):
        for k in range(FL):
            pltpu.async_copy(
                fused_hbm.at[idx_v.at[m * FL + k]],
                buf.at[pl.ds(k * 128, 128)], sem)

    def drain_gathers(m, buf, sem):
        for k in range(FL):
            pltpu.make_async_copy(
                fused_hbm.at[idx_v.at[m * FL + k]],
                buf.at[pl.ds(k * 128, 128)], sem).wait()

    def drain_out(t, sem):
        for k in range(FL):
            for td in range(4):
                pltpu.make_async_copy(
                    out_hbm.at[0, 0, 0], t.at[k, td], sem).wait()

    def transpose_flush(buf, t):
        def blk(n, carry):
            k = n >> 4
            col0 = ((n >> 3) & 1) * 16
            b0 = (n & 7) * 16
            row0 = k * 128 + b0
            v = [buf[row0 + q, pl.ds(col0, 16)] for q in range(16)]
            for s in (1, 2, 4, 8):
                nv = list(v)
                for i in range(16):
                    if i & s:
                        continue
                    j = i | s
                    a, b = v[i], v[j]
                    nv[i] = jnp.where(masks[s], a, _lane_rot(b, iota16, s))
                    nv[j] = jnp.where(masks[s], _lane_rot(a, iota16, -s), b)
                v = nv
            for q in range(16):
                d = col0 + q
                t[k, d >> 3, d & 7, pl.ds(b0, 16)] = v[q]
            return carry
        lax.fori_loop(0, FL * 16, blk, 0)

    def write_out(m, t, sem):
        def kbody(k, carry):
            l = m * FL + k
            for td in range(4):
                pltpu.async_copy(t.at[k, td], out_hbm.at[l, td, wid], sem)
            return carry
        lax.fori_loop(0, FL, kbody, 0)

    fire(0, buf_a, sem_ga)

    def body(i, carry):
        m0 = 2 * i
        fire(m0 + 1, buf_b, sem_gb)
        drain_gathers(m0, buf_a, sem_ga)

        @pl.when(i > 0)
        def _():
            drain_out(t_a, sem_oa)
        transpose_flush(buf_a, t_a)
        write_out(m0, t_a, sem_oa)

        @pl.when(i < (NFL // 2 - 1))
        def _():
            fire(m0 + 2, buf_a, sem_ga)
        drain_gathers(m0 + 1, buf_b, sem_gb)

        @pl.when(i > 0)
        def _():
            drain_out(t_b, sem_ob)
        transpose_flush(buf_b, t_b)
        write_out(m0 + 1, t_b, sem_ob)
        return carry

    lax.fori_loop(0, NFL // 2, body, 0)
    drain_out(t_a, sem_oa)
    drain_out(t_b, sem_ob)


def _sc_gather(fused, idx_t):
    mesh = plsc.VectorSubcoreMesh(core_axis_name="c", subcore_axis_name="s")
    kfn = pl.kernel(
        _gather_body,
        mesh=mesh,
        compiler_params=pltpu.CompilerParams(use_tc_tiling_on_sc=False),
        out_type=jax.ShapeDtypeStruct((LSEQ, 4, NW, 8, 128), jnp.float32),
        scratch_types=[
            pltpu.VMEM((LSEQ, 128), jnp.int32),
            pltpu.VMEM((FL * 128, D), jnp.float32),
            pltpu.VMEM((FL * 128, D), jnp.float32),
            pltpu.VMEM((FL, 4, 8, 128), jnp.float32),
            pltpu.VMEM((FL, 4, 8, 128), jnp.float32),
            pltpu.SemaphoreType.DMA,
            pltpu.SemaphoreType.DMA,
            pltpu.SemaphoreType.DMA,
            pltpu.SemaphoreType.DMA,
        ],
    )
    return kfn(fused, idx_t)


def kernel(x, weight, lora_a, lora_b):
    bsz, lsz = x.shape
    wt = weight.T
    rhs = jnp.tile(jnp.concatenate(
        [lora_b * SCALING, jnp.eye(D, dtype=jnp.float32)], axis=1),
        (4, 1))
    fused128 = _build_fused(wt, lora_a, rhs)
    fused = fused128.reshape(NROW_J * 4, D)
    xt = ((x >> 13) << 13) + ((x & 2047) << 2) + ((x >> 11) & 3)
    out5 = _sc_gather(fused, xt.T)
    return out5.transpose(2, 4, 0, 1, 3).reshape(bsz, lsz, D)

# --- scband reference (transcript-rebuilt; emitter-appended) ---
"""Pipeline reference for scband-embedding-23819888623923 (READ-ONLY COPY).

The authoritative reference and input builder live on the scoring server;
editing this copy changes nothing except your own understanding.
"""

import jax, jax.numpy as jnp
import numpy as np

NUM_EMBEDDINGS = 1000000
EMBED_DIM = 32
R = 16
ALPHA = 32
SCALING = ALPHA / R


def setup_inputs(seed: int = 0) -> dict:
    key = jax.random.key(seed)
    k1, k2, k3, k4 = jax.random.split(key, 4)
    x = jax.random.randint(k1, (4096, 50), 0, NUM_EMBEDDINGS, dtype=jnp.int64 if jax.config.read('jax_enable_x64') else jnp.int32)
    weight = jax.random.normal(k2, (NUM_EMBEDDINGS, EMBED_DIM), dtype=jnp.float32) * 0.02
    lora_a = jax.random.normal(k3, (R, NUM_EMBEDDINGS), dtype=jnp.float32)
    lora_b = jax.random.normal(k4, (EMBED_DIM, R), dtype=jnp.float32) * 0.02
    return {"x": x, "weight": weight, "lora_a": lora_a, "lora_b": lora_b}


def reference(x, weight, lora_a, lora_b):
    # result = embedding(x, W0) + embedding(x, A^T) @ B^T * scaling
    base = jnp.take(weight, x, axis=0)                 # [B, L, d]
    a_emb = jnp.take(lora_a.T, x, axis=0)              # [B, L, r]
    result = base + (a_emb @ lora_b.T) * SCALING       # [B, L, d]
    return result

if __name__ == "__main__":
    import jax
    _d = setup_inputs()
    print(jax.jit(kernel)(*tuple(_d.values())))

</pallas_src>

<mosaic_0001>
#map = affine_map<(d0, d1) -> (0, 0)>
#map1 = affine_map<(d0, d1) -> (0, 0, 0, 0, 0)>
module attributes {stable_mosaic.version = 14 : i64} {
  func.func @_gather_body(%arg0: i32, %arg1: i32, %arg2: memref<1007616x32xf32, #tpu.memory_space<hbm>>, %arg3: memref<50x4096xi32, #tpu.memory_space<hbm>>, %arg4: memref<50x4x32x8x128xf32, #tpu.memory_space<hbm>>, %arg5: memref<50x128xi32, #tpu.memory_space<vmem>>, %arg6: memref<640x32xf32, #tpu.memory_space<vmem>>, %arg7: memref<640x32xf32, #tpu.memory_space<vmem>>, %arg8: memref<5x4x8x128xf32, #tpu.memory_space<vmem>>, %arg9: memref<5x4x8x128xf32, #tpu.memory_space<vmem>>, %arg10: memref<!tpu.dma_semaphore, #tpu.memory_space<semaphore_mem>>, %arg11: memref<!tpu.dma_semaphore, #tpu.memory_space<semaphore_mem>>, %arg12: memref<!tpu.dma_semaphore, #tpu.memory_space<semaphore_mem>>, %arg13: memref<!tpu.dma_semaphore, #tpu.memory_space<semaphore_mem>>) attributes {dimension_semantics = [#tpu.dimension_semantics<core_parallel>, #tpu.dimension_semantics<subcore_parallel>], iteration_bounds = array<i64: 2, 16>, scalar_prefetch = 0 : i64, scratch_operands = 9 : i64, tpu.core_type = #tpu.core_type<sc_vector_subcore>, window_params = [{transform_indices = #map}, {transform_indices = #map}, {transform_indices = #map1}]} {
    %mul3A = arith.constant 2 : i32
    %mul3A_0 = arith.muli %arg1, %mul3A : i32
    %add3A = arith.addi %mul3A_0, %arg0 : i32
    %iota3A = tpu.iota {dimensions = array<i32: 0>} : vector<16xi32>
    %and3A = arith.constant 1 : i32
    %and3A_1 = vector.broadcast %and3A : i32 to vector<16xi32>
    %and3A_2 = arith.andi %iota3A, %and3A_1 : vector<16xi32>
    %eq3A = arith.constant 0 : i32
    %eq3A_3 = vector.broadcast %eq3A : i32 to vector<16xi32>
    %eq3A_4 = arith.cmpi eq, %and3A_2, %eq3A_3 : vector<16xi32>
    %and3A_5 = arith.constant 2 : i32
    %and3A_6 = vector.broadcast %and3A_5 : i32 to vector<16xi32>
    %and3A_7 = arith.andi %iota3A, %and3A_6 : vector<16xi32>
    %eq3A_8 = arith.constant 0 : i32
    %eq3A_9 = vector.broadcast %eq3A_8 : i32 to vector<16xi32>
    %eq3A_10 = arith.cmpi eq, %and3A_7, %eq3A_9 : vector<16xi32>
    %and3A_11 = arith.constant 4 : i32
    %and3A_12 = vector.broadcast %and3A_11 : i32 to vector<16xi32>
    %and3A_13 = arith.andi %iota3A, %and3A_12 : vector<16xi32>
    %eq3A_14 = arith.constant 0 : i32
    %eq3A_15 = vector.broadcast %eq3A_14 : i32 to vector<16xi32>
    %eq3A_16 = arith.cmpi eq, %and3A_13, %eq3A_15 : vector<16xi32>
    %and3A_17 = arith.constant 8 : i32
    %and3A_18 = vector.broadcast %and3A_17 : i32 to vector<16xi32>
    %and3A_19 = arith.andi %iota3A, %and3A_18 : vector<16xi32>
    %eq3A_20 = arith.constant 0 : i32
    %eq3A_21 = vector.broadcast %eq3A_20 : i32 to vector<16xi32>
    %eq3A_22 = arith.cmpi eq, %and3A_19, %eq3A_21 : vector<16xi32>
    %mul3A_23 = arith.constant 128 : i32
    %mul3A_24 = arith.muli %add3A, %mul3A_23 : i32
    "tpu.region"() ({
      %run_scoped3A = tpu.sem_alloc : memref<!tpu.dma_semaphore, #tpu.memory_space<semaphore_mem>>
      %dma_start3A_918 = arith.constant 0 : i32
      %dma_start3A_919 = tpu.memref_slice %arg3[%dma_start3A_918, %mul3A_24] : memref<50x4096xi32, #tpu.memory_space<hbm>> -> memref<50x128xi32, #tpu.memory_space<hbm>>
      %dma_start3A_920 = arith.constant 0 : i32
      %dma_start3A_921 = tpu.memref_slice %arg3[%dma_start3A_920, %mul3A_24] : memref<50x4096xi32, #tpu.memory_space<hbm>> -> memref<50x128xi32, #tpu.memory_space<hbm>>
      tpu.enqueue_dma source(%dma_start3A_921 : memref<50x128xi32, #tpu.memory_space<hbm>>) target(%arg5 : memref<50x128xi32, #tpu.memory_space<vmem>>) target_semaphore(%run_scoped3A : memref<!tpu.dma_semaphore, #tpu.memory_space<semaphore_mem>>)
      %dma_wait3A_922 = arith.constant 0 : i32
      %dma_wait3A_923 = tpu.memref_slice %arg3[%dma_wait3A_922, %mul3A_24] : memref<50x4096xi32, #tpu.memory_space<hbm>> -> memref<50x128xi32, #tpu.memory_space<hbm>>
      %dma_wait3A_924 = arith.constant 0 : i32
      %dma_wait3A_925 = tpu.memref_slice %arg3[%dma_wait3A_924, %mul3A_24] : memref<50x4096xi32, #tpu.memory_space<hbm>> -> memref<50x128xi32, #tpu.memory_space<hbm>>
      tpu.wait_dma2 semaphore(%run_scoped3A : memref<!tpu.dma_semaphore, #tpu.memory_space<semaphore_mem>>) src(%dma_wait3A_925 : memref<50x128xi32, #tpu.memory_space<hbm>>) dst(%arg5 : memref<50x128xi32, #tpu.memory_space<vmem>>)
      tpu.yield
    }) : () -> ()
    %dma_start3A = arith.constant 0 : i32
    %dma_start3A_25 = arith.constant 0 : i32
    %dma_start3A_26 = arith.constant 0 : i32
    %dma_start3A_27 = tpu.memref_slice %arg6[%dma_start3A_25, %dma_start3A_26] : memref<640x32xf32, #tpu.memory_space<vmem>> -> memref<128x32xf32, #tpu.memory_space<vmem>>
    %dma_start3A_28 = arith.constant 0 : i32
    %dma_start3A_29 = tpu.memref_slice %arg5[%dma_start3A, %dma_start3A_28] : memref<50x128xi32, #tpu.memory_space<vmem>> -> memref<1x128xi32, #tpu.memory_space<vmem>>
    %dma_start3A_30 = tpu.memref_squeeze %dma_start3A_29 : memref<1x128xi32, #tpu.memory_space<vmem>> -> memref<128xi32, #tpu.memory_space<vmem>>
    %dma_start3A_31 = arith.constant 0 : i32
    %dma_start3A_32 = arith.constant 0 : i32
    %dma_start3A_33 = tpu.memref_slice %arg2[%dma_start3A_31, %dma_start3A_32] : memref<1007616x32xf32, #tpu.memory_space<hbm>> -> memref<1007616x32xf32, #tpu.memory_space<hbm>>
    tpu.enqueue_indirect_dma source(%dma_start3A_33 : memref<1007616x32xf32, #tpu.memory_space<hbm>>) target(%dma_start3A_27 : memref<128x32xf32, #tpu.memory_space<vmem>>) offsets(%dma_start3A_30 : memref<128xi32, #tpu.memory_space<vmem>>) semaphore(%arg10 : memref<!tpu.dma_semaphore, #tpu.memory_space<semaphore_mem>>)
    %dma_start3A_34 = arith.constant 1 : i32
    %dma_start3A_35 = arith.constant 128 : i32
    %dma_start3A_36 = arith.constant 0 : i32
    %dma_start3A_37 = tpu.memref_slice %arg6[%dma_start3A_35, %dma_start3A_36] : memref<640x32xf32, #tpu.memory_space<vmem>> -> memref<128x32xf32, #tpu.memory_space<vmem>>
    %dma_start3A_38 = arith.constant 0 : i32
    %dma_start3A_39 = tpu.memref_slice %arg5[%dma_start3A_34, %dma_start3A_38] : memref<50x128xi32, #tpu.memory_space<vmem>> -> memref<1x128xi32, #tpu.memory_space<vmem>>
    %dma_start3A_40 = tpu.memref_squeeze %dma_start3A_39 : memref<1x128xi32, #tpu.memory_space<vmem>> -> memref<128xi32, #tpu.memory_space<vmem>>
    %dma_start3A_41 = arith.constant 0 : i32
    %dma_start3A_42 = arith.constant 0 : i32
    %dma_start3A_43 = tpu.memref_slice %arg2[%dma_start3A_41, %dma_start3A_42] : memref<1007616x32xf32, #tpu.memory_space<hbm>> -> memref<1007616x32xf32, #tpu.memory_space<hbm>>
    tpu.enqueue_indirect_dma source(%dma_start3A_43 : memref<1007616x32xf32, #tpu.memory_space<hbm>>) target(%dma_start3A_37 : memref<128x32xf32, #tpu.memory_space<vmem>>) offsets(%dma_start3A_40 : memref<128xi32, #tpu.memory_space<vmem>>) semaphore(%arg10 : memref<!tpu.dma_semaphore, #tpu.memory_space<semaphore_mem>>)
    %dma_start3A_44 = arith.constant 2 : i32
    %dma_start3A_45 = arith.constant 256 : i32
    %dma_start3A_46 = arith.constant 0 : i32
    %dma_start3A_47 = tpu.memref_slice %arg6[%dma_start3A_45, %dma_start3A_46] : memref<640x32xf32, #tpu.memory_space<vmem>> -> memref<128x32xf32, #tpu.memory_space<vmem>>
    %dma_start3A_48 = arith.constant 0 : i32
    %dma_start3A_49 = tpu.memref_slice %arg5[%dma_start3A_44, %dma_start3A_48] : memref<50x128xi32, #tpu.memory_space<vmem>> -> memref<1x128xi32, #tpu.memory_space<vmem>>
    %dma_start3A_50 = tpu.memref_squeeze %dma_start3A_49 : memref<1x128xi32, #tpu.memory_space<vmem>> -> memref<128xi32, #tpu.memory_space<vmem>>
    %dma_start3A_51 = arith.constant 0 : i32
    %dma_start3A_52 = arith.constant 0 : i32
    %dma_start3A_53 = tpu.memref_slice %arg2[%dma_start3A_51, %dma_start3A_52] : memref<1007616x32xf32, #tpu.memory_space<hbm>> -> memref<1007616x32xf32, #tpu.memory_space<hbm>>
    tpu.enqueue_indirect_dma source(%dma_start3A_53 : memref<1007616x32xf32, #tpu.memory_space<hbm>>) target(%dma_start3A_47 : memref<128x32xf32, #tpu.memory_space<vmem>>) offsets(%dma_start3A_50 : memref<128xi32, #tpu.memory_space<vmem>>) semaphore(%arg10 : memref<!tpu.dma_semaphore, #tpu.memory_space<semaphore_mem>>)
    %dma_start3A_54 = arith.constant 3 : i32
    %dma_start3A_55 = arith.constant 384 : i32
    %dma_start3A_56 = arith.constant 0 : i32
    %dma_start3A_57 = tpu.memref_slice %arg6[%dma_start3A_55, %dma_start3A_56] : memref<640x32xf32, #tpu.memory_space<vmem>> -> memref<128x32xf32, #tpu.memory_space<vmem>>
    %dma_start3A_58 = arith.constant 0 : i32
    %dma_start3A_59 = tpu.memref_slice %arg5[%dma_start3A_54, %dma_start3A_58] : memref<50x128xi32, #tpu.memory_space<vmem>> -> memref<1x128xi32, #tpu.memory_space<vmem>>
    %dma_start3A_60 = tpu.memref_squeeze %dma_start3A_59 : memref<1x128xi32, #tpu.memory_space<vmem>> -> memref<128xi32, #tpu.memory_space<vmem>>
    %dma_start3A_61 = arith.constant 0 : i32
    %dma_start3A_62 = arith.constant 0 : i32
    %dma_start3A_63 = tpu.memref_slice %arg2[%dma_start3A_61, %dma_start3A_62] : memref<1007616x32xf32, #tpu.memory_space<hbm>> -> memref<1007616x32xf32, #tpu.memory_space<hbm>>
    tpu.enqueue_indirect_dma source(%dma_start3A_63 : memref<1007616x32xf32, #tpu.memory_space<hbm>>) target(%dma_start3A_57 : memref<128x32xf32, #tpu.memory_space<vmem>>) offsets(%dma_start3A_60 : memref<128xi32, #tpu.memory_space<vmem>>) semaphore(%arg10 : memref<!tpu.dma_semaphore, #tpu.memory_space<semaphore_mem>>)
    %dma_start3A_64 = arith.constant 4 : i32
    %dma_start3A_65 = arith.constant 512 : i32
    %dma_start3A_66 = arith.constant 0 : i32
    %dma_start3A_67 = tpu.memref_slice %arg6[%dma_start3A_65, %dma_start3A_66] : memref<640x32xf32, #tpu.memory_space<vmem>> -> memref<128x32xf32, #tpu.memory_space<vmem>>
    %dma_start3A_68 = arith.constant 0 : i32
    %dma_start3A_69 = tpu.memref_slice %arg5[%dma_start3A_64, %dma_start3A_68] : memref<50x128xi32, #tpu.memory_space<vmem>> -> memref<1x128xi32, #tpu.memory_space<vmem>>
    %dma_start3A_70 = tpu.memref_squeeze %dma_start3A_69 : memref<1x128xi32, #tpu.memory_space<vmem>> -> memref<128xi32, #tpu.memory_space<vmem>>
    %dma_start3A_71 = arith.constant 0 : i32
    %dma_start3A_72 = arith.constant 0 : i32
    %dma_start3A_73 = tpu.memref_slice %arg2[%dma_start3A_71, %dma_start3A_72] : memref<1007616x32xf32, #tpu.memory_space<hbm>> -> memref<1007616x32xf32, #tpu.memory_space<hbm>>
    tpu.enqueue_indirect_dma source(%dma_start3A_73 : memref<1007616x32xf32, #tpu.memory_space<hbm>>) target(%dma_start3A_67 : memref<128x32xf32, #tpu.memory_space<vmem>>) offsets(%dma_start3A_70 : memref<128xi32, #tpu.memory_space<vmem>>) semaphore(%arg10 : memref<!tpu.dma_semaphore, #tpu.memory_space<semaphore_mem>>)
    %scan3A = arith.constant 0 : i32
    %scan3A_74 = arith.constant 0 : i32
    %scan3A_75 = arith.constant 5 : i32
    %scan3A_76 = arith.addi %scan3A_74, %scan3A_75 : i32
    %scan3A_77 = arith.constant 1 : i32
    scf.for %scan3A_918 = %scan3A_74 to %scan3A_76 step %scan3A_77  : i32 {
      %mul3A_919 = arith.constant 2 : i32
      %mul3A_920 = arith.muli %mul3A_919, %scan3A_918 : i32
      %add3A_921 = arith.constant 1 : i32
      %add3A_922 = arith.addi %mul3A_920, %add3A_921 : i32
      %mul3A_923 = arith.constant 5 : i32
      %mul3A_924 = arith.muli %add3A_922, %mul3A_923 : i32
      %add3A_925 = arith.constant 0 : i32
      %add3A_926 = arith.addi %mul3A_924, %add3A_925 : i32
      %dma_start3A_927 = arith.constant 0 : i32
      %dma_start3A_928 = arith.constant 0 : i32
      %dma_start3A_929 = tpu.memref_slice %arg7[%dma_start3A_927, %dma_start3A_928] : memref<640x32xf32, #tpu.memory_space<vmem>> -> memref<128x32xf32, #tpu.memory_space<vmem>>
      %dma_start3A_930 = arith.constant 0 : i32
      %dma_start3A_931 = tpu.memref_slice %arg5[%add3A_926, %dma_start3A_930] : memref<50x128xi32, #tpu.memory_space<vmem>> -> memref<1x128xi32, #tpu.memory_space<vmem>>
      %dma_start3A_932 = tpu.memref_squeeze %dma_start3A_931 : memref<1x128xi32, #tpu.memory_space<vmem>> -> memref<128xi32, #tpu.memory_space<vmem>>
      %dma_start3A_933 = arith.constant 0 : i32
      %dma_start3A_934 = arith.constant 0 : i32
      %dma_start3A_935 = tpu.memref_slice %arg2[%dma_start3A_933, %dma_start3A_934] : memref<1007616x32xf32, #tpu.memory_space<hbm>> -> memref<1007616x32xf32, #tpu.memory_space<hbm>>
      tpu.enqueue_indirect_dma source(%dma_start3A_935 : memref<1007616x32xf32, #tpu.memory_space<hbm>>) target(%dma_start3A_929 : memref<128x32xf32, #tpu.memory_space<vmem>>) offsets(%dma_start3A_932 : memref<128xi32, #tpu.memory_space<vmem>>) semaphore(%arg11 : memref<!tpu.dma_semaphore, #tpu.memory_space<semaphore_mem>>)
      %mul3A_936 = arith.constant 5 : i32
      %mul3A_937 = arith.muli %add3A_922, %mul3A_936 : i32
      %add3A_938 = arith.constant 1 : i32
      %add3A_939 = arith.addi %mul3A_937, %add3A_938 : i32
      %dma_start3A_940 = arith.constant 128 : i32
      %dma_start3A_941 = arith.constant 0 : i32
      %dma_start3A_942 = tpu.memref_slice %arg7[%dma_start3A_940, %dma_start3A_941] : memref<640x32xf32, #tpu.memory_space<vmem>> -> memref<128x32xf32, #tpu.memory_space<vmem>>
      %dma_start3A_943 = arith.constant 0 : i32
      %dma_start3A_944 = tpu.memref_slice %arg5[%add3A_939, %dma_start3A_943] : memref<50x128xi32, #tpu.memory_space<vmem>> -> memref<1x128xi32, #tpu.memory_space<vmem>>
      %dma_start3A_945 = tpu.memref_squeeze %dma_start3A_944 : memref<1x128xi32, #tpu.memory_space<vmem>> -> memref<128xi32, #tpu.memory_space<vmem>>
      %dma_start3A_946 = arith.constant 0 : i32
      %dma_start3A_947 = arith.constant 0 : i32
      %dma_start3A_948 = tpu.memref_slice %arg2[%dma_start3A_946, %dma_start3A_947] : memref<1007616x32xf32, #tpu.memory_space<hbm>> -> memref<1007616x32xf32, #tpu.memory_space<hbm>>
      tpu.enqueue_indirect_dma source(%dma_start3A_948 : memref<1007616x32xf32, #tpu.memory_space<hbm>>) target(%dma_start3A_942 : memref<128x32xf32, #tpu.memory_space<vmem>>) offsets(%dma_start3A_945 : memref<128xi32, #tpu.memory_space<vmem>>) semaphore(%arg11 : memref<!tpu.dma_semaphore, #tpu.memory_space<semaphore_mem>>)
      %mul3A_949 = arith.constant 5 : i32
      %mul3A_950 = arith.muli %add3A_922, %mul3A_949 : i32
      %add3A_951 = arith.constant 2 : i32
      %add3A_952 = arith.addi %mul3A_950, %add3A_951 : i32
      %dma_start3A_953 = arith.constant 256 : i32
      %dma_start3A_954 = arith.constant 0 : i32
      %dma_start3A_955 = tpu.memref_slice %arg7[%dma_start3A_953, %dma_start3A_954] : memref<640x32xf32, #tpu.memory_space<vmem>> -> memref<128x32xf32, #tpu.memory_space<vmem>>
      %dma_start3A_956 = arith.constant 0 : i32
      %dma_start3A_957 = tpu.memref_slice %arg5[%add3A_952, %dma_start3A_956] : memref<50x128xi32, #tpu.memory_space<vmem>> -> memref<1x128xi32, #tpu.memory_space<vmem>>
      %dma_start3A_958 = tpu.memref_squeeze %dma_start3A_957 : memref<1x128xi32, #tpu.memory_space<vmem>> -> memref<128xi32, #tpu.memory_space<vmem>>
      %dma_start3A_959 = arith.constant 0 : i32
      %dma_start3A_960 = arith.constant 0 : i32
      %dma_start3A_961 = tpu.memref_slice %arg2[%dma_start3A_959, %dma_start3A_960] : memref<1007616x32xf32, #tpu.memory_space<hbm>> -> memref<1007616x32xf32, #tpu.memory_space<hbm>>
      tpu.enqueue_indirect_dma source(%dma_start3A_961 : memref<1007616x32xf32, #tpu.memory_space<hbm>>) target(%dma_start3A_955 : memref<128x32xf32, #tpu.memory_space<vmem>>) offsets(%dma_start3A_958 : memref<128xi32, #tpu.memory_space<vmem>>) semaphore(%arg11 : memref<!tpu.dma_semaphore, #tpu.memory_space<semaphore_mem>>)
      %mul3A_962 = arith.constant 5 : i32
      %mul3A_963 = arith.muli %add3A_922, %mul3A_962 : i32
      %add3A_964 = arith.constant 3 : i32
      %add3A_965 = arith.addi %mul3A_963, %add3A_964 : i32
      %dma_start3A_966 = arith.constant 384 : i32
      %dma_start3A_967 = arith.constant 0 : i32
      %dma_start3A_968 = tpu.memref_slice %arg7[%dma_start3A_966, %dma_start3A_967] : memref<640x32xf32, #tpu.memory_space<vmem>> -> memref<128x32xf32, #tpu.memory_space<vmem>>
      %dma_start3A_969 = arith.constant 0 : i32
      %dma_start3A_970 = tpu.memref_slice %arg5[%add3A_965, %dma_start3A_969] : memref<50x128xi32, #tpu.memory_space<vmem>> -> memref<1x128xi32, #tpu.memory_space<vmem>>
      %dma_start3A_971 = tpu.memref_squeeze %dma_start3A_970 : memref<1x128xi32, #tpu.memory_space<vmem>> -> memref<128xi32, #tpu.memory_space<vmem>>
      %dma_start3A_972 = arith.constant 0 : i32
      %dma_start3A_973 = arith.constant 0 : i32
      %dma_start3A_974 = tpu.memref_slice %arg2[%dma_start3A_972, %dma_start3A_973] : memref<1007616x32xf32, #tpu.memory_space<hbm>> -> memref<1007616x32xf32, #tpu.memory_space<hbm>>
      tpu.enqueue_indirect_dma source(%dma_start3A_974 : memref<1007616x32xf32, #tpu.memory_space<hbm>>) target(%dma_start3A_968 : memref<128x32xf32, #tpu.memory_space<vmem>>) offsets(%dma_start3A_971 : memref<128xi32, #tpu.memory_space<vmem>>) semaphore(%arg11 : memref<!tpu.dma_semaphore, #tpu.memory_space<semaphore_mem>>)
      %mul3A_975 = arith.constant 5 : i32
      %mul3A_976 = arith.muli %add3A_922, %mul3A_975 : i32
      %add3A_977 = arith.constant 4 : i32
      %add3A_978 = arith.addi %mul3A_976, %add3A_977 : i32
      %dma_start3A_979 = arith.constant 512 : i32
      %dma_start3A_980 = arith.constant 0 : i32
      %dma_start3A_981 = tpu.memref_slice %arg7[%dma_start3A_979, %dma_start3A_980] : memref<640x32xf32, #tpu.memory_space<vmem>> -> memref<128x32xf32, #tpu.memory_space<vmem>>
      %dma_start3A_982 = arith.constant 0 : i32
      %dma_start3A_983 = tpu.memref_slice %arg5[%add3A_978, %dma_start3A_982] : memref<50x128xi32, #tpu.memory_space<vmem>> -> memref<1x128xi32, #tpu.memory_space<vmem>>
      %dma_start3A_984 = tpu.memref_squeeze %dma_start3A_983 : memref<1x128xi32, #tpu.memory_space<vmem>> -> memref<128xi32, #tpu.memory_space<vmem>>
      %dma_start3A_985 = arith.constant 0 : i32
      %dma_start3A_986 = arith.constant 0 : i32
      %dma_start3A_987 = tpu.memref_slice %arg2[%dma_start3A_985, %dma_start3A_986] : memref<1007616x32xf32, #tpu.memory_space<hbm>> -> memref<1007616x32xf32, #tpu.memory_space<hbm>>
      tpu.enqueue_indirect_dma source(%dma_start3A_987 : memref<1007616x32xf32, #tpu.memory_space<hbm>>) target(%dma_start3A_981 : memref<128x32xf32, #tpu.memory_space<vmem>>) offsets(%dma_start3A_984 : memref<128xi32, #tpu.memory_space<vmem>>) semaphore(%arg11 : memref<!tpu.dma_semaphore, #tpu.memory_space<semaphore_mem>>)
      %mul3A_988 = arith.constant 5 : i32
      %mul3A_989 = arith.muli %mul3A_920, %mul3A_988 : i32
      %add3A_990 = arith.constant 0 : i32
      %add3A_991 = arith.addi %mul3A_989, %add3A_990 : i32
      %dma_wait3A_992 = arith.constant 0 : i32
      %dma_wait3A_993 = arith.constant 0 : i32
      %dma_wait3A_994 = tpu.memref_slice %arg6[%dma_wait3A_992, %dma_wait3A_993] : memref<640x32xf32, #tpu.memory_space<vmem>> -> memref<128x32xf32, #tpu.memory_space<vmem>>
      %dma_wait3A_995 = arith.constant 0 : i32
      %dma_wait3A_996 = tpu.memref_slice %arg5[%add3A_991, %dma_wait3A_995] : memref<50x128xi32, #tpu.memory_space<vmem>> -> memref<1x128xi32, #tpu.memory_space<vmem>>
      %dma_wait3A_997 = tpu.memref_squeeze %dma_wait3A_996 : memref<1x128xi32, #tpu.memory_space<vmem>> -> memref<128xi32, #tpu.memory_space<vmem>>
      %dma_wait3A_998 = arith.constant 0 : i32
      %dma_wait3A_999 = arith.constant 0 : i32
      %dma_wait3A_1000 = tpu.memref_slice %arg2[%dma_wait3A_998, %dma_wait3A_999] : memref<1007616x32xf32, #tpu.memory_space<hbm>> -> memref<1007616x32xf32, #tpu.memory_space<hbm>>
      tpu.wait_indirect_dma semaphore(%arg10 : memref<!tpu.dma_semaphore, #tpu.memory_space<semaphore_mem>>) src(%dma_wait3A_1000 : memref<1007616x32xf32, #tpu.memory_space<hbm>>) dst(%dma_wait3A_994 : memref<128x32xf32, #tpu.memory_space<vmem>>)
      %mul3A_1001 = arith.constant 5 : i32
      %mul3A_1002 = arith.muli %mul3A_920, %mul3A_1001 : i32
      %add3A_1003 = arith.constant 1 : i32
      %add3A_1004 = arith.addi %mul3A_1002, %add3A_1003 : i32
      %dma_wait3A_1005 = arith.constant 128 : i32
      %dma_wait3A_1006 = arith.constant 0 : i32
      %dma_wait3A_1007 = tpu.memref_slice %arg6[%dma_wait3A_1005, %dma_wait3A_1006] : memref<640x32xf32, #tpu.memory_space<vmem>> -> memref<128x32xf32, #tpu.memory_space<vmem>>
      %dma_wait3A_1008 = arith.constant 0 : i32
      %dma_wait3A_1009 = tpu.memref_slice %arg5[%add3A_1004, %dma_wait3A_1008] : memref<50x128xi32, #tpu.memory_space<vmem>> -> memref<1x128xi32, #tpu.memory_space<vmem>>
      %dma_wait3A_1010 = tpu.memref_squeeze %dma_wait3A_1009 : memref<1x128xi32, #tpu.memory_space<vmem>> -> memref<128xi32, #tpu.memory_space<vmem>>
      %dma_wait3A_1011 = arith.constant 0 : i32
      %dma_wait3A_1012 = arith.constant 0 : i32
      %dma_wait3A_1013 = tpu.memref_slice %arg2[%dma_wait3A_1011, %dma_wait3A_1012] : memref<1007616x32xf32, #tpu.memory_space<hbm>> -> memref<1007616x32xf32, #tpu.memory_space<hbm>>
      tpu.wait_indirect_dma semaphore(%arg10 : memref<!tpu.dma_semaphore, #tpu.memory_space<semaphore_mem>>) src(%dma_wait3A_1013 : memref<1007616x32xf32, #tpu.memory_space<hbm>>) dst(%dma_wait3A_1007 : memref<128x32xf32, #tpu.memory_space<vmem>>)
      %mul3A_1014 = arith.constant 5 : i32
      %mul3A_1015 = arith.muli %mul3A_920, %mul3A_1014 : i32
      %add3A_1016 = arith.constant 2 : i32
      %add3A_1017 = arith.addi %mul3A_1015, %add3A_1016 : i32
      %dma_wait3A_1018 = arith.constant 256 : i32
      %dma_wait3A_1019 = arith.constant 0 : i32
      %dma_wait3A_1020 = tpu.memref_slice %arg6[%dma_wait3A_1018, %dma_wait3A_1019] : memref<640x32xf32, #tpu.memory_space<vmem>> -> memref<128x32xf32, #tpu.memory_space<vmem>>
      %dma_wait3A_1021 = arith.constant 0 : i32
      %dma_wait3A_1022 = tpu.memref_slice %arg5[%add3A_1017, %dma_wait3A_1021] : memref<50x128xi32, #tpu.memory_space<vmem>> -> memref<1x128xi32, #tpu.memory_space<vmem>>
      %dma_wait3A_1023 = tpu.memref_squeeze %dma_wait3A_1022 : memref<1x128xi32, #tpu.memory_space<vmem>> -> memref<128xi32, #tpu.memory_space<vmem>>
      %dma_wait3A_1024 = arith.constant 0 : i32
      %dma_wait3A_1025 = arith.constant 0 : i32
      %dma_wait3A_1026 = tpu.memref_slice %arg2[%dma_wait3A_1024, %dma_wait3A_1025] : memref<1007616x32xf32, #tpu.memory_space<hbm>> -> memref<1007616x32xf32, #tpu.memory_space<hbm>>
      tpu.wait_indirect_dma semaphore(%arg10 : memref<!tpu.dma_semaphore, #tpu.memory_space<semaphore_mem>>) src(%dma_wait3A_1026 : memref<1007616x32xf32, #tpu.memory_space<hbm>>) dst(%dma_wait3A_1020 : memref<128x32xf32, #tpu.memory_space<vmem>>)
      %mul3A_1027 = arith.constant 5 : i32
      %mul3A_1028 = arith.muli %mul3A_920, %mul3A_1027 : i32
      %add3A_1029 = arith.constant 3 : i32
      %add3A_1030 = arith.addi %mul3A_1028, %add3A_1029 : i32
      %dma_wait3A_1031 = arith.constant 384 : i32
      %dma_wait3A_1032 = arith.constant 0 : i32
      %dma_wait3A_1033 = tpu.memref_slice %arg6[%dma_wait3A_1031, %dma_wait3A_1032] : memref<640x32xf32, #tpu.memory_space<vmem>> -> memref<128x32xf32, #tpu.memory_space<vmem>>
      %dma_wait3A_1034 = arith.constant 0 : i32
      %dma_wait3A_1035 = tpu.memref_slice %arg5[%add3A_1030, %dma_wait3A_1034] : memref<50x128xi32, #tpu.memory_space<vmem>> -> memref<1x128xi32, #tpu.memory_space<vmem>>
      %dma_wait3A_1036 = tpu.memref_squeeze %dma_wait3A_1035 : memref<1x128xi32, #tpu.memory_space<vmem>> -> memref<128xi32, #tpu.memory_space<vmem>>
      %dma_wait3A_1037 = arith.constant 0 : i32
      %dma_wait3A_1038 = arith.constant 0 : i32
      %dma_wait3A_1039 = tpu.memref_slice %arg2[%dma_wait3A_1037, %dma_wait3A_1038] : memref<1007616x32xf32, #tpu.memory_space<hbm>> -> memref<1007616x32xf32, #tpu.memory_space<hbm>>
      tpu.wait_indirect_dma semaphore(%arg10 : memref<!tpu.dma_semaphore, #tpu.memory_space<semaphore_mem>>) src(%dma_wait3A_1039 : memref<1007616x32xf32, #tpu.memory_space<hbm>>) dst(%dma_wait3A_1033 : memref<128x32xf32, #tpu.memory_space<vmem>>)
      %mul3A_1040 = arith.constant 5 : i32
      %mul3A_1041 = arith.muli %mul3A_920, %mul3A_1040 : i32
      %add3A_1042 = arith.constant 4 : i32
      %add3A_1043 = arith.addi %mul3A_1041, %add3A_1042 : i32
      %dma_wait3A_1044 = arith.constant 512 : i32
      %dma_wait3A_1045 = arith.constant 0 : i32
      %dma_wait3A_1046 = tpu.memref_slice %arg6[%dma_wait3A_1044, %dma_wait3A_1045] : memref<640x32xf32, #tpu.memory_space<vmem>> -> memref<128x32xf32, #tpu.memory_space<vmem>>
      %dma_wait3A_1047 = arith.constant 0 : i32
      %dma_wait3A_1048 = tpu.memref_slice %arg5[%add3A_1043, %dma_wait3A_1047] : memref<50x128xi32, #tpu.memory_space<vmem>> -> memref<1x128xi32, #tpu.memory_space<vmem>>
      %dma_wait3A_1049 = tpu.memref_squeeze %dma_wait3A_1048 : memref<1x128xi32, #tpu.memory_space<vmem>> -> memref<128xi32, #tpu.memory_space<vmem>>
      %dma_wait3A_1050 = arith.constant 0 : i32
      %dma_wait3A_1051 = arith.constant 0 : i32
      %dma_wait3A_1052 = tpu.memref_slice %arg2[%dma_wait3A_1050, %dma_wait3A_1051] : memref<1007616x32xf32, #tpu.memory_space<hbm>> -> memref<1007616x32xf32, #tpu.memory_space<hbm>>
      tpu.wait_indirect_dma semaphore(%arg10 : memref<!tpu.dma_semaphore, #tpu.memory_space<semaphore_mem>>) src(%dma_wait3A_1052 : memref<1007616x32xf32, #tpu.memory_space<hbm>>) dst(%dma_wait3A_1046 : memref<128x32xf32, #tpu.memory_space<vmem>>)
      %gt3A = arith.constant 0 : i32
      %gt3A_1053 = arith.cmpi sgt, %scan3A_918, %gt3A : i32
      %convert_element_type3A = arith.extui %gt3A_1053 : i1 to i32
      %cond3A = arith.constant 0 : i32
      %cond3A_1054 = arith.cmpi ne, %convert_element_type3A, %cond3A : i32
      scf.if %cond3A_1054 {
        %dma_wait3A_1157 = arith.constant 0 : i32
        %dma_wait3A_1158 = arith.constant 0 : i32
        %dma_wait3A_1159 = arith.constant 0 : i32
        %dma_wait3A_1160 = arith.constant 0 : i32
        %dma_wait3A_1161 = arith.constant 0 : i32
        %dma_wait3A_1162 = arith.constant 0 : i32
        %dma_wait3A_1163 = arith.constant 0 : i32
        %dma_wait3A_1164 = tpu.memref_slice %arg8[%dma_wait3A_1160, %dma_wait3A_1161, %dma_wait3A_1162, %dma_wait3A_1163] : memref<5x4x8x128xf32, #tpu.memory_space<vmem>> -> memref<1x1x8x128xf32, #tpu.memory_space<vmem>>
        %dma_wait3A_1165 = tpu.memref_squeeze %dma_wait3A_1164 : memref<1x1x8x128xf32, #tpu.memory_space<vmem>> -> memref<8x128xf32, #tpu.memory_space<vmem>>
        %dma_wait3A_1166 = arith.constant 0 : i32
        %dma_wait3A_1167 = arith.constant 0 : i32
        %dma_wait3A_1168 = tpu.memref_slice %arg4[%dma_wait3A_1157, %dma_wait3A_1158, %dma_wait3A_1159, %dma_wait3A_1166, %dma_wait3A_1167] : memref<50x4x32x8x128xf32, #tpu.memory_space<hbm>> -> memref<1x1x1x8x128xf32, #tpu.memory_space<hbm>>
        %dma_wait3A_1169 = tpu.memref_squeeze %dma_wait3A_1168 : memref<1x1x1x8x128xf32, #tpu.memory_space<hbm>> -> memref<8x128xf32, #tpu.memory_space<hbm>>
        %dma_wait3A_1170 = arith.constant 0 : i32
        %dma_wait3A_1171 = arith.constant 0 : i32
        %dma_wait3A_1172 = tpu.memref_slice %arg8[%dma_wait3A_1160, %dma_wait3A_1161, %dma_wait3A_1170, %dma_wait3A_1171] : memref<5x4x8x128xf32, #tpu.memory_space<vmem>> -> memref<1x1x8x128xf32, #tpu.memory_space<vmem>>
        %dma_wait3A_1173 = tpu.memref_squeeze %dma_wait3A_1172 : memref<1x1x8x128xf32, #tpu.memory_space<vmem>> -> memref<8x128xf32, #tpu.memory_space<vmem>>
        %dma_wait3A_1174 = arith.constant 0 : i32
        %dma_wait3A_1175 = arith.constant 0 : i32
        %dma_wait3A_1176 = tpu.memref_slice %arg4[%dma_wait3A_1157, %dma_wait3A_1158, %dma_wait3A_1159, %dma_wait3A_1174, %dma_wait3A_1175] : memref<50x4x32x8x128xf32, #tpu.memory_space<hbm>> -> memref<1x1x1x8x128xf32, #tpu.memory_space<hbm>>
        %dma_wait3A_1177 = tpu.memref_squeeze %dma_wait3A_1176 : memref<1x1x1x8x128xf32, #tpu.memory_space<hbm>> -> memref<8x128xf32, #tpu.memory_space<hbm>>
        tpu.wait_dma2 semaphore(%arg12 : memref<!tpu.dma_semaphore, #tpu.memory_space<semaphore_mem>>) src(%dma_wait3A_1177 : memref<8x128xf32, #tpu.memory_space<hbm>>) dst(%dma_wait3A_1173 : memref<8x128xf32, #tpu.memory_space<vmem>>)
        %dma_wait3A_1178 = arith.constant 0 : i32
        %dma_wait3A_1179 = arith.constant 0 : i32
        %dma_wait3A_1180 = arith.constant 0 : i32
        %dma_wait3A_1181 = arith.constant 0 : i32
        %dma_wait3A_1182 = arith.constant 1 : i32
        %dma_wait3A_1183 = arith.constant 0 : i32
        %dma_wait3A_1184 = arith.constant 0 : i32
        %dma_wait3A_1185 = tpu.memref_slice %arg8[%dma_wait3A_1181, %dma_wait3A_1182, %dma_wait3A_1183, %dma_wait3A_1184] : memref<5x4x8x128xf32, #tpu.memory_space<vmem>> -> memref<1x1x8x128xf32, #tpu.memory_space<vmem>>
        %dma_wait3A_1186 = tpu.memref_squeeze %dma_wait3A_1185 : memref<1x1x8x128xf32, #tpu.memory_space<vmem>> -> memref<8x128xf32, #tpu.memory_space<vmem>>
        %dma_wait3A_1187 = arith.constant 0 : i32
        %dma_wait3A_1188 = arith.constant 0 : i32
        %dma_wait3A_1189 = tpu.memref_slice %arg4[%dma_wait3A_1178, %dma_wait3A_1179, %dma_wait3A_1180, %dma_wait3A_1187, %dma_wait3A_1188] : memref<50x4x32x8x128xf32, #tpu.memory_space<hbm>> -> memref<1x1x1x8x128xf32, #tpu.memory_space<hbm>>
        %dma_wait3A_1190 = tpu.memref_squeeze %dma_wait3A_1189 : memref<1x1x1x8x128xf32, #tpu.memory_space<hbm>> -> memref<8x128xf32, #tpu.memory_space<hbm>>
        %dma_wait3A_1191 = arith.constant 0 : i32
        %dma_wait3A_1192 = arith.constant 0 : i32
        %dma_wait3A_1193 = tpu.memref_slice %arg8[%dma_wait3A_1181, %dma_wait3A_1182, %dma_wait3A_1191, %dma_wait3A_1192] : memref<5x4x8x128xf32, #tpu.memory_space<vmem>> -> memref<1x1x8x128xf32, #tpu.memory_space<vmem>>
        %dma_wait3A_1194 = tpu.memref_squeeze %dma_wait3A_1193 : memref<1x1x8x128xf32, #tpu.memory_space<vmem>> -> memref<8x128xf32, #tpu.memory_space<vmem>>
        %dma_wait3A_1195 = arith.constant 0 : i32
        %dma_wait3A_1196 = arith.constant 0 : i32
        %dma_wait3A_1197 = tpu.memref_slice %arg4[%dma_wait3A_1178, %dma_wait3A_1179, %dma_wait3A_1180, %dma_wait3A_1195, %dma_wait3A_1196] : memref<50x4x32x8x128xf32, #tpu.memory_space<hbm>> -> memref<1x1x1x8x128xf32, #tpu.memory_space<hbm>>
        %dma_wait3A_1198 = tpu.memref_squeeze %dma_wait3A_1197 : memref<1x1x1x8x128xf32, #tpu.memory_space<hbm>> -> memref<8x128xf32, #tpu.memory_space<hbm>>
        tpu.wait_dma2 semaphore(%arg12 : memref<!tpu.dma_semaphore, #tpu.memory_space<semaphore_mem>>) src(%dma_wait3A_1198 : memref<8x128xf32, #tpu.memory_space<hbm>>) dst(%dma_wait3A_1194 : memref<8x128xf32, #tpu.memory_space<vmem>>)
        %dma_wait3A_1199 = arith.constant 0 : i32
        %dma_wait3A_1200 = arith.constant 0 : i32
        %dma_wait3A_1201 = arith.constant 0 : i32
        %dma_wait3A_1202 = arith.constant 0 : i32
        %dma_wait3A_1203 = arith.constant 2 : i32
        %dma_wait3A_1204 = arith.constant 0 : i32
        %dma_wait3A_1205 = arith.constant 0 : i32
        %dma_wait3A_1206 = tpu.memref_slice %arg8[%dma_wait3A_1202, %dma_wait3A_1203, %dma_wait3A_1204, %dma_wait3A_1205] : memref<5x4x8x128xf32, #tpu.memory_space<vmem>> -> memref<1x1x8x128xf32, #tpu.memory_space<vmem>>
        %dma_wait3A_1207 = tpu.memref_squeeze %dma_wait3A_1206 : memref<1x1x8x128xf32, #tpu.memory_space<vmem>> -> memref<8x128xf32, #tpu.memory_space<vmem>>
        %dma_wait3A_1208 = arith.constant 0 : i32
        %dma_wait3A_1209 = arith.constant 0 : i32
        %dma_wait3A_1210 = tpu.memref_slice %arg4[%dma_wait3A_1199, %dma_wait3A_1200, %dma_wait3A_1201, %dma_wait3A_1208, %dma_wait3A_1209] : memref<50x4x32x8x128xf32, #tpu.memory_space<hbm>> -> memref<1x1x1x8x128xf32, #tpu.memory_space<hbm>>
        %dma_wait3A_1211 = tpu.memref_squeeze %dma_wait3A_1210 : memref<1x1x1x8x128xf32, #tpu.memory_space<hbm>> -> memref<8x128xf32, #tpu.memory_space<hbm>>
        %dma_wait3A_1212 = arith.constant 0 : i32
        %dma_wait3A_1213 = arith.constant 0 : i32
        %dma_wait3A_1214 = tpu.memref_slice %arg8[%dma_wait3A_1202, %dma_wait3A_1203, %dma_wait3A_1212, %dma_wait3A_1213] : memref<5x4x8x128xf32, #tpu.memory_space<vmem>> -> memref<1x1x8x128xf32, #tpu.memory_space<vmem>>
        %dma_wait3A_1215 = tpu.memref_squeeze %dma_wait3A_1214 : memref<1x1x8x128xf32, #tpu.memory_space<vmem>> -> memref<8x128xf32, #tpu.memory_space<vmem>>
        %dma_wait3A_1216 = arith.constant 0 : i32
        %dma_wait3A_1217 = arith.constant 0 : i32
        %dma_wait3A_1218 = tpu.memref_slice %arg4[%dma_wait3A_1199, %dma_wait3A_1200, %dma_wait3A_1201, %dma_wait3A_1216, %dma_wait3A_1217] : memref<50x4x32x8x128xf32, #tpu.memory_space<hbm>> -> memref<1x1x1x8x128xf32, #tpu.memory_space<hbm>>
        %dma_wait3A_1219 = tpu.memref_squeeze %dma_wait3A_1218 : memref<1x1x1x8x128xf32, #tpu.memory_space<hbm>> -> memref<8x128xf32, #tpu.memory_space<hbm>>
        tpu.wait_dma2 semaphore(%arg12 : memref<!tpu.dma_semaphore, #tpu.memory_space<semaphore_mem>>) src(%dma_wait3A_1219 : memref<8x128xf32, #tpu.memory_space<hbm>>) dst(%dma_wait3A_1215 : memref<8x128xf32, #tpu.memory_space<vmem>>)
        %dma_wait3A_1220 = arith.constant 0 : i32
        %dma_wait3A_1221 = arith.constant 0 : i32
        %dma_wait3A_1222 = arith.constant 0 : i32
        %dma_wait3A_1223 = arith.constant 0 : i32
        %dma_wait3A_1224 = arith.constant 3 : i32
        %dma_wait3A_1225 = arith.constant 0 : i32
        %dma_wait3A_1226 = arith.constant 0 : i32
        %dma_wait3A_1227 = tpu.memref_slice %arg8[%dma_wait3A_1223, %dma_wait3A_1224, %dma_wait3A_1225, %dma_wait3A_1226] : memref<5x4x8x128xf32, #tpu.memory_space<vmem>> -> memref<1x1x8x128xf32, #tpu.memory_space<vmem>>
        %dma_wait3A_1228 = tpu.memref_squeeze %dma_wait3A_1227 : memref<1x1x8x128xf32, #tpu.memory_space<vmem>> -> memref<8x128xf32, #tpu.memory_space<vmem>>
        %dma_wait3A_1229 = arith.constant 0 : i32
        %dma_wait3A_1230 = arith.constant 0 : i32
        %dma_wait3A_1231 = tpu.memref_slice %arg4[%dma_wait3A_1220, %dma_wait3A_1221, %dma_wait3A_1222, %dma_wait3A_1229, %dma_wait3A_1230] : memref<50x4x32x8x128xf32, #tpu.memory_space<hbm>> -> memref<1x1x1x8x128xf32, #tpu.memory_space<hbm>>
        %dma_wait3A_1232 = tpu.memref_squeeze %dma_wait3A_1231 : memref<1x1x1x8x128xf32, #tpu.memory_space<hbm>> -> memref<8x128xf32, #tpu.memory_space<hbm>>
        %dma_wait3A_1233 = arith.constant 0 : i32
        %dma_wait3A_1234 = arith.constant 0 : i32
        %dma_wait3A_1235 = tpu.memref_slice %arg8[%dma_wait3A_1223, %dma_wait3A_1224, %dma_wait3A_1233, %dma_wait3A_1234] : memref<5x4x8x128xf32, #tpu.memory_space<vmem>> -> memref<1x1x8x128xf32, #tpu.memory_space<vmem>>
        %dma_wait3A_1236 = tpu.memref_squeeze %dma_wait3A_1235 : memref<1x1x8x128xf32, #tpu.memory_space<vmem>> -> memref<8x128xf32, #tpu.memory_space<vmem>>
        %dma_wait3A_1237 = arith.constant 0 : i32
        %dma_wait3A_1238 = arith.constant 0 : i32
        %dma_wait3A_1239 = tpu.memref_slice %arg4[%dma_wait3A_1220, %dma_wait3A_1221, %dma_wait3A_1222, %dma_wait3A_1237, %dma_wait3A_1238] : memref<50x4x32x8x128xf32, #tpu.memory_space<hbm>> -> memref<1x1x1x8x128xf32, #tpu.memory_space<hbm>>
        %dma_wait3A_1240 = tpu.memref_squeeze %dma_wait3A_1239 : memref<1x1x1x8x128xf32, #tpu.memory_space<hbm>> -> memref<8x128xf32, #tpu.memory_space<hbm>>
        tpu.wait_dma2 semaphore(%arg12 : memref<!tpu.dma_semaphore, #tpu.memory_space<semaphore_mem>>) src(%dma_wait3A_1240 : memref<8x128xf32, #tpu.memory_space<hbm>>) dst(%dma_wait3A_1236 : memref<8x128xf32, #tpu.memory_space<vmem>>)
        %dma_wait3A_1241 = arith.constant 0 : i32
        %dma_wait3A_1242 = arith.constant 0 : i32
        %dma_wait3A_1243 = arith.constant 0 : i32
        %dma_wait3A_1244 = arith.constant 1 : i32
        %dma_wait3A_1245 = arith.constant 0 : i32
        %dma_wait3A_1246 = arith.constant 0 : i32
        %dma_wait3A_1247 = arith.constant 0 : i32
        %dma_wait3A_1248 = tpu.memref_slice %arg8[%dma_wait3A_1244, %dma_wait3A_1245, %dma_wait3A_1246, %dma_wait3A_1247] : memref<5x4x8x128xf32, #tpu.memory_space<vmem>> -> memref<1x1x8x128xf32, #tpu.memory_space<vmem>>
        %dma_wait3A_1249 = tpu.memref_squeeze %dma_wait3A_1248 : memref<1x1x8x128xf32, #tpu.memory_space<vmem>> -> memref<8x128xf32, #tpu.memory_space<vmem>>
        %dma_wait3A_1250 = arith.constant 0 : i32
        %dma_wait3A_1251 = arith.constant 0 : i32
        %dma_wait3A_1252 = tpu.memref_slice %arg4[%dma_wait3A_1241, %dma_wait3A_1242, %dma_wait3A_1243, %dma_wait3A_1250, %dma_wait3A_1251] : memref<50x4x32x8x128xf32, #tpu.memory_space<hbm>> -> memref<1x1x1x8x128xf32, #tpu.memory_space<hbm>>
        %dma_wait3A_1253 = tpu.memref_squeeze %dma_wait3A_1252 : memref<1x1x1x8x128xf32, #tpu.memory_space<hbm>> -> memref<8x128xf32, #tpu.memory_space<hbm>>
        %dma_wait3A_1254 = arith.constant 0 : i32
        %dma_wait3A_1255 = arith.constant 0 : i32
        %dma_wait3A_1256 = tpu.memref_slice %arg8[%dma_wait3A_1244, %dma_wait3A_1245, %dma_wait3A_1254, %dma_wait3A_1255] : memref<5x4x8x128xf32, #tpu.memory_space<vmem>> -> memref<1x1x8x128xf32, #tpu.memory_space<vmem>>
        %dma_wait3A_1257 = tpu.memref_squeeze %dma_wait3A_1256 : memref<1x1x8x128xf32, #tpu.memory_space<vmem>> -> memref<8x128xf32, #tpu.memory_space<vmem>>
        %dma_wait3A_1258 = arith.constant 0 : i32
        %dma_wait3A_1259 = arith.constant 0 : i32
        %dma_wait3A_1260 = tpu.memref_slice %arg4[%dma_wait3A_1241, %dma_wait3A_1242, %dma_wait3A_1243, %dma_wait3A_1258, %dma_wait3A_1259] : memref<50x4x32x8x128xf32, #tpu.memory_space<hbm>> -> memref<1x1x1x8x128xf32, #tpu.memory_space<hbm>>
        %dma_wait3A_1261 = tpu.memref_squeeze %dma_wait3A_1260 : memref<1x1x1x8x128xf32, #tpu.memory_space<hbm>> -> memref<8x128xf32, #tpu.memory_space<hbm>>
        tpu.wait_dma2 semaphore(%arg12 : memref<!tpu.dma_semaphore, #tpu.memory_space<semaphore_mem>>) src(%dma_wait3A_1261 : memref<8x128xf32, #tpu.memory_space<hbm>>) dst(%dma_wait3A_1257 : memref<8x128xf32, #tpu.memory_space<vmem>>)
        %dma_wait3A_1262 = arith.constant 0 : i32
        %dma_wait3A_1263 = arith.constant 0 : i32
        %dma_wait3A_1264 = arith.constant 0 : i32
        %dma_wait3A_1265 = arith.constant 1 : i32
        %dma_wait3A_1266 = arith.constant 1 : i32
        %dma_wait3A_1267 = arith.constant 0 : i32
        %dma_wait3A_1268 = arith.constant 0 : i32
        %dma_wait3A_1269 = tpu.memref_slice %arg8[%dma_wait3A_1265, %dma_wait3A_1266, %dma_wait3A_1267, %dma_wait3A_1268] : memref<5x4x8x128xf32, #tpu.memory_space<vmem>> -> memref<1x1x8x128xf32, #tpu.memory_space<vmem>>
        %dma_wait3A_1270 = tpu.memref_squeeze %dma_wait3A_1269 : memref<1x1x8x128xf32, #tpu.memory_space<vmem>> -> memref<8x128xf32, #tpu.memory_space<vmem>>
        %dma_wait3A_1271 = arith.constant 0 : i32
        %dma_wait3A_1272 = arith.constant 0 : i32
        %dma_wait3A_1273 = tpu.memref_slice %arg4[%dma_wait3A_1262, %dma_wait3A_1263, %dma_wait3A_1264, %dma_wait3A_1271, %dma_wait3A_1272] : memref<50x4x32x8x128xf32, #tpu.memory_space<hbm>> -> memref<1x1x1x8x128xf32, #tpu.memory_space<hbm>>
        %dma_wait3A_1274 = tpu.memref_squeeze %dma_wait3A_1273 : memref<1x1x1x8x128xf32, #tpu.memory_space<hbm>> -> memref<8x128xf32, #tpu.memory_space<hbm>>
        %dma_wait3A_1275 = arith.constant 0 : i32
        %dma_wait3A_1276 = arith.constant 0 : i32
        %dma_wait3A_1277 = tpu.memref_slice %arg8[%dma_wait3A_1265, %dma_wait3A_1266, %dma_wait3A_1275, %dma_wait3A_1276] : memref<5x4x8x128xf32, #tpu.memory_space<vmem>> -> memref<1x1x8x128xf32, #tpu.memory_space<vmem>>
        %dma_wait3A_1278 = tpu.memref_squeeze %dma_wait3A_1277 : memref<1x1x8x128xf32, #tpu.memory_space<vmem>> -> memref<8x128xf32, #tpu.memory_space<vmem>>
        %dma_wait3A_1279 = arith.constant 0 : i32
        %dma_wait3A_1280 = arith.constant 0 : i32
        %dma_wait3A_1281 = tpu.memref_slice %arg4[%dma_wait3A_1262, %dma_wait3A_1263, %dma_wait3A_1264, %dma_wait3A_1279, %dma_wait3A_1280] : memref<50x4x32x8x128xf32, #tpu.memory_space<hbm>> -> memref<1x1x1x8x128xf32, #tpu.memory_space<hbm>>
        %dma_wait3A_1282 = tpu.memref_squeeze %dma_wait3A_1281 : memref<1x1x1x8x128xf32, #tpu.memory_space<hbm>> -> memref<8x128xf32, #tpu.memory_space<hbm>>
        tpu.wait_dma2 semaphore(%arg12 : memref<!tpu.dma_semaphore, #tpu.memory_space<semaphore_mem>>) src(%dma_wait3A_1282 : memref<8x128xf32, #tpu.memory_space<hbm>>) dst(%dma_wait3A_1278 : memref<8x128xf32, #tpu.memory_space<vmem>>)
        %dma_wait3A_1283 = arith.constant 0 : i32
        %dma_wait3A_1284 = arith.constant 0 : i32
        %dma_wait3A_1285 = arith.constant 0 : i32
        %dma_wait3A_1286 = arith.constant 1 : i32
        %dma_wait3A_1287 = arith.constant 2 : i32
        %dma_wait3A_1288 = arith.constant 0 : i32
        %dma_wait3A_1289 = arith.constant 0 : i32
        %dma_wait3A_1290 = tpu.memref_slice %arg8[%dma_wait3A_1286, %dma_wait3A_1287, %dma_wait3A_1288, %dma_wait3A_1289] : memref<5x4x8x128xf32, #tpu.memory_space<vmem>> -> memref<1x1x8x128xf32, #tpu.memory_space<vmem>>
        %dma_wait3A_1291 = tpu.memref_squeeze %dma_wait3A_1290 : memref<1x1x8x128xf32, #tpu.memory_space<vmem>> -> memref<8x128xf32, #tpu.memory_space<vmem>>
        %dma_wait3A_1292 = arith.constant 0 : i32
        %dma_wait3A_1293 = arith.constant 0 : i32
        %dma_wait3A_1294 = tpu.memref_slice %arg4[%dma_wait3A_1283, %dma_wait3A_1284, %dma_wait3A_1285, %dma_wait3A_1292, %dma_wait3A_1293] : memref<50x4x32x8x128xf32, #tpu.memory_space<hbm>> -> memref<1x1x1x8x128xf32, #tpu.memory_space<hbm>>
        %dma_wait3A_1295 = tpu.memref_squeeze %dma_wait3A_1294 : memref<1x1x1x8x128xf32, #tpu.memory_space<hbm>> -> memref<8x128xf32, #tpu.memory_space<hbm>>
        %dma_wait3A_1296 = arith.constant 0 : i32
        %dma_wait3A_1297 = arith.constant 0 : i32
        %dma_wait3A_1298 = tpu.memref_slice %arg8[%dma_wait3A_1286, %dma_wait3A_1287, %dma_wait3A_1296, %dma_wait3A_1297] : memref<5x4x8x128xf32, #tpu.memory_space<vmem>> -> memref<1x1x8x128xf32, #tpu.memory_space<vmem>>
        %dma_wait3A_1299 = tpu.memref_squeeze %dma_wait3A_1298 : memref<1x1x8x128xf32, #tpu.memory_space<vmem>> -> memref<8x128xf32, #tpu.memory_space<vmem>>
        %dma_wait3A_1300 = arith.constant 0 : i32
        %dma_wait3A_1301 = arith.constant 0 : i32
        %dma_wait3A_1302 = tpu.memref_slice %arg4[%dma_wait3A_1283, %dma_wait3A_1284, %dma_wait3A_1285, %dma_wait3A_1300, %dma_wait3A_1301] : memref<50x4x32x8x128xf32, #tpu.memory_space<hbm>> -> memref<1x1x1x8x128xf32, #tpu.memory_space<hbm>>
        %dma_wait3A_1303 = tpu.memref_squeeze %dma_wait3A_1302 : memref<1x1x1x8x128xf32, #tpu.memory_space<hbm>> -> memref<8x128xf32, #tpu.memory_space<hbm>>
        tpu.wait_dma2 semaphore(%arg12 : memref<!tpu.dma_semaphore, #tpu.memory_space<semaphore_mem>>) src(%dma_wait3A_1303 : memref<8x128xf32, #tpu.memory_space<hbm>>) dst(%dma_wait3A_1299 : memref<8x128xf32, #tpu.memory_space<vmem>>)
        %dma_wait3A_1304 = arith.constant 0 : i32
        %dma_wait3A_1305 = arith.constant 0 : i32
        %dma_wait3A_1306 = arith.constant 0 : i32
        %dma_wait3A_1307 = arith.constant 1 : i32
        %dma_wait3A_1308 = arith.constant 3 : i32
        %dma_wait3A_1309 = arith.constant 0 : i32
        %dma_wait3A_1310 = arith.constant 0 : i32
        %dma_wait3A_1311 = tpu.memref_slice %arg8[%dma_wait3A_1307, %dma_wait3A_1308, %dma_wait3A_1309, %dma_wait3A_1310] : memref<5x4x8x128xf32, #tpu.memory_space<vmem>> -> memref<1x1x8x128xf32, #tpu.memory_space<vmem>>
        %dma_wait3A_1312 = tpu.memref_squeeze %dma_wait3A_1311 : memref<1x1x8x128xf32, #tpu.memory_space<vmem>> -> memref<8x128xf32, #tpu.memory_space<vmem>>
        %dma_wait3A_1313 = arith.constant 0 : i32
        %dma_wait3A_1314 = arith.constant 0 : i32
        %dma_wait3A_1315 = tpu.memref_slice %arg4[%dma_wait3A_1304, %dma_wait3A_1305, %dma_wait3A_1306, %dma_wait3A_1313, %dma_wait3A_1314] : memref<50x4x32x8x128xf32, #tpu.memory_space<hbm>> -> memref<1x1x1x8x128xf32, #tpu.memory_space<hbm>>
        %dma_wait3A_1316 = tpu.memref_squeeze %dma_wait3A_1315 : memref<1x1x1x8x128xf32, #tpu.memory_space<hbm>> -> memref<8x128xf32, #tpu.memory_space<hbm>>
        %dma_wait3A_1317 = arith.constant 0 : i32
        %dma_wait3A_1318 = arith.constant 0 : i32
        %dma_wait3A_1319 = tpu.memref_slice %arg8[%dma_wait3A_1307, %dma_wait3A_1308, %dma_wait3A_1317, %dma_wait3A_1318] : memref<5x4x8x128xf32, #tpu.memory_space<vmem>> -> memref<1x1x8x128xf32, #tpu.memory_space<vmem>>
        %dma_wait3A_1320 = tpu.memref_squeeze %dma_wait3A_1319 : memref<1x1x8x128xf32, #tpu.memory_space<vmem>> -> memref<8x128xf32, #tpu.memory_space<vmem>>
        %dma_wait3A_1321 = arith.constant 0 : i32
        %dma_wait3A_1322 = arith.constant 0 : i32
        %dma_wait3A_1323 = tpu.memref_slice %arg4[%dma_wait3A_1304, %dma_wait3A_1305, %dma_wait3A_1306, %dma_wait3A_1321, %dma_wait3A_1322] : memref<50x4x32x8x128xf32, #tpu.memory_space<hbm>> -> memref<1x1x1x8x128xf32, #tpu.memory_space<hbm>>
        %dma_wait3A_1324 = tpu.memref_squeeze %dma_wait3A_1323 : memref<1x1x1x8x128xf32, #tpu.memory_space<hbm>> -> memref<8x128xf32, #tpu.memory_space<hbm>>
        tpu.wait_dma2 semaphore(%arg12 : memref<!tpu.dma_semaphore, #tpu.memory_space<semaphore_mem>>) src(%dma_wait3A_1324 : memref<8x128xf32, #tpu.memory_space<hbm>>) dst(%dma_wait3A_1320 : memref<8x128xf32, #tpu.memory_space<vmem>>)
        %dma_wait3A_1325 = arith.constant 0 : i32
        %dma_wait3A_1326 = arith.constant 0 : i32
        %dma_wait3A_1327 = arith.constant 0 : i32
        %dma_wait3A_1328 = arith.constant 2 : i32
        %dma_wait3A_1329 = arith.constant 0 : i32
        %dma_wait3A_1330 = arith.constant 0 : i32
        %dma_wait3A_1331 = arith.constant 0 : i32
        %dma_wait3A_1332 = tpu.memref_slice %arg8[%dma_wait3A_1328, %dma_wait3A_1329, %dma_wait3A_1330, %dma_wait3A_1331] : memref<5x4x8x128xf32, #tpu.memory_space<vmem>> -> memref<1x1x8x128xf32, #tpu.memory_space<vmem>>
        %dma_wait3A_1333 = tpu.memref_squeeze %dma_wait3A_1332 : memref<1x1x8x128xf32, #tpu.memory_space<vmem>> -> memref<8x128xf32, #tpu.memory_space<vmem>>
        %dma_wait3A_1334 = arith.constant 0 : i32
        %dma_wait3A_1335 = arith.constant 0 : i32
        %dma_wait3A_1336 = tpu.memref_slice %arg4[%dma_wait3A_1325, %dma_wait3A_1326, %dma_wait3A_1327, %dma_wait3A_1334, %dma_wait3A_1335] : memref<50x4x32x8x128xf32, #tpu.memory_space<hbm>> -> memref<1x1x1x8x128xf32, #tpu.memory_space<hbm>>
        %dma_wait3A_1337 = tpu.memref_squeeze %dma_wait3A_1336 : memref<1x1x1x8x128xf32, #tpu.memory_space<hbm>> -> memref<8x128xf32, #tpu.memory_space<hbm>>
        %dma_wait3A_1338 = arith.constant 0 : i32
        %dma_wait3A_1339 = arith.constant 0 : i32
        %dma_wait3A_1340 = tpu.memref_slice %arg8[%dma_wait3A_1328, %dma_wait3A_1329, %dma_wait3A_1338, %dma_wait3A_1339] : memref<5x4x8x128xf32, #tpu.memory_space<vmem>> -> memref<1x1x8x128xf32, #tpu.memory_space<vmem>>
        %dma_wait3A_1341 = tpu.memref_squeeze %dma_wait3A_1340 : memref<1x1x8x128xf32, #tpu.memory_space<vmem>> -> memref<8x128xf32, #tpu.memory_space<vmem>>
        %dma_wait3A_1342 = arith.constant 0 : i32
        %dma_wait3A_1343 = arith.constant 0 : i32
        %dma_wait3A_1344 = tpu.memref_slice %arg4[%dma_wait3A_1325, %dma_wait3A_1326, %dma_wait3A_1327, %dma_wait3A_1342, %dma_wait3A_1343] : memref<50x4x32x8x128xf32, #tpu.memory_space<hbm>> -> memref<1x1x1x8x128xf32, #tpu.memory_space<hbm>>
        %dma_wait3A_1345 = tpu.memref_squeeze %dma_wait3A_1344 : memref<1x1x1x8x128xf32, #tpu.memory_space<hbm>> -> memref<8x128xf32, #tpu.memory_space<hbm>>
        tpu.wait_dma2 semaphore(%arg12 : memref<!tpu.dma_semaphore, #tpu.memory_space<semaphore_mem>>) src(%dma_wait3A_1345 : memref<8x128xf32, #tpu.memory_space<hbm>>) dst(%dma_wait3A_1341 : memref<8x128xf32, #tpu.memory_space<vmem>>)
        %dma_wait3A_1346 = arith.constant 0 : i32
        %dma_wait3A_1347 = arith.constant 0 : i32
        %dma_wait3A_1348 = arith.constant 0 : i32
        %dma_wait3A_1349 = arith.constant 2 : i32
        %dma_wait3A_1350 = arith.constant 1 : i32
        %dma_wait3A_1351 = arith.constant 0 : i32
        %dma_wait3A_1352 = arith.constant 0 : i32
        %dma_wait3A_1353 = tpu.memref_slice %arg8[%dma_wait3A_1349, %dma_wait3A_1350, %dma_wait3A_1351, %dma_wait3A_1352] : memref<5x4x8x128xf32, #tpu.memory_space<vmem>> -> memref<1x1x8x128xf32, #tpu.memory_space<vmem>>
        %dma_wait3A_1354 = tpu.memref_squeeze %dma_wait3A_1353 : memref<1x1x8x128xf32, #tpu.memory_space<vmem>> -> memref<8x128xf32, #tpu.memory_space<vmem>>
        %dma_wait3A_1355 = arith.constant 0 : i32
        %dma_wait3A_1356 = arith.constant 0 : i32
        %dma_wait3A_1357 = tpu.memref_slice %arg4[%dma_wait3A_1346, %dma_wait3A_1347, %dma_wait3A_1348, %dma_wait3A_1355, %dma_wait3A_1356] : memref<50x4x32x8x128xf32, #tpu.memory_space<hbm>> -> memref<1x1x1x8x128xf32, #tpu.memory_space<hbm>>
        %dma_wait3A_1358 = tpu.memref_squeeze %dma_wait3A_1357 : memref<1x1x1x8x128xf32, #tpu.memory_space<hbm>> -> memref<8x128xf32, #tpu.memory_space<hbm>>
        %dma_wait3A_1359 = arith.constant 0 : i32
        %dma_wait3A_1360 = arith.constant 0 : i32
        %dma_wait3A_1361 = tpu.memref_slice %arg8[%dma_wait3A_1349, %dma_wait3A_1350, %dma_wait3A_1359, %dma_wait3A_1360] : memref<5x4x8x128xf32, #tpu.memory_space<vmem>> -> memref<1x1x8x128xf32, #tpu.memory_space<vmem>>
        %dma_wait3A_1362 = tpu.memref_squeeze %dma_wait3A_1361 : memref<1x1x8x128xf32, #tpu.memory_space<vmem>> -> memref<8x128xf32, #tpu.memory_space<vmem>>
        %dma_wait3A_1363 = arith.constant 0 : i32
        %dma_wait3A_1364 = arith.constant 0 : i32
        %dma_wait3A_1365 = tpu.memref_slice %arg4[%dma_wait3A_1346, %dma_wait3A_1347, %dma_wait3A_1348, %dma_wait3A_1363, %dma_wait3A_1364] : memref<50x4x32x8x128xf32, #tpu.memory_space<hbm>> -> memref<1x1x1x8x128xf32, #tpu.memory_space<hbm>>
        %dma_wait3A_1366 = tpu.memref_squeeze %dma_wait3A_1365 : memref<1x1x1x8x128xf32, #tpu.memory_space<hbm>> -> memref<8x128xf32, #tpu.memory_space<hbm>>
        tpu.wait_dma2 semaphore(%arg12 : memref<!tpu.dma_semaphore, #tpu.memory_space<semaphore_mem>>) src(%dma_wait3A_1366 : memref<8x128xf32, #tpu.memory_space<hbm>>) dst(%dma_wait3A_1362 : memref<8x128xf32, #tpu.memory_space<vmem>>)
        %dma_wait3A_1367 = arith.constant 0 : i32
        %dma_wait3A_1368 = arith.constant 0 : i32
        %dma_wait3A_1369 = arith.constant 0 : i32
        %dma_wait3A_1370 = arith.constant 2 : i32
        %dma_wait3A_1371 = arith.constant 2 : i32
        %dma_wait3A_1372 = arith.constant 0 : i32
        %dma_wait3A_1373 = arith.constant 0 : i32
        %dma_wait3A_1374 = tpu.memref_slice %arg8[%dma_wait3A_1370, %dma_wait3A_1371, %dma_wait3A_1372, %dma_wait3A_1373] : memref<5x4x8x128xf32, #tpu.memory_space<vmem>> -> memref<1x1x8x128xf32, #tpu.memory_space<vmem>>
        %dma_wait3A_1375 = tpu.memref_squeeze %dma_wait3A_1374 : memref<1x1x8x128xf32, #tpu.memory_space<vmem>> -> memref<8x128xf32, #tpu.memory_space<vmem>>
        %dma_wait3A_1376 = arith.constant 0 : i32
        %dma_wait3A_1377 = arith.constant 0 : i32
        %dma_wait3A_1378 = tpu.memref_slice %arg4[%dma_wait3A_1367, %dma_wait3A_1368, %dma_wait3A_1369, %dma_wait3A_1376, %dma_wait3A_1377] : memref<50x4x32x8x128xf32, #tpu.memory_space<hbm>> -> memref<1x1x1x8x128xf32, #tpu.memory_space<hbm>>
        %dma_wait3A_1379 = tpu.memref_squeeze %dma_wait3A_1378 : memref<1x1x1x8x128xf32, #tpu.memory_space<hbm>> -> memref<8x128xf32, #tpu.memory_space<hbm>>
        %dma_wait3A_1380 = arith.constant 0 : i32
        %dma_wait3A_1381 = arith.constant 0 : i32
        %dma_wait3A_1382 = tpu.memref_slice %arg8[%dma_wait3A_1370, %dma_wait3A_1371, %dma_wait3A_1380, %dma_wait3A_1381] : memref<5x4x8x128xf32, #tpu.memory_space<vmem>> -> memref<1x1x8x128xf32, #tpu.memory_space<vmem>>
        %dma_wait3A_1383 = tpu.memref_squeeze %dma_wait3A_1382 : memref<1x1x8x128xf32, #tpu.memory_space<vmem>> -> memref<8x128xf32, #tpu.memory_space<vmem>>
        %dma_wait3A_1384 = arith.constant 0 : i32
        %dma_wait3A_1385 = arith.constant 0 : i32
        %dma_wait3A_1386 = tpu.memref_slice %arg4[%dma_wait3A_1367, %dma_wait3A_1368, %dma_wait3A_1369, %dma_wait3A_1384, %dma_wait3A_1385] : memref<50x4x32x8x128xf32, #tpu.memory_space<hbm>> -> memref<1x1x1x8x128xf32, #tpu.memory_space<hbm>>
        %dma_wait3A_1387 = tpu.memref_squeeze %dma_wait3A_1386 : memref<1x1x1x8x128xf32, #tpu.memory_space<hbm>> -> memref<8x128xf32, #tpu.memory_space<hbm>>
        tpu.wait_dma2 semaphore(%arg12 : memref<!tpu.dma_semaphore, #tpu.memory_space<semaphore_mem>>) src(%dma_wait3A_1387 : memref<8x128xf32, #tpu.memory_space<hbm>>) dst(%dma_wait3A_1383 : memref<8x128xf32, #tpu.memory_space<vmem>>)
        %dma_wait3A_1388 = arith.constant 0 : i32
        %dma_wait3A_1389 = arith.constant 0 : i32
        %dma_wait3A_1390 = arith.constant 0 : i32
        %dma_wait3A_1391 = arith.constant 2 : i32
        %dma_wait3A_1392 = arith.constant 3 : i32
        %dma_wait3A_1393 = arith.constant 0 : i32
        %dma_wait3A_1394 = arith.constant 0 : i32
        %dma_wait3A_1395 = tpu.memref_slice %arg8[%dma_wait3A_1391, %dma_wait3A_1392, %dma_wait3A_1393, %dma_wait3A_1394] : memref<5x4x8x128xf32, #tpu.memory_space<vmem>> -> memref<1x1x8x128xf32, #tpu.memory_space<vmem>>
        %dma_wait3A_1396 = tpu.memref_squeeze %dma_wait3A_1395 : memref<1x1x8x128xf32, #tpu.memory_space<vmem>> -> memref<8x128xf32, #tpu.memory_space<vmem>>
        %dma_wait3A_1397 = arith.constant 0 : i32
        %dma_wait3A_1398 = arith.constant 0 : i32
        %dma_wait3A_1399 = tpu.memref_slice %arg4[%dma_wait3A_1388, %dma_wait3A_1389, %dma_wait3A_1390, %dma_wait3A_1397, %dma_wait3A_1398] : memref<50x4x32x8x128xf32, #tpu.memory_space<hbm>> -> memref<1x1x1x8x128xf32, #tpu.memory_space<hbm>>
        %dma_wait3A_1400 = tpu.memref_squeeze %dma_wait3A_1399 : memref<1x1x1x8x128xf32, #tpu.memory_space<hbm>> -> memref<8x128xf32, #tpu.memory_space<hbm>>
        %dma_wait3A_1401 = arith.constant 0 : i32
        %dma_wait3A_1402 = arith.constant 0 : i32
        %dma_wait3A_1403 = tpu.memref_slice %arg8[%dma_wait3A_1391, %dma_wait3A_1392, %dma_wait3A_1401, %dma_wait3A_1402] : memref<5x4x8x128xf32, #tpu.memory_space<vmem>> -> memref<1x1x8x128xf32, #tpu.memory_space<vmem>>
        %dma_wait3A_1404 = tpu.memref_squeeze %dma_wait3A_1403 : memref<1x1x8x128xf32, #tpu.memory_space<vmem>> -> memref<8x128xf32, #tpu.memory_space<vmem>>
        %dma_wait3A_1405 = arith.constant 0 : i32
        %dma_wait3A_1406 = arith.constant 0 : i32
        %dma_wait3A_1407 = tpu.memref_slice %arg4[%dma_wait3A_1388, %dma_wait3A_1389, %dma_wait3A_1390, %dma_wait3A_1405, %dma_wait3A_1406] : memref<50x4x32x8x128xf32, #tpu.memory_space<hbm>> -> memref<1x1x1x8x128xf32, #tpu.memory_space<hbm>>
        %dma_wait3A_1408 = tpu.memref_squeeze %dma_wait3A_1407 : memref<1x1x1x8x128xf32, #tpu.memory_space<hbm>> -> memref<8x128xf32, #tpu.memory_space<hbm>>
        tpu.wait_dma2 semaphore(%arg12 : memref<!tpu.dma_semaphore, #tpu.memory_space<semaphore_mem>>) src(%dma_wait3A_1408 : memref<8x128xf32, #tpu.memory_space<hbm>>) dst(%dma_wait3A_1404 : memref<8x128xf32, #tpu.memory_space<vmem>>)
        %dma_wait3A_1409 = arith.constant 0 : i32
        %dma_wait3A_1410 = arith.constant 0 : i32
        %dma_wait3A_1411 = arith.constant 0 : i32
        %dma_wait3A_1412 = arith.constant 3 : i32
        %dma_wait3A_1413 = arith.constant 0 : i32
        %dma_wait3A_1414 = arith.constant 0 : i32
        %dma_wait3A_1415 = arith.constant 0 : i32
        %dma_wait3A_1416 = tpu.memref_slice %arg8[%dma_wait3A_1412, %dma_wait3A_1413, %dma_wait3A_1414, %dma_wait3A_1415] : memref<5x4x8x128xf32, #tpu.memory_space<vmem>> -> memref<1x1x8x128xf32, #tpu.memory_space<vmem>>
        %dma_wait3A_1417 = tpu.memref_squeeze %dma_wait3A_1416 : memref<1x1x8x128xf32, #tpu.memory_space<vmem>> -> memref<8x128xf32, #tpu.memory_space<vmem>>
        %dma_wait3A_1418 = arith.constant 0 : i32
        %dma_wait3A_1419 = arith.constant 0 : i32
        %dma_wait3A_1420 = tpu.memref_slice %arg4[%dma_wait3A_1409, %dma_wait3A_1410, %dma_wait3A_1411, %dma_wait3A_1418, %dma_wait3A_1419] : memref<50x4x32x8x128xf32, #tpu.memory_space<hbm>> -> memref<1x1x1x8x128xf32, #tpu.memory_space<hbm>>
        %dma_wait3A_1421 = tpu.memref_squeeze %dma_wait3A_1420 : memref<1x1x1x8x128xf32, #tpu.memory_space<hbm>> -> memref<8x128xf32, #tpu.memory_space<hbm>>
        %dma_wait3A_1422 = arith.constant 0 : i32
        %dma_wait3A_1423 = arith.constant 0 : i32
        %dma_wait3A_1424 = tpu.memref_slice %arg8[%dma_wait3A_1412, %dma_wait3A_1413, %dma_wait3A_1422, %dma_wait3A_1423] : memref<5x4x8x128xf32, #tpu.memory_space<vmem>> -> memref<1x1x8x128xf32, #tpu.memory_space<vmem>>
        %dma_wait3A_1425 = tpu.memref_squeeze %dma_wait3A_1424 : memref<1x1x8x128xf32, #tpu.memory_space<vmem>> -> memref<8x128xf32, #tpu.memory_space<vmem>>
        %dma_wait3A_1426 = arith.constant 0 : i32
        %dma_wait3A_1427 = arith.constant 0 : i32
        %dma_wait3A_1428 = tpu.memref_slice %arg4[%dma_wait3A_1409, %dma_wait3A_1410, %dma_wait3A_1411, %dma_wait3A_1426, %dma_wait3A_1427] : memref<50x4x32x8x128xf32, #tpu.memory_space<hbm>> -> memref<1x1x1x8x128xf32, #tpu.memory_space<hbm>>
        %dma_wait3A_1429 = tpu.memref_squeeze %dma_wait3A_1428 : memref<1x1x1x8x128xf32, #tpu.memory_space<hbm>> -> memref<8x128xf32, #tpu.memory_space<hbm>>
        tpu.wait_dma2 semaphore(%arg12 : memref<!tpu.dma_semaphore, #tpu.memory_space<semaphore_mem>>) src(%dma_wait3A_1429 : memref<8x128xf32, #tpu.memory_space<hbm>>) dst(%dma_wait3A_1425 : memref<8x128xf32, #tpu.memory_space<vmem>>)
        %dma_wait3A_1430 = arith.constant 0 : i32
        %dma_wait3A_1431 = arith.constant 0 : i32
        %dma_wait3A_1432 = arith.constant 0 : i32
        %dma_wait3A_1433 = arith.constant 3 : i32
        %dma_wait3A_1434 = arith.constant 1 : i32
        %dma_wait3A_1435 = arith.constant 0 : i32
        %dma_wait3A_1436 = arith.constant 0 : i32
        %dma_wait3A_1437 = tpu.memref_slice %arg8[%dma_wait3A_1433, %dma_wait3A_1434, %dma_wait3A_1435, %dma_wait3A_1436] : memref<5x4x8x128xf32, #tpu.memory_space<vmem>> -> memref<1x1x8x128xf32, #tpu.memory_space<vmem>>
        %dma_wait3A_1438 = tpu.memref_squeeze %dma_wait3A_1437 : memref<1x1x8x128xf32, #tpu.memory_space<vmem>> -> memref<8x128xf32, #tpu.memory_space<vmem>>
        %dma_wait3A_1439 = arith.constant 0 : i32
        %dma_wait3A_1440 = arith.constant 0 : i32
        %dma_wait3A_1441 = tpu.memref_slice %arg4[%dma_wait3A_1430, %dma_wait3A_1431, %dma_wait3A_1432, %dma_wait3A_1439, %dma_wait3A_1440] : memref<50x4x32x8x128xf32, #tpu.memory_space<hbm>> -> memref<1x1x1x8x128xf32, #tpu.memory_space<hbm>>
        %dma_wait3A_1442 = tpu.memref_squeeze %dma_wait3A_1441 : memref<1x1x1x8x128xf32, #tpu.memory_space<hbm>> -> memref<8x128xf32, #tpu.memory_space<hbm>>
        %dma_wait3A_1443 = arith.constant 0 : i32
        %dma_wait3A_1444 = arith.constant 0 : i32
        %dma_wait3A_1445 = tpu.memref_slice %arg8[%dma_wait3A_1433, %dma_wait3A_1434, %dma_wait3A_1443, %dma_wait3A_1444] : memref<5x4x8x128xf32, #tpu.memory_space<vmem>> -> memref<1x1x8x128xf32, #tpu.memory_space<vmem>>
        %dma_wait3A_1446 = tpu.memref_squeeze %dma_wait3A_1445 : memref<1x1x8x128xf32, #tpu.memory_space<vmem>> -> memref<8x128xf32, #tpu.memory_space<vmem>>
        %dma_wait3A_1447 = arith.constant 0 : i32
        %dma_wait3A_1448 = arith.constant 0 : i32
        %dma_wait3A_1449 = tpu.memref_slice %arg4[%dma_wait3A_1430, %dma_wait3A_1431, %dma_wait3A_1432, %dma_wait3A_1447, %dma_wait3A_1448] : memref<50x4x32x8x128xf32, #tpu.memory_space<hbm>> -> memref<1x1x1x8x128xf32, #tpu.memory_space<hbm>>
        %dma_wait3A_1450 = tpu.memref_squeeze %dma_wait3A_1449 : memref<1x1x1x8x128xf32, #tpu.memory_space<hbm>> -> memref<8x128xf32, #tpu.memory_space<hbm>>
        tpu.wait_dma2 semaphore(%arg12 : memref<!tpu.dma_semaphore, #tpu.memory_space<semaphore_mem>>) src(%dma_wait3A_1450 : memref<8x128xf32, #tpu.memory_space<hbm>>) dst(%dma_wait3A_1446 : memref<8x128xf32, #tpu.memory_space<vmem>>)
        %dma_wait3A_1451 = arith.constant 0 : i32
        %dma_wait3A_1452 = arith.constant 0 : i32
        %dma_wait3A_1453 = arith.constant 0 : i32
        %dma_wait3A_1454 = arith.constant 3 : i32
        %dma_wait3A_1455 = arith.constant 2 : i32
        %dma_wait3A_1456 = arith.constant 0 : i32
        %dma_wait3A_1457 = arith.constant 0 : i32
        %dma_wait3A_1458 = tpu.memref_slice %arg8[%dma_wait3A_1454, %dma_wait3A_1455, %dma_wait3A_1456, %dma_wait3A_1457] : memref<5x4x8x128xf32, #tpu.memory_space<vmem>> -> memref<1x1x8x128xf32, #tpu.memory_space<vmem>>
        %dma_wait3A_1459 = tpu.memref_squeeze %dma_wait3A_1458 : memref<1x1x8x128xf32, #tpu.memory_space<vmem>> -> memref<8x128xf32, #tpu.memory_space<vmem>>
        %dma_wait3A_1460 = arith.constant 0 : i32
        %dma_wait3A_1461 = arith.constant 0 : i32
        %dma_wait3A_1462 = tpu.memref_slice %arg4[%dma_wait3A_1451, %dma_wait3A_1452, %dma_wait3A_1453, %dma_wait3A_1460, %dma_wait3A_1461] : memref<50x4x32x8x128xf32, #tpu.memory_space<hbm>> -> memref<1x1x1x8x128xf32, #tpu.memory_space<hbm>>
        %dma_wait3A_1463 = tpu.memref_squeeze %dma_wait3A_1462 : memref<1x1x1x8x128xf32, #tpu.memory_space<hbm>> -> memref<8x128xf32, #tpu.memory_space<hbm>>
        %dma_wait3A_1464 = arith.constant 0 : i32
        %dma_wait3A_1465 = arith.constant 0 : i32
        %dma_wait3A_1466 = tpu.memref_slice %arg8[%dma_wait3A_1454, %dma_wait3A_1455, %dma_wait3A_1464, %dma_wait3A_1465] : memref<5x4x8x128xf32, #tpu.memory_space<vmem>> -> memref<1x1x8x128xf32, #tpu.memory_space<vmem>>
        %dma_wait3A_1467 = tpu.memref_squeeze %dma_wait3A_1466 : memref<1x1x8x128xf32, #tpu.memory_space<vmem>> -> memref<8x128xf32, #tpu.memory_space<vmem>>
        %dma_wait3A_1468 = arith.constant 0 : i32
        %dma_wait3A_1469 = arith.constant 0 : i32
        %dma_wait3A_1470 = tpu.memref_slice %arg4[%dma_wait3A_1451, %dma_wait3A_1452, %dma_wait3A_1453, %dma_wait3A_1468, %dma_wait3A_1469] : memref<50x4x32x8x128xf32, #tpu.memory_space<hbm>> -> memref<1x1x1x8x128xf32, #tpu.memory_space<hbm>>
        %dma_wait3A_1471 = tpu.memref_squeeze %dma_wait3A_1470 : memref<1x1x1x8x128xf32, #tpu.memory_space<hbm>> -> memref<8x128xf32, #tpu.memory_space<hbm>>
        tpu.wait_dma2 semaphore(%arg12 : memref<!tpu.dma_semaphore, #tpu.memory_space<semaphore_mem>>) src(%dma_wait3A_1471 : memref<8x128xf32, #tpu.memory_space<hbm>>) dst(%dma_wait3A_1467 : memref<8x128xf32, #tpu.memory_space<vmem>>)
        %dma_wait3A_1472 = arith.constant 0 : i32
        %dma_wait3A_1473 = arith.constant 0 : i32
        %dma_wait3A_1474 = arith.constant 0 : i32
        %dma_wait3A_1475 = arith.constant 3 : i32
        %dma_wait3A_1476 = arith.constant 3 : i32
        %dma_wait3A_1477 = arith.constant 0 : i32
        %dma_wait3A_1478 = arith.constant 0 : i32
        %dma_wait3A_1479 = tpu.memref_slice %arg8[%dma_wait3A_1475, %dma_wait3A_1476, %dma_wait3A_1477, %dma_wait3A_1478] : memref<5x4x8x128xf32, #tpu.memory_space<vmem>> -> memref<1x1x8x128xf32, #tpu.memory_space<vmem>>
        %dma_wait3A_1480 = tpu.memref_squeeze %dma_wait3A_1479 : memref<1x1x8x128xf32, #tpu.memory_space<vmem>> -> memref<8x128xf32, #tpu.memory_space<vmem>>
        %dma_wait3A_1481 = arith.constant 0 : i32
        %dma_wait3A_1482 = arith.constant 0 : i32
        %dma_wait3A_1483 = tpu.memref_slice %arg4[%dma_wait3A_1472, %dma_wait3A_1473, %dma_wait3A_1474, %dma_wait3A_1481, %dma_wait3A_1482] : memref<50x4x32x8x128xf32, #tpu.memory_space<hbm>> -> memref<1x1x1x8x128xf32, #tpu.memory_space<hbm>>
        %dma_wait3A_1484 = tpu.memref_squeeze %dma_wait3A_1483 : memref<1x1x1x8x128xf32, #tpu.memory_space<hbm>> -> memref<8x128xf32, #tpu.memory_space<hbm>>
        %dma_wait3A_1485 = arith.constant 0 : i32
        %dma_wait3A_1486 = arith.constant 0 : i32
        %dma_wait3A_1487 = tpu.memref_slice %arg8[%dma_wait3A_1475, %dma_wait3A_1476, %dma_wait3A_1485, %dma_wait3A_1486] : memref<5x4x8x128xf32, #tpu.memory_space<vmem>> -> memref<1x1x8x128xf32, #tpu.memory_space<vmem>>
        %dma_wait3A_1488 = tpu.memref_squeeze %dma_wait3A_1487 : memref<1x1x8x128xf32, #tpu.memory_space<vmem>> -> memref<8x128xf32, #tpu.memory_space<vmem>>
        %dma_wait3A_1489 = arith.constant 0 : i32
        %dma_wait3A_1490 = arith.constant 0 : i32
        %dma_wait3A_1491 = tpu.memref_slice %arg4[%dma_wait3A_1472, %dma_wait3A_1473, %dma_wait3A_1474, %dma_wait3A_1489, %dma_wait3A_1490] : memref<50x4x32x8x128xf32, #tpu.memory_space<hbm>> -> memref<1x1x1x8x128xf32, #tpu.memory_space<hbm>>
        %dma_wait3A_1492 = tpu.memref_squeeze %dma_wait3A_1491 : memref<1x1x1x8x128xf32, #tpu.memory_space<hbm>> -> memref<8x128xf32, #tpu.memory_space<hbm>>
        tpu.wait_dma2 semaphore(%arg12 : memref<!tpu.dma_semaphore, #tpu.memory_space<semaphore_mem>>) src(%dma_wait3A_1492 : memref<8x128xf32, #tpu.memory_space<hbm>>) dst(%dma_wait3A_1488 : memref<8x128xf32, #tpu.memory_space<vmem>>)
        %dma_wait3A_1493 = arith.constant 0 : i32
        %dma_wait3A_1494 = arith.constant 0 : i32
        %dma_wait3A_1495 = arith.constant 0 : i32
        %dma_wait3A_1496 = arith.constant 4 : i32
        %dma_wait3A_1497 = arith.constant 0 : i32
        %dma_wait3A_1498 = arith.constant 0 : i32
        %dma_wait3A_1499 = arith.constant 0 : i32
        %dma_wait3A_1500 = tpu.memref_slice %arg8[%dma_wait3A_1496, %dma_wait3A_1497, %dma_wait3A_1498, %dma_wait3A_1499] : memref<5x4x8x128xf32, #tpu.memory_space<vmem>> -> memref<1x1x8x128xf32, #tpu.memory_space<vmem>>
        %dma_wait3A_1501 = tpu.memref_squeeze %dma_wait3A_1500 : memref<1x1x8x128xf32, #tpu.memory_space<vmem>> -> memref<8x128xf32, #tpu.memory_space<vmem>>
        %dma_wait3A_1502 = arith.constant 0 : i32
        %dma_wait3A_1503 = arith.constant 0 : i32
        %dma_wait3A_1504 = tpu.memref_slice %arg4[%dma_wait3A_1493, %dma_wait3A_1494, %dma_wait3A_1495, %dma_wait3A_1502, %dma_wait3A_1503] : memref<50x4x32x8x128xf32, #tpu.memory_space<hbm>> -> memref<1x1x1x8x128xf32, #tpu.memory_space<hbm>>
        %dma_wait3A_1505 = tpu.memref_squeeze %dma_wait3A_1504 : memref<1x1x1x8x128xf32, #tpu.memory_space<hbm>> -> memref<8x128xf32, #tpu.memory_space<hbm>>
        %dma_wait3A_1506 = arith.constant 0 : i32
        %dma_wait3A_1507 = arith.constant 0 : i32
        %dma_wait3A_1508 = tpu.memref_slice %arg8[%dma_wait3A_1496, %dma_wait3A_1497, %dma_wait3A_1506, %dma_wait3A_1507] : memref<5x4x8x128xf32, #tpu.memory_space<vmem>> -> memref<1x1x8x128xf32, #tpu.memory_space<vmem>>
        %dma_wait3A_1509 = tpu.memref_squeeze %dma_wait3A_1508 : memref<1x1x8x128xf32, #tpu.memory_space<vmem>> -> memref<8x128xf32, #tpu.memory_space<vmem>>
        %dma_wait3A_1510 = arith.constant 0 : i32
        %dma_wait3A_1511 = arith.constant 0 : i32
        %dma_wait3A_1512 = tpu.memref_slice %arg4[%dma_wait3A_1493, %dma_wait3A_1494, %dma_wait3A_1495, %dma_wait3A_1510, %dma_wait3A_1511] : memref<50x4x32x8x128xf32, #tpu.memory_space<hbm>> -> memref<1x1x1x8x128xf32, #tpu.memory_space<hbm>>
        %dma_wait3A_1513 = tpu.memref_squeeze %dma_wait3A_1512 : memref<1x1x1x8x128xf32, #tpu.memory_space<hbm>> -> memref<8x128xf32, #tpu.memory_space<hbm>>
        tpu.wait_dma2 semaphore(%arg12 : memref<!tpu.dma_semaphore, #tpu.memory_space<semaphore_mem>>) src(%dma_wait3A_1513 : memref<8x128xf32, #tpu.memory_space<hbm>>) dst(%dma_wait3A_1509 : memref<8x128xf32, #tpu.memory_space<vmem>>)
        %dma_wait3A_1514 = arith.constant 0 : i32
        %dma_wait3A_1515 = arith.constant 0 : i32
        %dma_wait3A_1516 = arith.constant 0 : i32
        %dma_wait3A_1517 = arith.constant 4 : i32
        %dma_wait3A_1518 = arith.constant 1 : i32
        %dma_wait3A_1519 = arith.constant 0 : i32
        %dma_wait3A_1520 = arith.constant 0 : i32
        %dma_wait3A_1521 = tpu.memref_slice %arg8[%dma_wait3A_1517, %dma_wait3A_1518, %dma_wait3A_1519, %dma_wait3A_1520] : memref<5x4x8x128xf32, #tpu.memory_space<vmem>> -> memref<1x1x8x128xf32, #tpu.memory_space<vmem>>
        %dma_wait3A_1522 = tpu.memref_squeeze %dma_wait3A_1521 : memref<1x1x8x128xf32, #tpu.memory_space<vmem>> -> memref<8x128xf32, #tpu.memory_space<vmem>>
        %dma_wait3A_1523 = arith.constant 0 : i32
        %dma_wait3A_1524 = arith.constant 0 : i32
        %dma_wait3A_1525 = tpu.memref_slice %arg4[%dma_wait3A_1514, %dma_wait3A_1515, %dma_wait3A_1516, %dma_wait3A_1523, %dma_wait3A_1524] : memref<50x4x32x8x128xf32, #tpu.memory_space<hbm>> -> memref<1x1x1x8x128xf32, #tpu.memory_space<hbm>>
        %dma_wait3A_1526 = tpu.memref_squeeze %dma_wait3A_1525 : memref<1x1x1x8x128xf32, #tpu.memory_space<hbm>> -> memref<8x128xf32, #tpu.memory_space<hbm>>
        %dma_wait3A_1527 = arith.constant 0 : i32
        %dma_wait3A_1528 = arith.constant 0 : i32
        %dma_wait3A_1529 = tpu.memref_slice %arg8[%dma_wait3A_1517, %dma_wait3A_1518, %dma_wait3A_1527, %dma_wait3A_1528] : memref<5x4x8x128xf32, #tpu.memory_space<vmem>> -> memref<1x1x8x128xf32, #tpu.memory_space<vmem>>
        %dma_wait3A_1530 = tpu.memref_squeeze %dma_wait3A_1529 : memref<1x1x8x128xf32, #tpu.memory_space<vmem>> -> memref<8x128xf32, #tpu.memory_space<vmem>>
        %dma_wait3A_1531 = arith.constant 0 : i32
        %dma_wait3A_1532 = arith.constant 0 : i32
        %dma_wait3A_1533 = tpu.memref_slice %arg4[%dma_wait3A_1514, %dma_wait3A_1515, %dma_wait3A_1516, %dma_wait3A_1531, %dma_wait3A_1532] : memref<50x4x32x8x128xf32, #tpu.memory_space<hbm>> -> memref<1x1x1x8x128xf32, #tpu.memory_space<hbm>>
        %dma_wait3A_1534 = tpu.memref_squeeze %dma_wait3A_1533 : memref<1x1x1x8x128xf32, #tpu.memory_space<hbm>> -> memref<8x128xf32, #tpu.memory_space<hbm>>
        tpu.wait_dma2 semaphore(%arg12 : memref<!tpu.dma_semaphore, #tpu.memory_space<semaphore_mem>>) src(%dma_wait3A_1534 : memref<8x128xf32, #tpu.memory_space<hbm>>) dst(%dma_wait3A_1530 : memref<8x128xf32, #tpu.memory_space<vmem>>)
        %dma_wait3A_1535 = arith.constant 0 : i32
        %dma_wait3A_1536 = arith.constant 0 : i32
        %dma_wait3A_1537 = arith.constant 0 : i32
        %dma_wait3A_1538 = arith.constant 4 : i32
        %dma_wait3A_1539 = arith.constant 2 : i32
        %dma_wait3A_1540 = arith.constant 0 : i32
        %dma_wait3A_1541 = arith.constant 0 : i32
        %dma_wait3A_1542 = tpu.memref_slice %arg8[%dma_wait3A_1538, %dma_wait3A_1539, %dma_wait3A_1540, %dma_wait3A_1541] : memref<5x4x8x128xf32, #tpu.memory_space<vmem>> -> memref<1x1x8x128xf32, #tpu.memory_space<vmem>>
        %dma_wait3A_1543 = tpu.memref_squeeze %dma_wait3A_1542 : memref<1x1x8x128xf32, #tpu.memory_space<vmem>> -> memref<8x128xf32, #tpu.memory_space<vmem>>
        %dma_wait3A_1544 = arith.constant 0 : i32
        %dma_wait3A_1545 = arith.constant 0 : i32
        %dma_wait3A_1546 = tpu.memref_slice %arg4[%dma_wait3A_1535, %dma_wait3A_1536, %dma_wait3A_1537, %dma_wait3A_1544, %dma_wait3A_1545] : memref<50x4x32x8x128xf32, #tpu.memory_space<hbm>> -> memref<1x1x1x8x128xf32, #tpu.memory_space<hbm>>
        %dma_wait3A_1547 = tpu.memref_squeeze %dma_wait3A_1546 : memref<1x1x1x8x128xf32, #tpu.memory_space<hbm>> -> memref<8x128xf32, #tpu.memory_space<hbm>>
        %dma_wait3A_1548 = arith.constant 0 : i32
        %dma_wait3A_1549 = arith.constant 0 : i32
        %dma_wait3A_1550 = tpu.memref_slice %arg8[%dma_wait3A_1538, %dma_wait3A_1539, %dma_wait3A_1548, %dma_wait3A_1549] : memref<5x4x8x128xf32, #tpu.memory_space<vmem>> -> memref<1x1x8x128xf32, #tpu.memory_space<vmem>>
        %dma_wait3A_1551 = tpu.memref_squeeze %dma_wait3A_1550 : memref<1x1x8x128xf32, #tpu.memory_space<vmem>> -> memref<8x128xf32, #tpu.memory_space<vmem>>
        %dma_wait3A_1552 = arith.constant 0 : i32
        %dma_wait3A_1553 = arith.constant 0 : i32
        %dma_wait3A_1554 = tpu.memref_slice %arg4[%dma_wait3A_1535, %dma_wait3A_1536, %dma_wait3A_1537, %dma_wait3A_1552, %dma_wait3A_1553] : memref<50x4x32x8x128xf32, #tpu.memory_space<hbm>> -> memref<1x1x1x8x128xf32, #tpu.memory_space<hbm>>
        %dma_wait3A_1555 = tpu.memref_squeeze %dma_wait3A_1554 : memref<1x1x1x8x128xf32, #tpu.memory_space<hbm>> -> memref<8x128xf32, #tpu.memory_space<hbm>>
        tpu.wait_dma2 semaphore(%arg12 : memref<!tpu.dma_semaphore, #tpu.memory_space<semaphore_mem>>) src(%dma_wait3A_1555 : memref<8x128xf32, #tpu.memory_space<hbm>>) dst(%dma_wait3A_1551 : memref<8x128xf32, #tpu.memory_space<vmem>>)
        %dma_wait3A_1556 = arith.constant 0 : i32
        %dma_wait3A_1557 = arith.constant 0 : i32
        %dma_wait3A_1558 = arith.constant 0 : i32
        %dma_wait3A_1559 = arith.constant 4 : i32
        %dma_wait3A_1560 = arith.constant 3 : i32
        %dma_wait3A_1561 = arith.constant 0 : i32
        %dma_wait3A_1562 = arith.constant 0 : i32
        %dma_wait3A_1563 = tpu.memref_slice %arg8[%dma_wait3A_1559, %dma_wait3A_1560, %dma_wait3A_1561, %dma_wait3A_1562] : memref<5x4x8x128xf32, #tpu.memory_space<vmem>> -> memref<1x1x8x128xf32, #tpu.memory_space<vmem>>
        %dma_wait3A_1564 = tpu.memref_squeeze %dma_wait3A_1563 : memref<1x1x8x128xf32, #tpu.memory_space<vmem>> -> memref<8x128xf32, #tpu.memory_space<vmem>>
        %dma_wait3A_1565 = arith.constant 0 : i32
        %dma_wait3A_1566 = arith.constant 0 : i32
        %dma_wait3A_1567 = tpu.memref_slice %arg4[%dma_wait3A_1556, %dma_wait3A_1557, %dma_wait3A_1558, %dma_wait3A_1565, %dma_wait3A_1566] : memref<50x4x32x8x128xf32, #tpu.memory_space<hbm>> -> memref<1x1x1x8x128xf32, #tpu.memory_space<hbm>>
        %dma_wait3A_1568 = tpu.memref_squeeze %dma_wait3A_1567 : memref<1x1x1x8x128xf32, #tpu.memory_space<hbm>> -> memref<8x128xf32, #tpu.memory_space<hbm>>
        %dma_wait3A_1569 = arith.constant 0 : i32
        %dma_wait3A_1570 = arith.constant 0 : i32
        %dma_wait3A_1571 = tpu.memref_slice %arg8[%dma_wait3A_1559, %dma_wait3A_1560, %dma_wait3A_1569, %dma_wait3A_1570] : memref<5x4x8x128xf32, #tpu.memory_space<vmem>> -> memref<1x1x8x128xf32, #tpu.memory_space<vmem>>
        %dma_wait3A_1572 = tpu.memref_squeeze %dma_wait3A_1571 : memref<1x1x8x128xf32, #tpu.memory_space<vmem>> -> memref<8x128xf32, #tpu.memory_space<vmem>>
        %dma_wait3A_1573 = arith.constant 0 : i32
        %dma_wait3A_1574 = arith.constant 0 : i32
        %dma_wait3A_1575 = tpu.memref_slice %arg4[%dma_wait3A_1556, %dma_wait3A_1557, %dma_wait3A_1558, %dma_wait3A_1573, %dma_wait3A_1574] : memref<50x4x32x8x128xf32, #tpu.memory_space<hbm>> -> memref<1x1x1x8x128xf32, #tpu.memory_space<hbm>>
        %dma_wait3A_1576 = tpu.memref_squeeze %dma_wait3A_1575 : memref<1x1x1x8x128xf32, #tpu.memory_space<hbm>> -> memref<8x128xf32, #tpu.memory_space<hbm>>
        tpu.wait_dma2 semaphore(%arg12 : memref<!tpu.dma_semaphore, #tpu.memory_space<semaphore_mem>>) src(%dma_wait3A_1576 : memref<8x128xf32, #tpu.memory_space<hbm>>) dst(%dma_wait3A_1572 : memref<8x128xf32, #tpu.memory_space<vmem>>)
      } else {
      }
      %scan3A_1055 = arith.constant 0 : i32
      %scan3A_1056 = arith.constant 0 : i32
      %scan3A_1057 = arith.constant 80 : i32
      %scan3A_1058 = arith.addi %scan3A_1056, %scan3A_1057 : i32
      %scan3A_1059 = arith.constant 1 : i32
      scf.for %scan3A_1157 = %scan3A_1056 to %scan3A_1058 step %scan3A_1059  : i32 {
        %shift_right_arithmetic3A = arith.constant 4 : i32
        %shift_right_arithmetic3A_1158 = arith.shrsi %scan3A_1157, %shift_right_arithmetic3A : i32
        %shift_right_arithmetic3A_1159 = arith.constant 3 : i32
        %shift_right_arithmetic3A_1160 = arith.shrsi %scan3A_1157, %shift_right_arithmetic3A_1159 : i32
        %and3A_1161 = arith.constant 1 : i32
        %and3A_1162 = arith.andi %shift_right_arithmetic3A_1160, %and3A_1161 : i32
        %mul3A_1163 = arith.constant 16 : i32
        %mul3A_1164 = arith.muli %and3A_1162, %mul3A_1163 : i32
        %and3A_1165 = arith.constant 7 : i32
        %and3A_1166 = arith.andi %scan3A_1157, %and3A_1165 : i32
        %mul3A_1167 = arith.constant 16 : i32
        %mul3A_1168 = arith.muli %and3A_1166, %mul3A_1167 : i32
        %mul3A_1169 = arith.constant 128 : i32
        %mul3A_1170 = arith.muli %shift_right_arithmetic3A_1158, %mul3A_1169 : i32
        %add3A_1171 = arith.addi %mul3A_1170, %mul3A_1168 : i32
        %add3A_1172 = arith.constant 0 : i32
        %add3A_1173 = arith.addi %add3A_1171, %add3A_1172 : i32
        %get3A = arith.index_cast %add3A_1173 : i32 to index
        %get3A_1174 = arith.index_cast %mul3A_1164 : i32 to index
        %get3A_1175 = tpu.vector_load %arg6[%get3A, %get3A_1174] {strides = array<i32>} : memref<640x32xf32, #tpu.memory_space<vmem>>, vector<1x16xf32>,
        %get3A_1176 = vector.shape_cast %get3A_1175 : vector<1x16xf32> to vector<16xf32>
        %add3A_1177 = arith.constant 1 : i32
        %add3A_1178 = arith.addi %add3A_1171, %add3A_1177 : i32
        %get3A_1179 = arith.index_cast %add3A_1178 : i32 to index
        %get3A_1180 = arith.index_cast %mul3A_1164 : i32 to index
        %get3A_1181 = tpu.vector_load %arg6[%get3A_1179, %get3A_1180] {strides = array<i32>} : memref<640x32xf32, #tpu.memory_space<vmem>>, vector<1x16xf32>,
        %get3A_1182 = vector.shape_cast %get3A_1181 : vector<1x16xf32> to vector<16xf32>
        %add3A_1183 = arith.constant 2 : i32
        %add3A_1184 = arith.addi %add3A_1171, %add3A_1183 : i32
        %get3A_1185 = arith.index_cast %add3A_1184 : i32 to index
        %get3A_1186 = arith.index_cast %mul3A_1164 : i32 to index
        %get3A_1187 = tpu.vector_load %arg6[%get3A_1185, %get3A_1186] {strides = array<i32>} : memref<640x32xf32, #tpu.memory_space<vmem>>, vector<1x16xf32>,
        %get3A_1188 = vector.shape_cast %get3A_1187 : vector<1x16xf32> to vector<16xf32>
        %add3A_1189 = arith.constant 3 : i32
        %add3A_1190 = arith.addi %add3A_1171, %add3A_1189 : i32
        %get3A_1191 = arith.index_cast %add3A_1190 : i32 to index
        %get3A_1192 = arith.index_cast %mul3A_1164 : i32 to index
        %get3A_1193 = tpu.vector_load %arg6[%get3A_1191, %get3A_1192] {strides = array<i32>} : memref<640x32xf32, #tpu.memory_space<vmem>>, vector<1x16xf32>,
        %get3A_1194 = vector.shape_cast %get3A_1193 : vector<1x16xf32> to vector<16xf32>
        %add3A_1195 = arith.constant 4 : i32
        %add3A_1196 = arith.addi %add3A_1171, %add3A_1195 : i32
        %get3A_1197 = arith.index_cast %add3A_1196 : i32 to index
        %get3A_1198 = arith.index_cast %mul3A_1164 : i32 to index
        %get3A_1199 = tpu.vector_load %arg6[%get3A_1197, %get3A_1198] {strides = array<i32>} : memref<640x32xf32, #tpu.memory_space<vmem>>, vector<1x16xf32>,
        %get3A_1200 = vector.shape_cast %get3A_1199 : vector<1x16xf32> to vector<16xf32>
        %add3A_1201 = arith.constant 5 : i32
        %add3A_1202 = arith.addi %add3A_1171, %add3A_1201 : i32
        %get3A_1203 = arith.index_cast %add3A_1202 : i32 to index
        %get3A_1204 = arith.index_cast %mul3A_1164 : i32 to index
        %get3A_1205 = tpu.vector_load %arg6[%get3A_1203, %get3A_1204] {strides = array<i32>} : memref<640x32xf32, #tpu.memory_space<vmem>>, vector<1x16xf32>,
        %get3A_1206 = vector.shape_cast %get3A_1205 : vector<1x16xf32> to vector<16xf32>
        %add3A_1207 = arith.constant 6 : i32
        %add3A_1208 = arith.addi %add3A_1171, %add3A_1207 : i32
        %get3A_1209 = arith.index_cast %add3A_1208 : i32 to index
        %get3A_1210 = arith.index_cast %mul3A_1164 : i32 to index
        %get3A_1211 = tpu.vector_load %arg6[%get3A_1209, %get3A_1210] {strides = array<i32>} : memref<640x32xf32, #tpu.memory_space<vmem>>, vector<1x16xf32>,
        %get3A_1212 = vector.shape_cast %get3A_1211 : vector<1x16xf32> to vector<16xf32>
        %add3A_1213 = arith.constant 7 : i32
        %add3A_1214 = arith.addi %add3A_1171, %add3A_1213 : i32
        %get3A_1215 = arith.index_cast %add3A_1214 : i32 to index
        %get3A_1216 = arith.index_cast %mul3A_1164 : i32 to index
        %get3A_1217 = tpu.vector_load %arg6[%get3A_1215, %get3A_1216] {strides = array<i32>} : memref<640x32xf32, #tpu.memory_space<vmem>>, vector<1x16xf32>,
        %get3A_1218 = vector.shape_cast %get3A_1217 : vector<1x16xf32> to vector<16xf32>
        %add3A_1219 = arith.constant 8 : i32
        %add3A_1220 = arith.addi %add3A_1171, %add3A_1219 : i32
        %get3A_1221 = arith.index_cast %add3A_1220 : i32 to index
        %get3A_1222 = arith.index_cast %mul3A_1164 : i32 to index
        %get3A_1223 = tpu.vector_load %arg6[%get3A_1221, %get3A_1222] {strides = array<i32>} : memref<640x32xf32, #tpu.memory_space<vmem>>, vector<1x16xf32>,
        %get3A_1224 = vector.shape_cast %get3A_1223 : vector<1x16xf32> to vector<16xf32>
        %add3A_1225 = arith.constant 9 : i32
        %add3A_1226 = arith.addi %add3A_1171, %add3A_1225 : i32
        %get3A_1227 = arith.index_cast %add3A_1226 : i32 to index
        %get3A_1228 = arith.index_cast %mul3A_1164 : i32 to index
        %get3A_1229 = tpu.vector_load %arg6[%get3A_1227, %get3A_1228] {strides = array<i32>} : memref<640x32xf32, #tpu.memory_space<vmem>>, vector<1x16xf32>,
        %get3A_1230 = vector.shape_cast %get3A_1229 : vector<1x16xf32> to vector<16xf32>
        %add3A_1231 = arith.constant 10 : i32
        %add3A_1232 = arith.addi %add3A_1171, %add3A_1231 : i32
        %get3A_1233 = arith.index_cast %add3A_1232 : i32 to index
        %get3A_1234 = arith.index_cast %mul3A_1164 : i32 to index
        %get3A_1235 = tpu.vector_load %arg6[%get3A_1233, %get3A_1234] {strides = array<i32>} : memref<640x32xf32, #tpu.memory_space<vmem>>, vector<1x16xf32>,
        %get3A_1236 = vector.shape_cast %get3A_1235 : vector<1x16xf32> to vector<16xf32>
        %add3A_1237 = arith.constant 11 : i32
        %add3A_1238 = arith.addi %add3A_1171, %add3A_1237 : i32
        %get3A_1239 = arith.index_cast %add3A_1238 : i32 to index
        %get3A_1240 = arith.index_cast %mul3A_1164 : i32 to index
        %get3A_1241 = tpu.vector_load %arg6[%get3A_1239, %get3A_1240] {strides = array<i32>} : memref<640x32xf32, #tpu.memory_space<vmem>>, vector<1x16xf32>,
        %get3A_1242 = vector.shape_cast %get3A_1241 : vector<1x16xf32> to vector<16xf32>
        %add3A_1243 = arith.constant 12 : i32
        %add3A_1244 = arith.addi %add3A_1171, %add3A_1243 : i32
        %get3A_1245 = arith.index_cast %add3A_1244 : i32 to index
        %get3A_1246 = arith.index_cast %mul3A_1164 : i32 to index
        %get3A_1247 = tpu.vector_load %arg6[%get3A_1245, %get3A_1246] {strides = array<i32>} : memref<640x32xf32, #tpu.memory_space<vmem>>, vector<1x16xf32>,
        %get3A_1248 = vector.shape_cast %get3A_1247 : vector<1x16xf32> to vector<16xf32>
        %add3A_1249 = arith.constant 13 : i32
        %add3A_1250 = arith.addi %add3A_1171, %add3A_1249 : i32
        %get3A_1251 = arith.index_cast %add3A_1250 : i32 to index
        %get3A_1252 = arith.index_cast %mul3A_1164 : i32 to index
        %get3A_1253 = tpu.vector_load %arg6[%get3A_1251, %get3A_1252] {strides = array<i32>} : memref<640x32xf32, #tpu.memory_space<vmem>>, vector<1x16xf32>,
        %get3A_1254 = vector.shape_cast %get3A_1253 : vector<1x16xf32> to vector<16xf32>
        %add3A_1255 = arith.constant 14 : i32
        %add3A_1256 = arith.addi %add3A_1171, %add3A_1255 : i32
        %get3A_1257 = arith.index_cast %add3A_1256 : i32 to index
        %get3A_1258 = arith.index_cast %mul3A_1164 : i32 to index
        %get3A_1259 = tpu.vector_load %arg6[%get3A_1257, %get3A_1258] {strides = array<i32>} : memref<640x32xf32, #tpu.memory_space<vmem>>, vector<1x16xf32>,
        %get3A_1260 = vector.shape_cast %get3A_1259 : vector<1x16xf32> to vector<16xf32>
        %add3A_1261 = arith.constant 15 : i32
        %add3A_1262 = arith.addi %add3A_1171, %add3A_1261 : i32
        %get3A_1263 = arith.index_cast %add3A_1262 : i32 to index
        %get3A_1264 = arith.index_cast %mul3A_1164 : i32 to index
        %get3A_1265 = tpu.vector_load %arg6[%get3A_1263, %get3A_1264] {strides = array<i32>} : memref<640x32xf32, #tpu.memory_space<vmem>>, vector<1x16xf32>,
        %get3A_1266 = vector.shape_cast %get3A_1265 : vector<1x16xf32> to vector<16xf32>
        %sub3A = arith.constant 1 : i32
        %sub3A_1267 = vector.broadcast %sub3A : i32 to vector<16xi32>
        %sub3A_1268 = arith.subi %iota3A, %sub3A_1267 : vector<16xi32>
        %and3A_1269 = arith.constant 15 : i32
        %and3A_1270 = vector.broadcast %and3A_1269 : i32 to vector<16xi32>
        %and3A_1271 = arith.andi %sub3A_1268, %and3A_1270 : vector<16xi32>
        %broadcast_in_dim3A = vector.shape_cast %and3A_1271 : vector<16xi32> to vector<16x1xi32>
        %gather3A = vector.shape_cast %broadcast_in_dim3A : vector<16x1xi32> to vector<16xi32>
        %gather3A_1272 = tpu.dynamic_gather %get3A_1182[%gather3A] in [0] : vector<16xf32>, vector<16xi32> -> vector<16xf32>
        %select_n3A = arith.select %eq3A_4, %get3A_1176, %gather3A_1272 : vector<16xi1>, vector<16xf32>
        %sub3A_1273 = arith.constant -1 : i32
        %sub3A_1274 = vector.broadcast %sub3A_1273 : i32 to vector<16xi32>
        %sub3A_1275 = arith.subi %iota3A, %sub3A_1274 : vector<16xi32>
        %and3A_1276 = arith.constant 15 : i32
        %and3A_1277 = vector.broadcast %and3A_1276 : i32 to vector<16xi32>
        %and3A_1278 = arith.andi %sub3A_1275, %and3A_1277 : vector<16xi32>
        %broadcast_in_dim3A_1279 = vector.shape_cast %and3A_1278 : vector<16xi32> to vector<16x1xi32>
        %gather3A_1280 = vector.shape_cast %broadcast_in_dim3A_1279 : vector<16x1xi32> to vector<16xi32>
        %gather3A_1281 = tpu.dynamic_gather %get3A_1176[%gather3A_1280] in [0] : vector<16xf32>, vector<16xi32> -> vector<16xf32>
        %select_n3A_1282 = arith.select %eq3A_4, %gather3A_1281, %get3A_1182 : vector<16xi1>, vector<16xf32>
        %sub3A_1283 = arith.constant 1 : i32
        %sub3A_1284 = vector.broadcast %sub3A_1283 : i32 to vector<16xi32>
        %sub3A_1285 = arith.subi %iota3A, %sub3A_1284 : vector<16xi32>
        %and3A_1286 = arith.constant 15 : i32
        %and3A_1287 = vector.broadcast %and3A_1286 : i32 to vector<16xi32>
        %and3A_1288 = arith.andi %sub3A_1285, %and3A_1287 : vector<16xi32>
        %broadcast_in_dim3A_1289 = vector.shape_cast %and3A_1288 : vector<16xi32> to vector<16x1xi32>
        %gather3A_1290 = vector.shape_cast %broadcast_in_dim3A_1289 : vector<16x1xi32> to vector<16xi32>
        %gather3A_1291 = tpu.dynamic_gather %get3A_1194[%gather3A_1290] in [0] : vector<16xf32>, vector<16xi32> -> vector<16xf32>
        %select_n3A_1292 = arith.select %eq3A_4, %get3A_1188, %gather3A_1291 : vector<16xi1>, vector<16xf32>
        %sub3A_1293 = arith.constant -1 : i32
        %sub3A_1294 = vector.broadcast %sub3A_1293 : i32 to vector<16xi32>
        %sub3A_1295 = arith.subi %iota3A, %sub3A_1294 : vector<16xi32>
        %and3A_1296 = arith.constant 15 : i32
        %and3A_1297 = vector.broadcast %and3A_1296 : i32 to vector<16xi32>
        %and3A_1298 = arith.andi %sub3A_1295, %and3A_1297 : vector<16xi32>
        %broadcast_in_dim3A_1299 = vector.shape_cast %and3A_1298 : vector<16xi32> to vector<16x1xi32>
        %gather3A_1300 = vector.shape_cast %broadcast_in_dim3A_1299 : vector<16x1xi32> to vector<16xi32>
        %gather3A_1301 = tpu.dynamic_gather %get3A_1188[%gather3A_1300] in [0] : vector<16xf32>, vector<16xi32> -> vector<16xf32>
        %select_n3A_1302 = arith.select %eq3A_4, %gather3A_1301, %get3A_1194 : vector<16xi1>, vector<16xf32>
        %sub3A_1303 = arith.constant 1 : i32
        %sub3A_1304 = vector.broadcast %sub3A_1303 : i32 to vector<16xi32>
        %sub3A_1305 = arith.subi %iota3A, %sub3A_1304 : vector<16xi32>
        %and3A_1306 = arith.constant 15 : i32
        %and3A_1307 = vector.broadcast %and3A_1306 : i32 to vector<16xi32>
        %and3A_1308 = arith.andi %sub3A_1305, %and3A_1307 : vector<16xi32>
        %broadcast_in_dim3A_1309 = vector.shape_cast %and3A_1308 : vector<16xi32> to vector<16x1xi32>
        %gather3A_1310 = vector.shape_cast %broadcast_in_dim3A_1309 : vector<16x1xi32> to vector<16xi32>
        %gather3A_1311 = tpu.dynamic_gather %get3A_1206[%gather3A_1310] in [0] : vector<16xf32>, vector<16xi32> -> vector<16xf32>
        %select_n3A_1312 = arith.select %eq3A_4, %get3A_1200, %gather3A_1311 : vector<16xi1>, vector<16xf32>
        %sub3A_1313 = arith.constant -1 : i32
        %sub3A_1314 = vector.broadcast %sub3A_1313 : i32 to vector<16xi32>
        %sub3A_1315 = arith.subi %iota3A, %sub3A_1314 : vector<16xi32>
        %and3A_1316 = arith.constant 15 : i32
        %and3A_1317 = vector.broadcast %and3A_1316 : i32 to vector<16xi32>
        %and3A_1318 = arith.andi %sub3A_1315, %and3A_1317 : vector<16xi32>
        %broadcast_in_dim3A_1319 = vector.shape_cast %and3A_1318 : vector<16xi32> to vector<16x1xi32>
        %gather3A_1320 = vector.shape_cast %broadcast_in_dim3A_1319 : vector<16x1xi32> to vector<16xi32>
        %gather3A_1321 = tpu.dynamic_gather %get3A_1200[%gather3A_1320] in [0] : vector<16xf32>, vector<16xi32> -> vector<16xf32>
        %select_n3A_1322 = arith.select %eq3A_4, %gather3A_1321, %get3A_1206 : vector<16xi1>, vector<16xf32>
        %sub3A_1323 = arith.constant 1 : i32
        %sub3A_1324 = vector.broadcast %sub3A_1323 : i32 to vector<16xi32>
        %sub3A_1325 = arith.subi %iota3A, %sub3A_1324 : vector<16xi32>
        %and3A_1326 = arith.constant 15 : i32
        %and3A_1327 = vector.broadcast %and3A_1326 : i32 to vector<16xi32>
        %and3A_1328 = arith.andi %sub3A_1325, %and3A_1327 : vector<16xi32>
        %broadcast_in_dim3A_1329 = vector.shape_cast %and3A_1328 : vector<16xi32> to vector<16x1xi32>
        %gather3A_1330 = vector.shape_cast %broadcast_in_dim3A_1329 : vector<16x1xi32> to vector<16xi32>
        %gather3A_1331 = tpu.dynamic_gather %get3A_1218[%gather3A_1330] in [0] : vector<16xf32>, vector<16xi32> -> vector<16xf32>
        %select_n3A_1332 = arith.select %eq3A_4, %get3A_1212, %gather3A_1331 : vector<16xi1>, vector<16xf32>
        %sub3A_1333 = arith.constant -1 : i32
        %sub3A_1334 = vector.broadcast %sub3A_1333 : i32 to vector<16xi32>
        %sub3A_1335 = arith.subi %iota3A, %sub3A_1334 : vector<16xi32>
        %and3A_1336 = arith.constant 15 : i32
        %and3A_1337 = vector.broadcast %and3A_1336 : i32 to vector<16xi32>
        %and3A_1338 = arith.andi %sub3A_1335, %and3A_1337 : vector<16xi32>
        %broadcast_in_dim3A_1339 = vector.shape_cast %and3A_1338 : vector<16xi32> to vector<16x1xi32>
        %gather3A_1340 = vector.shape_cast %broadcast_in_dim3A_1339 : vector<16x1xi32> to vector<16xi32>
        %gather3A_1341 = tpu.dynamic_gather %get3A_1212[%gather3A_1340] in [0] : vector<16xf32>, vector<16xi32> -> vector<16xf32>
        %select_n3A_1342 = arith.select %eq3A_4, %gather3A_1341, %get3A_1218 : vector<16xi1>, vector<16xf32>
        %sub3A_1343 = arith.constant 1 : i32
        %sub3A_1344 = vector.broadcast %sub3A_1343 : i32 to vector<16xi32>
        %sub3A_1345 = arith.subi %iota3A, %sub3A_1344 : vector<16xi32>
        %and3A_1346 = arith.constant 15 : i32
        %and3A_1347 = vector.broadcast %and3A_1346 : i32 to vector<16xi32>
        %and3A_1348 = arith.andi %sub3A_1345, %and3A_1347 : vector<16xi32>
        %broadcast_in_dim3A_1349 = vector.shape_cast %and3A_1348 : vector<16xi32> to vector<16x1xi32>
        %gather3A_1350 = vector.shape_cast %broadcast_in_dim3A_1349 : vector<16x1xi32> to vector<16xi32>
        %gather3A_1351 = tpu.dynamic_gather %get3A_1230[%gather3A_1350] in [0] : vector<16xf32>, vector<16xi32> -> vector<16xf32>
        %select_n3A_1352 = arith.select %eq3A_4, %get3A_1224, %gather3A_1351 : vector<16xi1>, vector<16xf32>
        %sub3A_1353 = arith.constant -1 : i32
        %sub3A_1354 = vector.broadcast %sub3A_1353 : i32 to vector<16xi32>
        %sub3A_1355 = arith.subi %iota3A, %sub3A_1354 : vector<16xi32>
        %and3A_1356 = arith.constant 15 : i32
        %and3A_1357 = vector.broadcast %and3A_1356 : i32 to vector<16xi32>
        %and3A_1358 = arith.andi %sub3A_1355, %and3A_1357 : vector<16xi32>
        %broadcast_in_dim3A_1359 = vector.shape_cast %and3A_1358 : vector<16xi32> to vector<16x1xi32>
        %gather3A_1360 = vector.shape_cast %broadcast_in_dim3A_1359 : vector<16x1xi32> to vector<16xi32>
        %gather3A_1361 = tpu.dynamic_gather %get3A_1224[%gather3A_1360] in [0] : vector<16xf32>, vector<16xi32> -> vector<16xf32>
        %select_n3A_1362 = arith.select %eq3A_4, %gather3A_1361, %get3A_1230 : vector<16xi1>, vector<16xf32>
        %sub3A_1363 = arith.constant 1 : i32
        %sub3A_1364 = vector.broadcast %sub3A_1363 : i32 to vector<16xi32>
        %sub3A_1365 = arith.subi %iota3A, %sub3A_1364 : vector<16xi32>
        %and3A_1366 = arith.constant 15 : i32
        %and3A_1367 = vector.broadcast %and3A_1366 : i32 to vector<16xi32>
        %and3A_1368 = arith.andi %sub3A_1365, %and3A_1367 : vector<16xi32>
        %broadcast_in_dim3A_1369 = vector.shape_cast %and3A_1368 : vector<16xi32> to vector<16x1xi32>
        %gather3A_1370 = vector.shape_cast %broadcast_in_dim3A_1369 : vector<16x1xi32> to vector<16xi32>
        %gather3A_1371 = tpu.dynamic_gather %get3A_1242[%gather3A_1370] in [0] : vector<16xf32>, vector<16xi32> -> vector<16xf32>
        %select_n3A_1372 = arith.select %eq3A_4, %get3A_1236, %gather3A_1371 : vector<16xi1>, vector<16xf32>
        %sub3A_1373 = arith.constant -1 : i32
        %sub3A_1374 = vector.broadcast %sub3A_1373 : i32 to vector<16xi32>
        %sub3A_1375 = arith.subi %iota3A, %sub3A_1374 : vector<16xi32>
        %and3A_1376 = arith.constant 15 : i32
        %and3A_1377 = vector.broadcast %and3A_1376 : i32 to vector<16xi32>
        %and3A_1378 = arith.andi %sub3A_1375, %and3A_1377 : vector<16xi32>
        %broadcast_in_dim3A_1379 = vector.shape_cast %and3A_1378 : vector<16xi32> to vector<16x1xi32>
        %gather3A_1380 = vector.shape_cast %broadcast_in_dim3A_1379 : vector<16x1xi32> to vector<16xi32>
        %gather3A_1381 = tpu.dynamic_gather %get3A_1236[%gather3A_1380] in [0] : vector<16xf32>, vector<16xi32> -> vector<16xf32>
        %select_n3A_1382 = arith.select %eq3A_4, %gather3A_1381, %get3A_1242 : vector<16xi1>, vector<16xf32>
        %sub3A_1383 = arith.constant 1 : i32
        %sub3A_1384 = vector.broadcast %sub3A_1383 : i32 to vector<16xi32>
        %sub3A_1385 = arith.subi %iota3A, %sub3A_1384 : vector<16xi32>
        %and3A_1386 = arith.constant 15 : i32
        %and3A_1387 = vector.broadcast %and3A_1386 : i32 to vector<16xi32>
        %and3A_1388 = arith.andi %sub3A_1385, %and3A_1387 : vector<16xi32>
        %broadcast_in_dim3A_1389 = vector.shape_cast %and3A_1388 : vector<16xi32> to vector<16x1xi32>
        %gather3A_1390 = vector.shape_cast %broadcast_in_dim3A_1389 : vector<16x1xi32> to vector<16xi32>
        %gather3A_1391 = tpu.dynamic_gather %get3A_1254[%gather3A_1390] in [0] : vector<16xf32>, vector<16xi32> -> vector<16xf32>
        %select_n3A_1392 = arith.select %eq3A_4, %get3A_1248, %gather3A_1391 : vector<16xi1>, vector<16xf32>
        %sub3A_1393 = arith.constant -1 : i32
        %sub3A_1394 = vector.broadcast %sub3A_1393 : i32 to vector<16xi32>
        %sub3A_1395 = arith.subi %iota3A, %sub3A_1394 : vector<16xi32>
        %and3A_1396 = arith.constant 15 : i32
        %and3A_1397 = vector.broadcast %and3A_1396 : i32 to vector<16xi32>
        %and3A_1398 = arith.andi %sub3A_1395, %and3A_1397 : vector<16xi32>
        %broadcast_in_dim3A_1399 = vector.shape_cast %and3A_1398 : vector<16xi32> to vector<16x1xi32>
        %gather3A_1400 = vector.shape_cast %broadcast_in_dim3A_1399 : vector<16x1xi32> to vector<16xi32>
        %gather3A_1401 = tpu.dynamic_gather %get3A_1248[%gather3A_1400] in [0] : vector<16xf32>, vector<16xi32> -> vector<16xf32>
        %select_n3A_1402 = arith.select %eq3A_4, %gather3A_1401, %get3A_1254 : vector<16xi1>, vector<16xf32>
        %sub3A_1403 = arith.constant 1 : i32
        %sub3A_1404 = vector.broadcast %sub3A_1403 : i32 to vector<16xi32>
        %sub3A_1405 = arith.subi %iota3A, %sub3A_1404 : vector<16xi32>
        %and3A_1406 = arith.constant 15 : i32
        %and3A_1407 = vector.broadcast %and3A_1406 : i32 to vector<16xi32>
        %and3A_1408 = arith.andi %sub3A_1405, %and3A_1407 : vector<16xi32>
        %broadcast_in_dim3A_1409 = vector.shape_cast %and3A_1408 : vector<16xi32> to vector<16x1xi32>
        %gather3A_1410 = vector.shape_cast %broadcast_in_dim3A_1409 : vector<16x1xi32> to vector<16xi32>
        %gather3A_1411 = tpu.dynamic_gather %get3A_1266[%gather3A_1410] in [0] : vector<16xf32>, vector<16xi32> -> vector<16xf32>
        %select_n3A_1412 = arith.select %eq3A_4, %get3A_1260, %gather3A_1411 : vector<16xi1>, vector<16xf32>
        %sub3A_1413 = arith.constant -1 : i32
        %sub3A_1414 = vector.broadcast %sub3A_1413 : i32 to vector<16xi32>
        %sub3A_1415 = arith.subi %iota3A, %sub3A_1414 : vector<16xi32>
        %and3A_1416 = arith.constant 15 : i32
        %and3A_1417 = vector.broadcast %and3A_1416 : i32 to vector<16xi32>
        %and3A_1418 = arith.andi %sub3A_1415, %and3A_1417 : vector<16xi32>
        %broadcast_in_dim3A_1419 = vector.shape_cast %and3A_1418 : vector<16xi32> to vector<16x1xi32>
        %gather3A_1420 = vector.shape_cast %broadcast_in_dim3A_1419 : vector<16x1xi32> to vector<16xi32>
        %gather3A_1421 = tpu.dynamic_gather %get3A_1260[%gather3A_1420] in [0] : vector<16xf32>, vector<16xi32> -> vector<16xf32>
        %select_n3A_1422 = arith.select %eq3A_4, %gather3A_1421, %get3A_1266 : vector<16xi1>, vector<16xf32>
        %sub3A_1423 = arith.constant 2 : i32
        %sub3A_1424 = vector.broadcast %sub3A_1423 : i32 to vector<16xi32>
        %sub3A_1425 = arith.subi %iota3A, %sub3A_1424 : vector<16xi32>
        %and3A_1426 = arith.constant 15 : i32
        %and3A_1427 = vector.broadcast %and3A_1426 : i32 to vector<16xi32>
        %and3A_1428 = arith.andi %sub3A_1425, %and3A_1427 : vector<16xi32>
        %broadcast_in_dim3A_1429 = vector.shape_cast %and3A_1428 : vector<16xi32> to vector<16x1xi32>
        %gather3A_1430 = vector.shape_cast %broadcast_in_dim3A_1429 : vector<16x1xi32> to vector<16xi32>
        %gather3A_1431 = tpu.dynamic_gather %select_n3A_1292[%gather3A_1430] in [0] : vector<16xf32>, vector<16xi32> -> vector<16xf32>
        %select_n3A_1432 = arith.select %eq3A_10, %select_n3A, %gather3A_1431 : vector<16xi1>, vector<16xf32>
        %sub3A_1433 = arith.constant -2 : i32
        %sub3A_1434 = vector.broadcast %sub3A_1433 : i32 to vector<16xi32>
        %sub3A_1435 = arith.subi %iota3A, %sub3A_1434 : vector<16xi32>
        %and3A_1436 = arith.constant 15 : i32
        %and3A_1437 = vector.broadcast %and3A_1436 : i32 to vector<16xi32>
        %and3A_1438 = arith.andi %sub3A_1435, %and3A_1437 : vector<16xi32>
        %broadcast_in_dim3A_1439 = vector.shape_cast %and3A_1438 : vector<16xi32> to vector<16x1xi32>
        %gather3A_1440 = vector.shape_cast %broadcast_in_dim3A_1439 : vector<16x1xi32> to vector<16xi32>
        %gather3A_1441 = tpu.dynamic_gather %select_n3A[%gather3A_1440] in [0] : vector<16xf32>, vector<16xi32> -> vector<16xf32>
        %select_n3A_1442 = arith.select %eq3A_10, %gather3A_1441, %select_n3A_1292 : vector<16xi1>, vector<16xf32>
        %sub3A_1443 = arith.constant 2 : i32
        %sub3A_1444 = vector.broadcast %sub3A_1443 : i32 to vector<16xi32>
        %sub3A_1445 = arith.subi %iota3A, %sub3A_1444 : vector<16xi32>
        %and3A_1446 = arith.constant 15 : i32
        %and3A_1447 = vector.broadcast %and3A_1446 : i32 to vector<16xi32>
        %and3A_1448 = arith.andi %sub3A_1445, %and3A_1447 : vector<16xi32>
        %broadcast_in_dim3A_1449 = vector.shape_cast %and3A_1448 : vector<16xi32> to vector<16x1xi32>
        %gather3A_1450 = vector.shape_cast %broadcast_in_dim3A_1449 : vector<16x1xi32> to vector<16xi32>
        %gather3A_1451 = tpu.dynamic_gather %select_n3A_1302[%gather3A_1450] in [0] : vector<16xf32>, vector<16xi32> -> vector<16xf32>
        %select_n3A_1452 = arith.select %eq3A_10, %select_n3A_1282, %gather3A_1451 : vector<16xi1>, vector<16xf32>
        %sub3A_1453 = arith.constant -2 : i32
        %sub3A_1454 = vector.broadcast %sub3A_1453 : i32 to vector<16xi32>
        %sub3A_1455 = arith.subi %iota3A, %sub3A_1454 : vector<16xi32>
        %and3A_1456 = arith.constant 15 : i32
        %and3A_1457 = vector.broadcast %and3A_1456 : i32 to vector<16xi32>
        %and3A_1458 = arith.andi %sub3A_1455, %and3A_1457 : vector<16xi32>
        %broadcast_in_dim3A_1459 = vector.shape_cast %and3A_1458 : vector<16xi32> to vector<16x1xi32>
        %gather3A_1460 = vector.shape_cast %broadcast_in_dim3A_1459 : vector<16x1xi32> to vector<16xi32>
        %gather3A_1461 = tpu.dynamic_gather %select_n3A_1282[%gather3A_1460] in [0] : vector<16xf32>, vector<16xi32> -> vector<16xf32>
        %select_n3A_1462 = arith.select %eq3A_10, %gather3A_1461, %select_n3A_1302 : vector<16xi1>, vector<16xf32>
        %sub3A_1463 = arith.constant 2 : i32
        %sub3A_1464 = vector.broadcast %sub3A_1463 : i32 to vector<16xi32>
        %sub3A_1465 = arith.subi %iota3A, %sub3A_1464 : vector<16xi32>
        %and3A_1466 = arith.constant 15 : i32
        %and3A_1467 = vector.broadcast %and3A_1466 : i32 to vector<16xi32>
        %and3A_1468 = arith.andi %sub3A_1465, %and3A_1467 : vector<16xi32>
        %broadcast_in_dim3A_1469 = vector.shape_cast %and3A_1468 : vector<16xi32> to vector<16x1xi32>
        %gather3A_1470 = vector.shape_cast %broadcast_in_dim3A_1469 : vector<16x1xi32> to vector<16xi32>
        %gather3A_1471 = tpu.dynamic_gather %select_n3A_1332[%gather3A_1470] in [0] : vector<16xf32>, vector<16xi32> -> vector<16xf32>
        %select_n3A_1472 = arith.select %eq3A_10, %select_n3A_1312, %gather3A_1471 : vector<16xi1>, vector<16xf32>
        %sub3A_1473 = arith.constant -2 : i32
        %sub3A_1474 = vector.broadcast %sub3A_1473 : i32 to vector<16xi32>
        %sub3A_1475 = arith.subi %iota3A, %sub3A_1474 : vector<16xi32>
        %and3A_1476 = arith.constant 15 : i32
        %and3A_1477 = vector.broadcast %and3A_1476 : i32 to vector<16xi32>
        %and3A_1478 = arith.andi %sub3A_1475, %and3A_1477 : vector<16xi32>
        %broadcast_in_dim3A_1479 = vector.shape_cast %and3A_1478 : vector<16xi32> to vector<16x1xi32>
        %gather3A_1480 = vector.shape_cast %broadcast_in_dim3A_1479 : vector<16x1xi32> to vector<16xi32>
        %gather3A_1481 = tpu.dynamic_gather %select_n3A_1312[%gather3A_1480] in [0] : vector<16xf32>, vector<16xi32> -> vector<16xf32>
        %select_n3A_1482 = arith.select %eq3A_10, %gather3A_1481, %select_n3A_1332 : vector<16xi1>, vector<16xf32>
        %sub3A_1483 = arith.constant 2 : i32
        %sub3A_1484 = vector.broadcast %sub3A_1483 : i32 to vector<16xi32>
        %sub3A_1485 = arith.subi %iota3A, %sub3A_1484 : vector<16xi32>
        %and3A_1486 = arith.constant 15 : i32
        %and3A_1487 = vector.broadcast %and3A_1486 : i32 to vector<16xi32>
        %and3A_1488 = arith.andi %sub3A_1485, %and3A_1487 : vector<16xi32>
        %broadcast_in_dim3A_1489 = vector.shape_cast %and3A_1488 : vector<16xi32> to vector<16x1xi32>
        %gather3A_1490 = vector.shape_cast %broadcast_in_dim3A_1489 : vector<16x1xi32> to vector<16xi32>
        %gather3A_1491 = tpu.dynamic_gather %select_n3A_1342[%gather3A_1490] in [0] : vector<16xf32>, vector<16xi32> -> vector<16xf32>
        %select_n3A_1492 = arith.select %eq3A_10, %select_n3A_1322, %gather3A_1491 : vector<16xi1>, vector<16xf32>
        %sub3A_1493 = arith.constant -2 : i32
        %sub3A_1494 = vector.broadcast %sub3A_1493 : i32 to vector<16xi32>
        %sub3A_1495 = arith.subi %iota3A, %sub3A_1494 : vector<16xi32>
        %and3A_1496 = arith.constant 15 : i32
        %and3A_1497 = vector.broadcast %and3A_1496 : i32 to vector<16xi32>
        %and3A_1498 = arith.andi %sub3A_1495, %and3A_1497 : vector<16xi32>
        %broadcast_in_dim3A_1499 = vector.shape_cast %and3A_1498 : vector<16xi32> to vector<16x1xi32>
        %gather3A_1500 = vector.shape_cast %broadcast_in_dim3A_1499 : vector<16x1xi32> to vector<16xi32>
        %gather3A_1501 = tpu.dynamic_gather %select_n3A_1322[%gather3A_1500] in [0] : vector<16xf32>, vector<16xi32> -> vector<16xf32>
        %select_n3A_1502 = arith.select %eq3A_10, %gather3A_1501, %select_n3A_1342 : vector<16xi1>, vector<16xf32>
        %sub3A_1503 = arith.constant 2 : i32
        %sub3A_1504 = vector.broadcast %sub3A_1503 : i32 to vector<16xi32>
        %sub3A_1505 = arith.subi %iota3A, %sub3A_1504 : vector<16xi32>
        %and3A_1506 = arith.constant 15 : i32
        %and3A_1507 = vector.broadcast %and3A_1506 : i32 to vector<16xi32>
        %and3A_1508 = arith.andi %sub3A_1505, %and3A_1507 : vector<16xi32>
        %broadcast_in_dim3A_1509 = vector.shape_cast %and3A_1508 : vector<16xi32> to vector<16x1xi32>
        %gather3A_1510 = vector.shape_cast %broadcast_in_dim3A_1509 : vector<16x1xi32> to vector<16xi32>
        %gather3A_1511 = tpu.dynamic_gather %select_n3A_1372[%gather3A_1510] in [0] : vector<16xf32>, vector<16xi32> -> vector<16xf32>
        %select_n3A_1512 = arith.select %eq3A_10, %select_n3A_1352, %gather3A_1511 : vector<16xi1>, vector<16xf32>
        %sub3A_1513 = arith.constant -2 : i32
        %sub3A_1514 = vector.broadcast %sub3A_1513 : i32 to vector<16xi32>
        %sub3A_1515 = arith.subi %iota3A, %sub3A_1514 : vector<16xi32>
        %and3A_1516 = arith.constant 15 : i32
        %and3A_1517 = vector.broadcast %and3A_1516 : i32 to vector<16xi32>
        %and3A_1518 = arith.andi %sub3A_1515, %and3A_1517 : vector<16xi32>
        %broadcast_in_dim3A_1519 = vector.shape_cast %and3A_1518 : vector<16xi32> to vector<16x1xi32>
        %gather3A_1520 = vector.shape_cast %broadcast_in_dim3A_1519 : vector<16x1xi32> to vector<16xi32>
        %gather3A_1521 = tpu.dynamic_gather %select_n3A_1352[%gather3A_1520] in [0] : vector<16xf32>, vector<16xi32> -> vector<16xf32>
        %select_n3A_1522 = arith.select %eq3A_10, %gather3A_1521, %select_n3A_1372 : vector<16xi1>, vector<16xf32>
        %sub3A_1523 = arith.constant 2 : i32
        %sub3A_1524 = vector.broadcast %sub3A_1523 : i32 to vector<16xi32>
        %sub3A_1525 = arith.subi %iota3A, %sub3A_1524 : vector<16xi32>
        %and3A_1526 = arith.constant 15 : i32
        %and3A_1527 = vector.broadcast %and3A_1526 : i32 to vector<16xi32>
        %and3A_1528 = arith.andi %sub3A_1525, %and3A_1527 : vector<16xi32>
        %broadcast_in_dim3A_1529 = vector.shape_cast %and3A_1528 : vector<16xi32> to vector<16x1xi32>
        %gather3A_1530 = vector.shape_cast %broadcast_in_dim3A_1529 : vector<16x1xi32> to vector<16xi32>
        %gather3A_1531 = tpu.dynamic_gather %select_n3A_1382[%gather3A_1530] in [0] : vector<16xf32>, vector<16xi32> -> vector<16xf32>
        %select_n3A_1532 = arith.select %eq3A_10, %select_n3A_1362, %gather3A_1531 : vector<16xi1>, vector<16xf32>
        %sub3A_1533 = arith.constant -2 : i32
        %sub3A_1534 = vector.broadcast %sub3A_1533 : i32 to vector<16xi32>
        %sub3A_1535 = arith.subi %iota3A, %sub3A_1534 : vector<16xi32>
        %and3A_1536 = arith.constant 15 : i32
        %and3A_1537 = vector.broadcast %and3A_1536 : i32 to vector<16xi32>
        %and3A_1538 = arith.andi %sub3A_1535, %and3A_1537 : vector<16xi32>
        %broadcast_in_dim3A_1539 = vector.shape_cast %and3A_1538 : vector<16xi32> to vector<16x1xi32>
        %gather3A_1540 = vector.shape_cast %broadcast_in_dim3A_1539 : vector<16x1xi32> to vector<16xi32>
        %gather3A_1541 = tpu.dynamic_gather %select_n3A_1362[%gather3A_1540] in [0] : vector<16xf32>, vector<16xi32> -> vector<16xf32>
        %select_n3A_1542 = arith.select %eq3A_10, %gather3A_1541, %select_n3A_1382 : vector<16xi1>, vector<16xf32>
        %sub3A_1543 = arith.constant 2 : i32
        %sub3A_1544 = vector.broadcast %sub3A_1543 : i32 to vector<16xi32>
        %sub3A_1545 = arith.subi %iota3A, %sub3A_1544 : vector<16xi32>
        %and3A_1546 = arith.constant 15 : i32
        %and3A_1547 = vector.broadcast %and3A_1546 : i32 to vector<16xi32>
        %and3A_1548 = arith.andi %sub3A_1545, %and3A_1547 : vector<16xi32>
        %broadcast_in_dim3A_1549 = vector.shape_cast %and3A_1548 : vector<16xi32> to vector<16x1xi32>
        %gather3A_1550 = vector.shape_cast %broadcast_in_dim3A_1549 : vector<16x1xi32> to vector<16xi32>
        %gather3A_1551 = tpu.dynamic_gather %select_n3A_1412[%gather3A_1550] in [0] : vector<16xf32>, vector<16xi32> -> vector<16xf32>
        %select_n3A_1552 = arith.select %eq3A_10, %select_n3A_1392, %gather3A_1551 : vector<16xi1>, vector<16xf32>
        %sub3A_1553 = arith.constant -2 : i32
        %sub3A_1554 = vector.broadcast %sub3A_1553 : i32 to vector<16xi32>
        %sub3A_1555 = arith.subi %iota3A, %sub3A_1554 : vector<16xi32>
        %and3A_1556 = arith.constant 15 : i32
        %and3A_1557 = vector.broadcast %and3A_1556 : i32 to vector<16xi32>
        %and3A_1558 = arith.andi %sub3A_1555, %and3A_1557 : vector<16xi32>
        %broadcast_in_dim3A_1559 = vector.shape_cast %and3A_1558 : vector<16xi32> to vector<16x1xi32>
        %gather3A_1560 = vector.shape_cast %broadcast_in_dim3A_1559 : vector<16x1xi32> to vector<16xi32>
        %gather3A_1561 = tpu.dynamic_gather %select_n3A_1392[%gather3A_1560] in [0] : vector<16xf32>, vector<16xi32> -> vector<16xf32>
        %select_n3A_1562 = arith.select %eq3A_10, %gather3A_1561, %select_n3A_1412 : vector<16xi1>, vector<16xf32>
        %sub3A_1563 = arith.constant 2 : i32
        %sub3A_1564 = vector.broadcast %sub3A_1563 : i32 to vector<16xi32>
        %sub3A_1565 = arith.subi %iota3A, %sub3A_1564 : vector<16xi32>
        %and3A_1566 = arith.constant 15 : i32
        %and3A_1567 = vector.broadcast %and3A_1566 : i32 to vector<16xi32>
        %and3A_1568 = arith.andi %sub3A_1565, %and3A_1567 : vector<16xi32>
        %broadcast_in_dim3A_1569 = vector.shape_cast %and3A_1568 : vector<16xi32> to vector<16x1xi32>
        %gather3A_1570 = vector.shape_cast %broadcast_in_dim3A_1569 : vector<16x1xi32> to vector<16xi32>
        %gather3A_1571 = tpu.dynamic_gather %select_n3A_1422[%gather3A_1570] in [0] : vector<16xf32>, vector<16xi32> -> vector<16xf32>
        %select_n3A_1572 = arith.select %eq3A_10, %select_n3A_1402, %gather3A_1571 : vector<16xi1>, vector<16xf32>
        %sub3A_1573 = arith.constant -2 : i32
        %sub3A_1574 = vector.broadcast %sub3A_1573 : i32 to vector<16xi32>
        %sub3A_1575 = arith.subi %iota3A, %sub3A_1574 : vector<16xi32>
        %and3A_1576 = arith.constant 15 : i32
        %and3A_1577 = vector.broadcast %and3A_1576 : i32 to vector<16xi32>
        %and3A_1578 = arith.andi %sub3A_1575, %and3A_1577 : vector<16xi32>
        %broadcast_in_dim3A_1579 = vector.shape_cast %and3A_1578 : vector<16xi32> to vector<16x1xi32>
        %gather3A_1580 = vector.shape_cast %broadcast_in_dim3A_1579 : vector<16x1xi32> to vector<16xi32>
        %gather3A_1581 = tpu.dynamic_gather %select_n3A_1402[%gather3A_1580] in [0] : vector<16xf32>, vector<16xi32> -> vector<16xf32>
        %select_n3A_1582 = arith.select %eq3A_10, %gather3A_1581, %select_n3A_1422 : vector<16xi1>, vector<16xf32>
        %sub3A_1583 = arith.constant 4 : i32
        %sub3A_1584 = vector.broadcast %sub3A_1583 : i32 to vector<16xi32>
        %sub3A_1585 = arith.subi %iota3A, %sub3A_1584 : vector<16xi32>
        %and3A_1586 = arith.constant 15 : i32
        %and3A_1587 = vector.broadcast %and3A_1586 : i32 to vector<16xi32>
        %and3A_1588 = arith.andi %sub3A_1585, %and3A_1587 : vector<16xi32>
        %broadcast_in_dim3A_1589 = vector.shape_cast %and3A_1588 : vector<16xi32> to vector<16x1xi32>
        %gather3A_1590 = vector.shape_cast %broadcast_in_dim3A_1589 : vector<16x1xi32> to vector<16xi32>
        %gather3A_1591 = tpu.dynamic_gather %select_n3A_1472[%gather3A_1590] in [0] : vector<16xf32>, vector<16xi32> -> vector<16xf32>
        %select_n3A_1592 = arith.select %eq3A_16, %select_n3A_1432, %gather3A_1591 : vector<16xi1>, vector<16xf32>
        %sub3A_1593 = arith.constant -4 : i32
        %sub3A_1594 = vector.broadcast %sub3A_1593 : i32 to vector<16xi32>
        %sub3A_1595 = arith.subi %iota3A, %sub3A_1594 : vector<16xi32>
        %and3A_1596 = arith.constant 15 : i32
        %and3A_1597 = vector.broadcast %and3A_1596 : i32 to vector<16xi32>
        %and3A_1598 = arith.andi %sub3A_1595, %and3A_1597 : vector<16xi32>
        %broadcast_in_dim3A_1599 = vector.shape_cast %and3A_1598 : vector<16xi32> to vector<16x1xi32>
        %gather3A_1600 = vector.shape_cast %broadcast_in_dim3A_1599 : vector<16x1xi32> to vector<16xi32>
        %gather3A_1601 = tpu.dynamic_gather %select_n3A_1432[%gather3A_1600] in [0] : vector<16xf32>, vector<16xi32> -> vector<16xf32>
        %select_n3A_1602 = arith.select %eq3A_16, %gather3A_1601, %select_n3A_1472 : vector<16xi1>, vector<16xf32>
        %sub3A_1603 = arith.constant 4 : i32
        %sub3A_1604 = vector.broadcast %sub3A_1603 : i32 to vector<16xi32>
        %sub3A_1605 = arith.subi %iota3A, %sub3A_1604 : vector<16xi32>
        %and3A_1606 = arith.constant 15 : i32
        %and3A_1607 = vector.broadcast %and3A_1606 : i32 to vector<16xi32>
        %and3A_1608 = arith.andi %sub3A_1605, %and3A_1607 : vector<16xi32>
        %broadcast_in_dim3A_1609 = vector.shape_cast %and3A_1608 : vector<16xi32> to vector<16x1xi32>
        %gather3A_1610 = vector.shape_cast %broadcast_in_dim3A_1609 : vector<16x1xi32> to vector<16xi32>
        %gather3A_1611 = tpu.dynamic_gather %select_n3A_1492[%gather3A_1610] in [0] : vector<16xf32>, vector<16xi32> -> vector<16xf32>
        %select_n3A_1612 = arith.select %eq3A_16, %select_n3A_1452, %gather3A_1611 : vector<16xi1>, vector<16xf32>
        %sub3A_1613 = arith.constant -4 : i32
        %sub3A_1614 = vector.broadcast %sub3A_1613 : i32 to vector<16xi32>
        %sub3A_1615 = arith.subi %iota3A, %sub3A_1614 : vector<16xi32>
        %and3A_1616 = arith.constant 15 : i32
        %and3A_1617 = vector.broadcast %and3A_1616 : i32 to vector<16xi32>
        %and3A_1618 = arith.andi %sub3A_1615, %and3A_1617 : vector<16xi32>
        %broadcast_in_dim3A_1619 = vector.shape_cast %and3A_1618 : vector<16xi32> to vector<16x1xi32>
        %gather3A_1620 = vector.shape_cast %broadcast_in_dim3A_1619 : vector<16x1xi32> to vector<16xi32>
        %gather3A_1621 = tpu.dynamic_gather %select_n3A_1452[%gather3A_1620] in [0] : vector<16xf32>, vector<16xi32> -> vector<16xf32>
        %select_n3A_1622 = arith.select %eq3A_16, %gather3A_1621, %select_n3A_1492 : vector<16xi1>, vector<16xf32>
        %sub3A_1623 = arith.constant 4 : i32
        %sub3A_1624 = vector.broadcast %sub3A_1623 : i32 to vector<16xi32>
        %sub3A_1625 = arith.subi %iota3A, %sub3A_1624 : vector<16xi32>
        %and3A_1626 = arith.constant 15 : i32
        %and3A_1627 = vector.broadcast %and3A_1626 : i32 to vector<16xi32>
        %and3A_1628 = arith.andi %sub3A_1625, %and3A_1627 : vector<16xi32>
        %broadcast_in_dim3A_1629 = vector.shape_cast %and3A_1628 : vector<16xi32> to vector<16x1xi32>
        %gather3A_1630 = vector.shape_cast %broadcast_in_dim3A_1629 : vector<16x1xi32> to vector<16xi32>
        %gather3A_1631 = tpu.dynamic_gather %select_n3A_1482[%gather3A_1630] in [0] : vector<16xf32>, vector<16xi32> -> vector<16xf32>
        %select_n3A_1632 = arith.select %eq3A_16, %select_n3A_1442, %gather3A_1631 : vector<16xi1>, vector<16xf32>
        %sub3A_1633 = arith.constant -4 : i32
        %sub3A_1634 = vector.broadcast %sub3A_1633 : i32 to vector<16xi32>
        %sub3A_1635 = arith.subi %iota3A, %sub3A_1634 : vector<16xi32>
        %and3A_1636 = arith.constant 15 : i32
        %and3A_1637 = vector.broadcast %and3A_1636 : i32 to vector<16xi32>
        %and3A_1638 = arith.andi %sub3A_1635, %and3A_1637 : vector<16xi32>
        %broadcast_in_dim3A_1639 = vector.shape_cast %and3A_1638 : vector<16xi32> to vector<16x1xi32>
        %gather3A_1640 = vector.shape_cast %broadcast_in_dim3A_1639 : vector<16x1xi32> to vector<16xi32>
        %gather3A_1641 = tpu.dynamic_gather %select_n3A_1442[%gather3A_1640] in [0] : vector<16xf32>, vector<16xi32> -> vector<16xf32>
        %select_n3A_1642 = arith.select %eq3A_16, %gather3A_1641, %select_n3A_1482 : vector<16xi1>, vector<16xf32>
        %sub3A_1643 = arith.constant 4 : i32
        %sub3A_1644 = vector.broadcast %sub3A_1643 : i32 to vector<16xi32>
        %sub3A_1645 = arith.subi %iota3A, %sub3A_1644 : vector<16xi32>
        %and3A_1646 = arith.constant 15 : i32
        %and3A_1647 = vector.broadcast %and3A_1646 : i32 to vector<16xi32>
        %and3A_1648 = arith.andi %sub3A_1645, %and3A_1647 : vector<16xi32>
        %broadcast_in_dim3A_1649 = vector.shape_cast %and3A_1648 : vector<16xi32> to vector<16x1xi32>
        %gather3A_1650 = vector.shape_cast %broadcast_in_dim3A_1649 : vector<16x1xi32> to vector<16xi32>
        %gather3A_1651 = tpu.dynamic_gather %select_n3A_1502[%gather3A_1650] in [0] : vector<16xf32>, vector<16xi32> -> vector<16xf32>
        %select_n3A_1652 = arith.select %eq3A_16, %select_n3A_1462, %gather3A_1651 : vector<16xi1>, vector<16xf32>
        %sub3A_1653 = arith.constant -4 : i32
        %sub3A_1654 = vector.broadcast %sub3A_1653 : i32 to vector<16xi32>
        %sub3A_1655 = arith.subi %iota3A, %sub3A_1654 : vector<16xi32>
        %and3A_1656 = arith.constant 15 : i32
        %and3A_1657 = vector.broadcast %and3A_1656 : i32 to vector<16xi32>
        %and3A_1658 = arith.andi %sub3A_1655, %and3A_1657 : vector<16xi32>
        %broadcast_in_dim3A_1659 = vector.shape_cast %and3A_1658 : vector<16xi32> to vector<16x1xi32>
        %gather3A_1660 = vector.shape_cast %broadcast_in_dim3A_1659 : vector<16x1xi32> to vector<16xi32>
        %gather3A_1661 = tpu.dynamic_gather %select_n3A_1462[%gather3A_1660] in [0] : vector<16xf32>, vector<16xi32> -> vector<16xf32>
        %select_n3A_1662 = arith.select %eq3A_16, %gather3A_1661, %select_n3A_1502 : vector<16xi1>, vector<16xf32>
        %sub3A_1663 = arith.constant 4 : i32
        %sub3A_1664 = vector.broadcast %sub3A_1663 : i32 to vector<16xi32>
        %sub3A_1665 = arith.subi %iota3A, %sub3A_1664 : vector<16xi32>
        %and3A_1666 = arith.constant 15 : i32
        %and3A_1667 = vector.broadcast %and3A_1666 : i32 to vector<16xi32>
        %and3A_1668 = arith.andi %sub3A_1665, %and3A_1667 : vector<16xi32>
        %broadcast_in_dim3A_1669 = vector.shape_cast %and3A_1668 : vector<16xi32> to vector<16x1xi32>
        %gather3A_1670 = vector.shape_cast %broadcast_in_dim3A_1669 : vector<16x1xi32> to vector<16xi32>
        %gather3A_1671 = tpu.dynamic_gather %select_n3A_1552[%gather3A_1670] in [0] : vector<16xf32>, vector<16xi32> -> vector<16xf32>
        %select_n3A_1672 = arith.select %eq3A_16, %select_n3A_1512, %gather3A_1671 : vector<16xi1>, vector<16xf32>
        %sub3A_1673 = arith.constant -4 : i32
        %sub3A_1674 = vector.broadcast %sub3A_1673 : i32 to vector<16xi32>
        %sub3A_1675 = arith.subi %iota3A, %sub3A_1674 : vector<16xi32>
        %and3A_1676 = arith.constant 15 : i32
        %and3A_1677 = vector.broadcast %and3A_1676 : i32 to vector<16xi32>
        %and3A_1678 = arith.andi %sub3A_1675, %and3A_1677 : vector<16xi32>
        %broadcast_in_dim3A_1679 = vector.shape_cast %and3A_1678 : vector<16xi32> to vector<16x1xi32>
        %gather3A_1680 = vector.shape_cast %broadcast_in_dim3A_1679 : vector<16x1xi32> to vector<16xi32>
        %gather3A_1681 = tpu.dynamic_gather %select_n3A_1512[%gather3A_1680] in [0] : vector<16xf32>, vector<16xi32> -> vector<16xf32>
        %select_n3A_1682 = arith.select %eq3A_16, %gather3A_1681, %select_n3A_1552 : vector<16xi1>, vector<16xf32>
        %sub3A_1683 = arith.constant 4 : i32
        %sub3A_1684 = vector.broadcast %sub3A_1683 : i32 to vector<16xi32>
        %sub3A_1685 = arith.subi %iota3A, %sub3A_1684 : vector<16xi32>
        %and3A_1686 = arith.constant 15 : i32
        %and3A_1687 = vector.broadcast %and3A_1686 : i32 to vector<16xi32>
        %and3A_1688 = arith.andi %sub3A_1685, %and3A_1687 : vector<16xi32>
        %broadcast_in_dim3A_1689 = vector.shape_cast %and3A_1688 : vector<16xi32> to vector<16x1xi32>
        %gather3A_1690 = vector.shape_cast %broadcast_in_dim3A_1689 : vector<16x1xi32> to vector<16xi32>
        %gather3A_1691 = tpu.dynamic_gather %select_n3A_1572[%gather3A_1690] in [0] : vector<16xf32>, vector<16xi32> -> vector<16xf32>
        %select_n3A_1692 = arith.select %eq3A_16, %select_n3A_1532, %gather3A_1691 : vector<16xi1>, vector<16xf32>
        %sub3A_1693 = arith.constant -4 : i32
        %sub3A_1694 = vector.broadcast %sub3A_1693 : i32 to vector<16xi32>
        %sub3A_1695 = arith.subi %iota3A, %sub3A_1694 : vector<16xi32>
        %and3A_1696 = arith.constant 15 : i32
        %and3A_1697 = vector.broadcast %and3A_1696 : i32 to vector<16xi32>
        %and3A_1698 = arith.andi %sub3A_1695, %and3A_1697 : vector<16xi32>
        %broadcast_in_dim3A_1699 = vector.shape_cast %and3A_1698 : vector<16xi32> to vector<16x1xi32>
        %gather3A_1700 = vector.shape_cast %broadcast_in_dim3A_1699 : vector<16x1xi32> to vector<16xi32>
        %gather3A_1701 = tpu.dynamic_gather %select_n3A_1532[%gather3A_1700] in [0] : vector<16xf32>, vector<16xi32> -> vector<16xf32>
        %select_n3A_1702 = arith.select %eq3A_16, %gather3A_1701, %select_n3A_1572 : vector<16xi1>, vector<16xf32>
        %sub3A_1703 = arith.constant 4 : i32
        %sub3A_1704 = vector.broadcast %sub3A_1703 : i32 to vector<16xi32>
        %sub3A_1705 = arith.subi %iota3A, %sub3A_1704 : vector<16xi32>
        %and3A_1706 = arith.constant 15 : i32
        %and3A_1707 = vector.broadcast %and3A_1706 : i32 to vector<16xi32>
        %and3A_1708 = arith.andi %sub3A_1705, %and3A_1707 : vector<16xi32>
        %broadcast_in_dim3A_1709 = vector.shape_cast %and3A_1708 : vector<16xi32> to vector<16x1xi32>
        %gather3A_1710 = vector.shape_cast %broadcast_in_dim3A_1709 : vector<16x1xi32> to vector<16xi32>
        %gather3A_1711 = tpu.dynamic_gather %select_n3A_1562[%gather3A_1710] in [0] : vector<16xf32>, vector<16xi32> -> vector<16xf32>
        %select_n3A_1712 = arith.select %eq3A_16, %select_n3A_1522, %gather3A_1711 : vector<16xi1>, vector<16xf32>
        %sub3A_1713 = arith.constant -4 : i32
        %sub3A_1714 = vector.broadcast %sub3A_1713 : i32 to vector<16xi32>
        %sub3A_1715 = arith.subi %iota3A, %sub3A_1714 : vector<16xi32>
        %and3A_1716 = arith.constant 15 : i32
        %and3A_1717 = vector.broadcast %and3A_1716 : i32 to vector<16xi32>
        %and3A_1718 = arith.andi %sub3A_1715, %and3A_1717 : vector<16xi32>
        %broadcast_in_dim3A_1719 = vector.shape_cast %and3A_1718 : vector<16xi32> to vector<16x1xi32>
        %gather3A_1720 = vector.shape_cast %broadcast_in_dim3A_1719 : vector<16x1xi32> to vector<16xi32>
        %gather3A_1721 = tpu.dynamic_gather %select_n3A_1522[%gather3A_1720] in [0] : vector<16xf32>, vector<16xi32> -> vector<16xf32>
        %select_n3A_1722 = arith.select %eq3A_16, %gather3A_1721, %select_n3A_1562 : vector<16xi1>, vector<16xf32>
        %sub3A_1723 = arith.constant 4 : i32
        %sub3A_1724 = vector.broadcast %sub3A_1723 : i32 to vector<16xi32>
        %sub3A_1725 = arith.subi %iota3A, %sub3A_1724 : vector<16xi32>
        %and3A_1726 = arith.constant 15 : i32
        %and3A_1727 = vector.broadcast %and3A_1726 : i32 to vector<16xi32>
        %and3A_1728 = arith.andi %sub3A_1725, %and3A_1727 : vector<16xi32>
        %broadcast_in_dim3A_1729 = vector.shape_cast %and3A_1728 : vector<16xi32> to vector<16x1xi32>
        %gather3A_1730 = vector.shape_cast %broadcast_in_dim3A_1729 : vector<16x1xi32> to vector<16xi32>
        %gather3A_1731 = tpu.dynamic_gather %select_n3A_1582[%gather3A_1730] in [0] : vector<16xf32>, vector<16xi32> -> vector<16xf32>
        %select_n3A_1732 = arith.select %eq3A_16, %select_n3A_1542, %gather3A_1731 : vector<16xi1>, vector<16xf32>
        %sub3A_1733 = arith.constant -4 : i32
        %sub3A_1734 = vector.broadcast %sub3A_1733 : i32 to vector<16xi32>
        %sub3A_1735 = arith.subi %iota3A, %sub3A_1734 : vector<16xi32>
        %and3A_1736 = arith.constant 15 : i32
        %and3A_1737 = vector.broadcast %and3A_1736 : i32 to vector<16xi32>
        %and3A_1738 = arith.andi %sub3A_1735, %and3A_1737 : vector<16xi32>
        %broadcast_in_dim3A_1739 = vector.shape_cast %and3A_1738 : vector<16xi32> to vector<16x1xi32>
        %gather3A_1740 = vector.shape_cast %broadcast_in_dim3A_1739 : vector<16x1xi32> to vector<16xi32>
        %gather3A_1741 = tpu.dynamic_gather %select_n3A_1542[%gather3A_1740] in [0] : vector<16xf32>, vector<16xi32> -> vector<16xf32>
        %select_n3A_1742 = arith.select %eq3A_16, %gather3A_1741, %select_n3A_1582 : vector<16xi1>, vector<16xf32>
        %sub3A_1743 = arith.constant 8 : i32
        %sub3A_1744 = vector.broadcast %sub3A_1743 : i32 to vector<16xi32>
        %sub3A_1745 = arith.subi %iota3A, %sub3A_1744 : vector<16xi32>
        %and3A_1746 = arith.constant 15 : i32
        %and3A_1747 = vector.broadcast %and3A_1746 : i32 to vector<16xi32>
        %and3A_1748 = arith.andi %sub3A_1745, %and3A_1747 : vector<16xi32>
        %broadcast_in_dim3A_1749 = vector.shape_cast %and3A_1748 : vector<16xi32> to vector<16x1xi32>
        %gather3A_1750 = vector.shape_cast %broadcast_in_dim3A_1749 : vector<16x1xi32> to vector<16xi32>
        %gather3A_1751 = tpu.dynamic_gather %select_n3A_1672[%gather3A_1750] in [0] : vector<16xf32>, vector<16xi32> -> vector<16xf32>
        %select_n3A_1752 = arith.select %eq3A_22, %select_n3A_1592, %gather3A_1751 : vector<16xi1>, vector<16xf32>
        %sub3A_1753 = arith.constant -8 : i32
        %sub3A_1754 = vector.broadcast %sub3A_1753 : i32 to vector<16xi32>
        %sub3A_1755 = arith.subi %iota3A, %sub3A_1754 : vector<16xi32>
        %and3A_1756 = arith.constant 15 : i32
        %and3A_1757 = vector.broadcast %and3A_1756 : i32 to vector<16xi32>
        %and3A_1758 = arith.andi %sub3A_1755, %and3A_1757 : vector<16xi32>
        %broadcast_in_dim3A_1759 = vector.shape_cast %and3A_1758 : vector<16xi32> to vector<16x1xi32>
        %gather3A_1760 = vector.shape_cast %broadcast_in_dim3A_1759 : vector<16x1xi32> to vector<16xi32>
        %gather3A_1761 = tpu.dynamic_gather %select_n3A_1592[%gather3A_1760] in [0] : vector<16xf32>, vector<16xi32> -> vector<16xf32>
        %select_n3A_1762 = arith.select %eq3A_22, %gather3A_1761, %select_n3A_1672 : vector<16xi1>, vector<16xf32>
        %sub3A_1763 = arith.constant 8 : i32
        %sub3A_1764 = vector.broadcast %sub3A_1763 : i32 to vector<16xi32>
        %sub3A_1765 = arith.subi %iota3A, %sub3A_1764 : vector<16xi32>
        %and3A_1766 = arith.constant 15 : i32
        %and3A_1767 = vector.broadcast %and3A_1766 : i32 to vector<16xi32>
        %and3A_1768 = arith.andi %sub3A_1765, %and3A_1767 : vector<16xi32>
        %broadcast_in_dim3A_1769 = vector.shape_cast %and3A_1768 : vector<16xi32> to vector<16x1xi32>
        %gather3A_1770 = vector.shape_cast %broadcast_in_dim3A_1769 : vector<16x1xi32> to vector<16xi32>
        %gather3A_1771 = tpu.dynamic_gather %select_n3A_1692[%gather3A_1770] in [0] : vector<16xf32>, vector<16xi32> -> vector<16xf32>
        %select_n3A_1772 = arith.select %eq3A_22, %select_n3A_1612, %gather3A_1771 : vector<16xi1>, vector<16xf32>
        %sub3A_1773 = arith.constant -8 : i32
        %sub3A_1774 = vector.broadcast %sub3A_1773 : i32 to vector<16xi32>
        %sub3A_1775 = arith.subi %iota3A, %sub3A_1774 : vector<16xi32>
        %and3A_1776 = arith.constant 15 : i32
        %and3A_1777 = vector.broadcast %and3A_1776 : i32 to vector<16xi32>
        %and3A_1778 = arith.andi %sub3A_1775, %and3A_1777 : vector<16xi32>
        %broadcast_in_dim3A_1779 = vector.shape_cast %and3A_1778 : vector<16xi32> to vector<16x1xi32>
        %gather3A_1780 = vector.shape_cast %broadcast_in_dim3A_1779 : vector<16x1xi32> to vector<16xi32>
        %gather3A_1781 = tpu.dynamic_gather %select_n3A_1612[%gather3A_1780] in [0] : vector<16xf32>, vector<16xi32> -> vector<16xf32>
        %select_n3A_1782 = arith.select %eq3A_22, %gather3A_1781, %select_n3A_1692 : vector<16xi1>, vector<16xf32>
        %sub3A_1783 = arith.constant 8 : i32
        %sub3A_1784 = vector.broadcast %sub3A_1783 : i32 to vector<16xi32>
        %sub3A_1785 = arith.subi %iota3A, %sub3A_1784 : vector<16xi32>
        %and3A_1786 = arith.constant 15 : i32
        %and3A_1787 = vector.broadcast %and3A_1786 : i32 to vector<16xi32>
        %and3A_1788 = arith.andi %sub3A_1785, %and3A_1787 : vector<16xi32>
        %broadcast_in_dim3A_1789 = vector.shape_cast %and3A_1788 : vector<16xi32> to vector<16x1xi32>
        %gather3A_1790 = vector.shape_cast %broadcast_in_dim3A_1789 : vector<16x1xi32> to vector<16xi32>
        %gather3A_1791 = tpu.dynamic_gather %select_n3A_1712[%gather3A_1790] in [0] : vector<16xf32>, vector<16xi32> -> vector<16xf32>
        %select_n3A_1792 = arith.select %eq3A_22, %select_n3A_1632, %gather3A_1791 : vector<16xi1>, vector<16xf32>
        %sub3A_1793 = arith.constant -8 : i32
        %sub3A_1794 = vector.broadcast %sub3A_1793 : i32 to vector<16xi32>
        %sub3A_1795 = arith.subi %iota3A, %sub3A_1794 : vector<16xi32>
        %and3A_1796 = arith.constant 15 : i32
        %and3A_1797 = vector.broadcast %and3A_1796 : i32 to vector<16xi32>
        %and3A_1798 = arith.andi %sub3A_1795, %and3A_1797 : vector<16xi32>
        %broadcast_in_dim3A_1799 = vector.shape_cast %and3A_1798 : vector<16xi32> to vector<16x1xi32>
        %gather3A_1800 = vector.shape_cast %broadcast_in_dim3A_1799 : vector<16x1xi32> to vector<16xi32>
        %gather3A_1801 = tpu.dynamic_gather %select_n3A_1632[%gather3A_1800] in [0] : vector<16xf32>, vector<16xi32> -> vector<16xf32>
        %select_n3A_1802 = arith.select %eq3A_22, %gather3A_1801, %select_n3A_1712 : vector<16xi1>, vector<16xf32>
        %sub3A_1803 = arith.constant 8 : i32
        %sub3A_1804 = vector.broadcast %sub3A_1803 : i32 to vector<16xi32>
        %sub3A_1805 = arith.subi %iota3A, %sub3A_1804 : vector<16xi32>
        %and3A_1806 = arith.constant 15 : i32
        %and3A_1807 = vector.broadcast %and3A_1806 : i32 to vector<16xi32>
        %and3A_1808 = arith.andi %sub3A_1805, %and3A_1807 : vector<16xi32>
        %broadcast_in_dim3A_1809 = vector.shape_cast %and3A_1808 : vector<16xi32> to vector<16x1xi32>
        %gather3A_1810 = vector.shape_cast %broadcast_in_dim3A_1809 : vector<16x1xi32> to vector<16xi32>
        %gather3A_1811 = tpu.dynamic_gather %select_n3A_1732[%gather3A_1810] in [0] : vector<16xf32>, vector<16xi32> -> vector<16xf32>
        %select_n3A_1812 = arith.select %eq3A_22, %select_n3A_1652, %gather3A_1811 : vector<16xi1>, vector<16xf32>
        %sub3A_1813 = arith.constant -8 : i32
        %sub3A_1814 = vector.broadcast %sub3A_1813 : i32 to vector<16xi32>
        %sub3A_1815 = arith.subi %iota3A, %sub3A_1814 : vector<16xi32>
        %and3A_1816 = arith.constant 15 : i32
        %and3A_1817 = vector.broadcast %and3A_1816 : i32 to vector<16xi32>
        %and3A_1818 = arith.andi %sub3A_1815, %and3A_1817 : vector<16xi32>
        %broadcast_in_dim3A_1819 = vector.shape_cast %and3A_1818 : vector<16xi32> to vector<16x1xi32>
        %gather3A_1820 = vector.shape_cast %broadcast_in_dim3A_1819 : vector<16x1xi32> to vector<16xi32>
        %gather3A_1821 = tpu.dynamic_gather %select_n3A_1652[%gather3A_1820] in [0] : vector<16xf32>, vector<16xi32> -> vector<16xf32>
        %select_n3A_1822 = arith.select %eq3A_22, %gather3A_1821, %select_n3A_1732 : vector<16xi1>, vector<16xf32>
        %sub3A_1823 = arith.constant 8 : i32
        %sub3A_1824 = vector.broadcast %sub3A_1823 : i32 to vector<16xi32>
        %sub3A_1825 = arith.subi %iota3A, %sub3A_1824 : vector<16xi32>
        %and3A_1826 = arith.constant 15 : i32
        %and3A_1827 = vector.broadcast %and3A_1826 : i32 to vector<16xi32>
        %and3A_1828 = arith.andi %sub3A_1825, %and3A_1827 : vector<16xi32>
        %broadcast_in_dim3A_1829 = vector.shape_cast %and3A_1828 : vector<16xi32> to vector<16x1xi32>
        %gather3A_1830 = vector.shape_cast %broadcast_in_dim3A_1829 : vector<16x1xi32> to vector<16xi32>
        %gather3A_1831 = tpu.dynamic_gather %select_n3A_1682[%gather3A_1830] in [0] : vector<16xf32>, vector<16xi32> -> vector<16xf32>
        %select_n3A_1832 = arith.select %eq3A_22, %select_n3A_1602, %gather3A_1831 : vector<16xi1>, vector<16xf32>
        %sub3A_1833 = arith.constant -8 : i32
        %sub3A_1834 = vector.broadcast %sub3A_1833 : i32 to vector<16xi32>
        %sub3A_1835 = arith.subi %iota3A, %sub3A_1834 : vector<16xi32>
        %and3A_1836 = arith.constant 15 : i32
        %and3A_1837 = vector.broadcast %and3A_1836 : i32 to vector<16xi32>
        %and3A_1838 = arith.andi %sub3A_1835, %and3A_1837 : vector<16xi32>
        %broadcast_in_dim3A_1839 = vector.shape_cast %and3A_1838 : vector<16xi32> to vector<16x1xi32>
        %gather3A_1840 = vector.shape_cast %broadcast_in_dim3A_1839 : vector<16x1xi32> to vector<16xi32>
        %gather3A_1841 = tpu.dynamic_gather %select_n3A_1602[%gather3A_1840] in [0] : vector<16xf32>, vector<16xi32> -> vector<16xf32>
        %select_n3A_1842 = arith.select %eq3A_22, %gather3A_1841, %select_n3A_1682 : vector<16xi1>, vector<16xf32>
        %sub3A_1843 = arith.constant 8 : i32
        %sub3A_1844 = vector.broadcast %sub3A_1843 : i32 to vector<16xi32>
        %sub3A_1845 = arith.subi %iota3A, %sub3A_1844 : vector<16xi32>
        %and3A_1846 = arith.constant 15 : i32
        %and3A_1847 = vector.broadcast %and3A_1846 : i32 to vector<16xi32>
        %and3A_1848 = arith.andi %sub3A_1845, %and3A_1847 : vector<16xi32>
        %broadcast_in_dim3A_1849 = vector.shape_cast %and3A_1848 : vector<16xi32> to vector<16x1xi32>
        %gather3A_1850 = vector.shape_cast %broadcast_in_dim3A_1849 : vector<16x1xi32> to vector<16xi32>
        %gather3A_1851 = tpu.dynamic_gather %select_n3A_1702[%gather3A_1850] in [0] : vector<16xf32>, vector<16xi32> -> vector<16xf32>
        %select_n3A_1852 = arith.select %eq3A_22, %select_n3A_1622, %gather3A_1851 : vector<16xi1>, vector<16xf32>
        %sub3A_1853 = arith.constant -8 : i32
        %sub3A_1854 = vector.broadcast %sub3A_1853 : i32 to vector<16xi32>
        %sub3A_1855 = arith.subi %iota3A, %sub3A_1854 : vector<16xi32>
        %and3A_1856 = arith.constant 15 : i32
        %and3A_1857 = vector.broadcast %and3A_1856 : i32 to vector<16xi32>
        %and3A_1858 = arith.andi %sub3A_1855, %and3A_1857 : vector<16xi32>
        %broadcast_in_dim3A_1859 = vector.shape_cast %and3A_1858 : vector<16xi32> to vector<16x1xi32>
        %gather3A_1860 = vector.shape_cast %broadcast_in_dim3A_1859 : vector<16x1xi32> to vector<16xi32>
        %gather3A_1861 = tpu.dynamic_gather %select_n3A_1622[%gather3A_1860] in [0] : vector<16xf32>, vector<16xi32> -> vector<16xf32>
        %select_n3A_1862 = arith.select %eq3A_22, %gather3A_1861, %select_n3A_1702 : vector<16xi1>, vector<16xf32>
        %sub3A_1863 = arith.constant 8 : i32
        %sub3A_1864 = vector.broadcast %sub3A_1863 : i32 to vector<16xi32>
        %sub3A_1865 = arith.subi %iota3A, %sub3A_1864 : vector<16xi32>
        %and3A_1866 = arith.constant 15 : i32
        %and3A_1867 = vector.broadcast %and3A_1866 : i32 to vector<16xi32>
        %and3A_1868 = arith.andi %sub3A_1865, %and3A_1867 : vector<16xi32>
        %broadcast_in_dim3A_1869 = vector.shape_cast %and3A_1868 : vector<16xi32> to vector<16x1xi32>
        %gather3A_1870 = vector.shape_cast %broadcast_in_dim3A_1869 : vector<16x1xi32> to vector<16xi32>
        %gather3A_1871 = tpu.dynamic_gather %select_n3A_1722[%gather3A_1870] in [0] : vector<16xf32>, vector<16xi32> -> vector<16xf32>
        %select_n3A_1872 = arith.select %eq3A_22, %select_n3A_1642, %gather3A_1871 : vector<16xi1>, vector<16xf32>
        %sub3A_1873 = arith.constant -8 : i32
        %sub3A_1874 = vector.broadcast %sub3A_1873 : i32 to vector<16xi32>
        %sub3A_1875 = arith.subi %iota3A, %sub3A_1874 : vector<16xi32>
        %and3A_1876 = arith.constant 15 : i32
        %and3A_1877 = vector.broadcast %and3A_1876 : i32 to vector<16xi32>
        %and3A_1878 = arith.andi %sub3A_1875, %and3A_1877 : vector<16xi32>
        %broadcast_in_dim3A_1879 = vector.shape_cast %and3A_1878 : vector<16xi32> to vector<16x1xi32>
        %gather3A_1880 = vector.shape_cast %broadcast_in_dim3A_1879 : vector<16x1xi32> to vector<16xi32>
        %gather3A_1881 = tpu.dynamic_gather %select_n3A_1642[%gather3A_1880] in [0] : vector<16xf32>, vector<16xi32> -> vector<16xf32>
        %select_n3A_1882 = arith.select %eq3A_22, %gather3A_1881, %select_n3A_1722 : vector<16xi1>, vector<16xf32>
        %sub3A_1883 = arith.constant 8 : i32
        %sub3A_1884 = vector.broadcast %sub3A_1883 : i32 to vector<16xi32>
        %sub3A_1885 = arith.subi %iota3A, %sub3A_1884 : vector<16xi32>
        %and3A_1886 = arith.constant 15 : i32
        %and3A_1887 = vector.broadcast %and3A_1886 : i32 to vector<16xi32>
        %and3A_1888 = arith.andi %sub3A_1885, %and3A_1887 : vector<16xi32>
        %broadcast_in_dim3A_1889 = vector.shape_cast %and3A_1888 : vector<16xi32> to vector<16x1xi32>
        %gather3A_1890 = vector.shape_cast %broadcast_in_dim3A_1889 : vector<16x1xi32> to vector<16xi32>
        %gather3A_1891 = tpu.dynamic_gather %select_n3A_1742[%gather3A_1890] in [0] : vector<16xf32>, vector<16xi32> -> vector<16xf32>
        %select_n3A_1892 = arith.select %eq3A_22, %select_n3A_1662, %gather3A_1891 : vector<16xi1>, vector<16xf32>
        %sub3A_1893 = arith.constant -8 : i32
        %sub3A_1894 = vector.broadcast %sub3A_1893 : i32 to vector<16xi32>
        %sub3A_1895 = arith.subi %iota3A, %sub3A_1894 : vector<16xi32>
        %and3A_1896 = arith.constant 15 : i32
        %and3A_1897 = vector.broadcast %and3A_1896 : i32 to vector<16xi32>
        %and3A_1898 = arith.andi %sub3A_1895, %and3A_1897 : vector<16xi32>
        %broadcast_in_dim3A_1899 = vector.shape_cast %and3A_1898 : vector<16xi32> to vector<16x1xi32>
        %gather3A_1900 = vector.shape_cast %broadcast_in_dim3A_1899 : vector<16x1xi32> to vector<16xi32>
        %gather3A_1901 = tpu.dynamic_gather %select_n3A_1662[%gather3A_1900] in [0] : vector<16xf32>, vector<16xi32> -> vector<16xf32>
        %select_n3A_1902 = arith.select %eq3A_22, %gather3A_1901, %select_n3A_1742 : vector<16xi1>, vector<16xf32>
        %add3A_1903 = arith.constant 0 : i32
        %add3A_1904 = arith.addi %mul3A_1164, %add3A_1903 : i32
        %shift_right_arithmetic3A_1905 = arith.constant 3 : i32
        %shift_right_arithmetic3A_1906 = arith.shrsi %add3A_1904, %shift_right_arithmetic3A_1905 : i32
        %and3A_1907 = arith.constant 7 : i32
        %and3A_1908 = arith.andi %add3A_1904, %and3A_1907 : i32
        %swap3A = arith.index_cast %shift_right_arithmetic3A_1158 : i32 to index
        %swap3A_1909 = arith.index_cast %shift_right_arithmetic3A_1906 : i32 to index
        %swap3A_1910 = arith.index_cast %and3A_1908 : i32 to index
        %swap3A_1911 = arith.index_cast %mul3A_1168 : i32 to index
        %swap3A_1912 = tpu.vector_load %arg8[%swap3A, %swap3A_1909, %swap3A_1910, %swap3A_1911] {strides = array<i32>} : memref<5x4x8x128xf32, #tpu.memory_space<vmem>>, vector<1x1x1x16xf32>,
        %swap3A_1913 = vector.shape_cast %swap3A_1912 : vector<1x1x1x16xf32> to vector<16xf32>
        %swap3A_1914 = vector.shape_cast %select_n3A_1752 : vector<16xf32> to vector<1x1x1x16xf32>
        tpu.vector_store %arg8[%swap3A, %swap3A_1909, %swap3A_1910, %swap3A_1911], %swap3A_1914 {strides = array<i32>} : memref<5x4x8x128xf32, #tpu.memory_space<vmem>>, vector<1x1x1x16xf32>,
        %add3A_1915 = arith.constant 1 : i32
        %add3A_1916 = arith.addi %mul3A_1164, %add3A_1915 : i32
        %shift_right_arithmetic3A_1917 = arith.constant 3 : i32
        %shift_right_arithmetic3A_1918 = arith.shrsi %add3A_1916, %shift_right_arithmetic3A_1917 : i32
        %and3A_1919 = arith.constant 7 : i32
        %and3A_1920 = arith.andi %add3A_1916, %and3A_1919 : i32
        %swap3A_1921 = arith.index_cast %shift_right_arithmetic3A_1158 : i32 to index
        %swap3A_1922 = arith.index_cast %shift_right_arithmetic3A_1918 : i32 to index
        %swap3A_1923 = arith.index_cast %and3A_1920 : i32 to index
        %swap3A_1924 = arith.index_cast %mul3A_1168 : i32 to index
        %swap3A_1925 = tpu.vector_load %arg8[%swap3A_1921, %swap3A_1922, %swap3A_1923, %swap3A_1924] {strides = array<i32>} : memref<5x4x8x128xf32, #tpu.memory_space<vmem>>, vector<1x1x1x16xf32>,
        %swap3A_1926 = vector.shape_cast %swap3A_1925 : vector<1x1x1x16xf32> to vector<16xf32>
        %swap3A_1927 = vector.shape_cast %select_n3A_1772 : vector<16xf32> to vector<1x1x1x16xf32>
        tpu.vector_store %arg8[%swap3A_1921, %swap3A_1922, %swap3A_1923, %swap3A_1924], %swap3A_1927 {strides = array<i32>} : memref<5x4x8x128xf32, #tpu.memory_space<vmem>>, vector<1x1x1x16xf32>,
        %add3A_1928 = arith.constant 2 : i32
        %add3A_1929 = arith.addi %mul3A_1164, %add3A_1928 : i32
        %shift_right_arithmetic3A_1930 = arith.constant 3 : i32
        %shift_right_arithmetic3A_1931 = arith.shrsi %add3A_1929, %shift_right_arithmetic3A_1930 : i32
        %and3A_1932 = arith.constant 7 : i32
        %and3A_1933 = arith.andi %add3A_1929, %and3A_1932 : i32
        %swap3A_1934 = arith.index_cast %shift_right_arithmetic3A_1158 : i32 to index
        %swap3A_1935 = arith.index_cast %shift_right_arithmetic3A_1931 : i32 to index
        %swap3A_1936 = arith.index_cast %and3A_1933 : i32 to index
        %swap3A_1937 = arith.index_cast %mul3A_1168 : i32 to index
        %swap3A_1938 = tpu.vector_load %arg8[%swap3A_1934, %swap3A_1935, %swap3A_1936, %swap3A_1937] {strides = array<i32>} : memref<5x4x8x128xf32, #tpu.memory_space<vmem>>, vector<1x1x1x16xf32>,
        %swap3A_1939 = vector.shape_cast %swap3A_1938 : vector<1x1x1x16xf32> to vector<16xf32>
        %swap3A_1940 = vector.shape_cast %select_n3A_1792 : vector<16xf32> to vector<1x1x1x16xf32>
        tpu.vector_store %arg8[%swap3A_1934, %swap3A_1935, %swap3A_1936, %swap3A_1937], %swap3A_1940 {strides = array<i32>} : memref<5x4x8x128xf32, #tpu.memory_space<vmem>>, vector<1x1x1x16xf32>,
        %add3A_1941 = arith.constant 3 : i32
        %add3A_1942 = arith.addi %mul3A_1164, %add3A_1941 : i32
        %shift_right_arithmetic3A_1943 = arith.constant 3 : i32
        %shift_right_arithmetic3A_1944 = arith.shrsi %add3A_1942, %shift_right_arithmetic3A_1943 : i32
        %and3A_1945 = arith.constant 7 : i32
        %and3A_1946 = arith.andi %add3A_1942, %and3A_1945 : i32
        %swap3A_1947 = arith.index_cast %shift_right_arithmetic3A_1158 : i32 to index
        %swap3A_1948 = arith.index_cast %shift_right_arithmetic3A_1944 : i32 to index
        %swap3A_1949 = arith.index_cast %and3A_1946 : i32 to index
        %swap3A_1950 = arith.index_cast %mul3A_1168 : i32 to index
        %swap3A_1951 = tpu.vector_load %arg8[%swap3A_1947, %swap3A_1948, %swap3A_1949, %swap3A_1950] {strides = array<i32>} : memref<5x4x8x128xf32, #tpu.memory_space<vmem>>, vector<1x1x1x16xf32>,
        %swap3A_1952 = vector.shape_cast %swap3A_1951 : vector<1x1x1x16xf32> to vector<16xf32>
        %swap3A_1953 = vector.shape_cast %select_n3A_1812 : vector<16xf32> to vector<1x1x1x16xf32>
        tpu.vector_store %arg8[%swap3A_1947, %swap3A_1948, %swap3A_1949, %swap3A_1950], %swap3A_1953 {strides = array<i32>} : memref<5x4x8x128xf32, #tpu.memory_space<vmem>>, vector<1x1x1x16xf32>,
        %add3A_1954 = arith.constant 4 : i32
        %add3A_1955 = arith.addi %mul3A_1164, %add3A_1954 : i32
        %shift_right_arithmetic3A_1956 = arith.constant 3 : i32
        %shift_right_arithmetic3A_1957 = arith.shrsi %add3A_1955, %shift_right_arithmetic3A_1956 : i32
        %and3A_1958 = arith.constant 7 : i32
        %and3A_1959 = arith.andi %add3A_1955, %and3A_1958 : i32
        %swap3A_1960 = arith.index_cast %shift_right_arithmetic3A_1158 : i32 to index
        %swap3A_1961 = arith.index_cast %shift_right_arithmetic3A_1957 : i32 to index
        %swap3A_1962 = arith.index_cast %and3A_1959 : i32 to index
        %swap3A_1963 = arith.index_cast %mul3A_1168 : i32 to index
        %swap3A_1964 = tpu.vector_load %arg8[%swap3A_1960, %swap3A_1961, %swap3A_1962, %swap3A_1963] {strides = array<i32>} : memref<5x4x8x128xf32, #tpu.memory_space<vmem>>, vector<1x1x1x16xf32>,
        %swap3A_1965 = vector.shape_cast %swap3A_1964 : vector<1x1x1x16xf32> to vector<16xf32>
        %swap3A_1966 = vector.shape_cast %select_n3A_1832 : vector<16xf32> to vector<1x1x1x16xf32>
        tpu.vector_store %arg8[%swap3A_1960, %swap3A_1961, %swap3A_1962, %swap3A_1963], %swap3A_1966 {strides = array<i32>} : memref<5x4x8x128xf32, #tpu.memory_space<vmem>>, vector<1x1x1x16xf32>,
        %add3A_1967 = arith.constant 5 : i32
        %add3A_1968 = arith.addi %mul3A_1164, %add3A_1967 : i32
        %shift_right_arithmetic3A_1969 = arith.constant 3 : i32
        %shift_right_arithmetic3A_1970 = arith.shrsi %add3A_1968, %shift_right_arithmetic3A_1969 : i32
        %and3A_1971 = arith.constant 7 : i32
        %and3A_1972 = arith.andi %add3A_1968, %and3A_1971 : i32
        %swap3A_1973 = arith.index_cast %shift_right_arithmetic3A_1158 : i32 to index
        %swap3A_1974 = arith.index_cast %shift_right_arithmetic3A_1970 : i32 to index
        %swap3A_1975 = arith.index_cast %and3A_1972 : i32 to index
        %swap3A_1976 = arith.index_cast %mul3A_1168 : i32 to index
        %swap3A_1977 = tpu.vector_load %arg8[%swap3A_1973, %swap3A_1974, %swap3A_1975, %swap3A_1976] {strides = array<i32>} : memref<5x4x8x128xf32, #tpu.memory_space<vmem>>, vector<1x1x1x16xf32>,
        %swap3A_1978 = vector.shape_cast %swap3A_1977 : vector<1x1x1x16xf32> to vector<16xf32>
        %swap3A_1979 = vector.shape_cast %select_n3A_1852 : vector<16xf32> to vector<1x1x1x16xf32>
        tpu.vector_store %arg8[%swap3A_1973, %swap3A_1974, %swap3A_1975, %swap3A_1976], %swap3A_1979 {strides = array<i32>} : memref<5x4x8x128xf32, #tpu.memory_space<vmem>>, vector<1x1x1x16xf32>,
        %add3A_1980 = arith.constant 6 : i32
        %add3A_1981 = arith.addi %mul3A_1164, %add3A_1980 : i32
        %shift_right_arithmetic3A_1982 = arith.constant 3 : i32
        %shift_right_arithmetic3A_1983 = arith.shrsi %add3A_1981, %shift_right_arithmetic3A_1982 : i32
        %and3A_1984 = arith.constant 7 : i32
        %and3A_1985 = arith.andi %add3A_1981, %and3A_1984 : i32
        %swap3A_1986 = arith.index_cast %shift_right_arithmetic3A_1158 : i32 to index
        %swap3A_1987 = arith.index_cast %shift_right_arithmetic3A_1983 : i32 to index
        %swap3A_1988 = arith.index_cast %and3A_1985 : i32 to index
        %swap3A_1989 = arith.index_cast %mul3A_1168 : i32 to index
        %swap3A_1990 = tpu.vector_load %arg8[%swap3A_1986, %swap3A_1987, %swap3A_1988, %swap3A_1989] {strides = array<i32>} : memref<5x4x8x128xf32, #tpu.memory_space<vmem>>, vector<1x1x1x16xf32>,
        %swap3A_1991 = vector.shape_cast %swap3A_1990 : vector<1x1x1x16xf32> to vector<16xf32>
        %swap3A_1992 = vector.shape_cast %select_n3A_1872 : vector<16xf32> to vector<1x1x1x16xf32>
        tpu.vector_store %arg8[%swap3A_1986, %swap3A_1987, %swap3A_1988, %swap3A_1989], %swap3A_1992 {strides = array<i32>} : memref<5x4x8x128xf32, #tpu.memory_space<vmem>>, vector<1x1x1x16xf32>,
        %add3A_1993 = arith.constant 7 : i32
        %add3A_1994 = arith.addi %mul3A_1164, %add3A_1993 : i32
        %shift_right_arithmetic3A_1995 = arith.constant 3 : i32
        %shift_right_arithmetic3A_1996 = arith.shrsi %add3A_1994, %shift_right_arithmetic3A_1995 : i32
        %and3A_1997 = arith.constant 7 : i32
        %and3A_1998 = arith.andi %add3A_1994, %and3A_1997 : i32
        %swap3A_1999 = arith.index_cast %shift_right_arithmetic3A_1158 : i32 to index
        %swap3A_2000 = arith.index_cast %shift_right_arithmetic3A_1996 : i32 to index
        %swap3A_2001 = arith.index_cast %and3A_1998 : i32 to index
        %swap3A_2002 = arith.index_cast %mul3A_1168 : i32 to index
        %swap3A_2003 = tpu.vector_load %arg8[%swap3A_1999, %swap3A_2000, %swap3A_2001, %swap3A_2002] {strides = array<i32>} : memref<5x4x8x128xf32, #tpu.memory_space<vmem>>, vector<1x1x1x16xf32>,
        %swap3A_2004 = vector.shape_cast %swap3A_2003 : vector<1x1x1x16xf32> to vector<16xf32>
        %swap3A_2005 = vector.shape_cast %select_n3A_1892 : vector<16xf32> to vector<1x1x1x16xf32>
        tpu.vector_store %arg8[%swap3A_1999, %swap3A_2000, %swap3A_2001, %swap3A_2002], %swap3A_2005 {strides = array<i32>} : memref<5x4x8x128xf32, #tpu.memory_space<vmem>>, vector<1x1x1x16xf32>,
        %add3A_2006 = arith.constant 8 : i32
        %add3A_2007 = arith.addi %mul3A_1164, %add3A_2006 : i32
        %shift_right_arithmetic3A_2008 = arith.constant 3 : i32
        %shift_right_arithmetic3A_2009 = arith.shrsi %add3A_2007, %shift_right_arithmetic3A_2008 : i32
        %and3A_2010 = arith.constant 7 : i32
        %and3A_2011 = arith.andi %add3A_2007, %and3A_2010 : i32
        %swap3A_2012 = arith.index_cast %shift_right_arithmetic3A_1158 : i32 to index
        %swap3A_2013 = arith.index_cast %shift_right_arithmetic3A_2009 : i32 to index
        %swap3A_2014 = arith.index_cast %and3A_2011 : i32 to index
        %swap3A_2015 = arith.index_cast %mul3A_1168 : i32 to index
        %swap3A_2016 = tpu.vector_load %arg8[%swap3A_2012, %swap3A_2013, %swap3A_2014, %swap3A_2015] {strides = array<i32>} : memref<5x4x8x128xf32, #tpu.memory_space<vmem>>, vector<1x1x1x16xf32>,
        %swap3A_2017 = vector.shape_cast %swap3A_2016 : vector<1x1x1x16xf32> to vector<16xf32>
        %swap3A_2018 = vector.shape_cast %select_n3A_1762 : vector<16xf32> to vector<1x1x1x16xf32>
        tpu.vector_store %arg8[%swap3A_2012, %swap3A_2013, %swap3A_2014, %swap3A_2015], %swap3A_2018 {strides = array<i32>} : memref<5x4x8x128xf32, #tpu.memory_space<vmem>>, vector<1x1x1x16xf32>,
        %add3A_2019 = arith.constant 9 : i32
        %add3A_2020 = arith.addi %mul3A_1164, %add3A_2019 : i32
        %shift_right_arithmetic3A_2021 = arith.constant 3 : i32
        %shift_right_arithmetic3A_2022 = arith.shrsi %add3A_2020, %shift_right_arithmetic3A_2021 : i32
        %and3A_2023 = arith.constant 7 : i32
        %and3A_2024 = arith.andi %add3A_2020, %and3A_2023 : i32
        %swap3A_2025 = arith.index_cast %shift_right_arithmetic3A_1158 : i32 to index
        %swap3A_2026 = arith.index_cast %shift_right_arithmetic3A_2022 : i32 to index
        %swap3A_2027 = arith.index_cast %and3A_2024 : i32 to index
        %swap3A_2028 = arith.index_cast %mul3A_1168 : i32 to index
        %swap3A_2029 = tpu.vector_load %arg8[%swap3A_2025, %swap3A_2026, %swap3A_2027, %swap3A_2028] {strides = array<i32>} : memref<5x4x8x128xf32, #tpu.memory_space<vmem>>, vector<1x1x1x16xf32>,
        %swap3A_2030 = vector.shape_cast %swap3A_2029 : vector<1x1x1x16xf32> to vector<16xf32>
        %swap3A_2031 = vector.shape_cast %select_n3A_1782 : vector<16xf32> to vector<1x1x1x16xf32>
        tpu.vector_store %arg8[%swap3A_2025, %swap3A_2026, %swap3A_2027, %swap3A_2028], %swap3A_2031 {strides = array<i32>} : memref<5x4x8x128xf32, #tpu.memory_space<vmem>>, vector<1x1x1x16xf32>,
        %add3A_2032 = arith.constant 10 : i32
        %add3A_2033 = arith.addi %mul3A_1164, %add3A_2032 : i32
        %shift_right_arithmetic3A_2034 = arith.constant 3 : i32
        %shift_right_arithmetic3A_2035 = arith.shrsi %add3A_2033, %shift_right_arithmetic3A_2034 : i32
        %and3A_2036 = arith.constant 7 : i32
        %and3A_2037 = arith.andi %add3A_2033, %and3A_2036 : i32
        %swap3A_2038 = arith.index_cast %shift_right_arithmetic3A_1158 : i32 to index
        %swap3A_2039 = arith.index_cast %shift_right_arithmetic3A_2035 : i32 to index
        %swap3A_2040 = arith.index_cast %and3A_2037 : i32 to index
        %swap3A_2041 = arith.index_cast %mul3A_1168 : i32 to index
        %swap3A_2042 = tpu.vector_load %arg8[%swap3A_2038, %swap3A_2039, %swap3A_2040, %swap3A_2041] {strides = array<i32>} : memref<5x4x8x128xf32, #tpu.memory_space<vmem>>, vector<1x1x1x16xf32>,
        %swap3A_2043 = vector.shape_cast %swap3A_2042 : vector<1x1x1x16xf32> to vector<16xf32>
        %swap3A_2044 = vector.shape_cast %select_n3A_1802 : vector<16xf32> to vector<1x1x1x16xf32>
        tpu.vector_store %arg8[%swap3A_2038, %swap3A_2039, %swap3A_2040, %swap3A_2041], %swap3A_2044 {strides = array<i32>} : memref<5x4x8x128xf32, #tpu.memory_space<vmem>>, vector<1x1x1x16xf32>,
        %add3A_2045 = arith.constant 11 : i32
        %add3A_2046 = arith.addi %mul3A_1164, %add3A_2045 : i32
        %shift_right_arithmetic3A_2047 = arith.constant 3 : i32
        %shift_right_arithmetic3A_2048 = arith.shrsi %add3A_2046, %shift_right_arithmetic3A_2047 : i32
        %and3A_2049 = arith.constant 7 : i32
        %and3A_2050 = arith.andi %add3A_2046, %and3A_2049 : i32
        %swap3A_2051 = arith.index_cast %shift_right_arithmetic3A_1158 : i32 to index
        %swap3A_2052 = arith.index_cast %shift_right_arithmetic3A_2048 : i32 to index
        %swap3A_2053 = arith.index_cast %and3A_2050 : i32 to index
        %swap3A_2054 = arith.index_cast %mul3A_1168 : i32 to index
        %swap3A_2055 = tpu.vector_load %arg8[%swap3A_2051, %swap3A_2052, %swap3A_2053, %swap3A_2054] {strides = array<i32>} : memref<5x4x8x128xf32, #tpu.memory_space<vmem>>, vector<1x1x1x16xf32>,
        %swap3A_2056 = vector.shape_cast %swap3A_2055 : vector<1x1x1x16xf32> to vector<16xf32>
        %swap3A_2057 = vector.shape_cast %select_n3A_1822 : vector<16xf32> to vector<1x1x1x16xf32>
        tpu.vector_store %arg8[%swap3A_2051, %swap3A_2052, %swap3A_2053, %swap3A_2054], %swap3A_2057 {strides = array<i32>} : memref<5x4x8x128xf32, #tpu.memory_space<vmem>>, vector<1x1x1x16xf32>,
        %add3A_2058 = arith.constant 12 : i32
        %add3A_2059 = arith.addi %mul3A_1164, %add3A_2058 : i32
        %shift_right_arithmetic3A_2060 = arith.constant 3 : i32
        %shift_right_arithmetic3A_2061 = arith.shrsi %add3A_2059, %shift_right_arithmetic3A_2060 : i32
        %and3A_2062 = arith.constant 7 : i32
        %and3A_2063 = arith.andi %add3A_2059, %and3A_2062 : i32
        %swap3A_2064 = arith.index_cast %shift_right_arithmetic3A_1158 : i32 to index
        %swap3A_2065 = arith.index_cast %shift_right_arithmetic3A_2061 : i32 to index
        %swap3A_2066 = arith.index_cast %and3A_2063 : i32 to index
        %swap3A_2067 = arith.index_cast %mul3A_1168 : i32 to index
        %swap3A_2068 = tpu.vector_load %arg8[%swap3A_2064, %swap3A_2065, %swap3A_2066, %swap3A_2067] {strides = array<i32>} : memref<5x4x8x128xf32, #tpu.memory_space<vmem>>, vector<1x1x1x16xf32>,
        %swap3A_2069 = vector.shape_cast %swap3A_2068 : vector<1x1x1x16xf32> to vector<16xf32>
        %swap3A_2070 = vector.shape_cast %select_n3A_1842 : vector<16xf32> to vector<1x1x1x16xf32>
        tpu.vector_store %arg8[%swap3A_2064, %swap3A_2065, %swap3A_2066, %swap3A_2067], %swap3A_2070 {strides = array<i32>} : memref<5x4x8x128xf32, #tpu.memory_space<vmem>>, vector<1x1x1x16xf32>,
        %add3A_2071 = arith.constant 13 : i32
        %add3A_2072 = arith.addi %mul3A_1164, %add3A_2071 : i32
        %shift_right_arithmetic3A_2073 = arith.constant 3 : i32
        %shift_right_arithmetic3A_2074 = arith.shrsi %add3A_2072, %shift_right_arithmetic3A_2073 : i32
        %and3A_2075 = arith.constant 7 : i32
        %and3A_2076 = arith.andi %add3A_2072, %and3A_2075 : i32
        %swap3A_2077 = arith.index_cast %shift_right_arithmetic3A_1158 : i32 to index
        %swap3A_2078 = arith.index_cast %shift_right_arithmetic3A_2074 : i32 to index
        %swap3A_2079 = arith.index_cast %and3A_2076 : i32 to index
        %swap3A_2080 = arith.index_cast %mul3A_1168 : i32 to index
        %swap3A_2081 = tpu.vector_load %arg8[%swap3A_2077, %swap3A_2078, %swap3A_2079, %swap3A_2080] {strides = array<i32>} : memref<5x4x8x128xf32, #tpu.memory_space<vmem>>, vector<1x1x1x16xf32>,
        %swap3A_2082 = vector.shape_cast %swap3A_2081 : vector<1x1x1x16xf32> to vector<16xf32>
        %swap3A_2083 = vector.shape_cast %select_n3A_1862 : vector<16xf32> to vector<1x1x1x16xf32>
        tpu.vector_store %arg8[%swap3A_2077, %swap3A_2078, %swap3A_2079, %swap3A_2080], %swap3A_2083 {strides = array<i32>} : memref<5x4x8x128xf32, #tpu.memory_space<vmem>>, vector<1x1x1x16xf32>,
        %add3A_2084 = arith.constant 14 : i32
        %add3A_2085 = arith.addi %mul3A_1164, %add3A_2084 : i32
        %shift_right_arithmetic3A_2086 = arith.constant 3 : i32
        %shift_right_arithmetic3A_2087 = arith.shrsi %add3A_2085, %shift_right_arithmetic3A_2086 : i32
        %and3A_2088 = arith.constant 7 : i32
        %and3A_2089 = arith.andi %add3A_2085, %and3A_2088 : i32
        %swap3A_2090 = arith.index_cast %shift_right_arithmetic3A_1158 : i32 to index
        %swap3A_2091 = arith.index_cast %shift_right_arithmetic3A_2087 : i32 to index
        %swap3A_2092 = arith.index_cast %and3A_2089 : i32 to index
        %swap3A_2093 = arith.index_cast %mul3A_1168 : i32 to index
        %swap3A_2094 = tpu.vector_load %arg8[%swap3A_2090, %swap3A_2091, %swap3A_2092, %swap3A_2093] {strides = array<i32>} : memref<5x4x8x128xf32, #tpu.memory_space<vmem>>, vector<1x1x1x16xf32>,
        %swap3A_2095 = vector.shape_cast %swap3A_2094 : vector<1x1x1x16xf32> to vector<16xf32>
        %swap3A_2096 = vector.shape_cast %select_n3A_1882 : vector<16xf32> to vector<1x1x1x16xf32>
        tpu.vector_store %arg8[%swap3A_2090, %swap3A_2091, %swap3A_2092, %swap3A_2093], %swap3A_2096 {strides = array<i32>} : memref<5x4x8x128xf32, #tpu.memory_space<vmem>>, vector<1x1x1x16xf32>,
        %add3A_2097 = arith.constant 15 : i32
        %add3A_2098 = arith.addi %mul3A_1164, %add3A_2097 : i32
        %shift_right_arithmetic3A_2099 = arith.constant 3 : i32
        %shift_right_arithmetic3A_2100 = arith.shrsi %add3A_2098, %shift_right_arithmetic3A_2099 : i32
        %and3A_2101 = arith.constant 7 : i32
        %and3A_2102 = arith.andi %add3A_2098, %and3A_2101 : i32
        %swap3A_2103 = arith.index_cast %shift_right_arithmetic3A_1158 : i32 to index
        %swap3A_2104 = arith.index_cast %shift_right_arithmetic3A_2100 : i32 to index
        %swap3A_2105 = arith.index_cast %and3A_2102 : i32 to index
        %swap3A_2106 = arith.index_cast %mul3A_1168 : i32 to index
        %swap3A_2107 = tpu.vector_load %arg8[%swap3A_2103, %swap3A_2104, %swap3A_2105, %swap3A_2106] {strides = array<i32>} : memref<5x4x8x128xf32, #tpu.memory_space<vmem>>, vector<1x1x1x16xf32>,
        %swap3A_2108 = vector.shape_cast %swap3A_2107 : vector<1x1x1x16xf32> to vector<16xf32>
        %swap3A_2109 = vector.shape_cast %select_n3A_1902 : vector<16xf32> to vector<1x1x1x16xf32>
        tpu.vector_store %arg8[%swap3A_2103, %swap3A_2104, %swap3A_2105, %swap3A_2106], %swap3A_2109 {strides = array<i32>} : memref<5x4x8x128xf32, #tpu.memory_space<vmem>>, vector<1x1x1x16xf32>,
      }
      %scan3A_1060 = arith.constant 80 : i32
      %scan3A_1061 = arith.constant 0 : i32
      %scan3A_1062 = arith.constant 0 : i32
      %scan3A_1063 = arith.constant 5 : i32
      %scan3A_1064 = arith.addi %scan3A_1062, %scan3A_1063 : i32
      %scan3A_1065 = arith.constant 1 : i32
      scf.for %scan3A_1157 = %scan3A_1062 to %scan3A_1064 step %scan3A_1065  : i32 {
        %mul3A_1158 = arith.constant 5 : i32
        %mul3A_1159 = arith.muli %mul3A_920, %mul3A_1158 : i32
        %add3A_1160 = arith.addi %mul3A_1159, %scan3A_1157 : i32
        %dma_start3A_1161 = arith.constant 0 : i32
        %dma_start3A_1162 = arith.constant 0 : i32
        %dma_start3A_1163 = arith.constant 0 : i32
        %dma_start3A_1164 = arith.constant 0 : i32
        %dma_start3A_1165 = tpu.memref_slice %arg8[%scan3A_1157, %dma_start3A_1161, %dma_start3A_1163, %dma_start3A_1164] : memref<5x4x8x128xf32, #tpu.memory_space<vmem>> -> memref<1x1x8x128xf32, #tpu.memory_space<vmem>>
        %dma_start3A_1166 = tpu.memref_squeeze %dma_start3A_1165 : memref<1x1x8x128xf32, #tpu.memory_space<vmem>> -> memref<8x128xf32, #tpu.memory_space<vmem>>
        %dma_start3A_1167 = arith.constant 0 : i32
        %dma_start3A_1168 = arith.constant 0 : i32
        %dma_start3A_1169 = tpu.memref_slice %arg4[%add3A_1160, %dma_start3A_1162, %add3A, %dma_start3A_1167, %dma_start3A_1168] : memref<50x4x32x8x128xf32, #tpu.memory_space<hbm>> -> memref<1x1x1x8x128xf32, #tpu.memory_space<hbm>>
        %dma_start3A_1170 = tpu.memref_squeeze %dma_start3A_1169 : memref<1x1x1x8x128xf32, #tpu.memory_space<hbm>> -> memref<8x128xf32, #tpu.memory_space<hbm>>
        %dma_start3A_1171 = arith.constant 0 : i32
        %dma_start3A_1172 = arith.constant 0 : i32
        %dma_start3A_1173 = tpu.memref_slice %arg4[%add3A_1160, %dma_start3A_1162, %add3A, %dma_start3A_1171, %dma_start3A_1172] : memref<50x4x32x8x128xf32, #tpu.memory_space<hbm>> -> memref<1x1x1x8x128xf32, #tpu.memory_space<hbm>>
        %dma_start3A_1174 = tpu.memref_squeeze %dma_start3A_1173 : memref<1x1x1x8x128xf32, #tpu.memory_space<hbm>> -> memref<8x128xf32, #tpu.memory_space<hbm>>
        %dma_start3A_1175 = arith.constant 0 : i32
        %dma_start3A_1176 = arith.constant 0 : i32
        %dma_start3A_1177 = tpu.memref_slice %arg8[%scan3A_1157, %dma_start3A_1161, %dma_start3A_1175, %dma_start3A_1176] : memref<5x4x8x128xf32, #tpu.memory_space<vmem>> -> memref<1x1x8x128xf32, #tpu.memory_space<vmem>>
        %dma_start3A_1178 = tpu.memref_squeeze %dma_start3A_1177 : memref<1x1x8x128xf32, #tpu.memory_space<vmem>> -> memref<8x128xf32, #tpu.memory_space<vmem>>
        tpu.enqueue_dma source(%dma_start3A_1178 : memref<8x128xf32, #tpu.memory_space<vmem>>) target(%dma_start3A_1174 : memref<8x128xf32, #tpu.memory_space<hbm>>) target_semaphore(%arg12 : memref<!tpu.dma_semaphore, #tpu.memory_space<semaphore_mem>>)
        %dma_start3A_1179 = arith.constant 1 : i32
        %dma_start3A_1180 = arith.constant 1 : i32
        %dma_start3A_1181 = arith.constant 0 : i32
        %dma_start3A_1182 = arith.constant 0 : i32
        %dma_start3A_1183 = tpu.memref_slice %arg8[%scan3A_1157, %dma_start3A_1179, %dma_start3A_1181, %dma_start3A_1182] : memref<5x4x8x128xf32, #tpu.memory_space<vmem>> -> memref<1x1x8x128xf32, #tpu.memory_space<vmem>>
        %dma_start3A_1184 = tpu.memref_squeeze %dma_start3A_1183 : memref<1x1x8x128xf32, #tpu.memory_space<vmem>> -> memref<8x128xf32, #tpu.memory_space<vmem>>
        %dma_start3A_1185 = arith.constant 0 : i32
        %dma_start3A_1186 = arith.constant 0 : i32
        %dma_start3A_1187 = tpu.memref_slice %arg4[%add3A_1160, %dma_start3A_1180, %add3A, %dma_start3A_1185, %dma_start3A_1186] : memref<50x4x32x8x128xf32, #tpu.memory_space<hbm>> -> memref<1x1x1x8x128xf32, #tpu.memory_space<hbm>>
        %dma_start3A_1188 = tpu.memref_squeeze %dma_start3A_1187 : memref<1x1x1x8x128xf32, #tpu.memory_space<hbm>> -> memref<8x128xf32, #tpu.memory_space<hbm>>
        %dma_start3A_1189 = arith.constant 0 : i32
        %dma_start3A_1190 = arith.constant 0 : i32
        %dma_start3A_1191 = tpu.memref_slice %arg4[%add3A_1160, %dma_start3A_1180, %add3A, %dma_start3A_1189, %dma_start3A_1190] : memref<50x4x32x8x128xf32, #tpu.memory_space<hbm>> -> memref<1x1x1x8x128xf32, #tpu.memory_space<hbm>>
        %dma_start3A_1192 = tpu.memref_squeeze %dma_start3A_1191 : memref<1x1x1x8x128xf32, #tpu.memory_space<hbm>> -> memref<8x128xf32, #tpu.memory_space<hbm>>
        %dma_start3A_1193 = arith.constant 0 : i32
        %dma_start3A_1194 = arith.constant 0 : i32
        %dma_start3A_1195 = tpu.memref_slice %arg8[%scan3A_1157, %dma_start3A_1179, %dma_start3A_1193, %dma_start3A_1194] : memref<5x4x8x128xf32, #tpu.memory_space<vmem>> -> memref<1x1x8x128xf32, #tpu.memory_space<vmem>>
        %dma_start3A_1196 = tpu.memref_squeeze %dma_start3A_1195 : memref<1x1x8x128xf32, #tpu.memory_space<vmem>> -> memref<8x128xf32, #tpu.memory_space<vmem>>
        tpu.enqueue_dma source(%dma_start3A_1196 : memref<8x128xf32, #tpu.memory_space<vmem>>) target(%dma_start3A_1192 : memref<8x128xf32, #tpu.memory_space<hbm>>) target_semaphore(%arg12 : memref<!tpu.dma_semaphore, #tpu.memory_space<semaphore_mem>>)
        %dma_start3A_1197 = arith.constant 2 : i32
        %dma_start3A_1198 = arith.constant 2 : i32
        %dma_start3A_1199 = arith.constant 0 : i32
        %dma_start3A_1200 = arith.constant 0 : i32
        %dma_start3A_1201 = tpu.memref_slice %arg8[%scan3A_1157, %dma_start3A_1197, %dma_start3A_1199, %dma_start3A_1200] : memref<5x4x8x128xf32, #tpu.memory_space<vmem>> -> memref<1x1x8x128xf32, #tpu.memory_space<vmem>>
        %dma_start3A_1202 = tpu.memref_squeeze %dma_start3A_1201 : memref<1x1x8x128xf32, #tpu.memory_space<vmem>> -> memref<8x128xf32, #tpu.memory_space<vmem>>
        %dma_start3A_1203 = arith.constant 0 : i32
        %dma_start3A_1204 = arith.constant 0 : i32
        %dma_start3A_1205 = tpu.memref_slice %arg4[%add3A_1160, %dma_start3A_1198, %add3A, %dma_start3A_1203, %dma_start3A_1204] : memref<50x4x32x8x128xf32, #tpu.memory_space<hbm>> -> memref<1x1x1x8x128xf32, #tpu.memory_space<hbm>>
        %dma_start3A_1206 = tpu.memref_squeeze %dma_start3A_1205 : memref<1x1x1x8x128xf32, #tpu.memory_space<hbm>> -> memref<8x128xf32, #tpu.memory_space<hbm>>
        %dma_start3A_1207 = arith.constant 0 : i32
        %dma_start3A_1208 = arith.constant 0 : i32
        %dma_start3A_1209 = tpu.memref_slice %arg4[%add3A_1160, %dma_start3A_1198, %add3A, %dma_start3A_1207, %dma_start3A_1208] : memref<50x4x32x8x128xf32, #tpu.memory_space<hbm>> -> memref<1x1x1x8x128xf32, #tpu.memory_space<hbm>>
        %dma_start3A_1210 = tpu.memref_squeeze %dma_start3A_1209 : memref<1x1x1x8x128xf32, #tpu.memory_space<hbm>> -> memref<8x128xf32, #tpu.memory_space<hbm>>
        %dma_start3A_1211 = arith.constant 0 : i32
        %dma_start3A_1212 = arith.constant 0 : i32
        %dma_start3A_1213 = tpu.memref_slice %arg8[%scan3A_1157, %dma_start3A_1197, %dma_start3A_1211, %dma_start3A_1212] : memref<5x4x8x128xf32, #tpu.memory_space<vmem>> -> memref<1x1x8x128xf32, #tpu.memory_space<vmem>>
        %dma_start3A_1214 = tpu.memref_squeeze %dma_start3A_1213 : memref<1x1x8x128xf32, #tpu.memory_space<vmem>> -> memref<8x128xf32, #tpu.memory_space<vmem>>
        tpu.enqueue_dma source(%dma_start3A_1214 : memref<8x128xf32, #tpu.memory_space<vmem>>) target(%dma_start3A_1210 : memref<8x128xf32, #tpu.memory_space<hbm>>) target_semaphore(%arg12 : memref<!tpu.dma_semaphore, #tpu.memory_space<semaphore_mem>>)
        %dma_start3A_1215 = arith.constant 3 : i32
        %dma_start3A_1216 = arith.constant 3 : i32
        %dma_start3A_1217 = arith.constant 0 : i32
        %dma_start3A_1218 = arith.constant 0 : i32
        %dma_start3A_1219 = tpu.memref_slice %arg8[%scan3A_1157, %dma_start3A_1215, %dma_start3A_1217, %dma_start3A_1218] : memref<5x4x8x128xf32, #tpu.memory_space<vmem>> -> memref<1x1x8x128xf32, #tpu.memory_space<vmem>>
        %dma_start3A_1220 = tpu.memref_squeeze %dma_start3A_1219 : memref<1x1x8x128xf32, #tpu.memory_space<vmem>> -> memref<8x128xf32, #tpu.memory_space<vmem>>
        %dma_start3A_1221 = arith.constant 0 : i32
        %dma_start3A_1222 = arith.constant 0 : i32
        %dma_start3A_1223 = tpu.memref_slice %arg4[%add3A_1160, %dma_start3A_1216, %add3A, %dma_start3A_1221, %dma_start3A_1222] : memref<50x4x32x8x128xf32, #tpu.memory_space<hbm>> -> memref<1x1x1x8x128xf32, #tpu.memory_space<hbm>>
        %dma_start3A_1224 = tpu.memref_squeeze %dma_start3A_1223 : memref<1x1x1x8x128xf32, #tpu.memory_space<hbm>> -> memref<8x128xf32, #tpu.memory_space<hbm>>
        %dma_start3A_1225 = arith.constant 0 : i32
        %dma_start3A_1226 = arith.constant 0 : i32
        %dma_start3A_1227 = tpu.memref_slice %arg4[%add3A_1160, %dma_start3A_1216, %add3A, %dma_start3A_1225, %dma_start3A_1226] : memref<50x4x32x8x128xf32, #tpu.memory_space<hbm>> -> memref<1x1x1x8x128xf32, #tpu.memory_space<hbm>>
        %dma_start3A_1228 = tpu.memref_squeeze %dma_start3A_1227 : memref<1x1x1x8x128xf32, #tpu.memory_space<hbm>> -> memref<8x128xf32, #tpu.memory_space<hbm>>
        %dma_start3A_1229 = arith.constant 0 : i32
        %dma_start3A_1230 = arith.constant 0 : i32
        %dma_start3A_1231 = tpu.memref_slice %arg8[%scan3A_1157, %dma_start3A_1215, %dma_start3A_1229, %dma_start3A_1230] : memref<5x4x8x128xf32, #tpu.memory_space<vmem>> -> memref<1x1x8x128xf32, #tpu.memory_space<vmem>>
        %dma_start3A_1232 = tpu.memref_squeeze %dma_start3A_1231 : memref<1x1x8x128xf32, #tpu.memory_space<vmem>> -> memref<8x128xf32, #tpu.memory_space<vmem>>
        tpu.enqueue_dma source(%dma_start3A_1232 : memref<8x128xf32, #tpu.memory_space<vmem>>) target(%dma_start3A_1228 : memref<8x128xf32, #tpu.memory_space<hbm>>) target_semaphore(%arg12 : memref<!tpu.dma_semaphore, #tpu.memory_space<semaphore_mem>>)
      }
      %scan3A_1066 = arith.constant 5 : i32
      %lt3A = arith.constant 4 : i32
      %lt3A_1067 = arith.cmpi slt, %scan3A_918, %lt3A : i32
      %convert_element_type3A_1068 = arith.extui %lt3A_1067 : i1 to i32
      %cond3A_1069 = arith.constant 0 : i32
      %cond3A_1070 = arith.cmpi ne, %convert_element_type3A_1068, %cond3A_1069 : i32
      scf.if %cond3A_1070 {
        %add3A_1157 = arith.constant 2 : i32
        %add3A_1158 = arith.addi %mul3A_920, %add3A_1157 : i32
        %mul3A_1159 = arith.constant 5 : i32
        %mul3A_1160 = arith.muli %add3A_1158, %mul3A_1159 : i32
        %add3A_1161 = arith.constant 0 : i32
        %add3A_1162 = arith.addi %mul3A_1160, %add3A_1161 : i32
        %dma_start3A_1163 = arith.constant 0 : i32
        %dma_start3A_1164 = arith.constant 0 : i32
        %dma_start3A_1165 = tpu.memref_slice %arg6[%dma_start3A_1163, %dma_start3A_1164] : memref<640x32xf32, #tpu.memory_space<vmem>> -> memref<128x32xf32, #tpu.memory_space<vmem>>
        %dma_start3A_1166 = arith.constant 0 : i32
        %dma_start3A_1167 = tpu.memref_slice %arg5[%add3A_1162, %dma_start3A_1166] : memref<50x128xi32, #tpu.memory_space<vmem>> -> memref<1x128xi32, #tpu.memory_space<vmem>>
        %dma_start3A_1168 = tpu.memref_squeeze %dma_start3A_1167 : memref<1x128xi32, #tpu.memory_space<vmem>> -> memref<128xi32, #tpu.memory_space<vmem>>
        %dma_start3A_1169 = arith.constant 0 : i32
        %dma_start3A_1170 = arith.constant 0 : i32
        %dma_start3A_1171 = tpu.memref_slice %arg2[%dma_start3A_1169, %dma_start3A_1170] : memref<1007616x32xf32, #tpu.memory_space<hbm>> -> memref<1007616x32xf32, #tpu.memory_space<hbm>>
        tpu.enqueue_indirect_dma source(%dma_start3A_1171 : memref<1007616x32xf32, #tpu.memory_space<hbm>>) target(%dma_start3A_1165 : memref<128x32xf32, #tpu.memory_space<vmem>>) offsets(%dma_start3A_1168 : memref<128xi32, #tpu.memory_space<vmem>>) semaphore(%arg10 : memref<!tpu.dma_semaphore, #tpu.memory_space<semaphore_mem>>)
        %mul3A_1172 = arith.constant 5 : i32
        %mul3A_1173 = arith.muli %add3A_1158, %mul3A_1172 : i32
        %add3A_1174 = arith.constant 1 : i32
        %add3A_1175 = arith.addi %mul3A_1173, %add3A_1174 : i32
        %dma_start3A_1176 = arith.constant 128 : i32
        %dma_start3A_1177 = arith.constant 0 : i32
        %dma_start3A_1178 = tpu.memref_slice %arg6[%dma_start3A_1176, %dma_start3A_1177] : memref<640x32xf32, #tpu.memory_space<vmem>> -> memref<128x32xf32, #tpu.memory_space<vmem>>
        %dma_start3A_1179 = arith.constant 0 : i32
        %dma_start3A_1180 = tpu.memref_slice %arg5[%add3A_1175, %dma_start3A_1179] : memref<50x128xi32, #tpu.memory_space<vmem>> -> memref<1x128xi32, #tpu.memory_space<vmem>>
        %dma_start3A_1181 = tpu.memref_squeeze %dma_start3A_1180 : memref<1x128xi32, #tpu.memory_space<vmem>> -> memref<128xi32, #tpu.memory_space<vmem>>
        %dma_start3A_1182 = arith.constant 0 : i32
        %dma_start3A_1183 = arith.constant 0 : i32
        %dma_start3A_1184 = tpu.memref_slice %arg2[%dma_start3A_1182, %dma_start3A_1183] : memref<1007616x32xf32, #tpu.memory_space<hbm>> -> memref<1007616x32xf32, #tpu.memory_space<hbm>>
        tpu.enqueue_indirect_dma source(%dma_start3A_1184 : memref<1007616x32xf32, #tpu.memory_space<hbm>>) target(%dma_start3A_1178 : memref<128x32xf32, #tpu.memory_space<vmem>>) offsets(%dma_start3A_1181 : memref<128xi32, #tpu.memory_space<vmem>>) semaphore(%arg10 : memref<!tpu.dma_semaphore, #tpu.memory_space<semaphore_mem>>)
        %mul3A_1185 = arith.constant 5 : i32
        %mul3A_1186 = arith.muli %add3A_1158, %mul3A_1185 : i32
        %add3A_1187 = arith.constant 2 : i32
        %add3A_1188 = arith.addi %mul3A_1186, %add3A_1187 : i32
        %dma_start3A_1189 = arith.constant 256 : i32
        %dma_start3A_1190 = arith.constant 0 : i32
        %dma_start3A_1191 = tpu.memref_slice %arg6[%dma_start3A_1189, %dma_start3A_1190] : memref<640x32xf32, #tpu.memory_space<vmem>> -> memref<128x32xf32, #tpu.memory_space<vmem>>
        %dma_start3A_1192 = arith.constant 0 : i32
        %dma_start3A_1193 = tpu.memref_slice %arg5[%add3A_1188, %dma_start3A_1192] : memref<50x128xi32, #tpu.memory_space<vmem>> -> memref<1x128xi32, #tpu.memory_space<vmem>>
        %dma_start3A_1194 = tpu.memref_squeeze %dma_start3A_1193 : memref<1x128xi32, #tpu.memory_space<vmem>> -> memref<128xi32, #tpu.memory_space<vmem>>
        %dma_start3A_1195 = arith.constant 0 : i32
        %dma_start3A_1196 = arith.constant 0 : i32
        %dma_start3A_1197 = tpu.memref_slice %arg2[%dma_start3A_1195, %dma_start3A_1196] : memref<1007616x32xf32, #tpu.memory_space<hbm>> -> memref<1007616x32xf32, #tpu.memory_space<hbm>>
        tpu.enqueue_indirect_dma source(%dma_start3A_1197 : memref<1007616x32xf32, #tpu.memory_space<hbm>>) target(%dma_start3A_1191 : memref<128x32xf32, #tpu.memory_space<vmem>>) offsets(%dma_start3A_1194 : memref<128xi32, #tpu.memory_space<vmem>>) semaphore(%arg10 : memref<!tpu.dma_semaphore, #tpu.memory_space<semaphore_mem>>)
        %mul3A_1198 = arith.constant 5 : i32
        %mul3A_1199 = arith.muli %add3A_1158, %mul3A_1198 : i32
        %add3A_1200 = arith.constant 3 : i32
        %add3A_1201 = arith.addi %mul3A_1199, %add3A_1200 : i32
        %dma_start3A_1202 = arith.constant 384 : i32
        %dma_start3A_1203 = arith.constant 0 : i32
        %dma_start3A_1204 = tpu.memref_slice %arg6[%dma_start3A_1202, %dma_start3A_1203] : memref<640x32xf32, #tpu.memory_space<vmem>> -> memref<128x32xf32, #tpu.memory_space<vmem>>
        %dma_start3A_1205 = arith.constant 0 : i32
        %dma_start3A_1206 = tpu.memref_slice %arg5[%add3A_1201, %dma_start3A_1205] : memref<50x128xi32, #tpu.memory_space<vmem>> -> memref<1x128xi32, #tpu.memory_space<vmem>>
        %dma_start3A_1207 = tpu.memref_squeeze %dma_start3A_1206 : memref<1x128xi32, #tpu.memory_space<vmem>> -> memref<128xi32, #tpu.memory_space<vmem>>
        %dma_start3A_1208 = arith.constant 0 : i32
        %dma_start3A_1209 = arith.constant 0 : i32
        %dma_start3A_1210 = tpu.memref_slice %arg2[%dma_start3A_1208, %dma_start3A_1209] : memref<1007616x32xf32, #tpu.memory_space<hbm>> -> memref<1007616x32xf32, #tpu.memory_space<hbm>>
        tpu.enqueue_indirect_dma source(%dma_start3A_1210 : memref<1007616x32xf32, #tpu.memory_space<hbm>>) target(%dma_start3A_1204 : memref<128x32xf32, #tpu.memory_space<vmem>>) offsets(%dma_start3A_1207 : memref<128xi32, #tpu.memory_space<vmem>>) semaphore(%arg10 : memref<!tpu.dma_semaphore, #tpu.memory_space<semaphore_mem>>)
        %mul3A_1211 = arith.constant 5 : i32
        %mul3A_1212 = arith.muli %add3A_1158, %mul3A_1211 : i32
        %add3A_1213 = arith.constant 4 : i32
        %add3A_1214 = arith.addi %mul3A_1212, %add3A_1213 : i32
        %dma_start3A_1215 = arith.constant 512 : i32
        %dma_start3A_1216 = arith.constant 0 : i32
        %dma_start3A_1217 = tpu.memref_slice %arg6[%dma_start3A_1215, %dma_start3A_1216] : memref<640x32xf32, #tpu.memory_space<vmem>> -> memref<128x32xf32, #tpu.memory_space<vmem>>
        %dma_start3A_1218 = arith.constant 0 : i32
        %dma_start3A_1219 = tpu.memref_slice %arg5[%add3A_1214, %dma_start3A_1218] : memref<50x128xi32, #tpu.memory_space<vmem>> -> memref<1x128xi32, #tpu.memory_space<vmem>>
        %dma_start3A_1220 = tpu.memref_squeeze %dma_start3A_1219 : memref<1x128xi32, #tpu.memory_space<vmem>> -> memref<128xi32, #tpu.memory_space<vmem>>
        %dma_start3A_1221 = arith.constant 0 : i32
        %dma_start3A_1222 = arith.constant 0 : i32
        %dma_start3A_1223 = tpu.memref_slice %arg2[%dma_start3A_1221, %dma_start3A_1222] : memref<1007616x32xf32, #tpu.memory_space<hbm>> -> memref<1007616x32xf32, #tpu.memory_space<hbm>>
        tpu.enqueue_indirect_dma source(%dma_start3A_1223 : memref<1007616x32xf32, #tpu.memory_space<hbm>>) target(%dma_start3A_1217 : memref<128x32xf32, #tpu.memory_space<vmem>>) offsets(%dma_start3A_1220 : memref<128xi32, #tpu.memory_space<vmem>>) semaphore(%arg10 : memref<!tpu.dma_semaphore, #tpu.memory_space<semaphore_mem>>)
      } else {
      }
      %add3A_1071 = arith.constant 1 : i32
      %add3A_1072 = arith.addi %mul3A_920, %add3A_1071 : i32
      %mul3A_1073 = arith.constant 5 : i32
      %mul3A_1074 = arith.muli %add3A_1072, %mul3A_1073 : i32
      %add3A_1075 = arith.constant 0 : i32
      %add3A_1076 = arith.addi %mul3A_1074, %add3A_1075 : i32
      %dma_wait3A_1077 = arith.constant 0 : i32
      %dma_wait3A_1078 = arith.constant 0 : i32
      %dma_wait3A_1079 = tpu.memref_slice %arg7[%dma_wait3A_1077, %dma_wait3A_1078] : memref<640x32xf32, #tpu.memory_space<vmem>> -> memref<128x32xf32, #tpu.memory_space<vmem>>
      %dma_wait3A_1080 = arith.constant 0 : i32
      %dma_wait3A_1081 = tpu.memref_slice %arg5[%add3A_1076, %dma_wait3A_1080] : memref<50x128xi32, #tpu.memory_space<vmem>> -> memref<1x128xi32, #tpu.memory_space<vmem>>
      %dma_wait3A_1082 = tpu.memref_squeeze %dma_wait3A_1081 : memref<1x128xi32, #tpu.memory_space<vmem>> -> memref<128xi32, #tpu.memory_space<vmem>>
      %dma_wait3A_1083 = arith.constant 0 : i32
      %dma_wait3A_1084 = arith.constant 0 : i32
      %dma_wait3A_1085 = tpu.memref_slice %arg2[%dma_wait3A_1083, %dma_wait3A_1084] : memref<1007616x32xf32, #tpu.memory_space<hbm>> -> memref<1007616x32xf32, #tpu.memory_space<hbm>>
      tpu.wait_indirect_dma semaphore(%arg11 : memref<!tpu.dma_semaphore, #tpu.memory_space<semaphore_mem>>) src(%dma_wait3A_1085 : memref<1007616x32xf32, #tpu.memory_space<hbm>>) dst(%dma_wait3A_1079 : memref<128x32xf32, #tpu.memory_space<vmem>>)
      %mul3A_1086 = arith.constant 5 : i32
      %mul3A_1087 = arith.muli %add3A_1072, %mul3A_1086 : i32
      %add3A_1088 = arith.constant 1 : i32
      %add3A_1089 = arith.addi %mul3A_1087, %add3A_1088 : i32
      %dma_wait3A_1090 = arith.constant 128 : i32
      %dma_wait3A_1091 = arith.constant 0 : i32
      %dma_wait3A_1092 = tpu.memref_slice %arg7[%dma_wait3A_1090, %dma_wait3A_1091] : memref<640x32xf32, #tpu.memory_space<vmem>> -> memref<128x32xf32, #tpu.memory_space<vmem>>
      %dma_wait3A_1093 = arith.constant 0 : i32
      %dma_wait3A_1094 = tpu.memref_slice %arg5[%add3A_1089, %dma_wait3A_1093] : memref<50x128xi32, #tpu.memory_space<vmem>> -> memref<1x128xi32, #tpu.memory_space<vmem>>
      %dma_wait3A_1095 = tpu.memref_squeeze %dma_wait3A_1094 : memref<1x128xi32, #tpu.memory_space<vmem>> -> memref<128xi32, #tpu.memory_space<vmem>>
      %dma_wait3A_1096 = arith.constant 0 : i32
      %dma_wait3A_1097 = arith.constant 0 : i32
      %dma_wait3A_1098 = tpu.memref_slice %arg2[%dma_wait3A_1096, %dma_wait3A_1097] : memref<1007616x32xf32, #tpu.memory_space<hbm>> -> memref<1007616x32xf32, #tpu.memory_space<hbm>>
      tpu.wait_indirect_dma semaphore(%arg11 : memref<!tpu.dma_semaphore, #tpu.memory_space<semaphore_mem>>) src(%dma_wait3A_1098 : memref<1007616x32xf32, #tpu.memory_space<hbm>>) dst(%dma_wait3A_1092 : memref<128x32xf32, #tpu.memory_space<vmem>>)
      %mul3A_1099 = arith.constant 5 : i32
      %mul3A_1100 = arith.muli %add3A_1072, %mul3A_1099 : i32
      %add3A_1101 = arith.constant 2 : i32
      %add3A_1102 = arith.addi %mul3A_1100, %add3A_1101 : i32
      %dma_wait3A_1103 = arith.constant 256 : i32
      %dma_wait3A_1104 = arith.constant 0 : i32
      %dma_wait3A_1105 = tpu.memref_slice %arg7[%dma_wait3A_1103, %dma_wait3A_1104] : memref<640x32xf32, #tpu.memory_space<vmem>> -> memref<128x32xf32, #tpu.memory_space<vmem>>
      %dma_wait3A_1106 = arith.constant 0 : i32
      %dma_wait3A_1107 = tpu.memref_slice %arg5[%add3A_1102, %dma_wait3A_1106] : memref<50x128xi32, #tpu.memory_space<vmem>> -> memref<1x128xi32, #tpu.memory_space<vmem>>
      %dma_wait3A_1108 = tpu.memref_squeeze %dma_wait3A_1107 : memref<1x128xi32, #tpu.memory_space<vmem>> -> memref<128xi32, #tpu.memory_space<vmem>>
      %dma_wait3A_1109 = arith.constant 0 : i32
      %dma_wait3A_1110 = arith.constant 0 : i32
      %dma_wait3A_1111 = tpu.memref_slice %arg2[%dma_wait3A_1109, %dma_wait3A_1110] : memref<1007616x32xf32, #tpu.memory_space<hbm>> -> memref<1007616x32xf32, #tpu.memory_space<hbm>>
      tpu.wait_indirect_dma semaphore(%arg11 : memref<!tpu.dma_semaphore, #tpu.memory_space<semaphore_mem>>) src(%dma_wait3A_1111 : memref<1007616x32xf32, #tpu.memory_space<hbm>>) dst(%dma_wait3A_1105 : memref<128x32xf32, #tpu.memory_space<vmem>>)
      %mul3A_1112 = arith.constant 5 : i32
      %mul3A_1113 = arith.muli %add3A_1072, %mul3A_1112 : i32
      %add3A_1114 = arith.constant 3 : i32
      %add3A_1115 = arith.addi %mul3A_1113, %add3A_1114 : i32
      %dma_wait3A_1116 = arith.constant 384 : i32
      %dma_wait3A_1117 = arith.constant 0 : i32
      %dma_wait3A_1118 = tpu.memref_slice %arg7[%dma_wait3A_1116, %dma_wait3A_1117] : memref<640x32xf32, #tpu.memory_space<vmem>> -> memref<128x32xf32, #tpu.memory_space<vmem>>
      %dma_wait3A_1119 = arith.constant 0 : i32
      %dma_wait3A_1120 = tpu.memref_slice %arg5[%add3A_1115, %dma_wait3A_1119] : memref<50x128xi32, #tpu.memory_space<vmem>> -> memref<1x128xi32, #tpu.memory_space<vmem>>
      %dma_wait3A_1121 = tpu.memref_squeeze %dma_wait3A_1120 : memref<1x128xi32, #tpu.memory_space<vmem>> -> memref<128xi32, #tpu.memory_space<vmem>>
      %dma_wait3A_1122 = arith.constant 0 : i32
      %dma_wait3A_1123 = arith.constant 0 : i32
      %dma_wait3A_1124 = tpu.memref_slice %arg2[%dma_wait3A_1122, %dma_wait3A_1123] : memref<1007616x32xf32, #tpu.memory_space<hbm>> -> memref<1007616x32xf32, #tpu.memory_space<hbm>>
      tpu.wait_indirect_dma semaphore(%arg11 : memref<!tpu.dma_semaphore, #tpu.memory_space<semaphore_mem>>) src(%dma_wait3A_1124 : memref<1007616x32xf32, #tpu.memory_space<hbm>>) dst(%dma_wait3A_1118 : memref<128x32xf32, #tpu.memory_space<vmem>>)
      %mul3A_1125 = arith.constant 5 : i32
      %mul3A_1126 = arith.muli %add3A_1072, %mul3A_1125 : i32
      %add3A_1127 = arith.constant 4 : i32
      %add3A_1128 = arith.addi %mul3A_1126, %add3A_1127 : i32
      %dma_wait3A_1129 = arith.constant 512 : i32
      %dma_wait3A_1130 = arith.constant 0 : i32
      %dma_wait3A_1131 = tpu.memref_slice %arg7[%dma_wait3A_1129, %dma_wait3A_1130] : memref<640x32xf32, #tpu.memory_space<vmem>> -> memref<128x32xf32, #tpu.memory_space<vmem>>
      %dma_wait3A_1132 = arith.constant 0 : i32
      %dma_wait3A_1133 = tpu.memref_slice %arg5[%add3A_1128, %dma_wait3A_1132] : memref<50x128xi32, #tpu.memory_space<vmem>> -> memref<1x128xi32, #tpu.memory_space<vmem>>
      %dma_wait3A_1134 = tpu.memref_squeeze %dma_wait3A_1133 : memref<1x128xi32, #tpu.memory_space<vmem>> -> memref<128xi32, #tpu.memory_space<vmem>>
      %dma_wait3A_1135 = arith.constant 0 : i32
      %dma_wait3A_1136 = arith.constant 0 : i32
      %dma_wait3A_1137 = tpu.memref_slice %arg2[%dma_wait3A_1135, %dma_wait3A_1136] : memref<1007616x32xf32, #tpu.memory_space<hbm>> -> memref<1007616x32xf32, #tpu.memory_space<hbm>>
      tpu.wait_indirect_dma semaphore(%arg11 : memref<!tpu.dma_semaphore, #tpu.memory_space<semaphore_mem>>) src(%dma_wait3A_1137 : memref<1007616x32xf32, #tpu.memory_space<hbm>>) dst(%dma_wait3A_1131 : memref<128x32xf32, #tpu.memory_space<vmem>>)
      %gt3A_1138 = arith.constant 0 : i32
      %gt3A_1139 = arith.cmpi sgt, %scan3A_918, %gt3A_1138 : i32
      %convert_element_type3A_1140 = arith.extui %gt3A_1139 : i1 to i32
      %cond3A_1141 = arith.constant 0 : i32
      %cond3A_1142 = arith.cmpi ne, %convert_element_type3A_1140, %cond3A_1141 : i32
      scf.if %cond3A_1142 {
        %dma_wait3A_1157 = arith.constant 0 : i32
        %dma_wait3A_1158 = arith.constant 0 : i32
        %dma_wait3A_1159 = arith.constant 0 : i32
        %dma_wait3A_1160 = arith.constant 0 : i32
        %dma_wait3A_1161 = arith.constant 0 : i32
        %dma_wait3A_1162 = arith.constant 0 : i32
        %dma_wait3A_1163 = arith.constant 0 : i32
        %dma_wait3A_1164 = tpu.memref_slice %arg9[%dma_wait3A_1160, %dma_wait3A_1161, %dma_wait3A_1162, %dma_wait3A_1163] : memref<5x4x8x128xf32, #tpu.memory_space<vmem>> -> memref<1x1x8x128xf32, #tpu.memory_space<vmem>>
        %dma_wait3A_1165 = tpu.memref_squeeze %dma_wait3A_1164 : memref<1x1x8x128xf32, #tpu.memory_space<vmem>> -> memref<8x128xf32, #tpu.memory_space<vmem>>
        %dma_wait3A_1166 = arith.constant 0 : i32
        %dma_wait3A_1167 = arith.constant 0 : i32
        %dma_wait3A_1168 = tpu.memref_slice %arg4[%dma_wait3A_1157, %dma_wait3A_1158, %dma_wait3A_1159, %dma_wait3A_1166, %dma_wait3A_1167] : memref<50x4x32x8x128xf32, #tpu.memory_space<hbm>> -> memref<1x1x1x8x128xf32, #tpu.memory_space<hbm>>
        %dma_wait3A_1169 = tpu.memref_squeeze %dma_wait3A_1168 : memref<1x1x1x8x128xf32, #tpu.memory_space<hbm>> -> memref<8x128xf32, #tpu.memory_space<hbm>>
        %dma_wait3A_1170 = arith.constant 0 : i32
        %dma_wait3A_1171 = arith.constant 0 : i32
        %dma_wait3A_1172 = tpu.memref_slice %arg9[%dma_wait3A_1160, %dma_wait3A_1161, %dma_wait3A_1170, %dma_wait3A_1171] : memref<5x4x8x128xf32, #tpu.memory_space<vmem>> -> memref<1x1x8x128xf32, #tpu.memory_space<vmem>>
        %dma_wait3A_1173 = tpu.memref_squeeze %dma_wait3A_1172 : memref<1x1x8x128xf32, #tpu.memory_space<vmem>> -> memref<8x128xf32, #tpu.memory_space<vmem>>
        %dma_wait3A_1174 = arith.constant 0 : i32
        %dma_wait3A_1175 = arith.constant 0 : i32
        %dma_wait3A_1176 = tpu.memref_slice %arg4[%dma_wait3A_1157, %dma_wait3A_1158, %dma_wait3A_1159, %dma_wait3A_1174, %dma_wait3A_1175] : memref<50x4x32x8x128xf32, #tpu.memory_space<hbm>> -> memref<1x1x1x8x128xf32, #tpu.memory_space<hbm>>
        %dma_wait3A_1177 = tpu.memref_squeeze %dma_wait3A_1176 : memref<1x1x1x8x128xf32, #tpu.memory_space<hbm>> -> memref<8x128xf32, #tpu.memory_space<hbm>>
        tpu.wait_dma2 semaphore(%arg13 : memref<!tpu.dma_semaphore, #tpu.memory_space<semaphore_mem>>) src(%dma_wait3A_1177 : memref<8x128xf32, #tpu.memory_space<hbm>>) dst(%dma_wait3A_1173 : memref<8x128xf32, #tpu.memory_space<vmem>>)
        %dma_wait3A_1178 = arith.constant 0 : i32
        %dma_wait3A_1179 = arith.constant 0 : i32
        %dma_wait3A_1180 = arith.constant 0 : i32
        %dma_wait3A_1181 = arith.constant 0 : i32
        %dma_wait3A_1182 = arith.constant 1 : i32
        %dma_wait3A_1183 = arith.constant 0 : i32
        %dma_wait3A_1184 = arith.constant 0 : i32
        %dma_wait3A_1185 = tpu.memref_slice %arg9[%dma_wait3A_1181, %dma_wait3A_1182, %dma_wait3A_1183, %dma_wait3A_1184] : memref<5x4x8x128xf32, #tpu.memory_space<vmem>> -> memref<1x1x8x128xf32, #tpu.memory_space<vmem>>
        %dma_wait3A_1186 = tpu.memref_squeeze %dma_wait3A_1185 : memref<1x1x8x128xf32, #tpu.memory_space<vmem>> -> memref<8x128xf32, #tpu.memory_space<vmem>>
        %dma_wait3A_1187 = arith.constant 0 : i32
        %dma_wait3A_1188 = arith.constant 0 : i32
        %dma_wait3A_1189 = tpu.memref_slice %arg4[%dma_wait3A_1178, %dma_wait3A_1179, %dma_wait3A_1180, %dma_wait3A_1187, %dma_wait3A_1188] : memref<50x4x32x8x128xf32, #tpu.memory_space<hbm>> -> memref<1x1x1x8x128xf32, #tpu.memory_space<hbm>>
        %dma_wait3A_1190 = tpu.memref_squeeze %dma_wait3A_1189 : memref<1x1x1x8x128xf32, #tpu.memory_space<hbm>> -> memref<8x128xf32, #tpu.memory_space<hbm>>
        %dma_wait3A_1191 = arith.constant 0 : i32
        %dma_wait3A_1192 = arith.constant 0 : i32
        %dma_wait3A_1193 = tpu.memref_slice %arg9[%dma_wait3A_1181, %dma_wait3A_1182, %dma_wait3A_1191, %dma_wait3A_1192] : memref<5x4x8x128xf32, #tpu.memory_space<vmem>> -> memref<1x1x8x128xf32, #tpu.memory_space<vmem>>
        %dma_wait3A_1194 = tpu.memref_squeeze %dma_wait3A_1193 : memref<1x1x8x128xf32, #tpu.memory_space<vmem>> -> memref<8x128xf32, #tpu.memory_space<vmem>>
        %dma_wait3A_1195 = arith.constant 0 : i32
        %dma_wait3A_1196 = arith.constant 0 : i32
        %dma_wait3A_1197 = tpu.memref_slice %arg4[%dma_wait3A_1178, %dma_wait3A_1179, %dma_wait3A_1180, %dma_wait3A_1195, %dma_wait3A_1196] : memref<50x4x32x8x128xf32, #tpu.memory_space<hbm>> -> memref<1x1x1x8x128xf32, #tpu.memory_space<hbm>>
        %dma_wait3A_1198 = tpu.memref_squeeze %dma_wait3A_1197 : memref<1x1x1x8x128xf32, #tpu.memory_space<hbm>> -> memref<8x128xf32, #tpu.memory_space<hbm>>
        tpu.wait_dma2 semaphore(%arg13 : memref<!tpu.dma_semaphore, #tpu.memory_space<semaphore_mem>>) src(%dma_wait3A_1198 : memref<8x128xf32, #tpu.memory_space<hbm>>) dst(%dma_wait3A_1194 : memref<8x128xf32, #tpu.memory_space<vmem>>)
        %dma_wait3A_1199 = arith.constant 0 : i32
        %dma_wait3A_1200 = arith.constant 0 : i32
        %dma_wait3A_1201 = arith.constant 0 : i32
        %dma_wait3A_1202 = arith.constant 0 : i32
        %dma_wait3A_1203 = arith.constant 2 : i32
        %dma_wait3A_1204 = arith.constant 0 : i32
        %dma_wait3A_1205 = arith.constant 0 : i32
        %dma_wait3A_1206 = tpu.memref_slice %arg9[%dma_wait3A_1202, %dma_wait3A_1203, %dma_wait3A_1204, %dma_wait3A_1205] : memref<5x4x8x128xf32, #tpu.memory_space<vmem>> -> memref<1x1x8x128xf32, #tpu.memory_space<vmem>>
        %dma_wait3A_1207 = tpu.memref_squeeze %dma_wait3A_1206 : memref<1x1x8x128xf32, #tpu.memory_space<vmem>> -> memref<8x128xf32, #tpu.memory_space<vmem>>
        %dma_wait3A_1208 = arith.constant 0 : i32
        %dma_wait3A_1209 = arith.constant 0 : i32
        %dma_wait3A_1210 = tpu.memref_slice %arg4[%dma_wait3A_1199, %dma_wait3A_1200, %dma_wait3A_1201, %dma_wait3A_1208, %dma_wait3A_1209] : memref<50x4x32x8x128xf32, #tpu.memory_space<hbm>> -> memref<1x1x1x8x128xf32, #tpu.memory_space<hbm>>
        %dma_wait3A_1211 = tpu.memref_squeeze %dma_wait3A_1210 : memref<1x1x1x8x128xf32, #tpu.memory_space<hbm>> -> memref<8x128xf32, #tpu.memory_space<hbm>>
        %dma_wait3A_1212 = arith.constant 0 : i32
        %dma_wait3A_1213 = arith.constant 0 : i32
        %dma_wait3A_1214 = tpu.memref_slice %arg9[%dma_wait3A_1202, %dma_wait3A_1203, %dma_wait3A_1212, %dma_wait3A_1213] : memref<5x4x8x128xf32, #tpu.memory_space<vmem>> -> memref<1x1x8x128xf32, #tpu.memory_space<vmem>>
        %dma_wait3A_1215 = tpu.memref_squeeze %dma_wait3A_1214 : memref<1x1x8x128xf32, #tpu.memory_space<vmem>> -> memref<8x128xf32, #tpu.memory_space<vmem>>
        %dma_wait3A_1216 = arith.constant 0 : i32
        %dma_wait3A_1217 = arith.constant 0 : i32
        %dma_wait3A_1218 = tpu.memref_slice %arg4[%dma_wait3A_1199, %dma_wait3A_1200, %dma_wait3A_1201, %dma_wait3A_1216, %dma_wait3A_1217] : memref<50x4x32x8x128xf32, #tpu.memory_space<hbm>> -> memref<1x1x1x8x128xf32, #tpu.memory_space<hbm>>
        %dma_wait3A_1219 = tpu.memref_squeeze %dma_wait3A_1218 : memref<1x1x1x8x128xf32, #tpu.memory_space<hbm>> -> memref<8x128xf32, #tpu.memory_space<hbm>>
        tpu.wait_dma2 semaphore(%arg13 : memref<!tpu.dma_semaphore, #tpu.memory_space<semaphore_mem>>) src(%dma_wait3A_1219 : memref<8x128xf32, #tpu.memory_space<hbm>>) dst(%dma_wait3A_1215 : memref<8x128xf32, #tpu.memory_space<vmem>>)
        %dma_wait3A_1220 = arith.constant 0 : i32
        %dma_wait3A_1221 = arith.constant 0 : i32
        %dma_wait3A_1222 = arith.constant 0 : i32
        %dma_wait3A_1223 = arith.constant 0 : i32
        %dma_wait3A_1224 = arith.constant 3 : i32
        %dma_wait3A_1225 = arith.constant 0 : i32
        %dma_wait3A_1226 = arith.constant 0 : i32
        %dma_wait3A_1227 = tpu.memref_slice %arg9[%dma_wait3A_1223, %dma_wait3A_1224, %dma_wait3A_1225, %dma_wait3A_1226] : memref<5x4x8x128xf32, #tpu.memory_space<vmem>> -> memref<1x1x8x128xf32, #tpu.memory_space<vmem>>
        %dma_wait3A_1228 = tpu.memref_squeeze %dma_wait3A_1227 : memref<1x1x8x128xf32, #tpu.memory_space<vmem>> -> memref<8x128xf32, #tpu.memory_space<vmem>>
        %dma_wait3A_1229 = arith.constant 0 : i32
        %dma_wait3A_1230 = arith.constant 0 : i32
        %dma_wait3A_1231 = tpu.memref_slice %arg4[%dma_wait3A_1220, %dma_wait3A_1221, %dma_wait3A_1222, %dma_wait3A_1229, %dma_wait3A_1230] : memref<50x4x32x8x128xf32, #tpu.memory_space<hbm>> -> memref<1x1x1x8x128xf32, #tpu.memory_space<hbm>>
        %dma_wait3A_1232 = tpu.memref_squeeze %dma_wait3A_1231 : memref<1x1x1x8x128xf32, #tpu.memory_space<hbm>> -> memref<8x128xf32, #tpu.memory_space<hbm>>
        %dma_wait3A_1233 = arith.constant 0 : i32
        %dma_wait3A_1234 = arith.constant 0 : i32
        %dma_wait3A_1235 = tpu.memref_slice %arg9[%dma_wait3A_1223, %dma_wait3A_1224, %dma_wait3A_1233, %dma_wait3A_1234] : memref<5x4x8x128xf32, #tpu.memory_space<vmem>> -> memref<1x1x8x128xf32, #tpu.memory_space<vmem>>
        %dma_wait3A_1236 = tpu.memref_squeeze %dma_wait3A_1235 : memref<1x1x8x128xf32, #tpu.memory_space<vmem>> -> memref<8x128xf32, #tpu.memory_space<vmem>>
        %dma_wait3A_1237 = arith.constant 0 : i32
        %dma_wait3A_1238 = arith.constant 0 : i32
        %dma_wait3A_1239 = tpu.memref_slice %arg4[%dma_wait3A_1220, %dma_wait3A_1221, %dma_wait3A_1222, %dma_wait3A_1237, %dma_wait3A_1238] : memref<50x4x32x8x128xf32, #tpu.memory_space<hbm>> -> memref<1x1x1x8x128xf32, #tpu.memory_space<hbm>>
        %dma_wait3A_1240 = tpu.memref_squeeze %dma_wait3A_1239 : memref<1x1x1x8x128xf32, #tpu.memory_space<hbm>> -> memref<8x128xf32, #tpu.memory_space<hbm>>
        tpu.wait_dma2 semaphore(%arg13 : memref<!tpu.dma_semaphore, #tpu.memory_space<semaphore_mem>>) src(%dma_wait3A_1240 : memref<8x128xf32, #tpu.memory_space<hbm>>) dst(%dma_wait3A_1236 : memref<8x128xf32, #tpu.memory_space<vmem>>)
        %dma_wait3A_1241 = arith.constant 0 : i32
        %dma_wait3A_1242 = arith.constant 0 : i32
        %dma_wait3A_1243 = arith.constant 0 : i32
        %dma_wait3A_1244 = arith.constant 1 : i32
        %dma_wait3A_1245 = arith.constant 0 : i32
        %dma_wait3A_1246 = arith.constant 0 : i32
        %dma_wait3A_1247 = arith.constant 0 : i32
        %dma_wait3A_1248 = tpu.memref_slice %arg9[%dma_wait3A_1244, %dma_wait3A_1245, %dma_wait3A_1246, %dma_wait3A_1247] : memref<5x4x8x128xf32, #tpu.memory_space<vmem>> -> memref<1x1x8x128xf32, #tpu.memory_space<vmem>>
        %dma_wait3A_1249 = tpu.memref_squeeze %dma_wait3A_1248 : memref<1x1x8x128xf32, #tpu.memory_space<vmem>> -> memref<8x128xf32, #tpu.memory_space<vmem>>
        %dma_wait3A_1250 = arith.constant 0 : i32
        %dma_wait3A_1251 = arith.constant 0 : i32
        %dma_wait3A_1252 = tpu.memref_slice %arg4[%dma_wait3A_1241, %dma_wait3A_1242, %dma_wait3A_1243, %dma_wait3A_1250, %dma_wait3A_1251] : memref<50x4x32x8x128xf32, #tpu.memory_space<hbm>> -> memref<1x1x1x8x128xf32, #tpu.memory_space<hbm>>
        %dma_wait3A_1253 = tpu.memref_squeeze %dma_wait3A_1252 : memref<1x1x1x8x128xf32, #tpu.memory_space<hbm>> -> memref<8x128xf32, #tpu.memory_space<hbm>>
        %dma_wait3A_1254 = arith.constant 0 : i32
        %dma_wait3A_1255 = arith.constant 0 : i32
        %dma_wait3A_1256 = tpu.memref_slice %arg9[%dma_wait3A_1244, %dma_wait3A_1245, %dma_wait3A_1254, %dma_wait3A_1255] : memref<5x4x8x128xf32, #tpu.memory_space<vmem>> -> memref<1x1x8x128xf32, #tpu.memory_space<vmem>>
        %dma_wait3A_1257 = tpu.memref_squeeze %dma_wait3A_1256 : memref<1x1x8x128xf32, #tpu.memory_space<vmem>> -> memref<8x128xf32, #tpu.memory_space<vmem>>
        %dma_wait3A_1258 = arith.constant 0 : i32
        %dma_wait3A_1259 = arith.constant 0 : i32
        %dma_wait3A_1260 = tpu.memref_slice %arg4[%dma_wait3A_1241, %dma_wait3A_1242, %dma_wait3A_1243, %dma_wait3A_1258, %dma_wait3A_1259] : memref<50x4x32x8x128xf32, #tpu.memory_space<hbm>> -> memref<1x1x1x8x128xf32, #tpu.memory_space<hbm>>
        %dma_wait3A_1261 = tpu.memref_squeeze %dma_wait3A_1260 : memref<1x1x1x8x128xf32, #tpu.memory_space<hbm>> -> memref<8x128xf32, #tpu.memory_space<hbm>>
        tpu.wait_dma2 semaphore(%arg13 : memref<!tpu.dma_semaphore, #tpu.memory_space<semaphore_mem>>) src(%dma_wait3A_1261 : memref<8x128xf32, #tpu.memory_space<hbm>>) dst(%dma_wait3A_1257 : memref<8x128xf32, #tpu.memory_space<vmem>>)
        %dma_wait3A_1262 = arith.constant 0 : i32
        %dma_wait3A_1263 = arith.constant 0 : i32
        %dma_wait3A_1264 = arith.constant 0 : i32
        %dma_wait3A_1265 = arith.constant 1 : i32
        %dma_wait3A_1266 = arith.constant 1 : i32
        %dma_wait3A_1267 = arith.constant 0 : i32
        %dma_wait3A_1268 = arith.constant 0 : i32
        %dma_wait3A_1269 = tpu.memref_slice %arg9[%dma_wait3A_1265, %dma_wait3A_1266, %dma_wait3A_1267, %dma_wait3A_1268] : memref<5x4x8x128xf32, #tpu.memory_space<vmem>> -> memref<1x1x8x128xf32, #tpu.memory_space<vmem>>
        %dma_wait3A_1270 = tpu.memref_squeeze %dma_wait3A_1269 : memref<1x1x8x128xf32, #tpu.memory_space<vmem>> -> memref<8x128xf32, #tpu.memory_space<vmem>>
        %dma_wait3A_1271 = arith.constant 0 : i32
        %dma_wait3A_1272 = arith.constant 0 : i32
        %dma_wait3A_1273 = tpu.memref_slice %arg4[%dma_wait3A_1262, %dma_wait3A_1263, %dma_wait3A_1264, %dma_wait3A_1271, %dma_wait3A_1272] : memref<50x4x32x8x128xf32, #tpu.memory_space<hbm>> -> memref<1x1x1x8x128xf32, #tpu.memory_space<hbm>>
        %dma_wait3A_1274 = tpu.memref_squeeze %dma_wait3A_1273 : memref<1x1x1x8x128xf32, #tpu.memory_space<hbm>> -> memref<8x128xf32, #tpu.memory_space<hbm>>
        %dma_wait3A_1275 = arith.constant 0 : i32
        %dma_wait3A_1276 = arith.constant 0 : i32
        %dma_wait3A_1277 = tpu.memref_slice %arg9[%dma_wait3A_1265, %dma_wait3A_1266, %dma_wait3A_1275, %dma_wait3A_1276] : memref<5x4x8x128xf32, #tpu.memory_space<vmem>> -> memref<1x1x8x128xf32, #tpu.memory_space<vmem>>
        %dma_wait3A_1278 = tpu.memref_squeeze %dma_wait3A_1277 : memref<1x1x8x128xf32, #tpu.memory_space<vmem>> -> memref<8x128xf32, #tpu.memory_space<vmem>>
        %dma_wait3A_1279 = arith.constant 0 : i32
        %dma_wait3A_1280 = arith.constant 0 : i32
        %dma_wait3A_1281 = tpu.memref_slice %arg4[%dma_wait3A_1262, %dma_wait3A_1263, %dma_wait3A_1264, %dma_wait3A_1279, %dma_wait3A_1280] : memref<50x4x32x8x128xf32, #tpu.memory_space<hbm>> -> memref<1x1x1x8x128xf32, #tpu.memory_space<hbm>>
        %dma_wait3A_1282 = tpu.memref_squeeze %dma_wait3A_1281 : memref<1x1x1x8x128xf32, #tpu.memory_space<hbm>> -> memref<8x128xf32, #tpu.memory_space<hbm>>
        tpu.wait_dma2 semaphore(%arg13 : memref<!tpu.dma_semaphore, #tpu.memory_space<semaphore_mem>>) src(%dma_wait3A_1282 : memref<8x128xf32, #tpu.memory_space<hbm>>) dst(%dma_wait3A_1278 : memref<8x128xf32, #tpu.memory_space<vmem>>)
        %dma_wait3A_1283 = arith.constant 0 : i32
        %dma_wait3A_1284 = arith.constant 0 : i32
        %dma_wait3A_1285 = arith.constant 0 : i32
        %dma_wait3A_1286 = arith.constant 1 : i32
        %dma_wait3A_1287 = arith.constant 2 : i32
        %dma_wait3A_1288 = arith.constant 0 : i32
        %dma_wait3A_1289 = arith.constant 0 : i32
        %dma_wait3A_1290 = tpu.memref_slice %arg9[%dma_wait3A_1286, %dma_wait3A_1287, %dma_wait3A_1288, %dma_wait3A_1289] : memref<5x4x8x128xf32, #tpu.memory_space<vmem>> -> memref<1x1x8x128xf32, #tpu.memory_space<vmem>>
        %dma_wait3A_1291 = tpu.memref_squeeze %dma_wait3A_1290 : memref<1x1x8x128xf32, #tpu.memory_space<vmem>> -> memref<8x128xf32, #tpu.memory_space<vmem>>
        %dma_wait3A_1292 = arith.constant 0 : i32
        %dma_wait3A_1293 = arith.constant 0 : i32
        %dma_wait3A_1294 = tpu.memref_slice %arg4[%dma_wait3A_1283, %dma_wait3A_1284, %dma_wait3A_1285, %dma_wait3A_1292, %dma_wait3A_1293] : memref<50x4x32x8x128xf32, #tpu.memory_space<hbm>> -> memref<1x1x1x8x128xf32, #tpu.memory_space<hbm>>
        %dma_wait3A_1295 = tpu.memref_squeeze %dma_wait3A_1294 : memref<1x1x1x8x128xf32, #tpu.memory_space<hbm>> -> memref<8x128xf32, #tpu.memory_space<hbm>>
        %dma_wait3A_1296 = arith.constant 0 : i32
        %dma_wait3A_1297 = arith.constant 0 : i32
        %dma_wait3A_1298 = tpu.memref_slice %arg9[%dma_wait3A_1286, %dma_wait3A_1287, %dma_wait3A_1296, %dma_wait3A_1297] : memref<5x4x8x128xf32, #tpu.memory_space<vmem>> -> memref<1x1x8x128xf32, #tpu.memory_space<vmem>>
        %dma_wait3A_1299 = tpu.memref_squeeze %dma_wait3A_1298 : memref<1x1x8x128xf32, #tpu.memory_space<vmem>> -> memref<8x128xf32, #tpu.memory_space<vmem>>
        %dma_wait3A_1300 = arith.constant 0 : i32
        %dma_wait3A_1301 = arith.constant 0 : i32
        %dma_wait3A_1302 = tpu.memref_slice %arg4[%dma_wait3A_1283, %dma_wait3A_1284, %dma_wait3A_1285, %dma_wait3A_1300, %dma_wait3A_1301] : memref<50x4x32x8x128xf32, #tpu.memory_space<hbm>> -> memref<1x1x1x8x128xf32, #tpu.memory_space<hbm>>
        %dma_wait3A_1303 = tpu.memref_squeeze %dma_wait3A_1302 : memref<1x1x1x8x128xf32, #tpu.memory_space<hbm>> -> memref<8x128xf32, #tpu.memory_space<hbm>>
        tpu.wait_dma2 semaphore(%arg13 : memref<!tpu.dma_semaphore, #tpu.memory_space<semaphore_mem>>) src(%dma_wait3A_1303 : memref<8x128xf32, #tpu.memory_space<hbm>>) dst(%dma_wait3A_1299 : memref<8x128xf32, #tpu.memory_space<vmem>>)
        %dma_wait3A_1304 = arith.constant 0 : i32
        %dma_wait3A_1305 = arith.constant 0 : i32
        %dma_wait3A_1306 = arith.constant 0 : i32
        %dma_wait3A_1307 = arith.constant 1 : i32
        %dma_wait3A_1308 = arith.constant 3 : i32
        %dma_wait3A_1309 = arith.constant 0 : i32
        %dma_wait3A_1310 = arith.constant 0 : i32
        %dma_wait3A_1311 = tpu.memref_slice %arg9[%dma_wait3A_1307, %dma_wait3A_1308, %dma_wait3A_1309, %dma_wait3A_1310] : memref<5x4x8x128xf32, #tpu.memory_space<vmem>> -> memref<1x1x8x128xf32, #tpu.memory_space<vmem>>
        %dma_wait3A_1312 = tpu.memref_squeeze %dma_wait3A_1311 : memref<1x1x8x128xf32, #tpu.memory_space<vmem>> -> memref<8x128xf32, #tpu.memory_space<vmem>>
        %dma_wait3A_1313 = arith.constant 0 : i32
        %dma_wait3A_1314 = arith.constant 0 : i32
        %dma_wait3A_1315 = tpu.memref_slice %arg4[%dma_wait3A_1304, %dma_wait3A_1305, %dma_wait3A_1306, %dma_wait3A_1313, %dma_wait3A_1314] : memref<50x4x32x8x128xf32, #tpu.memory_space<hbm>> -> memref<1x1x1x8x128xf32, #tpu.memory_space<hbm>>
        %dma_wait3A_1316 = tpu.memref_squeeze %dma_wait3A_1315 : memref<1x1x1x8x128xf32, #tpu.memory_space<hbm>> -> memref<8x128xf32, #tpu.memory_space<hbm>>
        %dma_wait3A_1317 = arith.constant 0 : i32
        %dma_wait3A_1318 = arith.constant 0 : i32
        %dma_wait3A_1319 = tpu.memref_slice %arg9[%dma_wait3A_1307, %dma_wait3A_1308, %dma_wait3A_1317, %dma_wait3A_1318] : memref<5x4x8x128xf32, #tpu.memory_space<vmem>> -> memref<1x1x8x128xf32, #tpu.memory_space<vmem>>
        %dma_wait3A_1320 = tpu.memref_squeeze %dma_wait3A_1319 : memref<1x1x8x128xf32, #tpu.memory_space<vmem>> -> memref<8x128xf32, #tpu.memory_space<vmem>>
        %dma_wait3A_1321 = arith.constant 0 : i32
        %dma_wait3A_1322 = arith.constant 0 : i32
        %dma_wait3A_1323 = tpu.memref_slice %arg4[%dma_wait3A_1304, %dma_wait3A_1305, %dma_wait3A_1306, %dma_wait3A_1321, %dma_wait3A_1322] : memref<50x4x32x8x128xf32, #tpu.memory_space<hbm>> -> memref<1x1x1x8x128xf32, #tpu.memory_space<hbm>>
        %dma_wait3A_1324 = tpu.memref_squeeze %dma_wait3A_1323 : memref<1x1x1x8x128xf32, #tpu.memory_space<hbm>> -> memref<8x128xf32, #tpu.memory_space<hbm>>
        tpu.wait_dma2 semaphore(%arg13 : memref<!tpu.dma_semaphore, #tpu.memory_space<semaphore_mem>>) src(%dma_wait3A_1324 : memref<8x128xf32, #tpu.memory_space<hbm>>) dst(%dma_wait3A_1320 : memref<8x128xf32, #tpu.memory_space<vmem>>)
        %dma_wait3A_1325 = arith.constant 0 : i32
        %dma_wait3A_1326 = arith.constant 0 : i32
        %dma_wait3A_1327 = arith.constant 0 : i32
        %dma_wait3A_1328 = arith.constant 2 : i32
        %dma_wait3A_1329 = arith.constant 0 : i32
        %dma_wait3A_1330 = arith.constant 0 : i32
        %dma_wait3A_1331 = arith.constant 0 : i32
        %dma_wait3A_1332 = tpu.memref_slice %arg9[%dma_wait3A_1328, %dma_wait3A_1329, %dma_wait3A_1330, %dma_wait3A_1331] : memref<5x4x8x128xf32, #tpu.memory_space<vmem>> -> memref<1x1x8x128xf32, #tpu.memory_space<vmem>>
        %dma_wait3A_1333 = tpu.memref_squeeze %dma_wait3A_1332 : memref<1x1x8x128xf32, #tpu.memory_space<vmem>> -> memref<8x128xf32, #tpu.memory_space<vmem>>
        %dma_wait3A_1334 = arith.constant 0 : i32
        %dma_wait3A_1335 = arith.constant 0 : i32
        %dma_wait3A_1336 = tpu.memref_slice %arg4[%dma_wait3A_1325, %dma_wait3A_1326, %dma_wait3A_1327, %dma_wait3A_1334, %dma_wait3A_1335] : memref<50x4x32x8x128xf32, #tpu.memory_space<hbm>> -> memref<1x1x1x8x128xf32, #tpu.memory_space<hbm>>
        %dma_wait3A_1337 = tpu.memref_squeeze %dma_wait3A_1336 : memref<1x1x1x8x128xf32, #tpu.memory_space<hbm>> -> memref<8x128xf32, #tpu.memory_space<hbm>>
        %dma_wait3A_1338 = arith.constant 0 : i32
        %dma_wait3A_1339 = arith.constant 0 : i32
        %dma_wait3A_1340 = tpu.memref_slice %arg9[%dma_wait3A_1328, %dma_wait3A_1329, %dma_wait3A_1338, %dma_wait3A_1339] : memref<5x4x8x128xf32, #tpu.memory_space<vmem>> -> memref<1x1x8x128xf32, #tpu.memory_space<vmem>>
        %dma_wait3A_1341 = tpu.memref_squeeze %dma_wait3A_1340 : memref<1x1x8x128xf32, #tpu.memory_space<vmem>> -> memref<8x128xf32, #tpu.memory_space<vmem>>
        %dma_wait3A_1342 = arith.constant 0 : i32
        %dma_wait3A_1343 = arith.constant 0 : i32
        %dma_wait3A_1344 = tpu.memref_slice %arg4[%dma_wait3A_1325, %dma_wait3A_1326, %dma_wait3A_1327, %dma_wait3A_1342, %dma_wait3A_1343] : memref<50x4x32x8x128xf32, #tpu.memory_space<hbm>> -> memref<1x1x1x8x128xf32, #tpu.memory_space<hbm>>
        %dma_wait3A_1345 = tpu.memref_squeeze %dma_wait3A_1344 : memref<1x1x1x8x128xf32, #tpu.memory_space<hbm>> -> memref<8x128xf32, #tpu.memory_space<hbm>>
        tpu.wait_dma2 semaphore(%arg13 : memref<!tpu.dma_semaphore, #tpu.memory_space<semaphore_mem>>) src(%dma_wait3A_1345 : memref<8x128xf32, #tpu.memory_space<hbm>>) dst(%dma_wait3A_1341 : memref<8x128xf32, #tpu.memory_space<vmem>>)
        %dma_wait3A_1346 = arith.constant 0 : i32
        %dma_wait3A_1347 = arith.constant 0 : i32
        %dma_wait3A_1348 = arith.constant 0 : i32
        %dma_wait3A_1349 = arith.constant 2 : i32
        %dma_wait3A_1350 = arith.constant 1 : i32
        %dma_wait3A_1351 = arith.constant 0 : i32
        %dma_wait3A_1352 = arith.constant 0 : i32
        %dma_wait3A_1353 = tpu.memref_slice %arg9[%dma_wait3A_1349, %dma_wait3A_1350, %dma_wait3A_1351, %dma_wait3A_1352] : memref<5x4x8x128xf32, #tpu.memory_space<vmem>> -> memref<1x1x8x128xf32, #tpu.memory_space<vmem>>
        %dma_wait3A_1354 = tpu.memref_squeeze %dma_wait3A_1353 : memref<1x1x8x128xf32, #tpu.memory_space<vmem>> -> memref<8x128xf32, #tpu.memory_space<vmem>>
        %dma_wait3A_1355 = arith.constant 0 : i32
        %dma_wait3A_1356 = arith.constant 0 : i32
        %dma_wait3A_1357 = tpu.memref_slice %arg4[%dma_wait3A_1346, %dma_wait3A_1347, %dma_wait3A_1348, %dma_wait3A_1355, %dma_wait3A_1356] : memref<50x4x32x8x128xf32, #tpu.memory_space<hbm>> -> memref<1x1x1x8x128xf32, #tpu.memory_space<hbm>>
        %dma_wait3A_1358 = tpu.memref_squeeze %dma_wait3A_1357 : memref<1x1x1x8x128xf32, #tpu.memory_space<hbm>> -> memref<8x128xf32, #tpu.memory_space<hbm>>
        %dma_wait3A_1359 = arith.constant 0 : i32
        %dma_wait3A_1360 = arith.constant 0 : i32
        %dma_wait3A_1361 = tpu.memref_slice %arg9[%dma_wait3A_1349, %dma_wait3A_1350, %dma_wait3A_1359, %dma_wait3A_1360] : memref<5x4x8x128xf32, #tpu.memory_space<vmem>> -> memref<1x1x8x128xf32, #tpu.memory_space<vmem>>
        %dma_wait3A_1362 = tpu.memref_squeeze %dma_wait3A_1361 : memref<1x1x8x128xf32, #tpu.memory_space<vmem>> -> memref<8x128xf32, #tpu.memory_space<vmem>>
        %dma_wait3A_1363 = arith.constant 0 : i32
        %dma_wait3A_1364 = arith.constant 0 : i32
        %dma_wait3A_1365 = tpu.memref_slice %arg4[%dma_wait3A_1346, %dma_wait3A_1347, %dma_wait3A_1348, %dma_wait3A_1363, %dma_wait3A_1364] : memref<50x4x32x8x128xf32, #tpu.memory_space<hbm>> -> memref<1x1x1x8x128xf32, #tpu.memory_space<hbm>>
        %dma_wait3A_1366 = tpu.memref_squeeze %dma_wait3A_1365 : memref<1x1x1x8x128xf32, #tpu.memory_space<hbm>> -> memref<8x128xf32, #tpu.memory_space<hbm>>
        tpu.wait_dma2 semaphore(%arg13 : memref<!tpu.dma_semaphore, #tpu.memory_space<semaphore_mem>>) src(%dma_wait3A_1366 : memref<8x128xf32, #tpu.memory_space<hbm>>) dst(%dma_wait3A_1362 : memref<8x128xf32, #tpu.memory_space<vmem>>)
        %dma_wait3A_1367 = arith.constant 0 : i32
        %dma_wait3A_1368 = arith.constant 0 : i32
        %dma_wait3A_1369 = arith.constant 0 : i32
        %dma_wait3A_1370 = arith.constant 2 : i32
        %dma_wait3A_1371 = arith.constant 2 : i32
        %dma_wait3A_1372 = arith.constant 0 : i32
        %dma_wait3A_1373 = arith.constant 0 : i32
        %dma_wait3A_1374 = tpu.memref_slice %arg9[%dma_wait3A_1370, %dma_wait3A_1371, %dma_wait3A_1372, %dma_wait3A_1373] : memref<5x4x8x128xf32, #tpu.memory_space<vmem>> -> memref<1x1x8x128xf32, #tpu.memory_space<vmem>>
        %dma_wait3A_1375 = tpu.memref_squeeze %dma_wait3A_1374 : memref<1x1x8x128xf32, #tpu.memory_space<vmem>> -> memref<8x128xf32, #tpu.memory_space<vmem>>
        %dma_wait3A_1376 = arith.constant 0 : i32
        %dma_wait3A_1377 = arith.constant 0 : i32
        %dma_wait3A_1378 = tpu.memref_slice %arg4[%dma_wait3A_1367, %dma_wait3A_1368, %dma_wait3A_1369, %dma_wait3A_1376, %dma_wait3A_1377] : memref<50x4x32x8x128xf32, #tpu.memory_space<hbm>> -> memref<1x1x1x8x128xf32, #tpu.memory_space<hbm>>
        %dma_wait3A_1379 = tpu.memref_squeeze %dma_wait3A_1378 : memref<1x1x1x8x128xf32, #tpu.memory_space<hbm>> -> memref<8x128xf32, #tpu.memory_space<hbm>>
        %dma_wait3A_1380 = arith.constant 0 : i32
        %dma_wait3A_1381 = arith.constant 0 : i32
        %dma_wait3A_1382 = tpu.memref_slice %arg9[%dma_wait3A_1370, %dma_wait3A_1371, %dma_wait3A_1380, %dma_wait3A_1381] : memref<5x4x8x128xf32, #tpu.memory_space<vmem>> -> memref<1x1x8x128xf32, #tpu.memory_space<vmem>>
        %dma_wait3A_1383 = tpu.memref_squeeze %dma_wait3A_1382 : memref<1x1x8x128xf32, #tpu.memory_space<vmem>> -> memref<8x128xf32, #tpu.memory_space<vmem>>
        %dma_wait3A_1384 = arith.constant 0 : i32
        %dma_wait3A_1385 = arith.constant 0 : i32
        %dma_wait3A_1386 = tpu.memref_slice %arg4[%dma_wait3A_1367, %dma_wait3A_1368, %dma_wait3A_1369, %dma_wait3A_1384, %dma_wait3A_1385] : memref<50x4x32x8x128xf32, #tpu.memory_space<hbm>> -> memref<1x1x1x8x128xf32, #tpu.memory_space<hbm>>
        %dma_wait3A_1387 = tpu.memref_squeeze %dma_wait3A_1386 : memref<1x1x1x8x128xf32, #tpu.memory_space<hbm>> -> memref<8x128xf32, #tpu.memory_space<hbm>>
        tpu.wait_dma2 semaphore(%arg13 : memref<!tpu.dma_semaphore, #tpu.memory_space<semaphore_mem>>) src(%dma_wait3A_1387 : memref<8x128xf32, #tpu.memory_space<hbm>>) dst(%dma_wait3A_1383 : memref<8x128xf32, #tpu.memory_space<vmem>>)
        %dma_wait3A_1388 = arith.constant 0 : i32
        %dma_wait3A_1389 = arith.constant 0 : i32
        %dma_wait3A_1390 = arith.constant 0 : i32
        %dma_wait3A_1391 = arith.constant 2 : i32
        %dma_wait3A_1392 = arith.constant 3 : i32
        %dma_wait3A_1393 = arith.constant 0 : i32
        %dma_wait3A_1394 = arith.constant 0 : i32
        %dma_wait3A_1395 = tpu.memref_slice %arg9[%dma_wait3A_1391, %dma_wait3A_1392, %dma_wait3A_1393, %dma_wait3A_1394] : memref<5x4x8x128xf32, #tpu.memory_space<vmem>> -> memref<1x1x8x128xf32, #tpu.memory_space<vmem>>
        %dma_wait3A_1396 = tpu.memref_squeeze %dma_wait3A_1395 : memref<1x1x8x128xf32, #tpu.memory_space<vmem>> -> memref<8x128xf32, #tpu.memory_space<vmem>>
        %dma_wait3A_1397 = arith.constant 0 : i32
        %dma_wait3A_1398 = arith.constant 0 : i32
        %dma_wait3A_1399 = tpu.memref_slice %arg4[%dma_wait3A_1388, %dma_wait3A_1389, %dma_wait3A_1390, %dma_wait3A_1397, %dma_wait3A_1398] : memref<50x4x32x8x128xf32, #tpu.memory_space<hbm>> -> memref<1x1x1x8x128xf32, #tpu.memory_space<hbm>>
        %dma_wait3A_1400 = tpu.memref_squeeze %dma_wait3A_1399 : memref<1x1x1x8x128xf32, #tpu.memory_space<hbm>> -> memref<8x128xf32, #tpu.memory_space<hbm>>
        %dma_wait3A_1401 = arith.constant 0 : i32
        %dma_wait3A_1402 = arith.constant 0 : i32
        %dma_wait3A_1403 = tpu.memref_slice %arg9[%dma_wait3A_1391, %dma_wait3A_1392, %dma_wait3A_1401, %dma_wait3A_1402] : memref<5x4x8x128xf32, #tpu.memory_space<vmem>> -> memref<1x1x8x128xf32, #tpu.memory_space<vmem>>
        %dma_wait3A_1404 = tpu.memref_squeeze %dma_wait3A_1403 : memref<1x1x8x128xf32, #tpu.memory_space<vmem>> -> memref<8x128xf32, #tpu.memory_space<vmem>>
        %dma_wait3A_1405 = arith.constant 0 : i32
        %dma_wait3A_1406 = arith.constant 0 : i32
        %dma_wait3A_1407 = tpu.memref_slice %arg4[%dma_wait3A_1388, %dma_wait3A_1389, %dma_wait3A_1390, %dma_wait3A_1405, %dma_wait3A_1406] : memref<50x4x32x8x128xf32, #tpu.memory_space<hbm>> -> memref<1x1x1x8x128xf32, #tpu.memory_space<hbm>>
        %dma_wait3A_1408 = tpu.memref_squeeze %dma_wait3A_1407 : memref<1x1x1x8x128xf32, #tpu.memory_space<hbm>> -> memref<8x128xf32, #tpu.memory_space<hbm>>
        tpu.wait_dma2 semaphore(%arg13 : memref<!tpu.dma_semaphore, #tpu.memory_space<semaphore_mem>>) src(%dma_wait3A_1408 : memref<8x128xf32, #tpu.memory_space<hbm>>) dst(%dma_wait3A_1404 : memref<8x128xf32, #tpu.memory_space<vmem>>)
        %dma_wait3A_1409 = arith.constant 0 : i32
        %dma_wait3A_1410 = arith.constant 0 : i32
        %dma_wait3A_1411 = arith.constant 0 : i32
        %dma_wait3A_1412 = arith.constant 3 : i32
        %dma_wait3A_1413 = arith.constant 0 : i32
        %dma_wait3A_1414 = arith.constant 0 : i32
        %dma_wait3A_1415 = arith.constant 0 : i32
        %dma_wait3A_1416 = tpu.memref_slice %arg9[%dma_wait3A_1412, %dma_wait3A_1413, %dma_wait3A_1414, %dma_wait3A_1415] : memref<5x4x8x128xf32, #tpu.memory_space<vmem>> -> memref<1x1x8x128xf32, #tpu.memory_space<vmem>>
        %dma_wait3A_1417 = tpu.memref_squeeze %dma_wait3A_1416 : memref<1x1x8x128xf32, #tpu.memory_space<vmem>> -> memref<8x128xf32, #tpu.memory_space<vmem>>
        %dma_wait3A_1418 = arith.constant 0 : i32
        %dma_wait3A_1419 = arith.constant 0 : i32
        %dma_wait3A_1420 = tpu.memref_slice %arg4[%dma_wait3A_1409, %dma_wait3A_1410, %dma_wait3A_1411, %dma_wait3A_1418, %dma_wait3A_1419] : memref<50x4x32x8x128xf32, #tpu.memory_space<hbm>> -> memref<1x1x1x8x128xf32, #tpu.memory_space<hbm>>
        %dma_wait3A_1421 = tpu.memref_squeeze %dma_wait3A_1420 : memref<1x1x1x8x128xf32, #tpu.memory_space<hbm>> -> memref<8x128xf32, #tpu.memory_space<hbm>>
        %dma_wait3A_1422 = arith.constant 0 : i32
        %dma_wait3A_1423 = arith.constant 0 : i32
        %dma_wait3A_1424 = tpu.memref_slice %arg9[%dma_wait3A_1412, %dma_wait3A_1413, %dma_wait3A_1422, %dma_wait3A_1423] : memref<5x4x8x128xf32, #tpu.memory_space<vmem>> -> memref<1x1x8x128xf32, #tpu.memory_space<vmem>>
        %dma_wait3A_1425 = tpu.memref_squeeze %dma_wait3A_1424 : memref<1x1x8x128xf32, #tpu.memory_space<vmem>> -> memref<8x128xf32, #tpu.memory_space<vmem>>
        %dma_wait3A_1426 = arith.constant 0 : i32
        %dma_wait3A_1427 = arith.constant 0 : i32
        %dma_wait3A_1428 = tpu.memref_slice %arg4[%dma_wait3A_1409, %dma_wait3A_1410, %dma_wait3A_1411, %dma_wait3A_1426, %dma_wait3A_1427] : memref<50x4x32x8x128xf32, #tpu.memory_space<hbm>> -> memref<1x1x1x8x128xf32, #tpu.memory_space<hbm>>
        %dma_wait3A_1429 = tpu.memref_squeeze %dma_wait3A_1428 : memref<1x1x1x8x128xf32, #tpu.memory_space<hbm>> -> memref<8x128xf32, #tpu.memory_space<hbm>>
        tpu.wait_dma2 semaphore(%arg13 : memref<!tpu.dma_semaphore, #tpu.memory_space<semaphore_mem>>) src(%dma_wait3A_1429 : memref<8x128xf32, #tpu.memory_space<hbm>>) dst(%dma_wait3A_1425 : memref<8x128xf32, #tpu.memory_space<vmem>>)
        %dma_wait3A_1430 = arith.constant 0 : i32
        %dma_wait3A_1431 = arith.constant 0 : i32
        %dma_wait3A_1432 = arith.constant 0 : i32
        %dma_wait3A_1433 = arith.constant 3 : i32
        %dma_wait3A_1434 = arith.constant 1 : i32
        %dma_wait3A_1435 = arith.constant 0 : i32
        %dma_wait3A_1436 = arith.constant 0 : i32
        %dma_wait3A_1437 = tpu.memref_slice %arg9[%dma_wait3A_1433, %dma_wait3A_1434, %dma_wait3A_1435, %dma_wait3A_1436] : memref<5x4x8x128xf32, #tpu.memory_space<vmem>> -> memref<1x1x8x128xf32, #tpu.memory_space<vmem>>
        %dma_wait3A_1438 = tpu.memref_squeeze %dma_wait3A_1437 : memref<1x1x8x128xf32, #tpu.memory_space<vmem>> -> memref<8x128xf32, #tpu.memory_space<vmem>>
        %dma_wait3A_1439 = arith.constant 0 : i32
        %dma_wait3A_1440 = arith.constant 0 : i32
        %dma_wait3A_1441 = tpu.memref_slice %arg4[%dma_wait3A_1430, %dma_wait3A_1431, %dma_wait3A_1432, %dma_wait3A_1439, %dma_wait3A_1440] : memref<50x4x32x8x128xf32, #tpu.memory_space<hbm>> -> memref<1x1x1x8x128xf32, #tpu.memory_space<hbm>>
        %dma_wait3A_1442 = tpu.memref_squeeze %dma_wait3A_1441 : memref<1x1x1x8x128xf32, #tpu.memory_space<hbm>> -> memref<8x128xf32, #tpu.memory_space<hbm>>
        %dma_wait3A_1443 = arith.constant 0 : i32
        %dma_wait3A_1444 = arith.constant 0 : i32
        %dma_wait3A_1445 = tpu.memref_slice %arg9[%dma_wait3A_1433, %dma_wait3A_1434, %dma_wait3A_1443, %dma_wait3A_1444] : memref<5x4x8x128xf32, #tpu.memory_space<vmem>> -> memref<1x1x8x128xf32, #tpu.memory_space<vmem>>
        %dma_wait3A_1446 = tpu.memref_squeeze %dma_wait3A_1445 : memref<1x1x8x128xf32, #tpu.memory_space<vmem>> -> memref<8x128xf32, #tpu.memory_space<vmem>>
        %dma_wait3A_1447 = arith.constant 0 : i32
        %dma_wait3A_1448 = arith.constant 0 : i32
        %dma_wait3A_1449 = tpu.memref_slice %arg4[%dma_wait3A_1430, %dma_wait3A_1431, %dma_wait3A_1432, %dma_wait3A_1447, %dma_wait3A_1448] : memref<50x4x32x8x128xf32, #tpu.memory_space<hbm>> -> memref<1x1x1x8x128xf32, #tpu.memory_space<hbm>>
        %dma_wait3A_1450 = tpu.memref_squeeze %dma_wait3A_1449 : memref<1x1x1x8x128xf32, #tpu.memory_space<hbm>> -> memref<8x128xf32, #tpu.memory_space<hbm>>
        tpu.wait_dma2 semaphore(%arg13 : memref<!tpu.dma_semaphore, #tpu.memory_space<semaphore_mem>>) src(%dma_wait3A_1450 : memref<8x128xf32, #tpu.memory_space<hbm>>) dst(%dma_wait3A_1446 : memref<8x128xf32, #tpu.memory_space<vmem>>)
        %dma_wait3A_1451 = arith.constant 0 : i32
        %dma_wait3A_1452 = arith.constant 0 : i32
        %dma_wait3A_1453 = arith.constant 0 : i32
        %dma_wait3A_1454 = arith.constant 3 : i32
        %dma_wait3A_1455 = arith.constant 2 : i32
        %dma_wait3A_1456 = arith.constant 0 : i32
        %dma_wait3A_1457 = arith.constant 0 : i32
        %dma_wait3A_1458 = tpu.memref_slice %arg9[%dma_wait3A_1454, %dma_wait3A_1455, %dma_wait3A_1456, %dma_wait3A_1457] : memref<5x4x8x128xf32, #tpu.memory_space<vmem>> -> memref<1x1x8x128xf32, #tpu.memory_space<vmem>>
        %dma_wait3A_1459 = tpu.memref_squeeze %dma_wait3A_1458 : memref<1x1x8x128xf32, #tpu.memory_space<vmem>> -> memref<8x128xf32, #tpu.memory_space<vmem>>
        %dma_wait3A_1460 = arith.constant 0 : i32
        %dma_wait3A_1461 = arith.constant 0 : i32
        %dma_wait3A_1462 = tpu.memref_slice %arg4[%dma_wait3A_1451, %dma_wait3A_1452, %dma_wait3A_1453, %dma_wait3A_1460, %dma_wait3A_1461] : memref<50x4x32x8x128xf32, #tpu.memory_space<hbm>> -> memref<1x1x1x8x128xf32, #tpu.memory_space<hbm>>
        %dma_wait3A_1463 = tpu.memref_squeeze %dma_wait3A_1462 : memref<1x1x1x8x128xf32, #tpu.memory_space<hbm>> -> memref<8x128xf32, #tpu.memory_space<hbm>>
        %dma_wait3A_1464 = arith.constant 0 : i32
        %dma_wait3A_1465 = arith.constant 0 : i32
        %dma_wait3A_1466 = tpu.memref_slice %arg9[%dma_wait3A_1454, %dma_wait3A_1455, %dma_wait3A_1464, %dma_wait3A_1465] : memref<5x4x8x128xf32, #tpu.memory_space<vmem>> -> memref<1x1x8x128xf32, #tpu.memory_space<vmem>>
        %dma_wait3A_1467 = tpu.memref_squeeze %dma_wait3A_1466 : memref<1x1x8x128xf32, #tpu.memory_space<vmem>> -> memref<8x128xf32, #tpu.memory_space<vmem>>
        %dma_wait3A_1468 = arith.constant 0 : i32
        %dma_wait3A_1469 = arith.constant 0 : i32
        %dma_wait3A_1470 = tpu.memref_slice %arg4[%dma_wait3A_1451, %dma_wait3A_1452, %dma_wait3A_1453, %dma_wait3A_1468, %dma_wait3A_1469] : memref<50x4x32x8x128xf32, #tpu.memory_space<hbm>> -> memref<1x1x1x8x128xf32, #tpu.memory_space<hbm>>
        %dma_wait3A_1471 = tpu.memref_squeeze %dma_wait3A_1470 : memref<1x1x1x8x128xf32, #tpu.memory_space<hbm>> -> memref<8x128xf32, #tpu.memory_space<hbm>>
        tpu.wait_dma2 semaphore(%arg13 : memref<!tpu.dma_semaphore, #tpu.memory_space<semaphore_mem>>) src(%dma_wait3A_1471 : memref<8x128xf32, #tpu.memory_space<hbm>>) dst(%dma_wait3A_1467 : memref<8x128xf32, #tpu.memory_space<vmem>>)
        %dma_wait3A_1472 = arith.constant 0 : i32
        %dma_wait3A_1473 = arith.constant 0 : i32
        %dma_wait3A_1474 = arith.constant 0 : i32
        %dma_wait3A_1475 = arith.constant 3 : i32
        %dma_wait3A_1476 = arith.constant 3 : i32
        %dma_wait3A_1477 = arith.constant 0 : i32
        %dma_wait3A_1478 = arith.constant 0 : i32
        %dma_wait3A_1479 = tpu.memref_slice %arg9[%dma_wait3A_1475, %dma_wait3A_1476, %dma_wait3A_1477, %dma_wait3A_1478] : memref<5x4x8x128xf32, #tpu.memory_space<vmem>> -> memref<1x1x8x128xf32, #tpu.memory_space<vmem>>
        %dma_wait3A_1480 = tpu.memref_squeeze %dma_wait3A_1479 : memref<1x1x8x128xf32, #tpu.memory_space<vmem>> -> memref<8x128xf32, #tpu.memory_space<vmem>>
        %dma_wait3A_1481 = arith.constant 0 : i32
        %dma_wait3A_1482 = arith.constant 0 : i32
        %dma_wait3A_1483 = tpu.memref_slice %arg4[%dma_wait3A_1472, %dma_wait3A_1473, %dma_wait3A_1474, %dma_wait3A_1481, %dma_wait3A_1482] : memref<50x4x32x8x128xf32, #tpu.memory_space<hbm>> -> memref<1x1x1x8x128xf32, #tpu.memory_space<hbm>>
        %dma_wait3A_1484 = tpu.memref_squeeze %dma_wait3A_1483 : memref<1x1x1x8x128xf32, #tpu.memory_space<hbm>> -> memref<8x128xf32, #tpu.memory_space<hbm>>
        %dma_wait3A_1485 = arith.constant 0 : i32
        %dma_wait3A_1486 = arith.constant 0 : i32
        %dma_wait3A_1487 = tpu.memref_slice %arg9[%dma_wait3A_1475, %dma_wait3A_1476, %dma_wait3A_1485, %dma_wait3A_1486] : memref<5x4x8x128xf32, #tpu.memory_space<vmem>> -> memref<1x1x8x128xf32, #tpu.memory_space<vmem>>
        %dma_wait3A_1488 = tpu.memref_squeeze %dma_wait3A_1487 : memref<1x1x8x128xf32, #tpu.memory_space<vmem>> -> memref<8x128xf32, #tpu.memory_space<vmem>>
        %dma_wait3A_1489 = arith.constant 0 : i32
        %dma_wait3A_1490 = arith.constant 0 : i32
        %dma_wait3A_1491 = tpu.memref_slice %arg4[%dma_wait3A_1472, %dma_wait3A_1473, %dma_wait3A_1474, %dma_wait3A_1489, %dma_wait3A_1490] : memref<50x4x32x8x128xf32, #tpu.memory_space<hbm>> -> memref<1x1x1x8x128xf32, #tpu.memory_space<hbm>>
        %dma_wait3A_1492 = tpu.memref_squeeze %dma_wait3A_1491 : memref<1x1x1x8x128xf32, #tpu.memory_space<hbm>> -> memref<8x128xf32, #tpu.memory_space<hbm>>
        tpu.wait_dma2 semaphore(%arg13 : memref<!tpu.dma_semaphore, #tpu.memory_space<semaphore_mem>>) src(%dma_wait3A_1492 : memref<8x128xf32, #tpu.memory_space<hbm>>) dst(%dma_wait3A_1488 : memref<8x128xf32, #tpu.memory_space<vmem>>)
        %dma_wait3A_1493 = arith.constant 0 : i32
        %dma_wait3A_1494 = arith.constant 0 : i32
        %dma_wait3A_1495 = arith.constant 0 : i32
        %dma_wait3A_1496 = arith.constant 4 : i32
        %dma_wait3A_1497 = arith.constant 0 : i32
        %dma_wait3A_1498 = arith.constant 0 : i32
        %dma_wait3A_1499 = arith.constant 0 : i32
        %dma_wait3A_1500 = tpu.memref_slice %arg9[%dma_wait3A_1496, %dma_wait3A_1497, %dma_wait3A_1498, %dma_wait3A_1499] : memref<5x4x8x128xf32, #tpu.memory_space<vmem>> -> memref<1x1x8x128xf32, #tpu.memory_space<vmem>>
        %dma_wait3A_1501 = tpu.memref_squeeze %dma_wait3A_1500 : memref<1x1x8x128xf32, #tpu.memory_space<vmem>> -> memref<8x128xf32, #tpu.memory_space<vmem>>
        %dma_wait3A_1502 = arith.constant 0 : i32
        %dma_wait3A_1503 = arith.constant 0 : i32
        %dma_wait3A_1504 = tpu.memref_slice %arg4[%dma_wait3A_1493, %dma_wait3A_1494, %dma_wait3A_1495, %dma_wait3A_1502, %dma_wait3A_1503] : memref<50x4x32x8x128xf32, #tpu.memory_space<hbm>> -> memref<1x1x1x8x128xf32, #tpu.memory_space<hbm>>
        %dma_wait3A_1505 = tpu.memref_squeeze %dma_wait3A_1504 : memref<1x1x1x8x128xf32, #tpu.memory_space<hbm>> -> memref<8x128xf32, #tpu.memory_space<hbm>>
        %dma_wait3A_1506 = arith.constant 0 : i32
        %dma_wait3A_1507 = arith.constant 0 : i32
        %dma_wait3A_1508 = tpu.memref_slice %arg9[%dma_wait3A_1496, %dma_wait3A_1497, %dma_wait3A_1506, %dma_wait3A_1507] : memref<5x4x8x128xf32, #tpu.memory_space<vmem>> -> memref<1x1x8x128xf32, #tpu.memory_space<vmem>>
        %dma_wait3A_1509 = tpu.memref_squeeze %dma_wait3A_1508 : memref<1x1x8x128xf32, #tpu.memory_space<vmem>> -> memref<8x128xf32, #tpu.memory_space<vmem>>
        %dma_wait3A_1510 = arith.constant 0 : i32
        %dma_wait3A_1511 = arith.constant 0 : i32
        %dma_wait3A_1512 = tpu.memref_slice %arg4[%dma_wait3A_1493, %dma_wait3A_1494, %dma_wait3A_1495, %dma_wait3A_1510, %dma_wait3A_1511] : memref<50x4x32x8x128xf32, #tpu.memory_space<hbm>> -> memref<1x1x1x8x128xf32, #tpu.memory_space<hbm>>
        %dma_wait3A_1513 = tpu.memref_squeeze %dma_wait3A_1512 : memref<1x1x1x8x128xf32, #tpu.memory_space<hbm>> -> memref<8x128xf32, #tpu.memory_space<hbm>>
        tpu.wait_dma2 semaphore(%arg13 : memref<!tpu.dma_semaphore, #tpu.memory_space<semaphore_mem>>) src(%dma_wait3A_1513 : memref<8x128xf32, #tpu.memory_space<hbm>>) dst(%dma_wait3A_1509 : memref<8x128xf32, #tpu.memory_space<vmem>>)
        %dma_wait3A_1514 = arith.constant 0 : i32
        %dma_wait3A_1515 = arith.constant 0 : i32
        %dma_wait3A_1516 = arith.constant 0 : i32
        %dma_wait3A_1517 = arith.constant 4 : i32
        %dma_wait3A_1518 = arith.constant 1 : i32
        %dma_wait3A_1519 = arith.constant 0 : i32
        %dma_wait3A_1520 = arith.constant 0 : i32
        %dma_wait3A_1521 = tpu.memref_slice %arg9[%dma_wait3A_1517, %dma_wait3A_1518, %dma_wait3A_1519, %dma_wait3A_1520] : memref<5x4x8x128xf32, #tpu.memory_space<vmem>> -> memref<1x1x8x128xf32, #tpu.memory_space<vmem>>
        %dma_wait3A_1522 = tpu.memref_squeeze %dma_wait3A_1521 : memref<1x1x8x128xf32, #tpu.memory_space<vmem>> -> memref<8x128xf32, #tpu.memory_space<vmem>>
        %dma_wait3A_1523 = arith.constant 0 : i32
        %dma_wait3A_1524 = arith.constant 0 : i32
        %dma_wait3A_1525 = tpu.memref_slice %arg4[%dma_wait3A_1514, %dma_wait3A_1515, %dma_wait3A_1516, %dma_wait3A_1523, %dma_wait3A_1524] : memref<50x4x32x8x128xf32, #tpu.memory_space<hbm>> -> memref<1x1x1x8x128xf32, #tpu.memory_space<hbm>>
        %dma_wait3A_1526 = tpu.memref_squeeze %dma_wait3A_1525 : memref<1x1x1x8x128xf32, #tpu.memory_space<hbm>> -> memref<8x128xf32, #tpu.memory_space<hbm>>
        %dma_wait3A_1527 = arith.constant 0 : i32
        %dma_wait3A_1528 = arith.constant 0 : i32
        %dma_wait3A_1529 = tpu.memref_slice %arg9[%dma_wait3A_1517, %dma_wait3A_1518, %dma_wait3A_1527, %dma_wait3A_1528] : memref<5x4x8x128xf32, #tpu.memory_space<vmem>> -> memref<1x1x8x128xf32, #tpu.memory_space<vmem>>
        %dma_wait3A_1530 = tpu.memref_squeeze %dma_wait3A_1529 : memref<1x1x8x128xf32, #tpu.memory_space<vmem>> -> memref<8x128xf32, #tpu.memory_space<vmem>>
        %dma_wait3A_1531 = arith.constant 0 : i32
        %dma_wait3A_1532 = arith.constant 0 : i32
        %dma_wait3A_1533 = tpu.memref_slice %arg4[%dma_wait3A_1514, %dma_wait3A_1515, %dma_wait3A_1516, %dma_wait3A_1531, %dma_wait3A_1532] : memref<50x4x32x8x128xf32, #tpu.memory_space<hbm>> -> memref<1x1x1x8x128xf32, #tpu.memory_space<hbm>>
        %dma_wait3A_1534 = tpu.memref_squeeze %dma_wait3A_1533 : memref<1x1x1x8x128xf32, #tpu.memory_space<hbm>> -> memref<8x128xf32, #tpu.memory_space<hbm>>
        tpu.wait_dma2 semaphore(%arg13 : memref<!tpu.dma_semaphore, #tpu.memory_space<semaphore_mem>>) src(%dma_wait3A_1534 : memref<8x128xf32, #tpu.memory_space<hbm>>) dst(%dma_wait3A_1530 : memref<8x128xf32, #tpu.memory_space<vmem>>)
        %dma_wait3A_1535 = arith.constant 0 : i32
        %dma_wait3A_1536 = arith.constant 0 : i32
        %dma_wait3A_1537 = arith.constant 0 : i32
        %dma_wait3A_1538 = arith.constant 4 : i32
        %dma_wait3A_1539 = arith.constant 2 : i32
        %dma_wait3A_1540 = arith.constant 0 : i32
        %dma_wait3A_1541 = arith.constant 0 : i32
        %dma_wait3A_1542 = tpu.memref_slice %arg9[%dma_wait3A_1538, %dma_wait3A_1539, %dma_wait3A_1540, %dma_wait3A_1541] : memref<5x4x8x128xf32, #tpu.memory_space<vmem>> -> memref<1x1x8x128xf32, #tpu.memory_space<vmem>>
        %dma_wait3A_1543 = tpu.memref_squeeze %dma_wait3A_1542 : memref<1x1x8x128xf32, #tpu.memory_space<vmem>> -> memref<8x128xf32, #tpu.memory_space<vmem>>
        %dma_wait3A_1544 = arith.constant 0 : i32
        %dma_wait3A_1545 = arith.constant 0 : i32
        %dma_wait3A_1546 = tpu.memref_slice %arg4[%dma_wait3A_1535, %dma_wait3A_1536, %dma_wait3A_1537, %dma_wait3A_1544, %dma_wait3A_1545] : memref<50x4x32x8x128xf32, #tpu.memory_space<hbm>> -> memref<1x1x1x8x128xf32, #tpu.memory_space<hbm>>
        %dma_wait3A_1547 = tpu.memref_squeeze %dma_wait3A_1546 : memref<1x1x1x8x128xf32, #tpu.memory_space<hbm>> -> memref<8x128xf32, #tpu.memory_space<hbm>>
        %dma_wait3A_1548 = arith.constant 0 : i32
        %dma_wait3A_1549 = arith.constant 0 : i32
        %dma_wait3A_1550 = tpu.memref_slice %arg9[%dma_wait3A_1538, %dma_wait3A_1539, %dma_wait3A_1548, %dma_wait3A_1549] : memref<5x4x8x128xf32, #tpu.memory_space<vmem>> -> memref<1x1x8x128xf32, #tpu.memory_space<vmem>>
        %dma_wait3A_1551 = tpu.memref_squeeze %dma_wait3A_1550 : memref<1x1x8x128xf32, #tpu.memory_space<vmem>> -> memref<8x128xf32, #tpu.memory_space<vmem>>
        %dma_wait3A_1552 = arith.constant 0 : i32
        %dma_wait3A_1553 = arith.constant 0 : i32
        %dma_wait3A_1554 = tpu.memref_slice %arg4[%dma_wait3A_1535, %dma_wait3A_1536, %dma_wait3A_1537, %dma_wait3A_1552, %dma_wait3A_1553] : memref<50x4x32x8x128xf32, #tpu.memory_space<hbm>> -> memref<1x1x1x8x128xf32, #tpu.memory_space<hbm>>
        %dma_wait3A_1555 = tpu.memref_squeeze %dma_wait3A_1554 : memref<1x1x1x8x128xf32, #tpu.memory_space<hbm>> -> memref<8x128xf32, #tpu.memory_space<hbm>>
        tpu.wait_dma2 semaphore(%arg13 : memref<!tpu.dma_semaphore, #tpu.memory_space<semaphore_mem>>) src(%dma_wait3A_1555 : memref<8x128xf32, #tpu.memory_space<hbm>>) dst(%dma_wait3A_1551 : memref<8x128xf32, #tpu.memory_space<vmem>>)
        %dma_wait3A_1556 = arith.constant 0 : i32
        %dma_wait3A_1557 = arith.constant 0 : i32
        %dma_wait3A_1558 = arith.constant 0 : i32
        %dma_wait3A_1559 = arith.constant 4 : i32
        %dma_wait3A_1560 = arith.constant 3 : i32
        %dma_wait3A_1561 = arith.constant 0 : i32
        %dma_wait3A_1562 = arith.constant 0 : i32
        %dma_wait3A_1563 = tpu.memref_slice %arg9[%dma_wait3A_1559, %dma_wait3A_1560, %dma_wait3A_1561, %dma_wait3A_1562] : memref<5x4x8x128xf32, #tpu.memory_space<vmem>> -> memref<1x1x8x128xf32, #tpu.memory_space<vmem>>
        %dma_wait3A_1564 = tpu.memref_squeeze %dma_wait3A_1563 : memref<1x1x8x128xf32, #tpu.memory_space<vmem>> -> memref<8x128xf32, #tpu.memory_space<vmem>>
        %dma_wait3A_1565 = arith.constant 0 : i32
        %dma_wait3A_1566 = arith.constant 0 : i32
        %dma_wait3A_1567 = tpu.memref_slice %arg4[%dma_wait3A_1556, %dma_wait3A_1557, %dma_wait3A_1558, %dma_wait3A_1565, %dma_wait3A_1566] : memref<50x4x32x8x128xf32, #tpu.memory_space<hbm>> -> memref<1x1x1x8x128xf32, #tpu.memory_space<hbm>>
        %dma_wait3A_1568 = tpu.memref_squeeze %dma_wait3A_1567 : memref<1x1x1x8x128xf32, #tpu.memory_space<hbm>> -> memref<8x128xf32, #tpu.memory_space<hbm>>
        %dma_wait3A_1569 = arith.constant 0 : i32
        %dma_wait3A_1570 = arith.constant 0 : i32
        %dma_wait3A_1571 = tpu.memref_slice %arg9[%dma_wait3A_1559, %dma_wait3A_1560, %dma_wait3A_1569, %dma_wait3A_1570] : memref<5x4x8x128xf32, #tpu.memory_space<vmem>> -> memref<1x1x8x128xf32, #tpu.memory_space<vmem>>
        %dma_wait3A_1572 = tpu.memref_squeeze %dma_wait3A_1571 : memref<1x1x8x128xf32, #tpu.memory_space<vmem>> -> memref<8x128xf32, #tpu.memory_space<vmem>>
        %dma_wait3A_1573 = arith.constant 0 : i32
        %dma_wait3A_1574 = arith.constant 0 : i32
        %dma_wait3A_1575 = tpu.memref_slice %arg4[%dma_wait3A_1556, %dma_wait3A_1557, %dma_wait3A_1558, %dma_wait3A_1573, %dma_wait3A_1574] : memref<50x4x32x8x128xf32, #tpu.memory_space<hbm>> -> memref<1x1x1x8x128xf32, #tpu.memory_space<hbm>>
        %dma_wait3A_1576 = tpu.memref_squeeze %dma_wait3A_1575 : memref<1x1x1x8x128xf32, #tpu.memory_space<hbm>> -> memref<8x128xf32, #tpu.memory_space<hbm>>
        tpu.wait_dma2 semaphore(%arg13 : memref<!tpu.dma_semaphore, #tpu.memory_space<semaphore_mem>>) src(%dma_wait3A_1576 : memref<8x128xf32, #tpu.memory_space<hbm>>) dst(%dma_wait3A_1572 : memref<8x128xf32, #tpu.memory_space<vmem>>)
      } else {
      }
      %scan3A_1143 = arith.constant 0 : i32
      %scan3A_1144 = arith.constant 0 : i32
      %scan3A_1145 = arith.constant 80 : i32
      %scan3A_1146 = arith.addi %scan3A_1144, %scan3A_1145 : i32
      %scan3A_1147 = arith.constant 1 : i32
      scf.for %scan3A_1157 = %scan3A_1144 to %scan3A_1146 step %scan3A_1147  : i32 {
        %shift_right_arithmetic3A = arith.constant 4 : i32
        %shift_right_arithmetic3A_1158 = arith.shrsi %scan3A_1157, %shift_right_arithmetic3A : i32
        %shift_right_arithmetic3A_1159 = arith.constant 3 : i32
        %shift_right_arithmetic3A_1160 = arith.shrsi %scan3A_1157, %shift_right_arithmetic3A_1159 : i32
        %and3A_1161 = arith.constant 1 : i32
        %and3A_1162 = arith.andi %shift_right_arithmetic3A_1160, %and3A_1161 : i32
        %mul3A_1163 = arith.constant 16 : i32
        %mul3A_1164 = arith.muli %and3A_1162, %mul3A_1163 : i32
        %and3A_1165 = arith.constant 7 : i32
        %and3A_1166 = arith.andi %scan3A_1157, %and3A_1165 : i32
        %mul3A_1167 = arith.constant 16 : i32
        %mul3A_1168 = arith.muli %and3A_1166, %mul3A_1167 : i32
        %mul3A_1169 = arith.constant 128 : i32
        %mul3A_1170 = arith.muli %shift_right_arithmetic3A_1158, %mul3A_1169 : i32
        %add3A_1171 = arith.addi %mul3A_1170, %mul3A_1168 : i32
        %add3A_1172 = arith.constant 0 : i32
        %add3A_1173 = arith.addi %add3A_1171, %add3A_1172 : i32
        %get3A = arith.index_cast %add3A_1173 : i32 to index
        %get3A_1174 = arith.index_cast %mul3A_1164 : i32 to index
        %get3A_1175 = tpu.vector_load %arg7[%get3A, %get3A_1174] {strides = array<i32>} : memref<640x32xf32, #tpu.memory_space<vmem>>, vector<1x16xf32>,
        %get3A_1176 = vector.shape_cast %get3A_1175 : vector<1x16xf32> to vector<16xf32>
        %add3A_1177 = arith.constant 1 : i32
        %add3A_1178 = arith.addi %add3A_1171, %add3A_1177 : i32
        %get3A_1179 = arith.index_cast %add3A_1178 : i32 to index
        %get3A_1180 = arith.index_cast %mul3A_1164 : i32 to index
        %get3A_1181 = tpu.vector_load %arg7[%get3A_1179, %get3A_1180] {strides = array<i32>} : memref<640x32xf32, #tpu.memory_space<vmem>>, vector<1x16xf32>,
        %get3A_1182 = vector.shape_cast %get3A_1181 : vector<1x16xf32> to vector<16xf32>
        %add3A_1183 = arith.constant 2 : i32
        %add3A_1184 = arith.addi %add3A_1171, %add3A_1183 : i32
        %get3A_1185 = arith.index_cast %add3A_1184 : i32 to index
        %get3A_1186 = arith.index_cast %mul3A_1164 : i32 to index
        %get3A_1187 = tpu.vector_load %arg7[%get3A_1185, %get3A_1186] {strides = array<i32>} : memref<640x32xf32, #tpu.memory_space<vmem>>, vector<1x16xf32>,
        %get3A_1188 = vector.shape_cast %get3A_1187 : vector<1x16xf32> to vector<16xf32>
        %add3A_1189 = arith.constant 3 : i32
        %add3A_1190 = arith.addi %add3A_1171, %add3A_1189 : i32
        %get3A_1191 = arith.index_cast %add3A_1190 : i32 to index
        %get3A_1192 = arith.index_cast %mul3A_1164 : i32 to index
        %get3A_1193 = tpu.vector_load %arg7[%get3A_1191, %get3A_1192] {strides = array<i32>} : memref<640x32xf32, #tpu.memory_space<vmem>>, vector<1x16xf32>,
        %get3A_1194 = vector.shape_cast %get3A_1193 : vector<1x16xf32> to vector<16xf32>
        %add3A_1195 = arith.constant 4 : i32
        %add3A_1196 = arith.addi %add3A_1171, %add3A_1195 : i32
        %get3A_1197 = arith.index_cast %add3A_1196 : i32 to index
        %get3A_1198 = arith.index_cast %mul3A_1164 : i32 to index
        %get3A_1199 = tpu.vector_load %arg7[%get3A_1197, %get3A_1198] {strides = array<i32>} : memref<640x32xf32, #tpu.memory_space<vmem>>, vector<1x16xf32>,
        %get3A_1200 = vector.shape_cast %get3A_1199 : vector<1x16xf32> to vector<16xf32>
        %add3A_1201 = arith.constant 5 : i32
        %add3A_1202 = arith.addi %add3A_1171, %add3A_1201 : i32
        %get3A_1203 = arith.index_cast %add3A_1202 : i32 to index
        %get3A_1204 = arith.index_cast %mul3A_1164 : i32 to index
        %get3A_1205 = tpu.vector_load %arg7[%get3A_1203, %get3A_1204] {strides = array<i32>} : memref<640x32xf32, #tpu.memory_space<vmem>>, vector<1x16xf32>,
        %get3A_1206 = vector.shape_cast %get3A_1205 : vector<1x16xf32> to vector<16xf32>
        %add3A_1207 = arith.constant 6 : i32
        %add3A_1208 = arith.addi %add3A_1171, %add3A_1207 : i32
        %get3A_1209 = arith.index_cast %add3A_1208 : i32 to index
        %get3A_1210 = arith.index_cast %mul3A_1164 : i32 to index
        %get3A_1211 = tpu.vector_load %arg7[%get3A_1209, %get3A_1210] {strides = array<i32>} : memref<640x32xf32, #tpu.memory_space<vmem>>, vector<1x16xf32>,
        %get3A_1212 = vector.shape_cast %get3A_1211 : vector<1x16xf32> to vector<16xf32>
        %add3A_1213 = arith.constant 7 : i32
        %add3A_1214 = arith.addi %add3A_1171, %add3A_1213 : i32
        %get3A_1215 = arith.index_cast %add3A_1214 : i32 to index
        %get3A_1216 = arith.index_cast %mul3A_1164 : i32 to index
        %get3A_1217 = tpu.vector_load %arg7[%get3A_1215, %get3A_1216] {strides = array<i32>} : memref<640x32xf32, #tpu.memory_space<vmem>>, vector<1x16xf32>,
        %get3A_1218 = vector.shape_cast %get3A_1217 : vector<1x16xf32> to vector<16xf32>
        %add3A_1219 = arith.constant 8 : i32
        %add3A_1220 = arith.addi %add3A_1171, %add3A_1219 : i32
        %get3A_1221 = arith.index_cast %add3A_1220 : i32 to index
        %get3A_1222 = arith.index_cast %mul3A_1164 : i32 to index
        %get3A_1223 = tpu.vector_load %arg7[%get3A_1221, %get3A_1222] {strides = array<i32>} : memref<640x32xf32, #tpu.memory_space<vmem>>, vector<1x16xf32>,
        %get3A_1224 = vector.shape_cast %get3A_1223 : vector<1x16xf32> to vector<16xf32>
        %add3A_1225 = arith.constant 9 : i32
        %add3A_1226 = arith.addi %add3A_1171, %add3A_1225 : i32
        %get3A_1227 = arith.index_cast %add3A_1226 : i32 to index
        %get3A_1228 = arith.index_cast %mul3A_1164 : i32 to index
        %get3A_1229 = tpu.vector_load %arg7[%get3A_1227, %get3A_1228] {strides = array<i32>} : memref<640x32xf32, #tpu.memory_space<vmem>>, vector<1x16xf32>,
        %get3A_1230 = vector.shape_cast %get3A_1229 : vector<1x16xf32> to vector<16xf32>
        %add3A_1231 = arith.constant 10 : i32
        %add3A_1232 = arith.addi %add3A_1171, %add3A_1231 : i32
        %get3A_1233 = arith.index_cast %add3A_1232 : i32 to index
        %get3A_1234 = arith.index_cast %mul3A_1164 : i32 to index
        %get3A_1235 = tpu.vector_load %arg7[%get3A_1233, %get3A_1234] {strides = array<i32>} : memref<640x32xf32, #tpu.memory_space<vmem>>, vector<1x16xf32>,
        %get3A_1236 = vector.shape_cast %get3A_1235 : vector<1x16xf32> to vector<16xf32>
        %add3A_1237 = arith.constant 11 : i32
        %add3A_1238 = arith.addi %add3A_1171, %add3A_1237 : i32
        %get3A_1239 = arith.index_cast %add3A_1238 : i32 to index
        %get3A_1240 = arith.index_cast %mul3A_1164 : i32 to index
        %get3A_1241 = tpu.vector_load %arg7[%get3A_1239, %get3A_1240] {strides = array<i32>} : memref<640x32xf32, #tpu.memory_space<vmem>>, vector<1x16xf32>,
        %get3A_1242 = vector.shape_cast %get3A_1241 : vector<1x16xf32> to vector<16xf32>
        %add3A_1243 = arith.constant 12 : i32
        %add3A_1244 = arith.addi %add3A_1171, %add3A_1243 : i32
        %get3A_1245 = arith.index_cast %add3A_1244 : i32 to index
        %get3A_1246 = arith.index_cast %mul3A_1164 : i32 to index
        %get3A_1247 = tpu.vector_load %arg7[%get3A_1245, %get3A_1246] {strides = array<i32>} : memref<640x32xf32, #tpu.memory_space<vmem>>, vector<1x16xf32>,
        %get3A_1248 = vector.shape_cast %get3A_1247 : vector<1x16xf32> to vector<16xf32>
        %add3A_1249 = arith.constant 13 : i32
        %add3A_1250 = arith.addi %add3A_1171, %add3A_1249 : i32
        %get3A_1251 = arith.index_cast %add3A_1250 : i32 to index
        %get3A_1252 = arith.index_cast %mul3A_1164 : i32 to index
        %get3A_1253 = tpu.vector_load %arg7[%get3A_1251, %get3A_1252] {strides = array<i32>} : memref<640x32xf32, #tpu.memory_space<vmem>>, vector<1x16xf32>,
        %get3A_1254 = vector.shape_cast %get3A_1253 : vector<1x16xf32> to vector<16xf32>
        %add3A_1255 = arith.constant 14 : i32
        %add3A_1256 = arith.addi %add3A_1171, %add3A_1255 : i32
        %get3A_1257 = arith.index_cast %add3A_1256 : i32 to index
        %get3A_1258 = arith.index_cast %mul3A_1164 : i32 to index
        %get3A_1259 = tpu.vector_load %arg7[%get3A_1257, %get3A_1258] {strides = array<i32>} : memref<640x32xf32, #tpu.memory_space<vmem>>, vector<1x16xf32>,
        %get3A_1260 = vector.shape_cast %get3A_1259 : vector<1x16xf32> to vector<16xf32>
        %add3A_1261 = arith.constant 15 : i32
        %add3A_1262 = arith.addi %add3A_1171, %add3A_1261 : i32
        %get3A_1263 = arith.index_cast %add3A_1262 : i32 to index
        %get3A_1264 = arith.index_cast %mul3A_1164 : i32 to index
        %get3A_1265 = tpu.vector_load %arg7[%get3A_1263, %get3A_1264] {strides = array<i32>} : memref<640x32xf32, #tpu.memory_space<vmem>>, vector<1x16xf32>,
        %get3A_1266 = vector.shape_cast %get3A_1265 : vector<1x16xf32> to vector<16xf32>
        %sub3A = arith.constant 1 : i32
        %sub3A_1267 = vector.broadcast %sub3A : i32 to vector<16xi32>
        %sub3A_1268 = arith.subi %iota3A, %sub3A_1267 : vector<16xi32>
        %and3A_1269 = arith.constant 15 : i32
        %and3A_1270 = vector.broadcast %and3A_1269 : i32 to vector<16xi32>
        %and3A_1271 = arith.andi %sub3A_1268, %and3A_1270 : vector<16xi32>
        %broadcast_in_dim3A = vector.shape_cast %and3A_1271 : vector<16xi32> to vector<16x1xi32>
        %gather3A = vector.shape_cast %broadcast_in_dim3A : vector<16x1xi32> to vector<16xi32>
        %gather3A_1272 = tpu.dynamic_gather %get3A_1182[%gather3A] in [0] : vector<16xf32>, vector<16xi32> -> vector<16xf32>
        %select_n3A = arith.select %eq3A_4, %get3A_1176, %gather3A_1272 : vector<16xi1>, vector<16xf32>
        %sub3A_1273 = arith.constant -1 : i32
        %sub3A_1274 = vector.broadcast %sub3A_1273 : i32 to vector<16xi32>
        %sub3A_1275 = arith.subi %iota3A, %sub3A_1274 : vector<16xi32>
        %and3A_1276 = arith.constant 15 : i32
        %and3A_1277 = vector.broadcast %and3A_1276 : i32 to vector<16xi32>
        %and3A_1278 = arith.andi %sub3A_1275, %and3A_1277 : vector<16xi32>
        %broadcast_in_dim3A_1279 = vector.shape_cast %and3A_1278 : vector<16xi32> to vector<16x1xi32>
        %gather3A_1280 = vector.shape_cast %broadcast_in_dim3A_1279 : vector<16x1xi32> to vector<16xi32>
        %gather3A_1281 = tpu.dynamic_gather %get3A_1176[%gather3A_1280] in [0] : vector<16xf32>, vector<16xi32> -> vector<16xf32>
        %select_n3A_1282 = arith.select %eq3A_4, %gather3A_1281, %get3A_1182 : vector<16xi1>, vector<16xf32>
        %sub3A_1283 = arith.constant 1 : i32
        %sub3A_1284 = vector.broadcast %sub3A_1283 : i32 to vector<16xi32>
        %sub3A_1285 = arith.subi %iota3A, %sub3A_1284 : vector<16xi32>
        %and3A_1286 = arith.constant 15 : i32
        %and3A_1287 = vector.broadcast %and3A_1286 : i32 to vector<16xi32>
        %and3A_1288 = arith.andi %sub3A_1285, %and3A_1287 : vector<16xi32>
        %broadcast_in_dim3A_1289 = vector.shape_cast %and3A_1288 : vector<16xi32> to vector<16x1xi32>
        %gather3A_1290 = vector.shape_cast %broadcast_in_dim3A_1289 : vector<16x1xi32> to vector<16xi32>
        %gather3A_1291 = tpu.dynamic_gather %get3A_1194[%gather3A_1290] in [0] : vector<16xf32>, vector<16xi32> -> vector<16xf32>
        %select_n3A_1292 = arith.select %eq3A_4, %get3A_1188, %gather3A_1291 : vector<16xi1>, vector<16xf32>
        %sub3A_1293 = arith.constant -1 : i32
        %sub3A_1294 = vector.broadcast %sub3A_1293 : i32 to vector<16xi32>
        %sub3A_1295 = arith.subi %iota3A, %sub3A_1294 : vector<16xi32>
        %and3A_1296 = arith.constant 15 : i32
        %and3A_1297 = vector.broadcast %and3A_1296 : i32 to vector<16xi32>
        %and3A_1298 = arith.andi %sub3A_1295, %and3A_1297 : vector<16xi32>
        %broadcast_in_dim3A_1299 = vector.shape_cast %and3A_1298 : vector<16xi32> to vector<16x1xi32>
        %gather3A_1300 = vector.shape_cast %broadcast_in_dim3A_1299 : vector<16x1xi32> to vector<16xi32>
        %gather3A_1301 = tpu.dynamic_gather %get3A_1188[%gather3A_1300] in [0] : vector<16xf32>, vector<16xi32> -> vector<16xf32>
        %select_n3A_1302 = arith.select %eq3A_4, %gather3A_1301, %get3A_1194 : vector<16xi1>, vector<16xf32>
        %sub3A_1303 = arith.constant 1 : i32
        %sub3A_1304 = vector.broadcast %sub3A_1303 : i32 to vector<16xi32>
        %sub3A_1305 = arith.subi %iota3A, %sub3A_1304 : vector<16xi32>
        %and3A_1306 = arith.constant 15 : i32
        %and3A_1307 = vector.broadcast %and3A_1306 : i32 to vector<16xi32>
        %and3A_1308 = arith.andi %sub3A_1305, %and3A_1307 : vector<16xi32>
        %broadcast_in_dim3A_1309 = vector.shape_cast %and3A_1308 : vector<16xi32> to vector<16x1xi32>
        %gather3A_1310 = vector.shape_cast %broadcast_in_dim3A_1309 : vector<16x1xi32> to vector<16xi32>
        %gather3A_1311 = tpu.dynamic_gather %get3A_1206[%gather3A_1310] in [0] : vector<16xf32>, vector<16xi32> -> vector<16xf32>
        %select_n3A_1312 = arith.select %eq3A_4, %get3A_1200, %gather3A_1311 : vector<16xi1>, vector<16xf32>
        %sub3A_1313 = arith.constant -1 : i32
        %sub3A_1314 = vector.broadcast %sub3A_1313 : i32 to vector<16xi32>
        %sub3A_1315 = arith.subi %iota3A, %sub3A_1314 : vector<16xi32>
        %and3A_1316 = arith.constant 15 : i32
        %and3A_1317 = vector.broadcast %and3A_1316 : i32 to vector<16xi32>
        %and3A_1318 = arith.andi %sub3A_1315, %and3A_1317 : vector<16xi32>
        %broadcast_in_dim3A_1319 = vector.shape_cast %and3A_1318 : vector<16xi32> to vector<16x1xi32>
        %gather3A_1320 = vector.shape_cast %broadcast_in_dim3A_1319 : vector<16x1xi32> to vector<16xi32>
        %gather3A_1321 = tpu.dynamic_gather %get3A_1200[%gather3A_1320] in [0] : vector<16xf32>, vector<16xi32> -> vector<16xf32>
        %select_n3A_1322 = arith.select %eq3A_4, %gather3A_1321, %get3A_1206 : vector<16xi1>, vector<16xf32>
        %sub3A_1323 = arith.constant 1 : i32
        %sub3A_1324 = vector.broadcast %sub3A_1323 : i32 to vector<16xi32>
        %sub3A_1325 = arith.subi %iota3A, %sub3A_1324 : vector<16xi32>
        %and3A_1326 = arith.constant 15 : i32
        %and3A_1327 = vector.broadcast %and3A_1326 : i32 to vector<16xi32>
        %and3A_1328 = arith.andi %sub3A_1325, %and3A_1327 : vector<16xi32>
        %broadcast_in_dim3A_1329 = vector.shape_cast %and3A_1328 : vector<16xi32> to vector<16x1xi32>
        %gather3A_1330 = vector.shape_cast %broadcast_in_dim3A_1329 : vector<16x1xi32> to vector<16xi32>
        %gather3A_1331 = tpu.dynamic_gather %get3A_1218[%gather3A_1330] in [0] : vector<16xf32>, vector<16xi32> -> vector<16xf32>
        %select_n3A_1332 = arith.select %eq3A_4, %get3A_1212, %gather3A_1331 : vector<16xi1>, vector<16xf32>
        %sub3A_1333 = arith.constant -1 : i32
        %sub3A_1334 = vector.broadcast %sub3A_1333 : i32 to vector<16xi32>
        %sub3A_1335 = arith.subi %iota3A, %sub3A_1334 : vector<16xi32>
        %and3A_1336 = arith.constant 15 : i32
        %and3A_1337 = vector.broadcast %and3A_1336 : i32 to vector<16xi32>
        %and3A_1338 = arith.andi %sub3A_1335, %and3A_1337 : vector<16xi32>
        %broadcast_in_dim3A_1339 = vector.shape_cast %and3A_1338 : vector<16xi32> to vector<16x1xi32>
        %gather3A_1340 = vector.shape_cast %broadcast_in_dim3A_1339 : vector<16x1xi32> to vector<16xi32>
        %gather3A_1341 = tpu.dynamic_gather %get3A_1212[%gather3A_1340] in [0] : vector<16xf32>, vector<16xi32> -> vector<16xf32>
        %select_n3A_1342 = arith.select %eq3A_4, %gather3A_1341, %get3A_1218 : vector<16xi1>, vector<16xf32>
        %sub3A_1343 = arith.constant 1 : i32
        %sub3A_1344 = vector.broadcast %sub3A_1343 : i32 to vector<16xi32>
        %sub3A_1345 = arith.subi %iota3A, %sub3A_1344 : vector<16xi32>
        %and3A_1346 = arith.constant 15 : i32
        %and3A_1347 = vector.broadcast %and3A_1346 : i32 to vector<16xi32>
        %and3A_1348 = arith.andi %sub3A_1345, %and3A_1347 : vector<16xi32>
        %broadcast_in_dim3A_1349 = vector.shape_cast %and3A_1348 : vector<16xi32> to vector<16x1xi32>
        %gather3A_1350 = vector.shape_cast %broadcast_in_dim3A_1349 : vector<16x1xi32> to vector<16xi32>
        %gather3A_1351 = tpu.dynamic_gather %get3A_1230[%gather3A_1350] in [0] : vector<16xf32>, vector<16xi32> -> vector<16xf32>
        %select_n3A_1352 = arith.select %eq3A_4, %get3A_1224, %gather3A_1351 : vector<16xi1>, vector<16xf32>
        %sub3A_1353 = arith.constant -1 : i32
        %sub3A_1354 = vector.broadcast %sub3A_1353 : i32 to vector<16xi32>
        %sub3A_1355 = arith.subi %iota3A, %sub3A_1354 : vector<16xi32>
        %and3A_1356 = arith.constant 15 : i32
        %and3A_1357 = vector.broadcast %and3A_1356 : i32 to vector<16xi32>
        %and3A_1358 = arith.andi %sub3A_1355, %and3A_1357 : vector<16xi32>
        %broadcast_in_dim3A_1359 = vector.shape_cast %and3A_1358 : vector<16xi32> to vector<16x1xi32>
        %gather3A_1360 = vector.shape_cast %broadcast_in_dim3A_1359 : vector<16x1xi32> to vector<16xi32>
        %gather3A_1361 = tpu.dynamic_gather %get3A_1224[%gather3A_1360] in [0] : vector<16xf32>, vector<16xi32> -> vector<16xf32>
        %select_n3A_1362 = arith.select %eq3A_4, %gather3A_1361, %get3A_1230 : vector<16xi1>, vector<16xf32>
        %sub3A_1363 = arith.constant 1 : i32
        %sub3A_1364 = vector.broadcast %sub3A_1363 : i32 to vector<16xi32>
        %sub3A_1365 = arith.subi %iota3A, %sub3A_1364 : vector<16xi32>
        %and3A_1366 = arith.constant 15 : i32
        %and3A_1367 = vector.broadcast %and3A_1366 : i32 to vector<16xi32>
        %and3A_1368 = arith.andi %sub3A_1365, %and3A_1367 : vector<16xi32>
        %broadcast_in_dim3A_1369 = vector.shape_cast %and3A_1368 : vector<16xi32> to vector<16x1xi32>
        %gather3A_1370 = vector.shape_cast %broadcast_in_dim3A_1369 : vector<16x1xi32> to vector<16xi32>
        %gather3A_1371 = tpu.dynamic_gather %get3A_1242[%gather3A_1370] in [0] : vector<16xf32>, vector<16xi32> -> vector<16xf32>
        %select_n3A_1372 = arith.select %eq3A_4, %get3A_1236, %gather3A_1371 : vector<16xi1>, vector<16xf32>
        %sub3A_1373 = arith.constant -1 : i32
        %sub3A_1374 = vector.broadcast %sub3A_1373 : i32 to vector<16xi32>
        %sub3A_1375 = arith.subi %iota3A, %sub3A_1374 : vector<16xi32>
        %and3A_1376 = arith.constant 15 : i32
        %and3A_1377 = vector.broadcast %and3A_1376 : i32 to vector<16xi32>
        %and3A_1378 = arith.andi %sub3A_1375, %and3A_1377 : vector<16xi32>
        %broadcast_in_dim3A_1379 = vector.shape_cast %and3A_1378 : vector<16xi32> to vector<16x1xi32>
        %gather3A_1380 = vector.shape_cast %broadcast_in_dim3A_1379 : vector<16x1xi32> to vector<16xi32>
        %gather3A_1381 = tpu.dynamic_gather %get3A_1236[%gather3A_1380] in [0] : vector<16xf32>, vector<16xi32> -> vector<16xf32>
        %select_n3A_1382 = arith.select %eq3A_4, %gather3A_1381, %get3A_1242 : vector<16xi1>, vector<16xf32>
        %sub3A_1383 = arith.constant 1 : i32
        %sub3A_1384 = vector.broadcast %sub3A_1383 : i32 to vector<16xi32>
        %sub3A_1385 = arith.subi %iota3A, %sub3A_1384 : vector<16xi32>
        %and3A_1386 = arith.constant 15 : i32
        %and3A_1387 = vector.broadcast %and3A_1386 : i32 to vector<16xi32>
        %and3A_1388 = arith.andi %sub3A_1385, %and3A_1387 : vector<16xi32>
        %broadcast_in_dim3A_1389 = vector.shape_cast %and3A_1388 : vector<16xi32> to vector<16x1xi32>
        %gather3A_1390 = vector.shape_cast %broadcast_in_dim3A_1389 : vector<16x1xi32> to vector<16xi32>
        %gather3A_1391 = tpu.dynamic_gather %get3A_1254[%gather3A_1390] in [0] : vector<16xf32>, vector<16xi32> -> vector<16xf32>
        %select_n3A_1392 = arith.select %eq3A_4, %get3A_1248, %gather3A_1391 : vector<16xi1>, vector<16xf32>
        %sub3A_1393 = arith.constant -1 : i32
        %sub3A_1394 = vector.broadcast %sub3A_1393 : i32 to vector<16xi32>
        %sub3A_1395 = arith.subi %iota3A, %sub3A_1394 : vector<16xi32>
        %and3A_1396 = arith.constant 15 : i32
        %and3A_1397 = vector.broadcast %and3A_1396 : i32 to vector<16xi32>
        %and3A_1398 = arith.andi %sub3A_1395, %and3A_1397 : vector<16xi32>
        %broadcast_in_dim3A_1399 = vector.shape_cast %and3A_1398 : vector<16xi32> to vector<16x1xi32>
        %gather3A_1400 = vector.shape_cast %broadcast_in_dim3A_1399 : vector<16x1xi32> to vector<16xi32>
        %gather3A_1401 = tpu.dynamic_gather %get3A_1248[%gather3A_1400] in [0] : vector<16xf32>, vector<16xi32> -> vector<16xf32>
        %select_n3A_1402 = arith.select %eq3A_4, %gather3A_1401, %get3A_1254 : vector<16xi1>, vector<16xf32>
        %sub3A_1403 = arith.constant 1 : i32
        %sub3A_1404 = vector.broadcast %sub3A_1403 : i32 to vector<16xi32>
        %sub3A_1405 = arith.subi %iota3A, %sub3A_1404 : vector<16xi32>
        %and3A_1406 = arith.constant 15 : i32
        %and3A_1407 = vector.broadcast %and3A_1406 : i32 to vector<16xi32>
        %and3A_1408 = arith.andi %sub3A_1405, %and3A_1407 : vector<16xi32>
        %broadcast_in_dim3A_1409 = vector.shape_cast %and3A_1408 : vector<16xi32> to vector<16x1xi32>
        %gather3A_1410 = vector.shape_cast %broadcast_in_dim3A_1409 : vector<16x1xi32> to vector<16xi32>
        %gather3A_1411 = tpu.dynamic_gather %get3A_1266[%gather3A_1410] in [0] : vector<16xf32>, vector<16xi32> -> vector<16xf32>
        %select_n3A_1412 = arith.select %eq3A_4, %get3A_1260, %gather3A_1411 : vector<16xi1>, vector<16xf32>
        %sub3A_1413 = arith.constant -1 : i32
        %sub3A_1414 = vector.broadcast %sub3A_1413 : i32 to vector<16xi32>
        %sub3A_1415 = arith.subi %iota3A, %sub3A_1414 : vector<16xi32>
        %and3A_1416 = arith.constant 15 : i32
        %and3A_1417 = vector.broadcast %and3A_1416 : i32 to vector<16xi32>
        %and3A_1418 = arith.andi %sub3A_1415, %and3A_1417 : vector<16xi32>
        %broadcast_in_dim3A_1419 = vector.shape_cast %and3A_1418 : vector<16xi32> to vector<16x1xi32>
        %gather3A_1420 = vector.shape_cast %broadcast_in_dim3A_1419 : vector<16x1xi32> to vector<16xi32>
        %gather3A_1421 = tpu.dynamic_gather %get3A_1260[%gather3A_1420] in [0] : vector<16xf32>, vector<16xi32> -> vector<16xf32>
        %select_n3A_1422 = arith.select %eq3A_4, %gather3A_1421, %get3A_1266 : vector<16xi1>, vector<16xf32>
        %sub3A_1423 = arith.constant 2 : i32
        %sub3A_1424 = vector.broadcast %sub3A_1423 : i32 to vector<16xi32>
        %sub3A_1425 = arith.subi %iota3A, %sub3A_1424 : vector<16xi32>
        %and3A_1426 = arith.constant 15 : i32
        %and3A_1427 = vector.broadcast %and3A_1426 : i32 to vector<16xi32>
        %and3A_1428 = arith.andi %sub3A_1425, %and3A_1427 : vector<16xi32>
        %broadcast_in_dim3A_1429 = vector.shape_cast %and3A_1428 : vector<16xi32> to vector<16x1xi32>
        %gather3A_1430 = vector.shape_cast %broadcast_in_dim3A_1429 : vector<16x1xi32> to vector<16xi32>
        %gather3A_1431 = tpu.dynamic_gather %select_n3A_1292[%gather3A_1430] in [0] : vector<16xf32>, vector<16xi32> -> vector<16xf32>
        %select_n3A_1432 = arith.select %eq3A_10, %select_n3A, %gather3A_1431 : vector<16xi1>, vector<16xf32>
        %sub3A_1433 = arith.constant -2 : i32
        %sub3A_1434 = vector.broadcast %sub3A_1433 : i32 to vector<16xi32>
        %sub3A_1435 = arith.subi %iota3A, %sub3A_1434 : vector<16xi32>
        %and3A_1436 = arith.constant 15 : i32
        %and3A_1437 = vector.broadcast %and3A_1436 : i32 to vector<16xi32>
        %and3A_1438 = arith.andi %sub3A_1435, %and3A_1437 : vector<16xi32>
        %broadcast_in_dim3A_1439 = vector.shape_cast %and3A_1438 : vector<16xi32> to vector<16x1xi32>
        %gather3A_1440 = vector.shape_cast %broadcast_in_dim3A_1439 : vector<16x1xi32> to vector<16xi32>
        %gather3A_1441 = tpu.dynamic_gather %select_n3A[%gather3A_1440] in [0] : vector<16xf32>, vector<16xi32> -> vector<16xf32>
        %select_n3A_1442 = arith.select %eq3A_10, %gather3A_1441, %select_n3A_1292 : vector<16xi1>, vector<16xf32>
        %sub3A_1443 = arith.constant 2 : i32
        %sub3A_1444 = vector.broadcast %sub3A_1443 : i32 to vector<16xi32>
        %sub3A_1445 = arith.subi %iota3A, %sub3A_1444 : vector<16xi32>
        %and3A_1446 = arith.constant 15 : i32
        %and3A_1447 = vector.broadcast %and3A_1446 : i32 to vector<16xi32>
        %and3A_1448 = arith.andi %sub3A_1445, %and3A_1447 : vector<16xi32>
        %broadcast_in_dim3A_1449 = vector.shape_cast %and3A_1448 : vector<16xi32> to vector<16x1xi32>
        %gather3A_1450 = vector.shape_cast %broadcast_in_dim3A_1449 : vector<16x1xi32> to vector<16xi32>
        %gather3A_1451 = tpu.dynamic_gather %select_n3A_1302[%gather3A_1450] in [0] : vector<16xf32>, vector<16xi32> -> vector<16xf32>
        %select_n3A_1452 = arith.select %eq3A_10, %select_n3A_1282, %gather3A_1451 : vector<16xi1>, vector<16xf32>
        %sub3A_1453 = arith.constant -2 : i32
        %sub3A_1454 = vector.broadcast %sub3A_1453 : i32 to vector<16xi32>
        %sub3A_1455 = arith.subi %iota3A, %sub3A_1454 : vector<16xi32>
        %and3A_1456 = arith.constant 15 : i32
        %and3A_1457 = vector.broadcast %and3A_1456 : i32 to vector<16xi32>
        %and3A_1458 = arith.andi %sub3A_1455, %and3A_1457 : vector<16xi32>
        %broadcast_in_dim3A_1459 = vector.shape_cast %and3A_1458 : vector<16xi32> to vector<16x1xi32>
        %gather3A_1460 = vector.shape_cast %broadcast_in_dim3A_1459 : vector<16x1xi32> to vector<16xi32>
        %gather3A_1461 = tpu.dynamic_gather %select_n3A_1282[%gather3A_1460] in [0] : vector<16xf32>, vector<16xi32> -> vector<16xf32>
        %select_n3A_1462 = arith.select %eq3A_10, %gather3A_1461, %select_n3A_1302 : vector<16xi1>, vector<16xf32>
        %sub3A_1463 = arith.constant 2 : i32
        %sub3A_1464 = vector.broadcast %sub3A_1463 : i32 to vector<16xi32>
        %sub3A_1465 = arith.subi %iota3A, %sub3A_1464 : vector<16xi32>
        %and3A_1466 = arith.constant 15 : i32
        %and3A_1467 = vector.broadcast %and3A_1466 : i32 to vector<16xi32>
        %and3A_1468 = arith.andi %sub3A_1465, %and3A_1467 : vector<16xi32>
        %broadcast_in_dim3A_1469 = vector.shape_cast %and3A_1468 : vector<16xi32> to vector<16x1xi32>
        %gather3A_1470 = vector.shape_cast %broadcast_in_dim3A_1469 : vector<16x1xi32> to vector<16xi32>
        %gather3A_1471 = tpu.dynamic_gather %select_n3A_1332[%gather3A_1470] in [0] : vector<16xf32>, vector<16xi32> -> vector<16xf32>
        %select_n3A_1472 = arith.select %eq3A_10, %select_n3A_1312, %gather3A_1471 : vector<16xi1>, vector<16xf32>
        %sub3A_1473 = arith.constant -2 : i32
        %sub3A_1474 = vector.broadcast %sub3A_1473 : i32 to vector<16xi32>
        %sub3A_1475 = arith.subi %iota3A, %sub3A_1474 : vector<16xi32>
        %and3A_1476 = arith.constant 15 : i32
        %and3A_1477 = vector.broadcast %and3A_1476 : i32 to vector<16xi32>
        %and3A_1478 = arith.andi %sub3A_1475, %and3A_1477 : vector<16xi32>
        %broadcast_in_dim3A_1479 = vector.shape_cast %and3A_1478 : vector<16xi32> to vector<16x1xi32>
        %gather3A_1480 = vector.shape_cast %broadcast_in_dim3A_1479 : vector<16x1xi32> to vector<16xi32>
        %gather3A_1481 = tpu.dynamic_gather %select_n3A_1312[%gather3A_1480] in [0] : vector<16xf32>, vector<16xi32> -> vector<16xf32>
        %select_n3A_1482 = arith.select %eq3A_10, %gather3A_1481, %select_n3A_1332 : vector<16xi1>, vector<16xf32>
        %sub3A_1483 = arith.constant 2 : i32
        %sub3A_1484 = vector.broadcast %sub3A_1483 : i32 to vector<16xi32>
        %sub3A_1485 = arith.subi %iota3A, %sub3A_1484 : vector<16xi32>
        %and3A_1486 = arith.constant 15 : i32
        %and3A_1487 = vector.broadcast %and3A_1486 : i32 to vector<16xi32>
        %and3A_1488 = arith.andi %sub3A_1485, %and3A_1487 : vector<16xi32>
        %broadcast_in_dim3A_1489 = vector.shape_cast %and3A_1488 : vector<16xi32> to vector<16x1xi32>
        %gather3A_1490 = vector.shape_cast %broadcast_in_dim3A_1489 : vector<16x1xi32> to vector<16xi32>
        %gather3A_1491 = tpu.dynamic_gather %select_n3A_1342[%gather3A_1490] in [0] : vector<16xf32>, vector<16xi32> -> vector<16xf32>
        %select_n3A_1492 = arith.select %eq3A_10, %select_n3A_1322, %gather3A_1491 : vector<16xi1>, vector<16xf32>
        %sub3A_1493 = arith.constant -2 : i32
        %sub3A_1494 = vector.broadcast %sub3A_1493 : i32 to vector<16xi32>
        %sub3A_1495 = arith.subi %iota3A, %sub3A_1494 : vector<16xi32>
        %and3A_1496 = arith.constant 15 : i32
        %and3A_1497 = vector.broadcast %and3A_1496 : i32 to vector<16xi32>
        %and3A_1498 = arith.andi %sub3A_1495, %and3A_1497 : vector<16xi32>
        %broadcast_in_dim3A_1499 = vector.shape_cast %and3A_1498 : vector<16xi32> to vector<16x1xi32>
        %gather3A_1500 = vector.shape_cast %broadcast_in_dim3A_1499 : vector<16x1xi32> to vector<16xi32>
        %gather3A_1501 = tpu.dynamic_gather %select_n3A_1322[%gather3A_1500] in [0] : vector<16xf32>, vector<16xi32> -> vector<16xf32>
        %select_n3A_1502 = arith.select %eq3A_10, %gather3A_1501, %select_n3A_1342 : vector<16xi1>, vector<16xf32>
        %sub3A_1503 = arith.constant 2 : i32
        %sub3A_1504 = vector.broadcast %sub3A_1503 : i32 to vector<16xi32>
        %sub3A_1505 = arith.subi %iota3A, %sub3A_1504 : vector<16xi32>
        %and3A_1506 = arith.constant 15 : i32
        %and3A_1507 = vector.broadcast %and3A_1506 : i32 to vector<16xi32>
        %and3A_1508 = arith.andi %sub3A_1505, %and3A_1507 : vector<16xi32>
        %broadcast_in_dim3A_1509 = vector.shape_cast %and3A_1508 : vector<16xi32> to vector<16x1xi32>
        %gather3A_1510 = vector.shape_cast %broadcast_in_dim3A_1509 : vector<16x1xi32> to vector<16xi32>
        %gather3A_1511 = tpu.dynamic_gather %select_n3A_1372[%gather3A_1510] in [0] : vector<16xf32>, vector<16xi32> -> vector<16xf32>
        %select_n3A_1512 = arith.select %eq3A_10, %select_n3A_1352, %gather3A_1511 : vector<16xi1>, vector<16xf32>
        %sub3A_1513 = arith.constant -2 : i32
        %sub3A_1514 = vector.broadcast %sub3A_1513 : i32 to vector<16xi32>
        %sub3A_1515 = arith.subi %iota3A, %sub3A_1514 : vector<16xi32>
        %and3A_1516 = arith.constant 15 : i32
        %and3A_1517 = vector.broadcast %and3A_1516 : i32 to vector<16xi32>
        %and3A_1518 = arith.andi %sub3A_1515, %and3A_1517 : vector<16xi32>
        %broadcast_in_dim3A_1519 = vector.shape_cast %and3A_1518 : vector<16xi32> to vector<16x1xi32>
        %gather3A_1520 = vector.shape_cast %broadcast_in_dim3A_1519 : vector<16x1xi32> to vector<16xi32>
        %gather3A_1521 = tpu.dynamic_gather %select_n3A_1352[%gather3A_1520] in [0] : vector<16xf32>, vector<16xi32> -> vector<16xf32>
        %select_n3A_1522 = arith.select %eq3A_10, %gather3A_1521, %select_n3A_1372 : vector<16xi1>, vector<16xf32>
        %sub3A_1523 = arith.constant 2 : i32
        %sub3A_1524 = vector.broadcast %sub3A_1523 : i32 to vector<16xi32>
        %sub3A_1525 = arith.subi %iota3A, %sub3A_1524 : vector<16xi32>
        %and3A_1526 = arith.constant 15 : i32
        %and3A_1527 = vector.broadcast %and3A_1526 : i32 to vector<16xi32>
        %and3A_1528 = arith.andi %sub3A_1525, %and3A_1527 : vector<16xi32>
        %broadcast_in_dim3A_1529 = vector.shape_cast %and3A_1528 : vector<16xi32> to vector<16x1xi32>
        %gather3A_1530 = vector.shape_cast %broadcast_in_dim3A_1529 : vector<16x1xi32> to vector<16xi32>
        %gather3A_1531 = tpu.dynamic_gather %select_n3A_1382[%gather3A_1530] in [0] : vector<16xf32>, vector<16xi32> -> vector<16xf32>
        %select_n3A_1532 = arith.select %eq3A_10, %select_n3A_1362, %gather3A_1531 : vector<16xi1>, vector<16xf32>
        %sub3A_1533 = arith.constant -2 : i32
        %sub3A_1534 = vector.broadcast %sub3A_1533 : i32 to vector<16xi32>
        %sub3A_1535 = arith.subi %iota3A, %sub3A_1534 : vector<16xi32>
        %and3A_1536 = arith.constant 15 : i32
        %and3A_1537 = vector.broadcast %and3A_1536 : i32 to vector<16xi32>
        %and3A_1538 = arith.andi %sub3A_1535, %and3A_1537 : vector<16xi32>
        %broadcast_in_dim3A_1539 = vector.shape_cast %and3A_1538 : vector<16xi32> to vector<16x1xi32>
        %gather3A_1540 = vector.shape_cast %broadcast_in_dim3A_1539 : vector<16x1xi32> to vector<16xi32>
        %gather3A_1541 = tpu.dynamic_gather %select_n3A_1362[%gather3A_1540] in [0] : vector<16xf32>, vector<16xi32> -> vector<16xf32>
        %select_n3A_1542 = arith.select %eq3A_10, %gather3A_1541, %select_n3A_1382 : vector<16xi1>, vector<16xf32>
        %sub3A_1543 = arith.constant 2 : i32
        %sub3A_1544 = vector.broadcast %sub3A_1543 : i32 to vector<16xi32>
        %sub3A_1545 = arith.subi %iota3A, %sub3A_1544 : vector<16xi32>
        %and3A_1546 = arith.constant 15 : i32
        %and3A_1547 = vector.broadcast %and3A_1546 : i32 to vector<16xi32>
        %and3A_1548 = arith.andi %sub3A_1545, %and3A_1547 : vector<16xi32>
        %broadcast_in_dim3A_1549 = vector.shape_cast %and3A_1548 : vector<16xi32> to vector<16x1xi32>
        %gather3A_1550 = vector.shape_cast %broadcast_in_dim3A_1549 : vector<16x1xi32> to vector<16xi32>
        %gather3A_1551 = tpu.dynamic_gather %select_n3A_1412[%gather3A_1550] in [0] : vector<16xf32>, vector<16xi32> -> vector<16xf32>
        %select_n3A_1552 = arith.select %eq3A_10, %select_n3A_1392, %gather3A_1551 : vector<16xi1>, vector<16xf32>
        %sub3A_1553 = arith.constant -2 : i32
        %sub3A_1554 = vector.broadcast %sub3A_1553 : i32 to vector<16xi32>
        %sub3A_1555 = arith.subi %iota3A, %sub3A_1554 : vector<16xi32>
        %and3A_1556 = arith.constant 15 : i32
        %and3A_1557 = vector.broadcast %and3A_1556 : i32 to vector<16xi32>
        %and3A_1558 = arith.andi %sub3A_1555, %and3A_1557 : vector<16xi32>
        %broadcast_in_dim3A_1559 = vector.shape_cast %and3A_1558 : vector<16xi32> to vector<16x1xi32>
        %gather3A_1560 = vector.shape_cast %broadcast_in_dim3A_1559 : vector<16x1xi32> to vector<16xi32>
        %gather3A_1561 = tpu.dynamic_gather %select_n3A_1392[%gather3A_1560] in [0] : vector<16xf32>, vector<16xi32> -> vector<16xf32>
        %select_n3A_1562 = arith.select %eq3A_10, %gather3A_1561, %select_n3A_1412 : vector<16xi1>, vector<16xf32>
        %sub3A_1563 = arith.constant 2 : i32
        %sub3A_1564 = vector.broadcast %sub3A_1563 : i32 to vector<16xi32>
        %sub3A_1565 = arith.subi %iota3A, %sub3A_1564 : vector<16xi32>
        %and3A_1566 = arith.constant 15 : i32
        %and3A_1567 = vector.broadcast %and3A_1566 : i32 to vector<16xi32>
        %and3A_1568 = arith.andi %sub3A_1565, %and3A_1567 : vector<16xi32>
        %broadcast_in_dim3A_1569 = vector.shape_cast %and3A_1568 : vector<16xi32> to vector<16x1xi32>
        %gather3A_1570 = vector.shape_cast %broadcast_in_dim3A_1569 : vector<16x1xi32> to vector<16xi32>
        %gather3A_1571 = tpu.dynamic_gather %select_n3A_1422[%gather3A_1570] in [0] : vector<16xf32>, vector<16xi32> -> vector<16xf32>
        %select_n3A_1572 = arith.select %eq3A_10, %select_n3A_1402, %gather3A_1571 : vector<16xi1>, vector<16xf32>
        %sub3A_1573 = arith.constant -2 : i32
        %sub3A_1574 = vector.broadcast %sub3A_1573 : i32 to vector<16xi32>
        %sub3A_1575 = arith.subi %iota3A, %sub3A_1574 : vector<16xi32>
        %and3A_1576 = arith.constant 15 : i32
        %and3A_1577 = vector.broadcast %and3A_1576 : i32 to vector<16xi32>
        %and3A_1578 = arith.andi %sub3A_1575, %and3A_1577 : vector<16xi32>
        %broadcast_in_dim3A_1579 = vector.shape_cast %and3A_1578 : vector<16xi32> to vector<16x1xi32>
        %gather3A_1580 = vector.shape_cast %broadcast_in_dim3A_1579 : vector<16x1xi32> to vector<16xi32>
        %gather3A_1581 = tpu.dynamic_gather %select_n3A_1402[%gather3A_1580] in [0] : vector<16xf32>, vector<16xi32> -> vector<16xf32>
        %select_n3A_1582 = arith.select %eq3A_10, %gather3A_1581, %select_n3A_1422 : vector<16xi1>, vector<16xf32>
        %sub3A_1583 = arith.constant 4 : i32
        %sub3A_1584 = vector.broadcast %sub3A_1583 : i32 to vector<16xi32>
        %sub3A_1585 = arith.subi %iota3A, %sub3A_1584 : vector<16xi32>
        %and3A_1586 = arith.constant 15 : i32
        %and3A_1587 = vector.broadcast %and3A_1586 : i32 to vector<16xi32>
        %and3A_1588 = arith.andi %sub3A_1585, %and3A_1587 : vector<16xi32>
        %broadcast_in_dim3A_1589 = vector.shape_cast %and3A_1588 : vector<16xi32> to vector<16x1xi32>
        %gather3A_1590 = vector.shape_cast %broadcast_in_dim3A_1589 : vector<16x1xi32> to vector<16xi32>
        %gather3A_1591 = tpu.dynamic_gather %select_n3A_1472[%gather3A_1590] in [0] : vector<16xf32>, vector<16xi32> -> vector<16xf32>
        %select_n3A_1592 = arith.select %eq3A_16, %select_n3A_1432, %gather3A_1591 : vector<16xi1>, vector<16xf32>
        %sub3A_1593 = arith.constant -4 : i32
        %sub3A_1594 = vector.broadcast %sub3A_1593 : i32 to vector<16xi32>
        %sub3A_1595 = arith.subi %iota3A, %sub3A_1594 : vector<16xi32>
        %and3A_1596 = arith.constant 15 : i32
        %and3A_1597 = vector.broadcast %and3A_1596 : i32 to vector<16xi32>
        %and3A_1598 = arith.andi %sub3A_1595, %and3A_1597 : vector<16xi32>
        %broadcast_in_dim3A_1599 = vector.shape_cast %and3A_1598 : vector<16xi32> to vector<16x1xi32>
        %gather3A_1600 = vector.shape_cast %broadcast_in_dim3A_1599 : vector<16x1xi32> to vector<16xi32>
        %gather3A_1601 = tpu.dynamic_gather %select_n3A_1432[%gather3A_1600] in [0] : vector<16xf32>, vector<16xi32> -> vector<16xf32>
        %select_n3A_1602 = arith.select %eq3A_16, %gather3A_1601, %select_n3A_1472 : vector<16xi1>, vector<16xf32>
        %sub3A_1603 = arith.constant 4 : i32
        %sub3A_1604 = vector.broadcast %sub3A_1603 : i32 to vector<16xi32>
        %sub3A_1605 = arith.subi %iota3A, %sub3A_1604 : vector<16xi32>
        %and3A_1606 = arith.constant 15 : i32
        %and3A_1607 = vector.broadcast %and3A_1606 : i32 to vector<16xi32>
        %and3A_1608 = arith.andi %sub3A_1605, %and3A_1607 : vector<16xi32>
        %broadcast_in_dim3A_1609 = vector.shape_cast %and3A_1608 : vector<16xi32> to vector<16x1xi32>
        %gather3A_1610 = vector.shape_cast %broadcast_in_dim3A_1609 : vector<16x1xi32> to vector<16xi32>
        %gather3A_1611 = tpu.dynamic_gather %select_n3A_1492[%gather3A_1610] in [0] : vector<16xf32>, vector<16xi32> -> vector<16xf32>
        %select_n3A_1612 = arith.select %eq3A_16, %select_n3A_1452, %gather3A_1611 : vector<16xi1>, vector<16xf32>
        %sub3A_1613 = arith.constant -4 : i32
        %sub3A_1614 = vector.broadcast %sub3A_1613 : i32 to vector<16xi32>
        %sub3A_1615 = arith.subi %iota3A, %sub3A_1614 : vector<16xi32>
        %and3A_1616 = arith.constant 15 : i32
        %and3A_1617 = vector.broadcast %and3A_1616 : i32 to vector<16xi32>
        %and3A_1618 = arith.andi %sub3A_1615, %and3A_1617 : vector<16xi32>
        %broadcast_in_dim3A_1619 = vector.shape_cast %and3A_1618 : vector<16xi32> to vector<16x1xi32>
        %gather3A_1620 = vector.shape_cast %broadcast_in_dim3A_1619 : vector<16x1xi32> to vector<16xi32>
        %gather3A_1621 = tpu.dynamic_gather %select_n3A_1452[%gather3A_1620] in [0] : vector<16xf32>, vector<16xi32> -> vector<16xf32>
        %select_n3A_1622 = arith.select %eq3A_16, %gather3A_1621, %select_n3A_1492 : vector<16xi1>, vector<16xf32>
        %sub3A_1623 = arith.constant 4 : i32
        %sub3A_1624 = vector.broadcast %sub3A_1623 : i32 to vector<16xi32>
        %sub3A_1625 = arith.subi %iota3A, %sub3A_1624 : vector<16xi32>
        %and3A_1626 = arith.constant 15 : i32
        %and3A_1627 = vector.broadcast %and3A_1626 : i32 to vector<16xi32>
        %and3A_1628 = arith.andi %sub3A_1625, %and3A_1627 : vector<16xi32>
        %broadcast_in_dim3A_1629 = vector.shape_cast %and3A_1628 : vector<16xi32> to vector<16x1xi32>
        %gather3A_1630 = vector.shape_cast %broadcast_in_dim3A_1629 : vector<16x1xi32> to vector<16xi32>
        %gather3A_1631 = tpu.dynamic_gather %select_n3A_1482[%gather3A_1630] in [0] : vector<16xf32>, vector<16xi32> -> vector<16xf32>
        %select_n3A_1632 = arith.select %eq3A_16, %select_n3A_1442, %gather3A_1631 : vector<16xi1>, vector<16xf32>
        %sub3A_1633 = arith.constant -4 : i32
        %sub3A_1634 = vector.broadcast %sub3A_1633 : i32 to vector<16xi32>
        %sub3A_1635 = arith.subi %iota3A, %sub3A_1634 : vector<16xi32>
        %and3A_1636 = arith.constant 15 : i32
        %and3A_1637 = vector.broadcast %and3A_1636 : i32 to vector<16xi32>
        %and3A_1638 = arith.andi %sub3A_1635, %and3A_1637 : vector<16xi32>
        %broadcast_in_dim3A_1639 = vector.shape_cast %and3A_1638 : vector<16xi32> to vector<16x1xi32>
        %gather3A_1640 = vector.shape_cast %broadcast_in_dim3A_1639 : vector<16x1xi32> to vector<16xi32>
        %gather3A_1641 = tpu.dynamic_gather %select_n3A_1442[%gather3A_1640] in [0] : vector<16xf32>, vector<16xi32> -> vector<16xf32>
        %select_n3A_1642 = arith.select %eq3A_16, %gather3A_1641, %select_n3A_1482 : vector<16xi1>, vector<16xf32>
        %sub3A_1643 = arith.constant 4 : i32
        %sub3A_1644 = vector.broadcast %sub3A_1643 : i32 to vector<16xi32>
        %sub3A_1645 = arith.subi %iota3A, %sub3A_1644 : vector<16xi32>
        %and3A_1646 = arith.constant 15 : i32
        %and3A_1647 = vector.broadcast %and3A_1646 : i32 to vector<16xi32>
        %and3A_1648 = arith.andi %sub3A_1645, %and3A_1647 : vector<16xi32>
        %broadcast_in_dim3A_1649 = vector.shape_cast %and3A_1648 : vector<16xi32> to vector<16x1xi32>
        %gather3A_1650 = vector.shape_cast %broadcast_in_dim3A_1649 : vector<16x1xi32> to vector<16xi32>
        %gather3A_1651 = tpu.dynamic_gather %select_n3A_1502[%gather3A_1650] in [0] : vector<16xf32>, vector<16xi32> -> vector<16xf32>
        %select_n3A_1652 = arith.select %eq3A_16, %select_n3A_1462, %gather3A_1651 : vector<16xi1>, vector<16xf32>
        %sub3A_1653 = arith.constant -4 : i32
        %sub3A_1654 = vector.broadcast %sub3A_1653 : i32 to vector<16xi32>
        %sub3A_1655 = arith.subi %iota3A, %sub3A_1654 : vector<16xi32>
        %and3A_1656 = arith.constant 15 : i32
        %and3A_1657 = vector.broadcast %and3A_1656 : i32 to vector<16xi32>
        %and3A_1658 = arith.andi %sub3A_1655, %and3A_1657 : vector<16xi32>
        %broadcast_in_dim3A_1659 = vector.shape_cast %and3A_1658 : vector<16xi32> to vector<16x1xi32>
        %gather3A_1660 = vector.shape_cast %broadcast_in_dim3A_1659 : vector<16x1xi32> to vector<16xi32>
        %gather3A_1661 = tpu.dynamic_gather %select_n3A_1462[%gather3A_1660] in [0] : vector<16xf32>, vector<16xi32> -> vector<16xf32>
        %select_n3A_1662 = arith.select %eq3A_16, %gather3A_1661, %select_n3A_1502 : vector<16xi1>, vector<16xf32>
        %sub3A_1663 = arith.constant 4 : i32
        %sub3A_1664 = vector.broadcast %sub3A_1663 : i32 to vector<16xi32>
        %sub3A_1665 = arith.subi %iota3A, %sub3A_1664 : vector<16xi32>
        %and3A_1666 = arith.constant 15 : i32
        %and3A_1667 = vector.broadcast %and3A_1666 : i32 to vector<16xi32>
        %and3A_1668 = arith.andi %sub3A_1665, %and3A_1667 : vector<16xi32>
        %broadcast_in_dim3A_1669 = vector.shape_cast %and3A_1668 : vector<16xi32> to vector<16x1xi32>
        %gather3A_1670 = vector.shape_cast %broadcast_in_dim3A_1669 : vector<16x1xi32> to vector<16xi32>
        %gather3A_1671 = tpu.dynamic_gather %select_n3A_1552[%gather3A_1670] in [0] : vector<16xf32>, vector<16xi32> -> vector<16xf32>
        %select_n3A_1672 = arith.select %eq3A_16, %select_n3A_1512, %gather3A_1671 : vector<16xi1>, vector<16xf32>
        %sub3A_1673 = arith.constant -4 : i32
        %sub3A_1674 = vector.broadcast %sub3A_1673 : i32 to vector<16xi32>
        %sub3A_1675 = arith.subi %iota3A, %sub3A_1674 : vector<16xi32>
        %and3A_1676 = arith.constant 15 : i32
        %and3A_1677 = vector.broadcast %and3A_1676 : i32 to vector<16xi32>
        %and3A_1678 = arith.andi %sub3A_1675, %and3A_1677 : vector<16xi32>
        %broadcast_in_dim3A_1679 = vector.shape_cast %and3A_1678 : vector<16xi32> to vector<16x1xi32>
        %gather3A_1680 = vector.shape_cast %broadcast_in_dim3A_1679 : vector<16x1xi32> to vector<16xi32>
        %gather3A_1681 = tpu.dynamic_gather %select_n3A_1512[%gather3A_1680] in [0] : vector<16xf32>, vector<16xi32> -> vector<16xf32>
        %select_n3A_1682 = arith.select %eq3A_16, %gather3A_1681, %select_n3A_1552 : vector<16xi1>, vector<16xf32>
        %sub3A_1683 = arith.constant 4 : i32
        %sub3A_1684 = vector.broadcast %sub3A_1683 : i32 to vector<16xi32>
        %sub3A_1685 = arith.subi %iota3A, %sub3A_1684 : vector<16xi32>
        %and3A_1686 = arith.constant 15 : i32
        %and3A_1687 = vector.broadcast %and3A_1686 : i32 to vector<16xi32>
        %and3A_1688 = arith.andi %sub3A_1685, %and3A_1687 : vector<16xi32>
        %broadcast_in_dim3A_1689 = vector.shape_cast %and3A_1688 : vector<16xi32> to vector<16x1xi32>
        %gather3A_1690 = vector.shape_cast %broadcast_in_dim3A_1689 : vector<16x1xi32> to vector<16xi32>
        %gather3A_1691 = tpu.dynamic_gather %select_n3A_1572[%gather3A_1690] in [0] : vector<16xf32>, vector<16xi32> -> vector<16xf32>
        %select_n3A_1692 = arith.select %eq3A_16, %select_n3A_1532, %gather3A_1691 : vector<16xi1>, vector<16xf32>
        %sub3A_1693 = arith.constant -4 : i32
        %sub3A_1694 = vector.broadcast %sub3A_1693 : i32 to vector<16xi32>
        %sub3A_1695 = arith.subi %iota3A, %sub3A_1694 : vector<16xi32>
        %and3A_1696 = arith.constant 15 : i32
        %and3A_1697 = vector.broadcast %and3A_1696 : i32 to vector<16xi32>
        %and3A_1698 = arith.andi %sub3A_1695, %and3A_1697 : vector<16xi32>
        %broadcast_in_dim3A_1699 = vector.shape_cast %and3A_1698 : vector<16xi32> to vector<16x1xi32>
        %gather3A_1700 = vector.shape_cast %broadcast_in_dim3A_1699 : vector<16x1xi32> to vector<16xi32>
        %gather3A_1701 = tpu.dynamic_gather %select_n3A_1532[%gather3A_1700] in [0] : vector<16xf32>, vector<16xi32> -> vector<16xf32>
        %select_n3A_1702 = arith.select %eq3A_16, %gather3A_1701, %select_n3A_1572 : vector<16xi1>, vector<16xf32>
        %sub3A_1703 = arith.constant 4 : i32
        %sub3A_1704 = vector.broadcast %sub3A_1703 : i32 to vector<16xi32>
        %sub3A_1705 = arith.subi %iota3A, %sub3A_1704 : vector<16xi32>
        %and3A_1706 = arith.constant 15 : i32
        %and3A_1707 = vector.broadcast %and3A_1706 : i32 to vector<16xi32>
        %and3A_1708 = arith.andi %sub3A_1705, %and3A_1707 : vector<16xi32>
        %broadcast_in_dim3A_1709 = vector.shape_cast %and3A_1708 : vector<16xi32> to vector<16x1xi32>
        %gather3A_1710 = vector.shape_cast %broadcast_in_dim3A_1709 : vector<16x1xi32> to vector<16xi32>
        %gather3A_1711 = tpu.dynamic_gather %select_n3A_1562[%gather3A_1710] in [0] : vector<16xf32>, vector<16xi32> -> vector<16xf32>
        %select_n3A_1712 = arith.select %eq3A_16, %select_n3A_1522, %gather3A_1711 : vector<16xi1>, vector<16xf32>
        %sub3A_1713 = arith.constant -4 : i32
        %sub3A_1714 = vector.broadcast %sub3A_1713 : i32 to vector<16xi32>
        %sub3A_1715 = arith.subi %iota3A, %sub3A_1714 : vector<16xi32>
        %and3A_1716 = arith.constant 15 : i32
        %and3A_1717 = vector.broadcast %and3A_1716 : i32 to vector<16xi32>
        %and3A_1718 = arith.andi %sub3A_1715, %and3A_1717 : vector<16xi32>
        %broadcast_in_dim3A_1719 = vector.shape_cast %and3A_1718 : vector<16xi32> to vector<16x1xi32>
        %gather3A_1720 = vector.shape_cast %broadcast_in_dim3A_1719 : vector<16x1xi32> to vector<16xi32>
        %gather3A_1721 = tpu.dynamic_gather %select_n3A_1522[%gather3A_1720] in [0] : vector<16xf32>, vector<16xi32> -> vector<16xf32>
        %select_n3A_1722 = arith.select %eq3A_16, %gather3A_1721, %select_n3A_1562 : vector<16xi1>, vector<16xf32>
        %sub3A_1723 = arith.constant 4 : i32
        %sub3A_1724 = vector.broadcast %sub3A_1723 : i32 to vector<16xi32>
        %sub3A_1725 = arith.subi %iota3A, %sub3A_1724 : vector<16xi32>
        %and3A_1726 = arith.constant 15 : i32
        %and3A_1727 = vector.broadcast %and3A_1726 : i32 to vector<16xi32>
        %and3A_1728 = arith.andi %sub3A_1725, %and3A_1727 : vector<16xi32>
        %broadcast_in_dim3A_1729 = vector.shape_cast %and3A_1728 : vector<16xi32> to vector<16x1xi32>
        %gather3A_1730 = vector.shape_cast %broadcast_in_dim3A_1729 : vector<16x1xi32> to vector<16xi32>
        %gather3A_1731 = tpu.dynamic_gather %select_n3A_1582[%gather3A_1730] in [0] : vector<16xf32>, vector<16xi32> -> vector<16xf32>
        %select_n3A_1732 = arith.select %eq3A_16, %select_n3A_1542, %gather3A_1731 : vector<16xi1>, vector<16xf32>
        %sub3A_1733 = arith.constant -4 : i32
        %sub3A_1734 = vector.broadcast %sub3A_1733 : i32 to vector<16xi32>
        %sub3A_1735 = arith.subi %iota3A, %sub3A_1734 : vector<16xi32>
        %and3A_1736 = arith.constant 15 : i32
        %and3A_1737 = vector.broadcast %and3A_1736 : i32 to vector<16xi32>
        %and3A_1738 = arith.andi %sub3A_1735, %and3A_1737 : vector<16xi32>
        %broadcast_in_dim3A_1739 = vector.shape_cast %and3A_1738 : vector<16xi32> to vector<16x1xi32>
        %gather3A_1740 = vector.shape_cast %broadcast_in_dim3A_1739 : vector<16x1xi32> to vector<16xi32>
        %gather3A_1741 = tpu.dynamic_gather %select_n3A_1542[%gather3A_1740] in [0] : vector<16xf32>, vector<16xi32> -> vector<16xf32>
        %select_n3A_1742 = arith.select %eq3A_16, %gather3A_1741, %select_n3A_1582 : vector<16xi1>, vector<16xf32>
        %sub3A_1743 = arith.constant 8 : i32
        %sub3A_1744 = vector.broadcast %sub3A_1743 : i32 to vector<16xi32>
        %sub3A_1745 = arith.subi %iota3A, %sub3A_1744 : vector<16xi32>
        %and3A_1746 = arith.constant 15 : i32
        %and3A_1747 = vector.broadcast %and3A_1746 : i32 to vector<16xi32>
        %and3A_1748 = arith.andi %sub3A_1745, %and3A_1747 : vector<16xi32>
        %broadcast_in_dim3A_1749 = vector.shape_cast %and3A_1748 : vector<16xi32> to vector<16x1xi32>
        %gather3A_1750 = vector.shape_cast %broadcast_in_dim3A_1749 : vector<16x1xi32> to vector<16xi32>
        %gather3A_1751 = tpu.dynamic_gather %select_n3A_1672[%gather3A_1750] in [0] : vector<16xf32>, vector<16xi32> -> vector<16xf32>
        %select_n3A_1752 = arith.select %eq3A_22, %select_n3A_1592, %gather3A_1751 : vector<16xi1>, vector<16xf32>
        %sub3A_1753 = arith.constant -8 : i32
        %sub3A_1754 = vector.broadcast %sub3A_1753 : i32 to vector<16xi32>
        %sub3A_1755 = arith.subi %iota3A, %sub3A_1754 : vector<16xi32>
        %and3A_1756 = arith.constant 15 : i32
        %and3A_1757 = vector.broadcast %and3A_1756 : i32 to vector<16xi32>
        %and3A_1758 = arith.andi %sub3A_1755, %and3A_1757 : vector<16xi32>
        %broadcast_in_dim3A_1759 = vector.shape_cast %and3A_1758 : vector<16xi32> to vector<16x1xi32>
        %gather3A_1760 = vector.shape_cast %broadcast_in_dim3A_1759 : vector<16x1xi32> to vector<16xi32>
        %gather3A_1761 = tpu.dynamic_gather %select_n3A_1592[%gather3A_1760] in [0] : vector<16xf32>, vector<16xi32> -> vector<16xf32>
        %select_n3A_1762 = arith.select %eq3A_22, %gather3A_1761, %select_n3A_1672 : vector<16xi1>, vector<16xf32>
        %sub3A_1763 = arith.constant 8 : i32
        %sub3A_1764 = vector.broadcast %sub3A_1763 : i32 to vector<16xi32>
        %sub3A_1765 = arith.subi %iota3A, %sub3A_1764 : vector<16xi32>
        %and3A_1766 = arith.constant 15 : i32
        %and3A_1767 = vector.broadcast %and3A_1766 : i32 to vector<16xi32>
        %and3A_1768 = arith.andi %sub3A_1765, %and3A_1767 : vector<16xi32>
        %broadcast_in_dim3A_1769 = vector.shape_cast %and3A_1768 : vector<16xi32> to vector<16x1xi32>
        %gather3A_1770 = vector.shape_cast %broadcast_in_dim3A_1769 : vector<16x1xi32> to vector<16xi32>
        %gather3A_1771 = tpu.dynamic_gather %select_n3A_1692[%gather3A_1770] in [0] : vector<16xf32>, vector<16xi32> -> vector<16xf32>
        %select_n3A_1772 = arith.select %eq3A_22, %select_n3A_1612, %gather3A_1771 : vector<16xi1>, vector<16xf32>
        %sub3A_1773 = arith.constant -8 : i32
        %sub3A_1774 = vector.broadcast %sub3A_1773 : i32 to vector<16xi32>
        %sub3A_1775 = arith.subi %iota3A, %sub3A_1774 : vector<16xi32>
        %and3A_1776 = arith.constant 15 : i32
        %and3A_1777 = vector.broadcast %and3A_1776 : i32 to vector<16xi32>
        %and3A_1778 = arith.andi %sub3A_1775, %and3A_1777 : vector<16xi32>
        %broadcast_in_dim3A_1779 = vector.shape_cast %and3A_1778 : vector<16xi32> to vector<16x1xi32>
        %gather3A_1780 = vector.shape_cast %broadcast_in_dim3A_1779 : vector<16x1xi32> to vector<16xi32>
        %gather3A_1781 = tpu.dynamic_gather %select_n3A_1612[%gather3A_1780] in [0] : vector<16xf32>, vector<16xi32> -> vector<16xf32>
        %select_n3A_1782 = arith.select %eq3A_22, %gather3A_1781, %select_n3A_1692 : vector<16xi1>, vector<16xf32>
        %sub3A_1783 = arith.constant 8 : i32
        %sub3A_1784 = vector.broadcast %sub3A_1783 : i32 to vector<16xi32>
        %sub3A_1785 = arith.subi %iota3A, %sub3A_1784 : vector<16xi32>
        %and3A_1786 = arith.constant 15 : i32
        %and3A_1787 = vector.broadcast %and3A_1786 : i32 to vector<16xi32>
        %and3A_1788 = arith.andi %sub3A_1785, %and3A_1787 : vector<16xi32>
        %broadcast_in_dim3A_1789 = vector.shape_cast %and3A_1788 : vector<16xi32> to vector<16x1xi32>
        %gather3A_1790 = vector.shape_cast %broadcast_in_dim3A_1789 : vector<16x1xi32> to vector<16xi32>
        %gather3A_1791 = tpu.dynamic_gather %select_n3A_1712[%gather3A_1790] in [0] : vector<16xf32>, vector<16xi32> -> vector<16xf32>
        %select_n3A_1792 = arith.select %eq3A_22, %select_n3A_1632, %gather3A_1791 : vector<16xi1>, vector<16xf32>
        %sub3A_1793 = arith.constant -8 : i32
        %sub3A_1794 = vector.broadcast %sub3A_1793 : i32 to vector<16xi32>
        %sub3A_1795 = arith.subi %iota3A, %sub3A_1794 : vector<16xi32>
        %and3A_1796 = arith.constant 15 : i32
        %and3A_1797 = vector.broadcast %and3A_1796 : i32 to vector<16xi32>
        %and3A_1798 = arith.andi %sub3A_1795, %and3A_1797 : vector<16xi32>
        %broadcast_in_dim3A_1799 = vector.shape_cast %and3A_1798 : vector<16xi32> to vector<16x1xi32>
        %gather3A_1800 = vector.shape_cast %broadcast_in_dim3A_1799 : vector<16x1xi32> to vector<16xi32>
        %gather3A_1801 = tpu.dynamic_gather %select_n3A_1632[%gather3A_1800] in [0] : vector<16xf32>, vector<16xi32> -> vector<16xf32>
        %select_n3A_1802 = arith.select %eq3A_22, %gather3A_1801, %select_n3A_1712 : vector<16xi1>, vector<16xf32>
        %sub3A_1803 = arith.constant 8 : i32
        %sub3A_1804 = vector.broadcast %sub3A_1803 : i32 to vector<16xi32>
        %sub3A_1805 = arith.subi %iota3A, %sub3A_1804 : vector<16xi32>
        %and3A_1806 = arith.constant 15 : i32
        %and3A_1807 = vector.broadcast %and3A_1806 : i32 to vector<16xi32>
        %and3A_1808 = arith.andi %sub3A_1805, %and3A_1807 : vector<16xi32>
        %broadcast_in_dim3A_1809 = vector.shape_cast %and3A_1808 : vector<16xi32> to vector<16x1xi32>
        %gather3A_1810 = vector.shape_cast %broadcast_in_dim3A_1809 : vector<16x1xi32> to vector<16xi32>
        %gather3A_1811 = tpu.dynamic_gather %select_n3A_1732[%gather3A_1810] in [0] : vector<16xf32>, vector<16xi32> -> vector<16xf32>
        %select_n3A_1812 = arith.select %eq3A_22, %select_n3A_1652, %gather3A_1811 : vector<16xi1>, vector<16xf32>
        %sub3A_1813 = arith.constant -8 : i32
        %sub3A_1814 = vector.broadcast %sub3A_1813 : i32 to vector<16xi32>
        %sub3A_1815 = arith.subi %iota3A, %sub3A_1814 : vector<16xi32>
        %and3A_1816 = arith.constant 15 : i32
        %and3A_1817 = vector.broadcast %and3A_1816 : i32 to vector<16xi32>
        %and3A_1818 = arith.andi %sub3A_1815, %and3A_1817 : vector<16xi32>
        %broadcast_in_dim3A_1819 = vector.shape_cast %and3A_1818 : vector<16xi32> to vector<16x1xi32>
        %gather3A_1820 = vector.shape_cast %broadcast_in_dim3A_1819 : vector<16x1xi32> to vector<16xi32>
        %gather3A_1821 = tpu.dynamic_gather %select_n3A_1652[%gather3A_1820] in [0] : vector<16xf32>, vector<16xi32> -> vector<16xf32>
        %select_n3A_1822 = arith.select %eq3A_22, %gather3A_1821, %select_n3A_1732 : vector<16xi1>, vector<16xf32>
        %sub3A_1823 = arith.constant 8 : i32
        %sub3A_1824 = vector.broadcast %sub3A_1823 : i32 to vector<16xi32>
        %sub3A_1825 = arith.subi %iota3A, %sub3A_1824 : vector<16xi32>
        %and3A_1826 = arith.constant 15 : i32
        %and3A_1827 = vector.broadcast %and3A_1826 : i32 to vector<16xi32>
        %and3A_1828 = arith.andi %sub3A_1825, %and3A_1827 : vector<16xi32>
        %broadcast_in_dim3A_1829 = vector.shape_cast %and3A_1828 : vector<16xi32> to vector<16x1xi32>
        %gather3A_1830 = vector.shape_cast %broadcast_in_dim3A_1829 : vector<16x1xi32> to vector<16xi32>
        %gather3A_1831 = tpu.dynamic_gather %select_n3A_1682[%gather3A_1830] in [0] : vector<16xf32>, vector<16xi32> -> vector<16xf32>
        %select_n3A_1832 = arith.select %eq3A_22, %select_n3A_1602, %gather3A_1831 : vector<16xi1>, vector<16xf32>
        %sub3A_1833 = arith.constant -8 : i32
        %sub3A_1834 = vector.broadcast %sub3A_1833 : i32 to vector<16xi32>
        %sub3A_1835 = arith.subi %iota3A, %sub3A_1834 : vector<16xi32>
        %and3A_1836 = arith.constant 15 : i32
        %and3A_1837 = vector.broadcast %and3A_1836 : i32 to vector<16xi32>
        %and3A_1838 = arith.andi %sub3A_1835, %and3A_1837 : vector<16xi32>
        %broadcast_in_dim3A_1839 = vector.shape_cast %and3A_1838 : vector<16xi32> to vector<16x1xi32>
        %gather3A_1840 = vector.shape_cast %broadcast_in_dim3A_1839 : vector<16x1xi32> to vector<16xi32>
        %gather3A_1841 = tpu.dynamic_gather %select_n3A_1602[%gather3A_1840] in [0] : vector<16xf32>, vector<16xi32> -> vector<16xf32>
        %select_n3A_1842 = arith.select %eq3A_22, %gather3A_1841, %select_n3A_1682 : vector<16xi1>, vector<16xf32>
        %sub3A_1843 = arith.constant 8 : i32
        %sub3A_1844 = vector.broadcast %sub3A_1843 : i32 to vector<16xi32>
        %sub3A_1845 = arith.subi %iota3A, %sub3A_1844 : vector<16xi32>
        %and3A_1846 = arith.constant 15 : i32
        %and3A_1847 = vector.broadcast %and3A_1846 : i32 to vector<16xi32>
        %and3A_1848 = arith.andi %sub3A_1845, %and3A_1847 : vector<16xi32>
        %broadcast_in_dim3A_1849 = vector.shape_cast %and3A_1848 : vector<16xi32> to vector<16x1xi32>
        %gather3A_1850 = vector.shape_cast %broadcast_in_dim3A_1849 : vector<16x1xi32> to vector<16xi32>
        %gather3A_1851 = tpu.dynamic_gather %select_n3A_1702[%gather3A_1850] in [0] : vector<16xf32>, vector<16xi32> -> vector<16xf32>
        %select_n3A_1852 = arith.select %eq3A_22, %select_n3A_1622, %gather3A_1851 : vector<16xi1>, vector<16xf32>
        %sub3A_1853 = arith.constant -8 : i32
        %sub3A_1854 = vector.broadcast %sub3A_1853 : i32 to vector<16xi32>
        %sub3A_1855 = arith.subi %iota3A, %sub3A_1854 : vector<16xi32>
        %and3A_1856 = arith.constant 15 : i32
        %and3A_1857 = vector.broadcast %and3A_1856 : i32 to vector<16xi32>
        %and3A_1858 = arith.andi %sub3A_1855, %and3A_1857 : vector<16xi32>
        %broadcast_in_dim3A_1859 = vector.shape_cast %and3A_1858 : vector<16xi32> to vector<16x1xi32>
        %gather3A_1860 = vector.shape_cast %broadcast_in_dim3A_1859 : vector<16x1xi32> to vector<16xi32>
        %gather3A_1861 = tpu.dynamic_gather %select_n3A_1622[%gather3A_1860] in [0] : vector<16xf32>, vector<16xi32> -> vector<16xf32>
        %select_n3A_1862 = arith.select %eq3A_22, %gather3A_1861, %select_n3A_1702 : vector<16xi1>, vector<16xf32>
        %sub3A_1863 = arith.constant 8 : i32
        %sub3A_1864 = vector.broadcast %sub3A_1863 : i32 to vector<16xi32>
        %sub3A_1865 = arith.subi %iota3A, %sub3A_1864 : vector<16xi32>
        %and3A_1866 = arith.constant 15 : i32
        %and3A_1867 = vector.broadcast %and3A_1866 : i32 to vector<16xi32>
        %and3A_1868 = arith.andi %sub3A_1865, %and3A_1867 : vector<16xi32>
        %broadcast_in_dim3A_1869 = vector.shape_cast %and3A_1868 : vector<16xi32> to vector<16x1xi32>
        %gather3A_1870 = vector.shape_cast %broadcast_in_dim3A_1869 : vector<16x1xi32> to vector<16xi32>
        %gather3A_1871 = tpu.dynamic_gather %select_n3A_1722[%gather3A_1870] in [0] : vector<16xf32>, vector<16xi32> -> vector<16xf32>
        %select_n3A_1872 = arith.select %eq3A_22, %select_n3A_1642, %gather3A_1871 : vector<16xi1>, vector<16xf32>
        %sub3A_1873 = arith.constant -8 : i32
        %sub3A_1874 = vector.broadcast %sub3A_1873 : i32 to vector<16xi32>
        %sub3A_1875 = arith.subi %iota3A, %sub3A_1874 : vector<16xi32>
        %and3A_1876 = arith.constant 15 : i32
        %and3A_1877 = vector.broadcast %and3A_1876 : i32 to vector<16xi32>
        %and3A_1878 = arith.andi %sub3A_1875, %and3A_1877 : vector<16xi32>
        %broadcast_in_dim3A_1879 = vector.shape_cast %and3A_1878 : vector<16xi32> to vector<16x1xi32>
        %gather3A_1880 = vector.shape_cast %broadcast_in_dim3A_1879 : vector<16x1xi32> to vector<16xi32>
        %gather3A_1881 = tpu.dynamic_gather %select_n3A_1642[%gather3A_1880] in [0] : vector<16xf32>, vector<16xi32> -> vector<16xf32>
        %select_n3A_1882 = arith.select %eq3A_22, %gather3A_1881, %select_n3A_1722 : vector<16xi1>, vector<16xf32>
        %sub3A_1883 = arith.constant 8 : i32
        %sub3A_1884 = vector.broadcast %sub3A_1883 : i32 to vector<16xi32>
        %sub3A_1885 = arith.subi %iota3A, %sub3A_1884 : vector<16xi32>
        %and3A_1886 = arith.constant 15 : i32
        %and3A_1887 = vector.broadcast %and3A_1886 : i32 to vector<16xi32>
        %and3A_1888 = arith.andi %sub3A_1885, %and3A_1887 : vector<16xi32>
        %broadcast_in_dim3A_1889 = vector.shape_cast %and3A_1888 : vector<16xi32> to vector<16x1xi32>
        %gather3A_1890 = vector.shape_cast %broadcast_in_dim3A_1889 : vector<16x1xi32> to vector<16xi32>
        %gather3A_1891 = tpu.dynamic_gather %select_n3A_1742[%gather3A_1890] in [0] : vector<16xf32>, vector<16xi32> -> vector<16xf32>
        %select_n3A_1892 = arith.select %eq3A_22, %select_n3A_1662, %gather3A_1891 : vector<16xi1>, vector<16xf32>
        %sub3A_1893 = arith.constant -8 : i32
        %sub3A_1894 = vector.broadcast %sub3A_1893 : i32 to vector<16xi32>
        %sub3A_1895 = arith.subi %iota3A, %sub3A_1894 : vector<16xi32>
        %and3A_1896 = arith.constant 15 : i32
        %and3A_1897 = vector.broadcast %and3A_1896 : i32 to vector<16xi32>
        %and3A_1898 = arith.andi %sub3A_1895, %and3A_1897 : vector<16xi32>
        %broadcast_in_dim3A_1899 = vector.shape_cast %and3A_1898 : vector<16xi32> to vector<16x1xi32>
        %gather3A_1900 = vector.shape_cast %broadcast_in_dim3A_1899 : vector<16x1xi32> to vector<16xi32>
        %gather3A_1901 = tpu.dynamic_gather %select_n3A_1662[%gather3A_1900] in [0] : vector<16xf32>, vector<16xi32> -> vector<16xf32>
        %select_n3A_1902 = arith.select %eq3A_22, %gather3A_1901, %select_n3A_1742 : vector<16xi1>, vector<16xf32>
        %add3A_1903 = arith.constant 0 : i32
        %add3A_1904 = arith.addi %mul3A_1164, %add3A_1903 : i32
        %shift_right_arithmetic3A_1905 = arith.constant 3 : i32
        %shift_right_arithmetic3A_1906 = arith.shrsi %add3A_1904, %shift_right_arithmetic3A_1905 : i32
        %and3A_1907 = arith.constant 7 : i32
        %and3A_1908 = arith.andi %add3A_1904, %and3A_1907 : i32
        %swap3A = arith.index_cast %shift_right_arithmetic3A_1158 : i32 to index
        %swap3A_1909 = arith.index_cast %shift_right_arithmetic3A_1906 : i32 to index
        %swap3A_1910 = arith.index_cast %and3A_1908 : i32 to index
        %swap3A_1911 = arith.index_cast %mul3A_1168 : i32 to index
        %swap3A_1912 = tpu.vector_load %arg9[%swap3A, %swap3A_1909, %swap3A_1910, %swap3A_1911] {strides = array<i32>} : memref<5x4x8x128xf32, #tpu.memory_space<vmem>>, vector<1x1x1x16xf32>,
        %swap3A_1913 = vector.shape_cast %swap3A_1912 : vector<1x1x1x16xf32> to vector<16xf32>
        %swap3A_1914 = vector.shape_cast %select_n3A_1752 : vector<16xf32> to vector<1x1x1x16xf32>
        tpu.vector_store %arg9[%swap3A, %swap3A_1909, %swap3A_1910, %swap3A_1911], %swap3A_1914 {strides = array<i32>} : memref<5x4x8x128xf32, #tpu.memory_space<vmem>>, vector<1x1x1x16xf32>,
        %add3A_1915 = arith.constant 1 : i32
        %add3A_1916 = arith.addi %mul3A_1164, %add3A_1915 : i32
        %shift_right_arithmetic3A_1917 = arith.constant 3 : i32
        %shift_right_arithmetic3A_1918 = arith.shrsi %add3A_1916, %shift_right_arithmetic3A_1917 : i32
        %and3A_1919 = arith.constant 7 : i32
        %and3A_1920 = arith.andi %add3A_1916, %and3A_1919 : i32
        %swap3A_1921 = arith.index_cast %shift_right_arithmetic3A_1158 : i32 to index
        %swap3A_1922 = arith.index_cast %shift_right_arithmetic3A_1918 : i32 to index
        %swap3A_1923 = arith.index_cast %and3A_1920 : i32 to index
        %swap3A_1924 = arith.index_cast %mul3A_1168 : i32 to index
        %swap3A_1925 = tpu.vector_load %arg9[%swap3A_1921, %swap3A_1922, %swap3A_1923, %swap3A_1924] {strides = array<i32>} : memref<5x4x8x128xf32, #tpu.memory_space<vmem>>, vector<1x1x1x16xf32>,
        %swap3A_1926 = vector.shape_cast %swap3A_1925 : vector<1x1x1x16xf32> to vector<16xf32>
        %swap3A_1927 = vector.shape_cast %select_n3A_1772 : vector<16xf32> to vector<1x1x1x16xf32>
        tpu.vector_store %arg9[%swap3A_1921, %swap3A_1922, %swap3A_1923, %swap3A_1924], %swap3A_1927 {strides = array<i32>} : memref<5x4x8x128xf32, #tpu.memory_space<vmem>>, vector<1x1x1x16xf32>,
        %add3A_1928 = arith.constant 2 : i32
        %add3A_1929 = arith.addi %mul3A_1164, %add3A_1928 : i32
        %shift_right_arithmetic3A_1930 = arith.constant 3 : i32
        %shift_right_arithmetic3A_1931 = arith.shrsi %add3A_1929, %shift_right_arithmetic3A_1930 : i32
        %and3A_1932 = arith.constant 7 : i32
        %and3A_1933 = arith.andi %add3A_1929, %and3A_1932 : i32
        %swap3A_1934 = arith.index_cast %shift_right_arithmetic3A_1158 : i32 to index
        %swap3A_1935 = arith.index_cast %shift_right_arithmetic3A_1931 : i32 to index
        %swap3A_1936 = arith.index_cast %and3A_1933 : i32 to index
        %swap3A_1937 = arith.index_cast %mul3A_1168 : i32 to index
        %swap3A_1938 = tpu.vector_load %arg9[%swap3A_1934, %swap3A_1935, %swap3A_1936, %swap3A_1937] {strides = array<i32>} : memref<5x4x8x128xf32, #tpu.memory_space<vmem>>, vector<1x1x1x16xf32>,
        %swap3A_1939 = vector.shape_cast %swap3A_1938 : vector<1x1x1x16xf32> to vector<16xf32>
        %swap3A_1940 = vector.shape_cast %select_n3A_1792 : vector<16xf32> to vector<1x1x1x16xf32>
        tpu.vector_store %arg9[%swap3A_1934, %swap3A_1935, %swap3A_1936, %swap3A_1937], %swap3A_1940 {strides = array<i32>} : memref<5x4x8x128xf32, #tpu.memory_space<vmem>>, vector<1x1x1x16xf32>,
        %add3A_1941 = arith.constant 3 : i32
        %add3A_1942 = arith.addi %mul3A_1164, %add3A_1941 : i32
        %shift_right_arithmetic3A_1943 = arith.constant 3 : i32
        %shift_right_arithmetic3A_1944 = arith.shrsi %add3A_1942, %shift_right_arithmetic3A_1943 : i32
        %and3A_1945 = arith.constant 7 : i32
        %and3A_1946 = arith.andi %add3A_1942, %and3A_1945 : i32
        %swap3A_1947 = arith.index_cast %shift_right_arithmetic3A_1158 : i32 to index
        %swap3A_1948 = arith.index_cast %shift_right_arithmetic3A_1944 : i32 to index
        %swap3A_1949 = arith.index_cast %and3A_1946 : i32 to index
        %swap3A_1950 = arith.index_cast %mul3A_1168 : i32 to index
        %swap3A_1951 = tpu.vector_load %arg9[%swap3A_1947, %swap3A_1948, %swap3A_1949, %swap3A_1950] {strides = array<i32>} : memref<5x4x8x128xf32, #tpu.memory_space<vmem>>, vector<1x1x1x16xf32>,
        %swap3A_1952 = vector.shape_cast %swap3A_1951 : vector<1x1x1x16xf32> to vector<16xf32>
        %swap3A_1953 = vector.shape_cast %select_n3A_1812 : vector<16xf32> to vector<1x1x1x16xf32>
        tpu.vector_store %arg9[%swap3A_1947, %swap3A_1948, %swap3A_1949, %swap3A_1950], %swap3A_1953 {strides = array<i32>} : memref<5x4x8x128xf32, #tpu.memory_space<vmem>>, vector<1x1x1x16xf32>,
        %add3A_1954 = arith.constant 4 : i32
        %add3A_1955 = arith.addi %mul3A_1164, %add3A_1954 : i32
        %shift_right_arithmetic3A_1956 = arith.constant 3 : i32
        %shift_right_arithmetic3A_1957 = arith.shrsi %add3A_1955, %shift_right_arithmetic3A_1956 : i32
        %and3A_1958 = arith.constant 7 : i32
        %and3A_1959 = arith.andi %add3A_1955, %and3A_1958 : i32
        %swap3A_1960 = arith.index_cast %shift_right_arithmetic3A_1158 : i32 to index
        %swap3A_1961 = arith.index_cast %shift_right_arithmetic3A_1957 : i32 to index
        %swap3A_1962 = arith.index_cast %and3A_1959 : i32 to index
        %swap3A_1963 = arith.index_cast %mul3A_1168 : i32 to index
        %swap3A_1964 = tpu.vector_load %arg9[%swap3A_1960, %swap3A_1961, %swap3A_1962, %swap3A_1963] {strides = array<i32>} : memref<5x4x8x128xf32, #tpu.memory_space<vmem>>, vector<1x1x1x16xf32>,
        %swap3A_1965 = vector.shape_cast %swap3A_1964 : vector<1x1x1x16xf32> to vector<16xf32>
        %swap3A_1966 = vector.shape_cast %select_n3A_1832 : vector<16xf32> to vector<1x1x1x16xf32>
        tpu.vector_store %arg9[%swap3A_1960, %swap3A_1961, %swap3A_1962, %swap3A_1963], %swap3A_1966 {strides = array<i32>} : memref<5x4x8x128xf32, #tpu.memory_space<vmem>>, vector<1x1x1x16xf32>,
        %add3A_1967 = arith.constant 5 : i32
        %add3A_1968 = arith.addi %mul3A_1164, %add3A_1967 : i32
        %shift_right_arithmetic3A_1969 = arith.constant 3 : i32
        %shift_right_arithmetic3A_1970 = arith.shrsi %add3A_1968, %shift_right_arithmetic3A_1969 : i32
        %and3A_1971 = arith.constant 7 : i32
        %and3A_1972 = arith.andi %add3A_1968, %and3A_1971 : i32
        %swap3A_1973 = arith.index_cast %shift_right_arithmetic3A_1158 : i32 to index
        %swap3A_1974 = arith.index_cast %shift_right_arithmetic3A_1970 : i32 to index
        %swap3A_1975 = arith.index_cast %and3A_1972 : i32 to index
        %swap3A_1976 = arith.index_cast %mul3A_1168 : i32 to index
        %swap3A_1977 = tpu.vector_load %arg9[%swap3A_1973, %swap3A_1974, %swap3A_1975, %swap3A_1976] {strides = array<i32>} : memref<5x4x8x128xf32, #tpu.memory_space<vmem>>, vector<1x1x1x16xf32>,
        %swap3A_1978 = vector.shape_cast %swap3A_1977 : vector<1x1x1x16xf32> to vector<16xf32>
        %swap3A_1979 = vector.shape_cast %select_n3A_1852 : vector<16xf32> to vector<1x1x1x16xf32>
        tpu.vector_store %arg9[%swap3A_1973, %swap3A_1974, %swap3A_1975, %swap3A_1976], %swap3A_1979 {strides = array<i32>} : memref<5x4x8x128xf32, #tpu.memory_space<vmem>>, vector<1x1x1x16xf32>,
        %add3A_1980 = arith.constant 6 : i32
        %add3A_1981 = arith.addi %mul3A_1164, %add3A_1980 : i32
        %shift_right_arithmetic3A_1982 = arith.constant 3 : i32
        %shift_right_arithmetic3A_1983 = arith.shrsi %add3A_1981, %shift_right_arithmetic3A_1982 : i32
        %and3A_1984 = arith.constant 7 : i32
        %and3A_1985 = arith.andi %add3A_1981, %and3A_1984 : i32
        %swap3A_1986 = arith.index_cast %shift_right_arithmetic3A_1158 : i32 to index
        %swap3A_1987 = arith.index_cast %shift_right_arithmetic3A_1983 : i32 to index
        %swap3A_1988 = arith.index_cast %and3A_1985 : i32 to index
        %swap3A_1989 = arith.index_cast %mul3A_1168 : i32 to index
        %swap3A_1990 = tpu.vector_load %arg9[%swap3A_1986, %swap3A_1987, %swap3A_1988, %swap3A_1989] {strides = array<i32>} : memref<5x4x8x128xf32, #tpu.memory_space<vmem>>, vector<1x1x1x16xf32>,
        %swap3A_1991 = vector.shape_cast %swap3A_1990 : vector<1x1x1x16xf32> to vector<16xf32>
        %swap3A_1992 = vector.shape_cast %select_n3A_1872 : vector<16xf32> to vector<1x1x1x16xf32>
        tpu.vector_store %arg9[%swap3A_1986, %swap3A_1987, %swap3A_1988, %swap3A_1989], %swap3A_1992 {strides = array<i32>} : memref<5x4x8x128xf32, #tpu.memory_space<vmem>>, vector<1x1x1x16xf32>,
        %add3A_1993 = arith.constant 7 : i32
        %add3A_1994 = arith.addi %mul3A_1164, %add3A_1993 : i32
        %shift_right_arithmetic3A_1995 = arith.constant 3 : i32
        %shift_right_arithmetic3A_1996 = arith.shrsi %add3A_1994, %shift_right_arithmetic3A_1995 : i32
        %and3A_1997 = arith.constant 7 : i32
        %and3A_1998 = arith.andi %add3A_1994, %and3A_1997 : i32
        %swap3A_1999 = arith.index_cast %shift_right_arithmetic3A_1158 : i32 to index
        %swap3A_2000 = arith.index_cast %shift_right_arithmetic3A_1996 : i32 to index
        %swap3A_2001 = arith.index_cast %and3A_1998 : i32 to index
        %swap3A_2002 = arith.index_cast %mul3A_1168 : i32 to index
        %swap3A_2003 = tpu.vector_load %arg9[%swap3A_1999, %swap3A_2000, %swap3A_2001, %swap3A_2002] {strides = array<i32>} : memref<5x4x8x128xf32, #tpu.memory_space<vmem>>, vector<1x1x1x16xf32>,
        %swap3A_2004 = vector.shape_cast %swap3A_2003 : vector<1x1x1x16xf32> to vector<16xf32>
        %swap3A_2005 = vector.shape_cast %select_n3A_1892 : vector<16xf32> to vector<1x1x1x16xf32>
        tpu.vector_store %arg9[%swap3A_1999, %swap3A_2000, %swap3A_2001, %swap3A_2002], %swap3A_2005 {strides = array<i32>} : memref<5x4x8x128xf32, #tpu.memory_space<vmem>>, vector<1x1x1x16xf32>,
        %add3A_2006 = arith.constant 8 : i32
        %add3A_2007 = arith.addi %mul3A_1164, %add3A_2006 : i32
        %shift_right_arithmetic3A_2008 = arith.constant 3 : i32
        %shift_right_arithmetic3A_2009 = arith.shrsi %add3A_2007, %shift_right_arithmetic3A_2008 : i32
        %and3A_2010 = arith.constant 7 : i32
        %and3A_2011 = arith.andi %add3A_2007, %and3A_2010 : i32
        %swap3A_2012 = arith.index_cast %shift_right_arithmetic3A_1158 : i32 to index
        %swap3A_2013 = arith.index_cast %shift_right_arithmetic3A_2009 : i32 to index
        %swap3A_2014 = arith.index_cast %and3A_2011 : i32 to index
        %swap3A_2015 = arith.index_cast %mul3A_1168 : i32 to index
        %swap3A_2016 = tpu.vector_load %arg9[%swap3A_2012, %swap3A_2013, %swap3A_2014, %swap3A_2015] {strides = array<i32>} : memref<5x4x8x128xf32, #tpu.memory_space<vmem>>, vector<1x1x1x16xf32>,
        %swap3A_2017 = vector.shape_cast %swap3A_2016 : vector<1x1x1x16xf32> to vector<16xf32>
        %swap3A_2018 = vector.shape_cast %select_n3A_1762 : vector<16xf32> to vector<1x1x1x16xf32>
        tpu.vector_store %arg9[%swap3A_2012, %swap3A_2013, %swap3A_2014, %swap3A_2015], %swap3A_2018 {strides = array<i32>} : memref<5x4x8x128xf32, #tpu.memory_space<vmem>>, vector<1x1x1x16xf32>,
        %add3A_2019 = arith.constant 9 : i32
        %add3A_2020 = arith.addi %mul3A_1164, %add3A_2019 : i32
        %shift_right_arithmetic3A_2021 = arith.constant 3 : i32
        %shift_right_arithmetic3A_2022 = arith.shrsi %add3A_2020, %shift_right_arithmetic3A_2021 : i32
        %and3A_2023 = arith.constant 7 : i32
        %and3A_2024 = arith.andi %add3A_2020, %and3A_2023 : i32
        %swap3A_2025 = arith.index_cast %shift_right_arithmetic3A_1158 : i32 to index
        %swap3A_2026 = arith.index_cast %shift_right_arithmetic3A_2022 : i32 to index
        %swap3A_2027 = arith.index_cast %and3A_2024 : i32 to index
        %swap3A_2028 = arith.index_cast %mul3A_1168 : i32 to index
        %swap3A_2029 = tpu.vector_load %arg9[%swap3A_2025, %swap3A_2026, %swap3A_2027, %swap3A_2028] {strides = array<i32>} : memref<5x4x8x128xf32, #tpu.memory_space<vmem>>, vector<1x1x1x16xf32>,
        %swap3A_2030 = vector.shape_cast %swap3A_2029 : vector<1x1x1x16xf32> to vector<16xf32>
        %swap3A_2031 = vector.shape_cast %select_n3A_1782 : vector<16xf32> to vector<1x1x1x16xf32>
        tpu.vector_store %arg9[%swap3A_2025, %swap3A_2026, %swap3A_2027, %swap3A_2028], %swap3A_2031 {strides = array<i32>} : memref<5x4x8x128xf32, #tpu.memory_space<vmem>>, vector<1x1x1x16xf32>,
        %add3A_2032 = arith.constant 10 : i32
        %add3A_2033 = arith.addi %mul3A_1164, %add3A_2032 : i32
        %shift_right_arithmetic3A_2034 = arith.constant 3 : i32
        %shift_right_arithmetic3A_2035 = arith.shrsi %add3A_2033, %shift_right_arithmetic3A_2034 : i32
        %and3A_2036 = arith.constant 7 : i32
        %and3A_2037 = arith.andi %add3A_2033, %and3A_2036 : i32
        %swap3A_2038 = arith.index_cast %shift_right_arithmetic3A_1158 : i32 to index
        %swap3A_2039 = arith.index_cast %shift_right_arithmetic3A_2035 : i32 to index
        %swap3A_2040 = arith.index_cast %and3A_2037 : i32 to index
        %swap3A_2041 = arith.index_cast %mul3A_1168 : i32 to index
        %swap3A_2042 = tpu.vector_load %arg9[%swap3A_2038, %swap3A_2039, %swap3A_2040, %swap3A_2041] {strides = array<i32>} : memref<5x4x8x128xf32, #tpu.memory_space<vmem>>, vector<1x1x1x16xf32>,
        %swap3A_2043 = vector.shape_cast %swap3A_2042 : vector<1x1x1x16xf32> to vector<16xf32>
        %swap3A_2044 = vector.shape_cast %select_n3A_1802 : vector<16xf32> to vector<1x1x1x16xf32>
        tpu.vector_store %arg9[%swap3A_2038, %swap3A_2039, %swap3A_2040, %swap3A_2041], %swap3A_2044 {strides = array<i32>} : memref<5x4x8x128xf32, #tpu.memory_space<vmem>>, vector<1x1x1x16xf32>,
        %add3A_2045 = arith.constant 11 : i32
        %add3A_2046 = arith.addi %mul3A_1164, %add3A_2045 : i32
        %shift_right_arithmetic3A_2047 = arith.constant 3 : i32
        %shift_right_arithmetic3A_2048 = arith.shrsi %add3A_2046, %shift_right_arithmetic3A_2047 : i32
        %and3A_2049 = arith.constant 7 : i32
        %and3A_2050 = arith.andi %add3A_2046, %and3A_2049 : i32
        %swap3A_2051 = arith.index_cast %shift_right_arithmetic3A_1158 : i32 to index
        %swap3A_2052 = arith.index_cast %shift_right_arithmetic3A_2048 : i32 to index
        %swap3A_2053 = arith.index_cast %and3A_2050 : i32 to index
        %swap3A_2054 = arith.index_cast %mul3A_1168 : i32 to index
        %swap3A_2055 = tpu.vector_load %arg9[%swap3A_2051, %swap3A_2052, %swap3A_2053, %swap3A_2054] {strides = array<i32>} : memref<5x4x8x128xf32, #tpu.memory_space<vmem>>, vector<1x1x1x16xf32>,
        %swap3A_2056 = vector.shape_cast %swap3A_2055 : vector<1x1x1x16xf32> to vector<16xf32>
        %swap3A_2057 = vector.shape_cast %select_n3A_1822 : vector<16xf32> to vector<1x1x1x16xf32>
        tpu.vector_store %arg9[%swap3A_2051, %swap3A_2052, %swap3A_2053, %swap3A_2054], %swap3A_2057 {strides = array<i32>} : memref<5x4x8x128xf32, #tpu.memory_space<vmem>>, vector<1x1x1x16xf32>,
        %add3A_2058 = arith.constant 12 : i32
        %add3A_2059 = arith.addi %mul3A_1164, %add3A_2058 : i32
        %shift_right_arithmetic3A_2060 = arith.constant 3 : i32
        %shift_right_arithmetic3A_2061 = arith.shrsi %add3A_2059, %shift_right_arithmetic3A_2060 : i32
        %and3A_2062 = arith.constant 7 : i32
        %and3A_2063 = arith.andi %add3A_2059, %and3A_2062 : i32
        %swap3A_2064 = arith.index_cast %shift_right_arithmetic3A_1158 : i32 to index
        %swap3A_2065 = arith.index_cast %shift_right_arithmetic3A_2061 : i32 to index
        %swap3A_2066 = arith.index_cast %and3A_2063 : i32 to index
        %swap3A_2067 = arith.index_cast %mul3A_1168 : i32 to index
        %swap3A_2068 = tpu.vector_load %arg9[%swap3A_2064, %swap3A_2065, %swap3A_2066, %swap3A_2067] {strides = array<i32>} : memref<5x4x8x128xf32, #tpu.memory_space<vmem>>, vector<1x1x1x16xf32>,
        %swap3A_2069 = vector.shape_cast %swap3A_2068 : vector<1x1x1x16xf32> to vector<16xf32>
        %swap3A_2070 = vector.shape_cast %select_n3A_1842 : vector<16xf32> to vector<1x1x1x16xf32>
        tpu.vector_store %arg9[%swap3A_2064, %swap3A_2065, %swap3A_2066, %swap3A_2067], %swap3A_2070 {strides = array<i32>} : memref<5x4x8x128xf32, #tpu.memory_space<vmem>>, vector<1x1x1x16xf32>,
        %add3A_2071 = arith.constant 13 : i32
        %add3A_2072 = arith.addi %mul3A_1164, %add3A_2071 : i32
        %shift_right_arithmetic3A_2073 = arith.constant 3 : i32
        %shift_right_arithmetic3A_2074 = arith.shrsi %add3A_2072, %shift_right_arithmetic3A_2073 : i32
        %and3A_2075 = arith.constant 7 : i32
        %and3A_2076 = arith.andi %add3A_2072, %and3A_2075 : i32
        %swap3A_2077 = arith.index_cast %shift_right_arithmetic3A_1158 : i32 to index
        %swap3A_2078 = arith.index_cast %shift_right_arithmetic3A_2074 : i32 to index
        %swap3A_2079 = arith.index_cast %and3A_2076 : i32 to index
        %swap3A_2080 = arith.index_cast %mul3A_1168 : i32 to index
        %swap3A_2081 = tpu.vector_load %arg9[%swap3A_2077, %swap3A_2078, %swap3A_2079, %swap3A_2080] {strides = array<i32>} : memref<5x4x8x128xf32, #tpu.memory_space<vmem>>, vector<1x1x1x16xf32>,
        %swap3A_2082 = vector.shape_cast %swap3A_2081 : vector<1x1x1x16xf32> to vector<16xf32>
        %swap3A_2083 = vector.shape_cast %select_n3A_1862 : vector<16xf32> to vector<1x1x1x16xf32>
        tpu.vector_store %arg9[%swap3A_2077, %swap3A_2078, %swap3A_2079, %swap3A_2080], %swap3A_2083 {strides = array<i32>} : memref<5x4x8x128xf32, #tpu.memory_space<vmem>>, vector<1x1x1x16xf32>,
        %add3A_2084 = arith.constant 14 : i32
        %add3A_2085 = arith.addi %mul3A_1164, %add3A_2084 : i32
        %shift_right_arithmetic3A_2086 = arith.constant 3 : i32
        %shift_right_arithmetic3A_2087 = arith.shrsi %add3A_2085, %shift_right_arithmetic3A_2086 : i32
        %and3A_2088 = arith.constant 7 : i32
        %and3A_2089 = arith.andi %add3A_2085, %and3A_2088 : i32
        %swap3A_2090 = arith.index_cast %shift_right_arithmetic3A_1158 : i32 to index
        %swap3A_2091 = arith.index_cast %shift_right_arithmetic3A_2087 : i32 to index
        %swap3A_2092 = arith.index_cast %and3A_2089 : i32 to index
        %swap3A_2093 = arith.index_cast %mul3A_1168 : i32 to index
        %swap3A_2094 = tpu.vector_load %arg9[%swap3A_2090, %swap3A_2091, %swap3A_2092, %swap3A_2093] {strides = array<i32>} : memref<5x4x8x128xf32, #tpu.memory_space<vmem>>, vector<1x1x1x16xf32>,
        %swap3A_2095 = vector.shape_cast %swap3A_2094 : vector<1x1x1x16xf32> to vector<16xf32>
        %swap3A_2096 = vector.shape_cast %select_n3A_1882 : vector<16xf32> to vector<1x1x1x16xf32>
        tpu.vector_store %arg9[%swap3A_2090, %swap3A_2091, %swap3A_2092, %swap3A_2093], %swap3A_2096 {strides = array<i32>} : memref<5x4x8x128xf32, #tpu.memory_space<vmem>>, vector<1x1x1x16xf32>,
        %add3A_2097 = arith.constant 15 : i32
        %add3A_2098 = arith.addi %mul3A_1164, %add3A_2097 : i32
        %shift_right_arithmetic3A_2099 = arith.constant 3 : i32
        %shift_right_arithmetic3A_2100 = arith.shrsi %add3A_2098, %shift_right_arithmetic3A_2099 : i32
        %and3A_2101 = arith.constant 7 : i32
        %and3A_2102 = arith.andi %add3A_2098, %and3A_2101 : i32
        %swap3A_2103 = arith.index_cast %shift_right_arithmetic3A_1158 : i32 to index
        %swap3A_2104 = arith.index_cast %shift_right_arithmetic3A_2100 : i32 to index
        %swap3A_2105 = arith.index_cast %and3A_2102 : i32 to index
        %swap3A_2106 = arith.index_cast %mul3A_1168 : i32 to index
        %swap3A_2107 = tpu.vector_load %arg9[%swap3A_2103, %swap3A_2104, %swap3A_2105, %swap3A_2106] {strides = array<i32>} : memref<5x4x8x128xf32, #tpu.memory_space<vmem>>, vector<1x1x1x16xf32>,
        %swap3A_2108 = vector.shape_cast %swap3A_2107 : vector<1x1x1x16xf32> to vector<16xf32>
        %swap3A_2109 = vector.shape_cast %select_n3A_1902 : vector<16xf32> to vector<1x1x1x16xf32>
        tpu.vector_store %arg9[%swap3A_2103, %swap3A_2104, %swap3A_2105, %swap3A_2106], %swap3A_2109 {strides = array<i32>} : memref<5x4x8x128xf32, #tpu.memory_space<vmem>>, vector<1x1x1x16xf32>,
      }
      %scan3A_1148 = arith.constant 80 : i32
      %add3A_1149 = arith.constant 1 : i32
      %add3A_1150 = arith.addi %mul3A_920, %add3A_1149 : i32
      %scan3A_1151 = arith.constant 0 : i32
      %scan3A_1152 = arith.constant 0 : i32
      %scan3A_1153 = arith.constant 5 : i32
      %scan3A_1154 = arith.addi %scan3A_1152, %scan3A_1153 : i32
      %scan3A_1155 = arith.constant 1 : i32
      scf.for %scan3A_1157 = %scan3A_1152 to %scan3A_1154 step %scan3A_1155  : i32 {
        %mul3A_1158 = arith.constant 5 : i32
        %mul3A_1159 = arith.muli %add3A_1150, %mul3A_1158 : i32
        %add3A_1160 = arith.addi %mul3A_1159, %scan3A_1157 : i32
        %dma_start3A_1161 = arith.constant 0 : i32
        %dma_start3A_1162 = arith.constant 0 : i32
        %dma_start3A_1163 = arith.constant 0 : i32
        %dma_start3A_1164 = arith.constant 0 : i32
        %dma_start3A_1165 = tpu.memref_slice %arg9[%scan3A_1157, %dma_start3A_1161, %dma_start3A_1163, %dma_start3A_1164] : memref<5x4x8x128xf32, #tpu.memory_space<vmem>> -> memref<1x1x8x128xf32, #tpu.memory_space<vmem>>
        %dma_start3A_1166 = tpu.memref_squeeze %dma_start3A_1165 : memref<1x1x8x128xf32, #tpu.memory_space<vmem>> -> memref<8x128xf32, #tpu.memory_space<vmem>>
        %dma_start3A_1167 = arith.constant 0 : i32
        %dma_start3A_1168 = arith.constant 0 : i32
        %dma_start3A_1169 = tpu.memref_slice %arg4[%add3A_1160, %dma_start3A_1162, %add3A, %dma_start3A_1167, %dma_start3A_1168] : memref<50x4x32x8x128xf32, #tpu.memory_space<hbm>> -> memref<1x1x1x8x128xf32, #tpu.memory_space<hbm>>
        %dma_start3A_1170 = tpu.memref_squeeze %dma_start3A_1169 : memref<1x1x1x8x128xf32, #tpu.memory_space<hbm>> -> memref<8x128xf32, #tpu.memory_space<hbm>>
        %dma_start3A_1171 = arith.constant 0 : i32
        %dma_start3A_1172 = arith.constant 0 : i32
        %dma_start3A_1173 = tpu.memref_slice %arg4[%add3A_1160, %dma_start3A_1162, %add3A, %dma_start3A_1171, %dma_start3A_1172] : memref<50x4x32x8x128xf32, #tpu.memory_space<hbm>> -> memref<1x1x1x8x128xf32, #tpu.memory_space<hbm>>
        %dma_start3A_1174 = tpu.memref_squeeze %dma_start3A_1173 : memref<1x1x1x8x128xf32, #tpu.memory_space<hbm>> -> memref<8x128xf32, #tpu.memory_space<hbm>>
        %dma_start3A_1175 = arith.constant 0 : i32
        %dma_start3A_1176 = arith.constant 0 : i32
        %dma_start3A_1177 = tpu.memref_slice %arg9[%scan3A_1157, %dma_start3A_1161, %dma_start3A_1175, %dma_start3A_1176] : memref<5x4x8x128xf32, #tpu.memory_space<vmem>> -> memref<1x1x8x128xf32, #tpu.memory_space<vmem>>
        %dma_start3A_1178 = tpu.memref_squeeze %dma_start3A_1177 : memref<1x1x8x128xf32, #tpu.memory_space<vmem>> -> memref<8x128xf32, #tpu.memory_space<vmem>>
        tpu.enqueue_dma source(%dma_start3A_1178 : memref<8x128xf32, #tpu.memory_space<vmem>>) target(%dma_start3A_1174 : memref<8x128xf32, #tpu.memory_space<hbm>>) target_semaphore(%arg13 : memref<!tpu.dma_semaphore, #tpu.memory_space<semaphore_mem>>)
        %dma_start3A_1179 = arith.constant 1 : i32
        %dma_start3A_1180 = arith.constant 1 : i32
        %dma_start3A_1181 = arith.constant 0 : i32
        %dma_start3A_1182 = arith.constant 0 : i32
        %dma_start3A_1183 = tpu.memref_slice %arg9[%scan3A_1157, %dma_start3A_1179, %dma_start3A_1181, %dma_start3A_1182] : memref<5x4x8x128xf32, #tpu.memory_space<vmem>> -> memref<1x1x8x128xf32, #tpu.memory_space<vmem>>
        %dma_start3A_1184 = tpu.memref_squeeze %dma_start3A_1183 : memref<1x1x8x128xf32, #tpu.memory_space<vmem>> -> memref<8x128xf32, #tpu.memory_space<vmem>>
        %dma_start3A_1185 = arith.constant 0 : i32
        %dma_start3A_1186 = arith.constant 0 : i32
        %dma_start3A_1187 = tpu.memref_slice %arg4[%add3A_1160, %dma_start3A_1180, %add3A, %dma_start3A_1185, %dma_start3A_1186] : memref<50x4x32x8x128xf32, #tpu.memory_space<hbm>> -> memref<1x1x1x8x128xf32, #tpu.memory_space<hbm>>
        %dma_start3A_1188 = tpu.memref_squeeze %dma_start3A_1187 : memref<1x1x1x8x128xf32, #tpu.memory_space<hbm>> -> memref<8x128xf32, #tpu.memory_space<hbm>>
        %dma_start3A_1189 = arith.constant 0 : i32
        %dma_start3A_1190 = arith.constant 0 : i32
        %dma_start3A_1191 = tpu.memref_slice %arg4[%add3A_1160, %dma_start3A_1180, %add3A, %dma_start3A_1189, %dma_start3A_1190] : memref<50x4x32x8x128xf32, #tpu.memory_space<hbm>> -> memref<1x1x1x8x128xf32, #tpu.memory_space<hbm>>
        %dma_start3A_1192 = tpu.memref_squeeze %dma_start3A_1191 : memref<1x1x1x8x128xf32, #tpu.memory_space<hbm>> -> memref<8x128xf32, #tpu.memory_space<hbm>>
        %dma_start3A_1193 = arith.constant 0 : i32
        %dma_start3A_1194 = arith.constant 0 : i32
        %dma_start3A_1195 = tpu.memref_slice %arg9[%scan3A_1157, %dma_start3A_1179, %dma_start3A_1193, %dma_start3A_1194] : memref<5x4x8x128xf32, #tpu.memory_space<vmem>> -> memref<1x1x8x128xf32, #tpu.memory_space<vmem>>
        %dma_start3A_1196 = tpu.memref_squeeze %dma_start3A_1195 : memref<1x1x8x128xf32, #tpu.memory_space<vmem>> -> memref<8x128xf32, #tpu.memory_space<vmem>>
        tpu.enqueue_dma source(%dma_start3A_1196 : memref<8x128xf32, #tpu.memory_space<vmem>>) target(%dma_start3A_1192 : memref<8x128xf32, #tpu.memory_space<hbm>>) target_semaphore(%arg13 : memref<!tpu.dma_semaphore, #tpu.memory_space<semaphore_mem>>)
        %dma_start3A_1197 = arith.constant 2 : i32
        %dma_start3A_1198 = arith.constant 2 : i32
        %dma_start3A_1199 = arith.constant 0 : i32
        %dma_start3A_1200 = arith.constant 0 : i32
        %dma_start3A_1201 = tpu.memref_slice %arg9[%scan3A_1157, %dma_start3A_1197, %dma_start3A_1199, %dma_start3A_1200] : memref<5x4x8x128xf32, #tpu.memory_space<vmem>> -> memref<1x1x8x128xf32, #tpu.memory_space<vmem>>
        %dma_start3A_1202 = tpu.memref_squeeze %dma_start3A_1201 : memref<1x1x8x128xf32, #tpu.memory_space<vmem>> -> memref<8x128xf32, #tpu.memory_space<vmem>>
        %dma_start3A_1203 = arith.constant 0 : i32
        %dma_start3A_1204 = arith.constant 0 : i32
        %dma_start3A_1205 = tpu.memref_slice %arg4[%add3A_1160, %dma_start3A_1198, %add3A, %dma_start3A_1203, %dma_start3A_1204] : memref<50x4x32x8x128xf32, #tpu.memory_space<hbm>> -> memref<1x1x1x8x128xf32, #tpu.memory_space<hbm>>
        %dma_start3A_1206 = tpu.memref_squeeze %dma_start3A_1205 : memref<1x1x1x8x128xf32, #tpu.memory_space<hbm>> -> memref<8x128xf32, #tpu.memory_space<hbm>>
        %dma_start3A_1207 = arith.constant 0 : i32
        %dma_start3A_1208 = arith.constant 0 : i32
        %dma_start3A_1209 = tpu.memref_slice %arg4[%add3A_1160, %dma_start3A_1198, %add3A, %dma_start3A_1207, %dma_start3A_1208] : memref<50x4x32x8x128xf32, #tpu.memory_space<hbm>> -> memref<1x1x1x8x128xf32, #tpu.memory_space<hbm>>
        %dma_start3A_1210 = tpu.memref_squeeze %dma_start3A_1209 : memref<1x1x1x8x128xf32, #tpu.memory_space<hbm>> -> memref<8x128xf32, #tpu.memory_space<hbm>>
        %dma_start3A_1211 = arith.constant 0 : i32
        %dma_start3A_1212 = arith.constant 0 : i32
        %dma_start3A_1213 = tpu.memref_slice %arg9[%scan3A_1157, %dma_start3A_1197, %dma_start3A_1211, %dma_start3A_1212] : memref<5x4x8x128xf32, #tpu.memory_space<vmem>> -> memref<1x1x8x128xf32, #tpu.memory_space<vmem>>
        %dma_start3A_1214 = tpu.memref_squeeze %dma_start3A_1213 : memref<1x1x8x128xf32, #tpu.memory_space<vmem>> -> memref<8x128xf32, #tpu.memory_space<vmem>>
        tpu.enqueue_dma source(%dma_start3A_1214 : memref<8x128xf32, #tpu.memory_space<vmem>>) target(%dma_start3A_1210 : memref<8x128xf32, #tpu.memory_space<hbm>>) target_semaphore(%arg13 : memref<!tpu.dma_semaphore, #tpu.memory_space<semaphore_mem>>)
        %dma_start3A_1215 = arith.constant 3 : i32
        %dma_start3A_1216 = arith.constant 3 : i32
        %dma_start3A_1217 = arith.constant 0 : i32
        %dma_start3A_1218 = arith.constant 0 : i32
        %dma_start3A_1219 = tpu.memref_slice %arg9[%scan3A_1157, %dma_start3A_1215, %dma_start3A_1217, %dma_start3A_1218] : memref<5x4x8x128xf32, #tpu.memory_space<vmem>> -> memref<1x1x8x128xf32, #tpu.memory_space<vmem>>
        %dma_start3A_1220 = tpu.memref_squeeze %dma_start3A_1219 : memref<1x1x8x128xf32, #tpu.memory_space<vmem>> -> memref<8x128xf32, #tpu.memory_space<vmem>>
        %dma_start3A_1221 = arith.constant 0 : i32
        %dma_start3A_1222 = arith.constant 0 : i32
        %dma_start3A_1223 = tpu.memref_slice %arg4[%add3A_1160, %dma_start3A_1216, %add3A, %dma_start3A_1221, %dma_start3A_1222] : memref<50x4x32x8x128xf32, #tpu.memory_space<hbm>> -> memref<1x1x1x8x128xf32, #tpu.memory_space<hbm>>
        %dma_start3A_1224 = tpu.memref_squeeze %dma_start3A_1223 : memref<1x1x1x8x128xf32, #tpu.memory_space<hbm>> -> memref<8x128xf32, #tpu.memory_space<hbm>>
        %dma_start3A_1225 = arith.constant 0 : i32
        %dma_start3A_1226 = arith.constant 0 : i32
        %dma_start3A_1227 = tpu.memref_slice %arg4[%add3A_1160, %dma_start3A_1216, %add3A, %dma_start3A_1225, %dma_start3A_1226] : memref<50x4x32x8x128xf32, #tpu.memory_space<hbm>> -> memref<1x1x1x8x128xf32, #tpu.memory_space<hbm>>
        %dma_start3A_1228 = tpu.memref_squeeze %dma_start3A_1227 : memref<1x1x1x8x128xf32, #tpu.memory_space<hbm>> -> memref<8x128xf32, #tpu.memory_space<hbm>>
        %dma_start3A_1229 = arith.constant 0 : i32
        %dma_start3A_1230 = arith.constant 0 : i32
        %dma_start3A_1231 = tpu.memref_slice %arg9[%scan3A_1157, %dma_start3A_1215, %dma_start3A_1229, %dma_start3A_1230] : memref<5x4x8x128xf32, #tpu.memory_space<vmem>> -> memref<1x1x8x128xf32, #tpu.memory_space<vmem>>
        %dma_start3A_1232 = tpu.memref_squeeze %dma_start3A_1231 : memref<1x1x8x128xf32, #tpu.memory_space<vmem>> -> memref<8x128xf32, #tpu.memory_space<vmem>>
        tpu.enqueue_dma source(%dma_start3A_1232 : memref<8x128xf32, #tpu.memory_space<vmem>>) target(%dma_start3A_1228 : memref<8x128xf32, #tpu.memory_space<hbm>>) target_semaphore(%arg13 : memref<!tpu.dma_semaphore, #tpu.memory_space<semaphore_mem>>)
      }
      %scan3A_1156 = arith.constant 5 : i32
    }
    %scan3A_78 = arith.constant 5 : i32
    %dma_wait3A = arith.constant 0 : i32
    %dma_wait3A_79 = arith.constant 0 : i32
    %dma_wait3A_80 = arith.constant 0 : i32
    %dma_wait3A_81 = arith.constant 0 : i32
    %dma_wait3A_82 = arith.constant 0 : i32
    %dma_wait3A_83 = arith.constant 0 : i32
    %dma_wait3A_84 = arith.constant 0 : i32
    %dma_wait3A_85 = tpu.memref_slice %arg8[%dma_wait3A_81, %dma_wait3A_82, %dma_wait3A_83, %dma_wait3A_84] : memref<5x4x8x128xf32, #tpu.memory_space<vmem>> -> memref<1x1x8x128xf32, #tpu.memory_space<vmem>>
    %dma_wait3A_86 = tpu.memref_squeeze %dma_wait3A_85 : memref<1x1x8x128xf32, #tpu.memory_space<vmem>> -> memref<8x128xf32, #tpu.memory_space<vmem>>
    %dma_wait3A_87 = arith.constant 0 : i32
    %dma_wait3A_88 = arith.constant 0 : i32
    %dma_wait3A_89 = tpu.memref_slice %arg4[%dma_wait3A, %dma_wait3A_79, %dma_wait3A_80, %dma_wait3A_87, %dma_wait3A_88] : memref<50x4x32x8x128xf32, #tpu.memory_space<hbm>> -> memref<1x1x1x8x128xf32, #tpu.memory_space<hbm>>
    %dma_wait3A_90 = tpu.memref_squeeze %dma_wait3A_89 : memref<1x1x1x8x128xf32, #tpu.memory_space<hbm>> -> memref<8x128xf32, #tpu.memory_space<hbm>>
    %dma_wait3A_91 = arith.constant 0 : i32
    %dma_wait3A_92 = arith.constant 0 : i32
    %dma_wait3A_93 = tpu.memref_slice %arg8[%dma_wait3A_81, %dma_wait3A_82, %dma_wait3A_91, %dma_wait3A_92] : memref<5x4x8x128xf32, #tpu.memory_space<vmem>> -> memref<1x1x8x128xf32, #tpu.memory_space<vmem>>
    %dma_wait3A_94 = tpu.memref_squeeze %dma_wait3A_93 : memref<1x1x8x128xf32, #tpu.memory_space<vmem>> -> memref<8x128xf32, #tpu.memory_space<vmem>>
    %dma_wait3A_95 = arith.constant 0 : i32
    %dma_wait3A_96 = arith.constant 0 : i32
    %dma_wait3A_97 = tpu.memref_slice %arg4[%dma_wait3A, %dma_wait3A_79, %dma_wait3A_80, %dma_wait3A_95, %dma_wait3A_96] : memref<50x4x32x8x128xf32, #tpu.memory_space<hbm>> -> memref<1x1x1x8x128xf32, #tpu.memory_space<hbm>>
    %dma_wait3A_98 = tpu.memref_squeeze %dma_wait3A_97 : memref<1x1x1x8x128xf32, #tpu.memory_space<hbm>> -> memref<8x128xf32, #tpu.memory_space<hbm>>
    tpu.wait_dma2 semaphore(%arg12 : memref<!tpu.dma_semaphore, #tpu.memory_space<semaphore_mem>>) src(%dma_wait3A_98 : memref<8x128xf32, #tpu.memory_space<hbm>>) dst(%dma_wait3A_94 : memref<8x128xf32, #tpu.memory_space<vmem>>)
    %dma_wait3A_99 = arith.constant 0 : i32
    %dma_wait3A_100 = arith.constant 0 : i32
    %dma_wait3A_101 = arith.constant 0 : i32
    %dma_wait3A_102 = arith.constant 0 : i32
    %dma_wait3A_103 = arith.constant 1 : i32
    %dma_wait3A_104 = arith.constant 0 : i32
    %dma_wait3A_105 = arith.constant 0 : i32
    %dma_wait3A_106 = tpu.memref_slice %arg8[%dma_wait3A_102, %dma_wait3A_103, %dma_wait3A_104, %dma_wait3A_105] : memref<5x4x8x128xf32, #tpu.memory_space<vmem>> -> memref<1x1x8x128xf32, #tpu.memory_space<vmem>>
    %dma_wait3A_107 = tpu.memref_squeeze %dma_wait3A_106 : memref<1x1x8x128xf32, #tpu.memory_space<vmem>> -> memref<8x128xf32, #tpu.memory_space<vmem>>
    %dma_wait3A_108 = arith.constant 0 : i32
    %dma_wait3A_109 = arith.constant 0 : i32
    %dma_wait3A_110 = tpu.memref_slice %arg4[%dma_wait3A_99, %dma_wait3A_100, %dma_wait3A_101, %dma_wait3A_108, %dma_wait3A_109] : memref<50x4x32x8x128xf32, #tpu.memory_space<hbm>> -> memref<1x1x1x8x128xf32, #tpu.memory_space<hbm>>
    %dma_wait3A_111 = tpu.memref_squeeze %dma_wait3A_110 : memref<1x1x1x8x128xf32, #tpu.memory_space<hbm>> -> memref<8x128xf32, #tpu.memory_space<hbm>>
    %dma_wait3A_112 = arith.constant 0 : i32
    %dma_wait3A_113 = arith.constant 0 : i32
    %dma_wait3A_114 = tpu.memref_slice %arg8[%dma_wait3A_102, %dma_wait3A_103, %dma_wait3A_112, %dma_wait3A_113] : memref<5x4x8x128xf32, #tpu.memory_space<vmem>> -> memref<1x1x8x128xf32, #tpu.memory_space<vmem>>
    %dma_wait3A_115 = tpu.memref_squeeze %dma_wait3A_114 : memref<1x1x8x128xf32, #tpu.memory_space<vmem>> -> memref<8x128xf32, #tpu.memory_space<vmem>>
    %dma_wait3A_116 = arith.constant 0 : i32
    %dma_wait3A_117 = arith.constant 0 : i32
    %dma_wait3A_118 = tpu.memref_slice %arg4[%dma_wait3A_99, %dma_wait3A_100, %dma_wait3A_101, %dma_wait3A_116, %dma_wait3A_117] : memref<50x4x32x8x128xf32, #tpu.memory_space<hbm>> -> memref<1x1x1x8x128xf32, #tpu.memory_space<hbm>>
    %dma_wait3A_119 = tpu.memref_squeeze %dma_wait3A_118 : memref<1x1x1x8x128xf32, #tpu.memory_space<hbm>> -> memref<8x128xf32, #tpu.memory_space<hbm>>
    tpu.wait_dma2 semaphore(%arg12 : memref<!tpu.dma_semaphore, #tpu.memory_space<semaphore_mem>>) src(%dma_wait3A_119 : memref<8x128xf32, #tpu.memory_space<hbm>>) dst(%dma_wait3A_115 : memref<8x128xf32, #tpu.memory_space<vmem>>)
    %dma_wait3A_120 = arith.constant 0 : i32
    %dma_wait3A_121 = arith.constant 0 : i32
    %dma_wait3A_122 = arith.constant 0 : i32
    %dma_wait3A_123 = arith.constant 0 : i32
    %dma_wait3A_124 = arith.constant 2 : i32
    %dma_wait3A_125 = arith.constant 0 : i32
    %dma_wait3A_126 = arith.constant 0 : i32
    %dma_wait3A_127 = tpu.memref_slice %arg8[%dma_wait3A_123, %dma_wait3A_124, %dma_wait3A_125, %dma_wait3A_126] : memref<5x4x8x128xf32, #tpu.memory_space<vmem>> -> memref<1x1x8x128xf32, #tpu.memory_space<vmem>>
    %dma_wait3A_128 = tpu.memref_squeeze %dma_wait3A_127 : memref<1x1x8x128xf32, #tpu.memory_space<vmem>> -> memref<8x128xf32, #tpu.memory_space<vmem>>
    %dma_wait3A_129 = arith.constant 0 : i32
    %dma_wait3A_130 = arith.constant 0 : i32
    %dma_wait3A_131 = tpu.memref_slice %arg4[%dma_wait3A_120, %dma_wait3A_121, %dma_wait3A_122, %dma_wait3A_129, %dma_wait3A_130] : memref<50x4x32x8x128xf32, #tpu.memory_space<hbm>> -> memref<1x1x1x8x128xf32, #tpu.memory_space<hbm>>
    %dma_wait3A_132 = tpu.memref_squeeze %dma_wait3A_131 : memref<1x1x1x8x128xf32, #tpu.memory_space<hbm>> -> memref<8x128xf32, #tpu.memory_space<hbm>>
    %dma_wait3A_133 = arith.constant 0 : i32
    %dma_wait3A_134 = arith.constant 0 : i32
    %dma_wait3A_135 = tpu.memref_slice %arg8[%dma_wait3A_123, %dma_wait3A_124, %dma_wait3A_133, %dma_wait3A_134] : memref<5x4x8x128xf32, #tpu.memory_space<vmem>> -> memref<1x1x8x128xf32, #tpu.memory_space<vmem>>
    %dma_wait3A_136 = tpu.memref_squeeze %dma_wait3A_135 : memref<1x1x8x128xf32, #tpu.memory_space<vmem>> -> memref<8x128xf32, #tpu.memory_space<vmem>>
    %dma_wait3A_137 = arith.constant 0 : i32
    %dma_wait3A_138 = arith.constant 0 : i32
    %dma_wait3A_139 = tpu.memref_slice %arg4[%dma_wait3A_120, %dma_wait3A_121, %dma_wait3A_122, %dma_wait3A_137, %dma_wait3A_138] : memref<50x4x32x8x128xf32, #tpu.memory_space<hbm>> -> memref<1x1x1x8x128xf32, #tpu.memory_space<hbm>>
    %dma_wait3A_140 = tpu.memref_squeeze %dma_wait3A_139 : memref<1x1x1x8x128xf32, #tpu.memory_space<hbm>> -> memref<8x128xf32, #tpu.memory_space<hbm>>
    tpu.wait_dma2 semaphore(%arg12 : memref<!tpu.dma_semaphore, #tpu.memory_space<semaphore_mem>>) src(%dma_wait3A_140 : memref<8x128xf32, #tpu.memory_space<hbm>>) dst(%dma_wait3A_136 : memref<8x128xf32, #tpu.memory_space<vmem>>)
    %dma_wait3A_141 = arith.constant 0 : i32
    %dma_wait3A_142 = arith.constant 0 : i32
    %dma_wait3A_143 = arith.constant 0 : i32
    %dma_wait3A_144 = arith.constant 0 : i32
    %dma_wait3A_145 = arith.constant 3 : i32
    %dma_wait3A_146 = arith.constant 0 : i32
    %dma_wait3A_147 = arith.constant 0 : i32
    %dma_wait3A_148 = tpu.memref_slice %arg8[%dma_wait3A_144, %dma_wait3A_145, %dma_wait3A_146, %dma_wait3A_147] : memref<5x4x8x128xf32, #tpu.memory_space<vmem>> -> memref<1x1x8x128xf32, #tpu.memory_space<vmem>>
    %dma_wait3A_149 = tpu.memref_squeeze %dma_wait3A_148 : memref<1x1x8x128xf32, #tpu.memory_space<vmem>> -> memref<8x128xf32, #tpu.memory_space<vmem>>
    %dma_wait3A_150 = arith.constant 0 : i32
    %dma_wait3A_151 = arith.constant 0 : i32
    %dma_wait3A_152 = tpu.memref_slice %arg4[%dma_wait3A_141, %dma_wait3A_142, %dma_wait3A_143, %dma_wait3A_150, %dma_wait3A_151] : memref<50x4x32x8x128xf32, #tpu.memory_space<hbm>> -> memref<1x1x1x8x128xf32, #tpu.memory_space<hbm>>
    %dma_wait3A_153 = tpu.memref_squeeze %dma_wait3A_152 : memref<1x1x1x8x128xf32, #tpu.memory_space<hbm>> -> memref<8x128xf32, #tpu.memory_space<hbm>>
    %dma_wait3A_154 = arith.constant 0 : i32
    %dma_wait3A_155 = arith.constant 0 : i32
    %dma_wait3A_156 = tpu.memref_slice %arg8[%dma_wait3A_144, %dma_wait3A_145, %dma_wait3A_154, %dma_wait3A_155] : memref<5x4x8x128xf32, #tpu.memory_space<vmem>> -> memref<1x1x8x128xf32, #tpu.memory_space<vmem>>
    %dma_wait3A_157 = tpu.memref_squeeze %dma_wait3A_156 : memref<1x1x8x128xf32, #tpu.memory_space<vmem>> -> memref<8x128xf32, #tpu.memory_space<vmem>>
    %dma_wait3A_158 = arith.constant 0 : i32
    %dma_wait3A_159 = arith.constant 0 : i32
    %dma_wait3A_160 = tpu.memref_slice %arg4[%dma_wait3A_141, %dma_wait3A_142, %dma_wait3A_143, %dma_wait3A_158, %dma_wait3A_159] : memref<50x4x32x8x128xf32, #tpu.memory_space<hbm>> -> memref<1x1x1x8x128xf32, #tpu.memory_space<hbm>>
    %dma_wait3A_161 = tpu.memref_squeeze %dma_wait3A_160 : memref<1x1x1x8x128xf32, #tpu.memory_space<hbm>> -> memref<8x128xf32, #tpu.memory_space<hbm>>
    tpu.wait_dma2 semaphore(%arg12 : memref<!tpu.dma_semaphore, #tpu.memory_space<semaphore_mem>>) src(%dma_wait3A_161 : memref<8x128xf32, #tpu.memory_space<hbm>>) dst(%dma_wait3A_157 : memref<8x128xf32, #tpu.memory_space<vmem>>)
    %dma_wait3A_162 = arith.constant 0 : i32
    %dma_wait3A_163 = arith.constant 0 : i32
    %dma_wait3A_164 = arith.constant 0 : i32
    %dma_wait3A_165 = arith.constant 1 : i32
    %dma_wait3A_166 = arith.constant 0 : i32
    %dma_wait3A_167 = arith.constant 0 : i32
    %dma_wait3A_168 = arith.constant 0 : i32
    %dma_wait3A_169 = tpu.memref_slice %arg8[%dma_wait3A_165, %dma_wait3A_166, %dma_wait3A_167, %dma_wait3A_168] : memref<5x4x8x128xf32, #tpu.memory_space<vmem>> -> memref<1x1x8x128xf32, #tpu.memory_space<vmem>>
    %dma_wait3A_170 = tpu.memref_squeeze %dma_wait3A_169 : memref<1x1x8x128xf32, #tpu.memory_space<vmem>> -> memref<8x128xf32, #tpu.memory_space<vmem>>
    %dma_wait3A_171 = arith.constant 0 : i32
    %dma_wait3A_172 = arith.constant 0 : i32
    %dma_wait3A_173 = tpu.memref_slice %arg4[%dma_wait3A_162, %dma_wait3A_163, %dma_wait3A_164, %dma_wait3A_171, %dma_wait3A_172] : memref<50x4x32x8x128xf32, #tpu.memory_space<hbm>> -> memref<1x1x1x8x128xf32, #tpu.memory_space<hbm>>
    %dma_wait3A_174 = tpu.memref_squeeze %dma_wait3A_173 : memref<1x1x1x8x128xf32, #tpu.memory_space<hbm>> -> memref<8x128xf32, #tpu.memory_space<hbm>>
    %dma_wait3A_175 = arith.constant 0 : i32
    %dma_wait3A_176 = arith.constant 0 : i32
    %dma_wait3A_177 = tpu.memref_slice %arg8[%dma_wait3A_165, %dma_wait3A_166, %dma_wait3A_175, %dma_wait3A_176] : memref<5x4x8x128xf32, #tpu.memory_space<vmem>> -> memref<1x1x8x128xf32, #tpu.memory_space<vmem>>
    %dma_wait3A_178 = tpu.memref_squeeze %dma_wait3A_177 : memref<1x1x8x128xf32, #tpu.memory_space<vmem>> -> memref<8x128xf32, #tpu.memory_space<vmem>>
    %dma_wait3A_179 = arith.constant 0 : i32
    %dma_wait3A_180 = arith.constant 0 : i32
    %dma_wait3A_181 = tpu.memref_slice %arg4[%dma_wait3A_162, %dma_wait3A_163, %dma_wait3A_164, %dma_wait3A_179, %dma_wait3A_180] : memref<50x4x32x8x128xf32, #tpu.memory_space<hbm>> -> memref<1x1x1x8x128xf32, #tpu.memory_space<hbm>>
    %dma_wait3A_182 = tpu.memref_squeeze %dma_wait3A_181 : memref<1x1x1x8x128xf32, #tpu.memory_space<hbm>> -> memref<8x128xf32, #tpu.memory_space<hbm>>
    tpu.wait_dma2 semaphore(%arg12 : memref<!tpu.dma_semaphore, #tpu.memory_space<semaphore_mem>>) src(%dma_wait3A_182 : memref<8x128xf32, #tpu.memory_space<hbm>>) dst(%dma_wait3A_178 : memref<8x128xf32, #tpu.memory_space<vmem>>)
    %dma_wait3A_183 = arith.constant 0 : i32
    %dma_wait3A_184 = arith.constant 0 : i32
    %dma_wait3A_185 = arith.constant 0 : i32
    %dma_wait3A_186 = arith.constant 1 : i32
    %dma_wait3A_187 = arith.constant 1 : i32
    %dma_wait3A_188 = arith.constant 0 : i32
    %dma_wait3A_189 = arith.constant 0 : i32
    %dma_wait3A_190 = tpu.memref_slice %arg8[%dma_wait3A_186, %dma_wait3A_187, %dma_wait3A_188, %dma_wait3A_189] : memref<5x4x8x128xf32, #tpu.memory_space<vmem>> -> memref<1x1x8x128xf32, #tpu.memory_space<vmem>>
    %dma_wait3A_191 = tpu.memref_squeeze %dma_wait3A_190 : memref<1x1x8x128xf32, #tpu.memory_space<vmem>> -> memref<8x128xf32, #tpu.memory_space<vmem>>
    %dma_wait3A_192 = arith.constant 0 : i32
    %dma_wait3A_193 = arith.constant 0 : i32
    %dma_wait3A_194 = tpu.memref_slice %arg4[%dma_wait3A_183, %dma_wait3A_184, %dma_wait3A_185, %dma_wait3A_192, %dma_wait3A_193] : memref<50x4x32x8x128xf32, #tpu.memory_space<hbm>> -> memref<1x1x1x8x128xf32, #tpu.memory_space<hbm>>
    %dma_wait3A_195 = tpu.memref_squeeze %dma_wait3A_194 : memref<1x1x1x8x128xf32, #tpu.memory_space<hbm>> -> memref<8x128xf32, #tpu.memory_space<hbm>>
    %dma_wait3A_196 = arith.constant 0 : i32
    %dma_wait3A_197 = arith.constant 0 : i32
    %dma_wait3A_198 = tpu.memref_slice %arg8[%dma_wait3A_186, %dma_wait3A_187, %dma_wait3A_196, %dma_wait3A_197] : memref<5x4x8x128xf32, #tpu.memory_space<vmem>> -> memref<1x1x8x128xf32, #tpu.memory_space<vmem>>
    %dma_wait3A_199 = tpu.memref_squeeze %dma_wait3A_198 : memref<1x1x8x128xf32, #tpu.memory_space<vmem>> -> memref<8x128xf32, #tpu.memory_space<vmem>>
    %dma_wait3A_200 = arith.constant 0 : i32
    %dma_wait3A_201 = arith.constant 0 : i32
    %dma_wait3A_202 = tpu.memref_slice %arg4[%dma_wait3A_183, %dma_wait3A_184, %dma_wait3A_185, %dma_wait3A_200, %dma_wait3A_201] : memref<50x4x32x8x128xf32, #tpu.memory_space<hbm>> -> memref<1x1x1x8x128xf32, #tpu.memory_space<hbm>>
    %dma_wait3A_203 = tpu.memref_squeeze %dma_wait3A_202 : memref<1x1x1x8x128xf32, #tpu.memory_space<hbm>> -> memref<8x128xf32, #tpu.memory_space<hbm>>
    tpu.wait_dma2 semaphore(%arg12 : memref<!tpu.dma_semaphore, #tpu.memory_space<semaphore_mem>>) src(%dma_wait3A_203 : memref<8x128xf32, #tpu.memory_space<hbm>>) dst(%dma_wait3A_199 : memref<8x128xf32, #tpu.memory_space<vmem>>)
    %dma_wait3A_204 = arith.constant 0 : i32
    %dma_wait3A_205 = arith.constant 0 : i32
    %dma_wait3A_206 = arith.constant 0 : i32
    %dma_wait3A_207 = arith.constant 1 : i32
    %dma_wait3A_208 = arith.constant 2 : i32
    %dma_wait3A_209 = arith.constant 0 : i32
    %dma_wait3A_210 = arith.constant 0 : i32
    %dma_wait3A_211 = tpu.memref_slice %arg8[%dma_wait3A_207, %dma_wait3A_208, %dma_wait3A_209, %dma_wait3A_210] : memref<5x4x8x128xf32, #tpu.memory_space<vmem>> -> memref<1x1x8x128xf32, #tpu.memory_space<vmem>>
    %dma_wait3A_212 = tpu.memref_squeeze %dma_wait3A_211 : memref<1x1x8x128xf32, #tpu.memory_space<vmem>> -> memref<8x128xf32, #tpu.memory_space<vmem>>
    %dma_wait3A_213 = arith.constant 0 : i32
    %dma_wait3A_214 = arith.constant 0 : i32
    %dma_wait3A_215 = tpu.memref_slice %arg4[%dma_wait3A_204, %dma_wait3A_205, %dma_wait3A_206, %dma_wait3A_213, %dma_wait3A_214] : memref<50x4x32x8x128xf32, #tpu.memory_space<hbm>> -> memref<1x1x1x8x128xf32, #tpu.memory_space<hbm>>
    %dma_wait3A_216 = tpu.memref_squeeze %dma_wait3A_215 : memref<1x1x1x8x128xf32, #tpu.memory_space<hbm>> -> memref<8x128xf32, #tpu.memory_space<hbm>>
    %dma_wait3A_217 = arith.constant 0 : i32
    %dma_wait3A_218 = arith.constant 0 : i32
    %dma_wait3A_219 = tpu.memref_slice %arg8[%dma_wait3A_207, %dma_wait3A_208, %dma_wait3A_217, %dma_wait3A_218] : memref<5x4x8x128xf32, #tpu.memory_space<vmem>> -> memref<1x1x8x128xf32, #tpu.memory_space<vmem>>
    %dma_wait3A_220 = tpu.memref_squeeze %dma_wait3A_219 : memref<1x1x8x128xf32, #tpu.memory_space<vmem>> -> memref<8x128xf32, #tpu.memory_space<vmem>>
    %dma_wait3A_221 = arith.constant 0 : i32
    %dma_wait3A_222 = arith.constant 0 : i32
    %dma_wait3A_223 = tpu.memref_slice %arg4[%dma_wait3A_204, %dma_wait3A_205, %dma_wait3A_206, %dma_wait3A_221, %dma_wait3A_222] : memref<50x4x32x8x128xf32, #tpu.memory_space<hbm>> -> memref<1x1x1x8x128xf32, #tpu.memory_space<hbm>>
    %dma_wait3A_224 = tpu.memref_squeeze %dma_wait3A_223 : memref<1x1x1x8x128xf32, #tpu.memory_space<hbm>> -> memref<8x128xf32, #tpu.memory_space<hbm>>
    tpu.wait_dma2 semaphore(%arg12 : memref<!tpu.dma_semaphore, #tpu.memory_space<semaphore_mem>>) src(%dma_wait3A_224 : memref<8x128xf32, #tpu.memory_space<hbm>>) dst(%dma_wait3A_220 : memref<8x128xf32, #tpu.memory_space<vmem>>)
    %dma_wait3A_225 = arith.constant 0 : i32
    %dma_wait3A_226 = arith.constant 0 : i32
    %dma_wait3A_227 = arith.constant 0 : i32
    %dma_wait3A_228 = arith.constant 1 : i32
    %dma_wait3A_229 = arith.constant 3 : i32
    %dma_wait3A_230 = arith.constant 0 : i32
    %dma_wait3A_231 = arith.constant 0 : i32
    %dma_wait3A_232 = tpu.memref_slice %arg8[%dma_wait3A_228, %dma_wait3A_229, %dma_wait3A_230, %dma_wait3A_231] : memref<5x4x8x128xf32, #tpu.memory_space<vmem>> -> memref<1x1x8x128xf32, #tpu.memory_space<vmem>>
    %dma_wait3A_233 = tpu.memref_squeeze %dma_wait3A_232 : memref<1x1x8x128xf32, #tpu.memory_space<vmem>> -> memref<8x128xf32, #tpu.memory_space<vmem>>
    %dma_wait3A_234 = arith.constant 0 : i32
    %dma_wait3A_235 = arith.constant 0 : i32
    %dma_wait3A_236 = tpu.memref_slice %arg4[%dma_wait3A_225, %dma_wait3A_226, %dma_wait3A_227, %dma_wait3A_234, %dma_wait3A_235] : memref<50x4x32x8x128xf32, #tpu.memory_space<hbm>> -> memref<1x1x1x8x128xf32, #tpu.memory_space<hbm>>
    %dma_wait3A_237 = tpu.memref_squeeze %dma_wait3A_236 : memref<1x1x1x8x128xf32, #tpu.memory_space<hbm>> -> memref<8x128xf32, #tpu.memory_space<hbm>>
    %dma_wait3A_238 = arith.constant 0 : i32
    %dma_wait3A_239 = arith.constant 0 : i32
    %dma_wait3A_240 = tpu.memref_slice %arg8[%dma_wait3A_228, %dma_wait3A_229, %dma_wait3A_238, %dma_wait3A_239] : memref<5x4x8x128xf32, #tpu.memory_space<vmem>> -> memref<1x1x8x128xf32, #tpu.memory_space<vmem>>
    %dma_wait3A_241 = tpu.memref_squeeze %dma_wait3A_240 : memref<1x1x8x128xf32, #tpu.memory_space<vmem>> -> memref<8x128xf32, #tpu.memory_space<vmem>>
    %dma_wait3A_242 = arith.constant 0 : i32
    %dma_wait3A_243 = arith.constant 0 : i32
    %dma_wait3A_244 = tpu.memref_slice %arg4[%dma_wait3A_225, %dma_wait3A_226, %dma_wait3A_227, %dma_wait3A_242, %dma_wait3A_243] : memref<50x4x32x8x128xf32, #tpu.memory_space<hbm>> -> memref<1x1x1x8x128xf32, #tpu.memory_space<hbm>>
    %dma_wait3A_245 = tpu.memref_squeeze %dma_wait3A_244 : memref<1x1x1x8x128xf32, #tpu.memory_space<hbm>> -> memref<8x128xf32, #tpu.memory_space<hbm>>
    tpu.wait_dma2 semaphore(%arg12 : memref<!tpu.dma_semaphore, #tpu.memory_space<semaphore_mem>>) src(%dma_wait3A_245 : memref<8x128xf32, #tpu.memory_space<hbm>>) dst(%dma_wait3A_241 : memref<8x128xf32, #tpu.memory_space<vmem>>)
    %dma_wait3A_246 = arith.constant 0 : i32
    %dma_wait3A_247 = arith.constant 0 : i32
    %dma_wait3A_248 = arith.constant 0 : i32
    %dma_wait3A_249 = arith.constant 2 : i32
    %dma_wait3A_250 = arith.constant 0 : i32
    %dma_wait3A_251 = arith.constant 0 : i32
    %dma_wait3A_252 = arith.constant 0 : i32
    %dma_wait3A_253 = tpu.memref_slice %arg8[%dma_wait3A_249, %dma_wait3A_250, %dma_wait3A_251, %dma_wait3A_252] : memref<5x4x8x128xf32, #tpu.memory_space<vmem>> -> memref<1x1x8x128xf32, #tpu.memory_space<vmem>>
    %dma_wait3A_254 = tpu.memref_squeeze %dma_wait3A_253 : memref<1x1x8x128xf32, #tpu.memory_space<vmem>> -> memref<8x128xf32, #tpu.memory_space<vmem>>
    %dma_wait3A_255 = arith.constant 0 : i32
    %dma_wait3A_256 = arith.constant 0 : i32
    %dma_wait3A_257 = tpu.memref_slice %arg4[%dma_wait3A_246, %dma_wait3A_247, %dma_wait3A_248, %dma_wait3A_255, %dma_wait3A_256] : memref<50x4x32x8x128xf32, #tpu.memory_space<hbm>> -> memref<1x1x1x8x128xf32, #tpu.memory_space<hbm>>
    %dma_wait3A_258 = tpu.memref_squeeze %dma_wait3A_257 : memref<1x1x1x8x128xf32, #tpu.memory_space<hbm>> -> memref<8x128xf32, #tpu.memory_space<hbm>>
    %dma_wait3A_259 = arith.constant 0 : i32
    %dma_wait3A_260 = arith.constant 0 : i32
    %dma_wait3A_261 = tpu.memref_slice %arg8[%dma_wait3A_249, %dma_wait3A_250, %dma_wait3A_259, %dma_wait3A_260] : memref<5x4x8x128xf32, #tpu.memory_space<vmem>> -> memref<1x1x8x128xf32, #tpu.memory_space<vmem>>
    %dma_wait3A_262 = tpu.memref_squeeze %dma_wait3A_261 : memref<1x1x8x128xf32, #tpu.memory_space<vmem>> -> memref<8x128xf32, #tpu.memory_space<vmem>>
    %dma_wait3A_263 = arith.constant 0 : i32
    %dma_wait3A_264 = arith.constant 0 : i32
    %dma_wait3A_265 = tpu.memref_slice %arg4[%dma_wait3A_246, %dma_wait3A_247, %dma_wait3A_248, %dma_wait3A_263, %dma_wait3A_264] : memref<50x4x32x8x128xf32, #tpu.memory_space<hbm>> -> memref<1x1x1x8x128xf32, #tpu.memory_space<hbm>>
    %dma_wait3A_266 = tpu.memref_squeeze %dma_wait3A_265 : memref<1x1x1x8x128xf32, #tpu.memory_space<hbm>> -> memref<8x128xf32, #tpu.memory_space<hbm>>
    tpu.wait_dma2 semaphore(%arg12 : memref<!tpu.dma_semaphore, #tpu.memory_space<semaphore_mem>>) src(%dma_wait3A_266 : memref<8x128xf32, #tpu.memory_space<hbm>>) dst(%dma_wait3A_262 : memref<8x128xf32, #tpu.memory_space<vmem>>)
    %dma_wait3A_267 = arith.constant 0 : i32
    %dma_wait3A_268 = arith.constant 0 : i32
    %dma_wait3A_269 = arith.constant 0 : i32
    %dma_wait3A_270 = arith.constant 2 : i32
    %dma_wait3A_271 = arith.constant 1 : i32
    %dma_wait3A_272 = arith.constant 0 : i32
    %dma_wait3A_273 = arith.constant 0 : i32
    %dma_wait3A_274 = tpu.memref_slice %arg8[%dma_wait3A_270, %dma_wait3A_271, %dma_wait3A_272, %dma_wait3A_273] : memref<5x4x8x128xf32, #tpu.memory_space<vmem>> -> memref<1x1x8x128xf32, #tpu.memory_space<vmem>>
    %dma_wait3A_275 = tpu.memref_squeeze %dma_wait3A_274 : memref<1x1x8x128xf32, #tpu.memory_space<vmem>> -> memref<8x128xf32, #tpu.memory_space<vmem>>
    %dma_wait3A_276 = arith.constant 0 : i32
    %dma_wait3A_277 = arith.constant 0 : i32
    %dma_wait3A_278 = tpu.memref_slice %arg4[%dma_wait3A_267, %dma_wait3A_268, %dma_wait3A_269, %dma_wait3A_276, %dma_wait3A_277] : memref<50x4x32x8x128xf32, #tpu.memory_space<hbm>> -> memref<1x1x1x8x128xf32, #tpu.memory_space<hbm>>
    %dma_wait3A_279 = tpu.memref_squeeze %dma_wait3A_278 : memref<1x1x1x8x128xf32, #tpu.memory_space<hbm>> -> memref<8x128xf32, #tpu.memory_space<hbm>>
    %dma_wait3A_280 = arith.constant 0 : i32
    %dma_wait3A_281 = arith.constant 0 : i32
    %dma_wait3A_282 = tpu.memref_slice %arg8[%dma_wait3A_270, %dma_wait3A_271, %dma_wait3A_280, %dma_wait3A_281] : memref<5x4x8x128xf32, #tpu.memory_space<vmem>> -> memref<1x1x8x128xf32, #tpu.memory_space<vmem>>
    %dma_wait3A_283 = tpu.memref_squeeze %dma_wait3A_282 : memref<1x1x8x128xf32, #tpu.memory_space<vmem>> -> memref<8x128xf32, #tpu.memory_space<vmem>>
    %dma_wait3A_284 = arith.constant 0 : i32
    %dma_wait3A_285 = arith.constant 0 : i32
    %dma_wait3A_286 = tpu.memref_slice %arg4[%dma_wait3A_267, %dma_wait3A_268, %dma_wait3A_269, %dma_wait3A_284, %dma_wait3A_285] : memref<50x4x32x8x128xf32, #tpu.memory_space<hbm>> -> memref<1x1x1x8x128xf32, #tpu.memory_space<hbm>>
    %dma_wait3A_287 = tpu.memref_squeeze %dma_wait3A_286 : memref<1x1x1x8x128xf32, #tpu.memory_space<hbm>> -> memref<8x128xf32, #tpu.memory_space<hbm>>
    tpu.wait_dma2 semaphore(%arg12 : memref<!tpu.dma_semaphore, #tpu.memory_space<semaphore_mem>>) src(%dma_wait3A_287 : memref<8x128xf32, #tpu.memory_space<hbm>>) dst(%dma_wait3A_283 : memref<8x128xf32, #tpu.memory_space<vmem>>)
    %dma_wait3A_288 = arith.constant 0 : i32
    %dma_wait3A_289 = arith.constant 0 : i32
    %dma_wait3A_290 = arith.constant 0 : i32
    %dma_wait3A_291 = arith.constant 2 : i32
    %dma_wait3A_292 = arith.constant 2 : i32
    %dma_wait3A_293 = arith.constant 0 : i32
    %dma_wait3A_294 = arith.constant 0 : i32
    %dma_wait3A_295 = tpu.memref_slice %arg8[%dma_wait3A_291, %dma_wait3A_292, %dma_wait3A_293, %dma_wait3A_294] : memref<5x4x8x128xf32, #tpu.memory_space<vmem>> -> memref<1x1x8x128xf32, #tpu.memory_space<vmem>>
    %dma_wait3A_296 = tpu.memref_squeeze %dma_wait3A_295 : memref<1x1x8x128xf32, #tpu.memory_space<vmem>> -> memref<8x128xf32, #tpu.memory_space<vmem>>
    %dma_wait3A_297 = arith.constant 0 : i32
    %dma_wait3A_298 = arith.constant 0 : i32
    %dma_wait3A_299 = tpu.memref_slice %arg4[%dma_wait3A_288, %dma_wait3A_289, %dma_wait3A_290, %dma_wait3A_297, %dma_wait3A_298] : memref<50x4x32x8x128xf32, #tpu.memory_space<hbm>> -> memref<1x1x1x8x128xf32, #tpu.memory_space<hbm>>
    %dma_wait3A_300 = tpu.memref_squeeze %dma_wait3A_299 : memref<1x1x1x8x128xf32, #tpu.memory_space<hbm>> -> memref<8x128xf32, #tpu.memory_space<hbm>>
    %dma_wait3A_301 = arith.constant 0 : i32
    %dma_wait3A_302 = arith.constant 0 : i32
    %dma_wait3A_303 = tpu.memref_slice %arg8[%dma_wait3A_291, %dma_wait3A_292, %dma_wait3A_301, %dma_wait3A_302] : memref<5x4x8x128xf32, #tpu.memory_space<vmem>> -> memref<1x1x8x128xf32, #tpu.memory_space<vmem>>
    %dma_wait3A_304 = tpu.memref_squeeze %dma_wait3A_303 : memref<1x1x8x128xf32, #tpu.memory_space<vmem>> -> memref<8x128xf32, #tpu.memory_space<vmem>>
    %dma_wait3A_305 = arith.constant 0 : i32
    %dma_wait3A_306 = arith.constant 0 : i32
    %dma_wait3A_307 = tpu.memref_slice %arg4[%dma_wait3A_288, %dma_wait3A_289, %dma_wait3A_290, %dma_wait3A_305, %dma_wait3A_306] : memref<50x4x32x8x128xf32, #tpu.memory_space<hbm>> -> memref<1x1x1x8x128xf32, #tpu.memory_space<hbm>>
    %dma_wait3A_308 = tpu.memref_squeeze %dma_wait3A_307 : memref<1x1x1x8x128xf32, #tpu.memory_space<hbm>> -> memref<8x128xf32, #tpu.memory_space<hbm>>
    tpu.wait_dma2 semaphore(%arg12 : memref<!tpu.dma_semaphore, #tpu.memory_space<semaphore_mem>>) src(%dma_wait3A_308 : memref<8x128xf32, #tpu.memory_space<hbm>>) dst(%dma_wait3A_304 : memref<8x128xf32, #tpu.memory_space<vmem>>)
    %dma_wait3A_309 = arith.constant 0 : i32
    %dma_wait3A_310 = arith.constant 0 : i32
    %dma_wait3A_311 = arith.constant 0 : i32
    %dma_wait3A_312 = arith.constant 2 : i32
    %dma_wait3A_313 = arith.constant 3 : i32
    %dma_wait3A_314 = arith.constant 0 : i32
    %dma_wait3A_315 = arith.constant 0 : i32
    %dma_wait3A_316 = tpu.memref_slice %arg8[%dma_wait3A_312, %dma_wait3A_313, %dma_wait3A_314, %dma_wait3A_315] : memref<5x4x8x128xf32, #tpu.memory_space<vmem>> -> memref<1x1x8x128xf32, #tpu.memory_space<vmem>>
    %dma_wait3A_317 = tpu.memref_squeeze %dma_wait3A_316 : memref<1x1x8x128xf32, #tpu.memory_space<vmem>> -> memref<8x128xf32, #tpu.memory_space<vmem>>
    %dma_wait3A_318 = arith.constant 0 : i32
    %dma_wait3A_319 = arith.constant 0 : i32
    %dma_wait3A_320 = tpu.memref_slice %arg4[%dma_wait3A_309, %dma_wait3A_310, %dma_wait3A_311, %dma_wait3A_318, %dma_wait3A_319] : memref<50x4x32x8x128xf32, #tpu.memory_space<hbm>> -> memref<1x1x1x8x128xf32, #tpu.memory_space<hbm>>
    %dma_wait3A_321 = tpu.memref_squeeze %dma_wait3A_320 : memref<1x1x1x8x128xf32, #tpu.memory_space<hbm>> -> memref<8x128xf32, #tpu.memory_space<hbm>>
    %dma_wait3A_322 = arith.constant 0 : i32
    %dma_wait3A_323 = arith.constant 0 : i32
    %dma_wait3A_324 = tpu.memref_slice %arg8[%dma_wait3A_312, %dma_wait3A_313, %dma_wait3A_322, %dma_wait3A_323] : memref<5x4x8x128xf32, #tpu.memory_space<vmem>> -> memref<1x1x8x128xf32, #tpu.memory_space<vmem>>
    %dma_wait3A_325 = tpu.memref_squeeze %dma_wait3A_324 : memref<1x1x8x128xf32, #tpu.memory_space<vmem>> -> memref<8x128xf32, #tpu.memory_space<vmem>>
    %dma_wait3A_326 = arith.constant 0 : i32
    %dma_wait3A_327 = arith.constant 0 : i32
    %dma_wait3A_328 = tpu.memref_slice %arg4[%dma_wait3A_309, %dma_wait3A_310, %dma_wait3A_311, %dma_wait3A_326, %dma_wait3A_327] : memref<50x4x32x8x128xf32, #tpu.memory_space<hbm>> -> memref<1x1x1x8x128xf32, #tpu.memory_space<hbm>>
    %dma_wait3A_329 = tpu.memref_squeeze %dma_wait3A_328 : memref<1x1x1x8x128xf32, #tpu.memory_space<hbm>> -> memref<8x128xf32, #tpu.memory_space<hbm>>
    tpu.wait_dma2 semaphore(%arg12 : memref<!tpu.dma_semaphore, #tpu.memory_space<semaphore_mem>>) src(%dma_wait3A_329 : memref<8x128xf32, #tpu.memory_space<hbm>>) dst(%dma_wait3A_325 : memref<8x128xf32, #tpu.memory_space<vmem>>)
    %dma_wait3A_330 = arith.constant 0 : i32
    %dma_wait3A_331 = arith.constant 0 : i32
    %dma_wait3A_332 = arith.constant 0 : i32
    %dma_wait3A_333 = arith.constant 3 : i32
    %dma_wait3A_334 = arith.constant 0 : i32
    %dma_wait3A_335 = arith.constant 0 : i32
    %dma_wait3A_336 = arith.constant 0 : i32
    %dma_wait3A_337 = tpu.memref_slice %arg8[%dma_wait3A_333, %dma_wait3A_334, %dma_wait3A_335, %dma_wait3A_336] : memref<5x4x8x128xf32, #tpu.memory_space<vmem>> -> memref<1x1x8x128xf32, #tpu.memory_space<vmem>>
    %dma_wait3A_338 = tpu.memref_squeeze %dma_wait3A_337 : memref<1x1x8x128xf32, #tpu.memory_space<vmem>> -> memref<8x128xf32, #tpu.memory_space<vmem>>
    %dma_wait3A_339 = arith.constant 0 : i32
    %dma_wait3A_340 = arith.constant 0 : i32
    %dma_wait3A_341 = tpu.memref_slice %arg4[%dma_wait3A_330, %dma_wait3A_331, %dma_wait3A_332, %dma_wait3A_339, %dma_wait3A_340] : memref<50x4x32x8x128xf32, #tpu.memory_space<hbm>> -> memref<1x1x1x8x128xf32, #tpu.memory_space<hbm>>
    %dma_wait3A_342 = tpu.memref_squeeze %dma_wait3A_341 : memref<1x1x1x8x128xf32, #tpu.memory_space<hbm>> -> memref<8x128xf32, #tpu.memory_space<hbm>>
    %dma_wait3A_343 = arith.constant 0 : i32
    %dma_wait3A_344 = arith.constant 0 : i32
    %dma_wait3A_345 = tpu.memref_slice %arg8[%dma_wait3A_333, %dma_wait3A_334, %dma_wait3A_343, %dma_wait3A_344] : memref<5x4x8x128xf32, #tpu.memory_space<vmem>> -> memref<1x1x8x128xf32, #tpu.memory_space<vmem>>
    %dma_wait3A_346 = tpu.memref_squeeze %dma_wait3A_345 : memref<1x1x8x128xf32, #tpu.memory_space<vmem>> -> memref<8x128xf32, #tpu.memory_space<vmem>>
    %dma_wait3A_347 = arith.constant 0 : i32
    %dma_wait3A_348 = arith.constant 0 : i32
    %dma_wait3A_349 = tpu.memref_slice %arg4[%dma_wait3A_330, %dma_wait3A_331, %dma_wait3A_332, %dma_wait3A_347, %dma_wait3A_348] : memref<50x4x32x8x128xf32, #tpu.memory_space<hbm>> -> memref<1x1x1x8x128xf32, #tpu.memory_space<hbm>>
    %dma_wait3A_350 = tpu.memref_squeeze %dma_wait3A_349 : memref<1x1x1x8x128xf32, #tpu.memory_space<hbm>> -> memref<8x128xf32, #tpu.memory_space<hbm>>
    tpu.wait_dma2 semaphore(%arg12 : memref<!tpu.dma_semaphore, #tpu.memory_space<semaphore_mem>>) src(%dma_wait3A_350 : memref<8x128xf32, #tpu.memory_space<hbm>>) dst(%dma_wait3A_346 : memref<8x128xf32, #tpu.memory_space<vmem>>)
    %dma_wait3A_351 = arith.constant 0 : i32
    %dma_wait3A_352 = arith.constant 0 : i32
    %dma_wait3A_353 = arith.constant 0 : i32
    %dma_wait3A_354 = arith.constant 3 : i32
    %dma_wait3A_355 = arith.constant 1 : i32
    %dma_wait3A_356 = arith.constant 0 : i32
    %dma_wait3A_357 = arith.constant 0 : i32
    %dma_wait3A_358 = tpu.memref_slice %arg8[%dma_wait3A_354, %dma_wait3A_355, %dma_wait3A_356, %dma_wait3A_357] : memref<5x4x8x128xf32, #tpu.memory_space<vmem>> -> memref<1x1x8x128xf32, #tpu.memory_space<vmem>>
    %dma_wait3A_359 = tpu.memref_squeeze %dma_wait3A_358 : memref<1x1x8x128xf32, #tpu.memory_space<vmem>> -> memref<8x128xf32, #tpu.memory_space<vmem>>
    %dma_wait3A_360 = arith.constant 0 : i32
    %dma_wait3A_361 = arith.constant 0 : i32
    %dma_wait3A_362 = tpu.memref_slice %arg4[%dma_wait3A_351, %dma_wait3A_352, %dma_wait3A_353, %dma_wait3A_360, %dma_wait3A_361] : memref<50x4x32x8x128xf32, #tpu.memory_space<hbm>> -> memref<1x1x1x8x128xf32, #tpu.memory_space<hbm>>
    %dma_wait3A_363 = tpu.memref_squeeze %dma_wait3A_362 : memref<1x1x1x8x128xf32, #tpu.memory_space<hbm>> -> memref<8x128xf32, #tpu.memory_space<hbm>>
    %dma_wait3A_364 = arith.constant 0 : i32
    %dma_wait3A_365 = arith.constant 0 : i32
    %dma_wait3A_366 = tpu.memref_slice %arg8[%dma_wait3A_354, %dma_wait3A_355, %dma_wait3A_364, %dma_wait3A_365] : memref<5x4x8x128xf32, #tpu.memory_space<vmem>> -> memref<1x1x8x128xf32, #tpu.memory_space<vmem>>
    %dma_wait3A_367 = tpu.memref_squeeze %dma_wait3A_366 : memref<1x1x8x128xf32, #tpu.memory_space<vmem>> -> memref<8x128xf32, #tpu.memory_space<vmem>>
    %dma_wait3A_368 = arith.constant 0 : i32
    %dma_wait3A_369 = arith.constant 0 : i32
    %dma_wait3A_370 = tpu.memref_slice %arg4[%dma_wait3A_351, %dma_wait3A_352, %dma_wait3A_353, %dma_wait3A_368, %dma_wait3A_369] : memref<50x4x32x8x128xf32, #tpu.memory_space<hbm>> -> memref<1x1x1x8x128xf32, #tpu.memory_space<hbm>>
    %dma_wait3A_371 = tpu.memref_squeeze %dma_wait3A_370 : memref<1x1x1x8x128xf32, #tpu.memory_space<hbm>> -> memref<8x128xf32, #tpu.memory_space<hbm>>
    tpu.wait_dma2 semaphore(%arg12 : memref<!tpu.dma_semaphore, #tpu.memory_space<semaphore_mem>>) src(%dma_wait3A_371 : memref<8x128xf32, #tpu.memory_space<hbm>>) dst(%dma_wait3A_367 : memref<8x128xf32, #tpu.memory_space<vmem>>)
    %dma_wait3A_372 = arith.constant 0 : i32
    %dma_wait3A_373 = arith.constant 0 : i32
    %dma_wait3A_374 = arith.constant 0 : i32
    %dma_wait3A_375 = arith.constant 3 : i32
    %dma_wait3A_376 = arith.constant 2 : i32
    %dma_wait3A_377 = arith.constant 0 : i32
    %dma_wait3A_378 = arith.constant 0 : i32
    %dma_wait3A_379 = tpu.memref_slice %arg8[%dma_wait3A_375, %dma_wait3A_376, %dma_wait3A_377, %dma_wait3A_378] : memref<5x4x8x128xf32, #tpu.memory_space<vmem>> -> memref<1x1x8x128xf32, #tpu.memory_space<vmem>>
    %dma_wait3A_380 = tpu.memref_squeeze %dma_wait3A_379 : memref<1x1x8x128xf32, #tpu.memory_space<vmem>> -> memref<8x128xf32, #tpu.memory_space<vmem>>
    %dma_wait3A_381 = arith.constant 0 : i32
    %dma_wait3A_382 = arith.constant 0 : i32
    %dma_wait3A_383 = tpu.memref_slice %arg4[%dma_wait3A_372, %dma_wait3A_373, %dma_wait3A_374, %dma_wait3A_381, %dma_wait3A_382] : memref<50x4x32x8x128xf32, #tpu.memory_space<hbm>> -> memref<1x1x1x8x128xf32, #tpu.memory_space<hbm>>
    %dma_wait3A_384 = tpu.memref_squeeze %dma_wait3A_383 : memref<1x1x1x8x128xf32, #tpu.memory_space<hbm>> -> memref<8x128xf32, #tpu.memory_space<hbm>>
    %dma_wait3A_385 = arith.constant 0 : i32
    %dma_wait3A_386 = arith.constant 0 : i32
    %dma_wait3A_387 = tpu.memref_slice %arg8[%dma_wait3A_375, %dma_wait3A_376, %dma_wait3A_385, %dma_wait3A_386] : memref<5x4x8x128xf32, #tpu.memory_space<vmem>> -> memref<1x1x8x128xf32, #tpu.memory_space<vmem>>
    %dma_wait3A_388 = tpu.memref_squeeze %dma_wait3A_387 : memref<1x1x8x128xf32, #tpu.memory_space<vmem>> -> memref<8x128xf32, #tpu.memory_space<vmem>>
    %dma_wait3A_389 = arith.constant 0 : i32
    %dma_wait3A_390 = arith.constant 0 : i32
    %dma_wait3A_391 = tpu.memref_slice %arg4[%dma_wait3A_372, %dma_wait3A_373, %dma_wait3A_374, %dma_wait3A_389, %dma_wait3A_390] : memref<50x4x32x8x128xf32, #tpu.memory_space<hbm>> -> memref<1x1x1x8x128xf32, #tpu.memory_space<hbm>>
    %dma_wait3A_392 = tpu.memref_squeeze %dma_wait3A_391 : memref<1x1x1x8x128xf32, #tpu.memory_space<hbm>> -> memref<8x128xf32, #tpu.memory_space<hbm>>
    tpu.wait_dma2 semaphore(%arg12 : memref<!tpu.dma_semaphore, #tpu.memory_space<semaphore_mem>>) src(%dma_wait3A_392 : memref<8x128xf32, #tpu.memory_space<hbm>>) dst(%dma_wait3A_388 : memref<8x128xf32, #tpu.memory_space<vmem>>)
    %dma_wait3A_393 = arith.constant 0 : i32
    %dma_wait3A_394 = arith.constant 0 : i32
    %dma_wait3A_395 = arith.constant 0 : i32
    %dma_wait3A_396 = arith.constant 3 : i32
    %dma_wait3A_397 = arith.constant 3 : i32
    %dma_wait3A_398 = arith.constant 0 : i32
    %dma_wait3A_399 = arith.constant 0 : i32
    %dma_wait3A_400 = tpu.memref_slice %arg8[%dma_wait3A_396, %dma_wait3A_397, %dma_wait3A_398, %dma_wait3A_399] : memref<5x4x8x128xf32, #tpu.memory_space<vmem>> -> memref<1x1x8x128xf32, #tpu.memory_space<vmem>>
    %dma_wait3A_401 = tpu.memref_squeeze %dma_wait3A_400 : memref<1x1x8x128xf32, #tpu.memory_space<vmem>> -> memref<8x128xf32, #tpu.memory_space<vmem>>
    %dma_wait3A_402 = arith.constant 0 : i32
    %dma_wait3A_403 = arith.constant 0 : i32
    %dma_wait3A_404 = tpu.memref_slice %arg4[%dma_wait3A_393, %dma_wait3A_394, %dma_wait3A_395, %dma_wait3A_402, %dma_wait3A_403] : memref<50x4x32x8x128xf32, #tpu.memory_space<hbm>> -> memref<1x1x1x8x128xf32, #tpu.memory_space<hbm>>
    %dma_wait3A_405 = tpu.memref_squeeze %dma_wait3A_404 : memref<1x1x1x8x128xf32, #tpu.memory_space<hbm>> -> memref<8x128xf32, #tpu.memory_space<hbm>>
    %dma_wait3A_406 = arith.constant 0 : i32
    %dma_wait3A_407 = arith.constant 0 : i32
    %dma_wait3A_408 = tpu.memref_slice %arg8[%dma_wait3A_396, %dma_wait3A_397, %dma_wait3A_406, %dma_wait3A_407] : memref<5x4x8x128xf32, #tpu.memory_space<vmem>> -> memref<1x1x8x128xf32, #tpu.memory_space<vmem>>
    %dma_wait3A_409 = tpu.memref_squeeze %dma_wait3A_408 : memref<1x1x8x128xf32, #tpu.memory_space<vmem>> -> memref<8x128xf32, #tpu.memory_space<vmem>>
    %dma_wait3A_410 = arith.constant 0 : i32
    %dma_wait3A_411 = arith.constant 0 : i32
    %dma_wait3A_412 = tpu.memref_slice %arg4[%dma_wait3A_393, %dma_wait3A_394, %dma_wait3A_395, %dma_wait3A_410, %dma_wait3A_411] : memref<50x4x32x8x128xf32, #tpu.memory_space<hbm>> -> memref<1x1x1x8x128xf32, #tpu.memory_space<hbm>>
    %dma_wait3A_413 = tpu.memref_squeeze %dma_wait3A_412 : memref<1x1x1x8x128xf32, #tpu.memory_space<hbm>> -> memref<8x128xf32, #tpu.memory_space<hbm>>
    tpu.wait_dma2 semaphore(%arg12 : memref<!tpu.dma_semaphore, #tpu.memory_space<semaphore_mem>>) src(%dma_wait3A_413 : memref<8x128xf32, #tpu.memory_space<hbm>>) dst(%dma_wait3A_409 : memref<8x128xf32, #tpu.memory_space<vmem>>)
    %dma_wait3A_414 = arith.constant 0 : i32
    %dma_wait3A_415 = arith.constant 0 : i32
    %dma_wait3A_416 = arith.constant 0 : i32
    %dma_wait3A_417 = arith.constant 4 : i32
    %dma_wait3A_418 = arith.constant 0 : i32
    %dma_wait3A_419 = arith.constant 0 : i32
    %dma_wait3A_420 = arith.constant 0 : i32
    %dma_wait3A_421 = tpu.memref_slice %arg8[%dma_wait3A_417, %dma_wait3A_418, %dma_wait3A_419, %dma_wait3A_420] : memref<5x4x8x128xf32, #tpu.memory_space<vmem>> -> memref<1x1x8x128xf32, #tpu.memory_space<vmem>>
    %dma_wait3A_422 = tpu.memref_squeeze %dma_wait3A_421 : memref<1x1x8x128xf32, #tpu.memory_space<vmem>> -> memref<8x128xf32, #tpu.memory_space<vmem>>
    %dma_wait3A_423 = arith.constant 0 : i32
    %dma_wait3A_424 = arith.constant 0 : i32
    %dma_wait3A_425 = tpu.memref_slice %arg4[%dma_wait3A_414, %dma_wait3A_415, %dma_wait3A_416, %dma_wait3A_423, %dma_wait3A_424] : memref<50x4x32x8x128xf32, #tpu.memory_space<hbm>> -> memref<1x1x1x8x128xf32, #tpu.memory_space<hbm>>
    %dma_wait3A_426 = tpu.memref_squeeze %dma_wait3A_425 : memref<1x1x1x8x128xf32, #tpu.memory_space<hbm>> -> memref<8x128xf32, #tpu.memory_space<hbm>>
    %dma_wait3A_427 = arith.constant 0 : i32
    %dma_wait3A_428 = arith.constant 0 : i32
    %dma_wait3A_429 = tpu.memref_slice %arg8[%dma_wait3A_417, %dma_wait3A_418, %dma_wait3A_427, %dma_wait3A_428] : memref<5x4x8x128xf32, #tpu.memory_space<vmem>> -> memref<1x1x8x128xf32, #tpu.memory_space<vmem>>
    %dma_wait3A_430 = tpu.memref_squeeze %dma_wait3A_429 : memref<1x1x8x128xf32, #tpu.memory_space<vmem>> -> memref<8x128xf32, #tpu.memory_space<vmem>>
    %dma_wait3A_431 = arith.constant 0 : i32
    %dma_wait3A_432 = arith.constant 0 : i32
    %dma_wait3A_433 = tpu.memref_slice %arg4[%dma_wait3A_414, %dma_wait3A_415, %dma_wait3A_416, %dma_wait3A_431, %dma_wait3A_432] : memref<50x4x32x8x128xf32, #tpu.memory_space<hbm>> -> memref<1x1x1x8x128xf32, #tpu.memory_space<hbm>>
    %dma_wait3A_434 = tpu.memref_squeeze %dma_wait3A_433 : memref<1x1x1x8x128xf32, #tpu.memory_space<hbm>> -> memref<8x128xf32, #tpu.memory_space<hbm>>
    tpu.wait_dma2 semaphore(%arg12 : memref<!tpu.dma_semaphore, #tpu.memory_space<semaphore_mem>>) src(%dma_wait3A_434 : memref<8x128xf32, #tpu.memory_space<hbm>>) dst(%dma_wait3A_430 : memref<8x128xf32, #tpu.memory_space<vmem>>)
    %dma_wait3A_435 = arith.constant 0 : i32
    %dma_wait3A_436 = arith.constant 0 : i32
    %dma_wait3A_437 = arith.constant 0 : i32
    %dma_wait3A_438 = arith.constant 4 : i32
    %dma_wait3A_439 = arith.constant 1 : i32
    %dma_wait3A_440 = arith.constant 0 : i32
    %dma_wait3A_441 = arith.constant 0 : i32
    %dma_wait3A_442 = tpu.memref_slice %arg8[%dma_wait3A_438, %dma_wait3A_439, %dma_wait3A_440, %dma_wait3A_441] : memref<5x4x8x128xf32, #tpu.memory_space<vmem>> -> memref<1x1x8x128xf32, #tpu.memory_space<vmem>>
    %dma_wait3A_443 = tpu.memref_squeeze %dma_wait3A_442 : memref<1x1x8x128xf32, #tpu.memory_space<vmem>> -> memref<8x128xf32, #tpu.memory_space<vmem>>
    %dma_wait3A_444 = arith.constant 0 : i32
    %dma_wait3A_445 = arith.constant 0 : i32
    %dma_wait3A_446 = tpu.memref_slice %arg4[%dma_wait3A_435, %dma_wait3A_436, %dma_wait3A_437, %dma_wait3A_444, %dma_wait3A_445] : memref<50x4x32x8x128xf32, #tpu.memory_space<hbm>> -> memref<1x1x1x8x128xf32, #tpu.memory_space<hbm>>
    %dma_wait3A_447 = tpu.memref_squeeze %dma_wait3A_446 : memref<1x1x1x8x128xf32, #tpu.memory_space<hbm>> -> memref<8x128xf32, #tpu.memory_space<hbm>>
    %dma_wait3A_448 = arith.constant 0 : i32
    %dma_wait3A_449 = arith.constant 0 : i32
    %dma_wait3A_450 = tpu.memref_slice %arg8[%dma_wait3A_438, %dma_wait3A_439, %dma_wait3A_448, %dma_wait3A_449] : memref<5x4x8x128xf32, #tpu.memory_space<vmem>> -> memref<1x1x8x128xf32, #tpu.memory_space<vmem>>
    %dma_wait3A_451 = tpu.memref_squeeze %dma_wait3A_450 : memref<1x1x8x128xf32, #tpu.memory_space<vmem>> -> memref<8x128xf32, #tpu.memory_space<vmem>>
    %dma_wait3A_452 = arith.constant 0 : i32
    %dma_wait3A_453 = arith.constant 0 : i32
    %dma_wait3A_454 = tpu.memref_slice %arg4[%dma_wait3A_435, %dma_wait3A_436, %dma_wait3A_437, %dma_wait3A_452, %dma_wait3A_453] : memref<50x4x32x8x128xf32, #tpu.memory_space<hbm>> -> memref<1x1x1x8x128xf32, #tpu.memory_space<hbm>>
    %dma_wait3A_455 = tpu.memref_squeeze %dma_wait3A_454 : memref<1x1x1x8x128xf32, #tpu.memory_space<hbm>> -> memref<8x128xf32, #tpu.memory_space<hbm>>
    tpu.wait_dma2 semaphore(%arg12 : memref<!tpu.dma_semaphore, #tpu.memory_space<semaphore_mem>>) src(%dma_wait3A_455 : memref<8x128xf32, #tpu.memory_space<hbm>>) dst(%dma_wait3A_451 : memref<8x128xf32, #tpu.memory_space<vmem>>)
    %dma_wait3A_456 = arith.constant 0 : i32
    %dma_wait3A_457 = arith.constant 0 : i32
    %dma_wait3A_458 = arith.constant 0 : i32
    %dma_wait3A_459 = arith.constant 4 : i32
    %dma_wait3A_460 = arith.constant 2 : i32
    %dma_wait3A_461 = arith.constant 0 : i32
    %dma_wait3A_462 = arith.constant 0 : i32
    %dma_wait3A_463 = tpu.memref_slice %arg8[%dma_wait3A_459, %dma_wait3A_460, %dma_wait3A_461, %dma_wait3A_462] : memref<5x4x8x128xf32, #tpu.memory_space<vmem>> -> memref<1x1x8x128xf32, #tpu.memory_space<vmem>>
    %dma_wait3A_464 = tpu.memref_squeeze %dma_wait3A_463 : memref<1x1x8x128xf32, #tpu.memory_space<vmem>> -> memref<8x128xf32, #tpu.memory_space<vmem>>
    %dma_wait3A_465 = arith.constant 0 : i32
    %dma_wait3A_466 = arith.constant 0 : i32
    %dma_wait3A_467 = tpu.memref_slice %arg4[%dma_wait3A_456, %dma_wait3A_457, %dma_wait3A_458, %dma_wait3A_465, %dma_wait3A_466] : memref<50x4x32x8x128xf32, #tpu.memory_space<hbm>> -> memref<1x1x1x8x128xf32, #tpu.memory_space<hbm>>
    %dma_wait3A_468 = tpu.memref_squeeze %dma_wait3A_467 : memref<1x1x1x8x128xf32, #tpu.memory_space<hbm>> -> memref<8x128xf32, #tpu.memory_space<hbm>>
    %dma_wait3A_469 = arith.constant 0 : i32
    %dma_wait3A_470 = arith.constant 0 : i32
    %dma_wait3A_471 = tpu.memref_slice %arg8[%dma_wait3A_459, %dma_wait3A_460, %dma_wait3A_469, %dma_wait3A_470] : memref<5x4x8x128xf32, #tpu.memory_space<vmem>> -> memref<1x1x8x128xf32, #tpu.memory_space<vmem>>
    %dma_wait3A_472 = tpu.memref_squeeze %dma_wait3A_471 : memref<1x1x8x128xf32, #tpu.memory_space<vmem>> -> memref<8x128xf32, #tpu.memory_space<vmem>>
    %dma_wait3A_473 = arith.constant 0 : i32
    %dma_wait3A_474 = arith.constant 0 : i32
    %dma_wait3A_475 = tpu.memref_slice %arg4[%dma_wait3A_456, %dma_wait3A_457, %dma_wait3A_458, %dma_wait3A_473, %dma_wait3A_474] : memref<50x4x32x8x128xf32, #tpu.memory_space<hbm>> -> memref<1x1x1x8x128xf32, #tpu.memory_space<hbm>>
    %dma_wait3A_476 = tpu.memref_squeeze %dma_wait3A_475 : memref<1x1x1x8x128xf32, #tpu.memory_space<hbm>> -> memref<8x128xf32, #tpu.memory_space<hbm>>
    tpu.wait_dma2 semaphore(%arg12 : memref<!tpu.dma_semaphore, #tpu.memory_space<semaphore_mem>>) src(%dma_wait3A_476 : memref<8x128xf32, #tpu.memory_space<hbm>>) dst(%dma_wait3A_472 : memref<8x128xf32, #tpu.memory_space<vmem>>)
    %dma_wait3A_477 = arith.constant 0 : i32
    %dma_wait3A_478 = arith.constant 0 : i32
    %dma_wait3A_479 = arith.constant 0 : i32
    %dma_wait3A_480 = arith.constant 4 : i32
    %dma_wait3A_481 = arith.constant 3 : i32
    %dma_wait3A_482 = arith.constant 0 : i32
    %dma_wait3A_483 = arith.constant 0 : i32
    %dma_wait3A_484 = tpu.memref_slice %arg8[%dma_wait3A_480, %dma_wait3A_481, %dma_wait3A_482, %dma_wait3A_483] : memref<5x4x8x128xf32, #tpu.memory_space<vmem>> -> memref<1x1x8x128xf32, #tpu.memory_space<vmem>>
    %dma_wait3A_485 = tpu.memref_squeeze %dma_wait3A_484 : memref<1x1x8x128xf32, #tpu.memory_space<vmem>> -> memref<8x128xf32, #tpu.memory_space<vmem>>
    %dma_wait3A_486 = arith.constant 0 : i32
    %dma_wait3A_487 = arith.constant 0 : i32
    %dma_wait3A_488 = tpu.memref_slice %arg4[%dma_wait3A_477, %dma_wait3A_478, %dma_wait3A_479, %dma_wait3A_486, %dma_wait3A_487] : memref<50x4x32x8x128xf32, #tpu.memory_space<hbm>> -> memref<1x1x1x8x128xf32, #tpu.memory_space<hbm>>
    %dma_wait3A_489 = tpu.memref_squeeze %dma_wait3A_488 : memref<1x1x1x8x128xf32, #tpu.memory_space<hbm>> -> memref<8x128xf32, #tpu.memory_space<hbm>>
    %dma_wait3A_490 = arith.constant 0 : i32
    %dma_wait3A_491 = arith.constant 0 : i32
    %dma_wait3A_492 = tpu.memref_slice %arg8[%dma_wait3A_480, %dma_wait3A_481, %dma_wait3A_490, %dma_wait3A_491] : memref<5x4x8x128xf32, #tpu.memory_space<vmem>> -> memref<1x1x8x128xf32, #tpu.memory_space<vmem>>
    %dma_wait3A_493 = tpu.memref_squeeze %dma_wait3A_492 : memref<1x1x8x128xf32, #tpu.memory_space<vmem>> -> memref<8x128xf32, #tpu.memory_space<vmem>>
    %dma_wait3A_494 = arith.constant 0 : i32
    %dma_wait3A_495 = arith.constant 0 : i32
    %dma_wait3A_496 = tpu.memref_slice %arg4[%dma_wait3A_477, %dma_wait3A_478, %dma_wait3A_479, %dma_wait3A_494, %dma_wait3A_495] : memref<50x4x32x8x128xf32, #tpu.memory_space<hbm>> -> memref<1x1x1x8x128xf32, #tpu.memory_space<hbm>>
    %dma_wait3A_497 = tpu.memref_squeeze %dma_wait3A_496 : memref<1x1x1x8x128xf32, #tpu.memory_space<hbm>> -> memref<8x128xf32, #tpu.memory_space<hbm>>
    tpu.wait_dma2 semaphore(%arg12 : memref<!tpu.dma_semaphore, #tpu.memory_space<semaphore_mem>>) src(%dma_wait3A_497 : memref<8x128xf32, #tpu.memory_space<hbm>>) dst(%dma_wait3A_493 : memref<8x128xf32, #tpu.memory_space<vmem>>)
    %dma_wait3A_498 = arith.constant 0 : i32
    %dma_wait3A_499 = arith.constant 0 : i32
    %dma_wait3A_500 = arith.constant 0 : i32
    %dma_wait3A_501 = arith.constant 0 : i32
    %dma_wait3A_502 = arith.constant 0 : i32
    %dma_wait3A_503 = arith.constant 0 : i32
    %dma_wait3A_504 = arith.constant 0 : i32
    %dma_wait3A_505 = tpu.memref_slice %arg9[%dma_wait3A_501, %dma_wait3A_502, %dma_wait3A_503, %dma_wait3A_504] : memref<5x4x8x128xf32, #tpu.memory_space<vmem>> -> memref<1x1x8x128xf32, #tpu.memory_space<vmem>>
    %dma_wait3A_506 = tpu.memref_squeeze %dma_wait3A_505 : memref<1x1x8x128xf32, #tpu.memory_space<vmem>> -> memref<8x128xf32, #tpu.memory_space<vmem>>
    %dma_wait3A_507 = arith.constant 0 : i32
    %dma_wait3A_508 = arith.constant 0 : i32
    %dma_wait3A_509 = tpu.memref_slice %arg4[%dma_wait3A_498, %dma_wait3A_499, %dma_wait3A_500, %dma_wait3A_507, %dma_wait3A_508] : memref<50x4x32x8x128xf32, #tpu.memory_space<hbm>> -> memref<1x1x1x8x128xf32, #tpu.memory_space<hbm>>
    %dma_wait3A_510 = tpu.memref_squeeze %dma_wait3A_509 : memref<1x1x1x8x128xf32, #tpu.memory_space<hbm>> -> memref<8x128xf32, #tpu.memory_space<hbm>>
    %dma_wait3A_511 = arith.constant 0 : i32
    %dma_wait3A_512 = arith.constant 0 : i32
    %dma_wait3A_513 = tpu.memref_slice %arg9[%dma_wait3A_501, %dma_wait3A_502, %dma_wait3A_511, %dma_wait3A_512] : memref<5x4x8x128xf32, #tpu.memory_space<vmem>> -> memref<1x1x8x128xf32, #tpu.memory_space<vmem>>
    %dma_wait3A_514 = tpu.memref_squeeze %dma_wait3A_513 : memref<1x1x8x128xf32, #tpu.memory_space<vmem>> -> memref<8x128xf32, #tpu.memory_space<vmem>>
    %dma_wait3A_515 = arith.constant 0 : i32
    %dma_wait3A_516 = arith.constant 0 : i32
    %dma_wait3A_517 = tpu.memref_slice %arg4[%dma_wait3A_498, %dma_wait3A_499, %dma_wait3A_500, %dma_wait3A_515, %dma_wait3A_516] : memref<50x4x32x8x128xf32, #tpu.memory_space<hbm>> -> memref<1x1x1x8x128xf32, #tpu.memory_space<hbm>>
    %dma_wait3A_518 = tpu.memref_squeeze %dma_wait3A_517 : memref<1x1x1x8x128xf32, #tpu.memory_space<hbm>> -> memref<8x128xf32, #tpu.memory_space<hbm>>
    tpu.wait_dma2 semaphore(%arg13 : memref<!tpu.dma_semaphore, #tpu.memory_space<semaphore_mem>>) src(%dma_wait3A_518 : memref<8x128xf32, #tpu.memory_space<hbm>>) dst(%dma_wait3A_514 : memref<8x128xf32, #tpu.memory_space<vmem>>)
    %dma_wait3A_519 = arith.constant 0 : i32
    %dma_wait3A_520 = arith.constant 0 : i32
    %dma_wait3A_521 = arith.constant 0 : i32
    %dma_wait3A_522 = arith.constant 0 : i32
    %dma_wait3A_523 = arith.constant 1 : i32
    %dma_wait3A_524 = arith.constant 0 : i32
    %dma_wait3A_525 = arith.constant 0 : i32
    %dma_wait3A_526 = tpu.memref_slice %arg9[%dma_wait3A_522, %dma_wait3A_523, %dma_wait3A_524, %dma_wait3A_525] : memref<5x4x8x128xf32, #tpu.memory_space<vmem>> -> memref<1x1x8x128xf32, #tpu.memory_space<vmem>>
    %dma_wait3A_527 = tpu.memref_squeeze %dma_wait3A_526 : memref<1x1x8x128xf32, #tpu.memory_space<vmem>> -> memref<8x128xf32, #tpu.memory_space<vmem>>
    %dma_wait3A_528 = arith.constant 0 : i32
    %dma_wait3A_529 = arith.constant 0 : i32
    %dma_wait3A_530 = tpu.memref_slice %arg4[%dma_wait3A_519, %dma_wait3A_520, %dma_wait3A_521, %dma_wait3A_528, %dma_wait3A_529] : memref<50x4x32x8x128xf32, #tpu.memory_space<hbm>> -> memref<1x1x1x8x128xf32, #tpu.memory_space<hbm>>
    %dma_wait3A_531 = tpu.memref_squeeze %dma_wait3A_530 : memref<1x1x1x8x128xf32, #tpu.memory_space<hbm>> -> memref<8x128xf32, #tpu.memory_space<hbm>>
    %dma_wait3A_532 = arith.constant 0 : i32
    %dma_wait3A_533 = arith.constant 0 : i32
    %dma_wait3A_534 = tpu.memref_slice %arg9[%dma_wait3A_522, %dma_wait3A_523, %dma_wait3A_532, %dma_wait3A_533] : memref<5x4x8x128xf32, #tpu.memory_space<vmem>> -> memref<1x1x8x128xf32, #tpu.memory_space<vmem>>
    %dma_wait3A_535 = tpu.memref_squeeze %dma_wait3A_534 : memref<1x1x8x128xf32, #tpu.memory_space<vmem>> -> memref<8x128xf32, #tpu.memory_space<vmem>>
    %dma_wait3A_536 = arith.constant 0 : i32
    %dma_wait3A_537 = arith.constant 0 : i32
    %dma_wait3A_538 = tpu.memref_slice %arg4[%dma_wait3A_519, %dma_wait3A_520, %dma_wait3A_521, %dma_wait3A_536, %dma_wait3A_537] : memref<50x4x32x8x128xf32, #tpu.memory_space<hbm>> -> memref<1x1x1x8x128xf32, #tpu.memory_space<hbm>>
    %dma_wait3A_539 = tpu.memref_squeeze %dma_wait3A_538 : memref<1x1x1x8x128xf32, #tpu.memory_space<hbm>> -> memref<8x128xf32, #tpu.memory_space<hbm>>
    tpu.wait_dma2 semaphore(%arg13 : memref<!tpu.dma_semaphore, #tpu.memory_space<semaphore_mem>>) src(%dma_wait3A_539 : memref<8x128xf32, #tpu.memory_space<hbm>>) dst(%dma_wait3A_535 : memref<8x128xf32, #tpu.memory_space<vmem>>)
    %dma_wait3A_540 = arith.constant 0 : i32
    %dma_wait3A_541 = arith.constant 0 : i32
    %dma_wait3A_542 = arith.constant 0 : i32
    %dma_wait3A_543 = arith.constant 0 : i32
    %dma_wait3A_544 = arith.constant 2 : i32
    %dma_wait3A_545 = arith.constant 0 : i32
    %dma_wait3A_546 = arith.constant 0 : i32
    %dma_wait3A_547 = tpu.memref_slice %arg9[%dma_wait3A_543, %dma_wait3A_544, %dma_wait3A_545, %dma_wait3A_546] : memref<5x4x8x128xf32, #tpu.memory_space<vmem>> -> memref<1x1x8x128xf32, #tpu.memory_space<vmem>>
    %dma_wait3A_548 = tpu.memref_squeeze %dma_wait3A_547 : memref<1x1x8x128xf32, #tpu.memory_space<vmem>> -> memref<8x128xf32, #tpu.memory_space<vmem>>
    %dma_wait3A_549 = arith.constant 0 : i32
    %dma_wait3A_550 = arith.constant 0 : i32
    %dma_wait3A_551 = tpu.memref_slice %arg4[%dma_wait3A_540, %dma_wait3A_541, %dma_wait3A_542, %dma_wait3A_549, %dma_wait3A_550] : memref<50x4x32x8x128xf32, #tpu.memory_space<hbm>> -> memref<1x1x1x8x128xf32, #tpu.memory_space<hbm>>
    %dma_wait3A_552 = tpu.memref_squeeze %dma_wait3A_551 : memref<1x1x1x8x128xf32, #tpu.memory_space<hbm>> -> memref<8x128xf32, #tpu.memory_space<hbm>>
    %dma_wait3A_553 = arith.constant 0 : i32
    %dma_wait3A_554 = arith.constant 0 : i32
    %dma_wait3A_555 = tpu.memref_slice %arg9[%dma_wait3A_543, %dma_wait3A_544, %dma_wait3A_553, %dma_wait3A_554] : memref<5x4x8x128xf32, #tpu.memory_space<vmem>> -> memref<1x1x8x128xf32, #tpu.memory_space<vmem>>
    %dma_wait3A_556 = tpu.memref_squeeze %dma_wait3A_555 : memref<1x1x8x128xf32, #tpu.memory_space<vmem>> -> memref<8x128xf32, #tpu.memory_space<vmem>>
    %dma_wait3A_557 = arith.constant 0 : i32
    %dma_wait3A_558 = arith.constant 0 : i32
    %dma_wait3A_559 = tpu.memref_slice %arg4[%dma_wait3A_540, %dma_wait3A_541, %dma_wait3A_542, %dma_wait3A_557, %dma_wait3A_558] : memref<50x4x32x8x128xf32, #tpu.memory_space<hbm>> -> memref<1x1x1x8x128xf32, #tpu.memory_space<hbm>>
    %dma_wait3A_560 = tpu.memref_squeeze %dma_wait3A_559 : memref<1x1x1x8x128xf32, #tpu.memory_space<hbm>> -> memref<8x128xf32, #tpu.memory_space<hbm>>
    tpu.wait_dma2 semaphore(%arg13 : memref<!tpu.dma_semaphore, #tpu.memory_space<semaphore_mem>>) src(%dma_wait3A_560 : memref<8x128xf32, #tpu.memory_space<hbm>>) dst(%dma_wait3A_556 : memref<8x128xf32, #tpu.memory_space<vmem>>)
    %dma_wait3A_561 = arith.constant 0 : i32
    %dma_wait3A_562 = arith.constant 0 : i32
    %dma_wait3A_563 = arith.constant 0 : i32
    %dma_wait3A_564 = arith.constant 0 : i32
    %dma_wait3A_565 = arith.constant 3 : i32
    %dma_wait3A_566 = arith.constant 0 : i32
    %dma_wait3A_567 = arith.constant 0 : i32
    %dma_wait3A_568 = tpu.memref_slice %arg9[%dma_wait3A_564, %dma_wait3A_565, %dma_wait3A_566, %dma_wait3A_567] : memref<5x4x8x128xf32, #tpu.memory_space<vmem>> -> memref<1x1x8x128xf32, #tpu.memory_space<vmem>>
    %dma_wait3A_569 = tpu.memref_squeeze %dma_wait3A_568 : memref<1x1x8x128xf32, #tpu.memory_space<vmem>> -> memref<8x128xf32, #tpu.memory_space<vmem>>
    %dma_wait3A_570 = arith.constant 0 : i32
    %dma_wait3A_571 = arith.constant 0 : i32
    %dma_wait3A_572 = tpu.memref_slice %arg4[%dma_wait3A_561, %dma_wait3A_562, %dma_wait3A_563, %dma_wait3A_570, %dma_wait3A_571] : memref<50x4x32x8x128xf32, #tpu.memory_space<hbm>> -> memref<1x1x1x8x128xf32, #tpu.memory_space<hbm>>
    %dma_wait3A_573 = tpu.memref_squeeze %dma_wait3A_572 : memref<1x1x1x8x128xf32, #tpu.memory_space<hbm>> -> memref<8x128xf32, #tpu.memory_space<hbm>>
    %dma_wait3A_574 = arith.constant 0 : i32
    %dma_wait3A_575 = arith.constant 0 : i32
    %dma_wait3A_576 = tpu.memref_slice %arg9[%dma_wait3A_564, %dma_wait3A_565, %dma_wait3A_574, %dma_wait3A_575] : memref<5x4x8x128xf32, #tpu.memory_space<vmem>> -> memref<1x1x8x128xf32, #tpu.memory_space<vmem>>
    %dma_wait3A_577 = tpu.memref_squeeze %dma_wait3A_576 : memref<1x1x8x128xf32, #tpu.memory_space<vmem>> -> memref<8x128xf32, #tpu.memory_space<vmem>>
    %dma_wait3A_578 = arith.constant 0 : i32
    %dma_wait3A_579 = arith.constant 0 : i32
    %dma_wait3A_580 = tpu.memref_slice %arg4[%dma_wait3A_561, %dma_wait3A_562, %dma_wait3A_563, %dma_wait3A_578, %dma_wait3A_579] : memref<50x4x32x8x128xf32, #tpu.memory_space<hbm>> -> memref<1x1x1x8x128xf32, #tpu.memory_space<hbm>>
    %dma_wait3A_581 = tpu.memref_squeeze %dma_wait3A_580 : memref<1x1x1x8x128xf32, #tpu.memory_space<hbm>> -> memref<8x128xf32, #tpu.memory_space<hbm>>
    tpu.wait_dma2 semaphore(%arg13 : memref<!tpu.dma_semaphore, #tpu.memory_space<semaphore_mem>>) src(%dma_wait3A_581 : memref<8x128xf32, #tpu.memory_space<hbm>>) dst(%dma_wait3A_577 : memref<8x128xf32, #tpu.memory_space<vmem>>)
    %dma_wait3A_582 = arith.constant 0 : i32
    %dma_wait3A_583 = arith.constant 0 : i32
    %dma_wait3A_584 = arith.constant 0 : i32
    %dma_wait3A_585 = arith.constant 1 : i32
    %dma_wait3A_586 = arith.constant 0 : i32
    %dma_wait3A_587 = arith.constant 0 : i32
    %dma_wait3A_588 = arith.constant 0 : i32
    %dma_wait3A_589 = tpu.memref_slice %arg9[%dma_wait3A_585, %dma_wait3A_586, %dma_wait3A_587, %dma_wait3A_588] : memref<5x4x8x128xf32, #tpu.memory_space<vmem>> -> memref<1x1x8x128xf32, #tpu.memory_space<vmem>>
    %dma_wait3A_590 = tpu.memref_squeeze %dma_wait3A_589 : memref<1x1x8x128xf32, #tpu.memory_space<vmem>> -> memref<8x128xf32, #tpu.memory_space<vmem>>
    %dma_wait3A_591 = arith.constant 0 : i32
    %dma_wait3A_592 = arith.constant 0 : i32
    %dma_wait3A_593 = tpu.memref_slice %arg4[%dma_wait3A_582, %dma_wait3A_583, %dma_wait3A_584, %dma_wait3A_591, %dma_wait3A_592] : memref<50x4x32x8x128xf32, #tpu.memory_space<hbm>> -> memref<1x1x1x8x128xf32, #tpu.memory_space<hbm>>
    %dma_wait3A_594 = tpu.memref_squeeze %dma_wait3A_593 : memref<1x1x1x8x128xf32, #tpu.memory_space<hbm>> -> memref<8x128xf32, #tpu.memory_space<hbm>>
    %dma_wait3A_595 = arith.constant 0 : i32
    %dma_wait3A_596 = arith.constant 0 : i32
    %dma_wait3A_597 = tpu.memref_slice %arg9[%dma_wait3A_585, %dma_wait3A_586, %dma_wait3A_595, %dma_wait3A_596] : memref<5x4x8x128xf32, #tpu.memory_space<vmem>> -> memref<1x1x8x128xf32, #tpu.memory_space<vmem>>
    %dma_wait3A_598 = tpu.memref_squeeze %dma_wait3A_597 : memref<1x1x8x128xf32, #tpu.memory_space<vmem>> -> memref<8x128xf32, #tpu.memory_space<vmem>>
    %dma_wait3A_599 = arith.constant 0 : i32
    %dma_wait3A_600 = arith.constant 0 : i32
    %dma_wait3A_601 = tpu.memref_slice %arg4[%dma_wait3A_582, %dma_wait3A_583, %dma_wait3A_584, %dma_wait3A_599, %dma_wait3A_600] : memref<50x4x32x8x128xf32, #tpu.memory_space<hbm>> -> memref<1x1x1x8x128xf32, #tpu.memory_space<hbm>>
    %dma_wait3A_602 = tpu.memref_squeeze %dma_wait3A_601 : memref<1x1x1x8x128xf32, #tpu.memory_space<hbm>> -> memref<8x128xf32, #tpu.memory_space<hbm>>
    tpu.wait_dma2 semaphore(%arg13 : memref<!tpu.dma_semaphore, #tpu.memory_space<semaphore_mem>>) src(%dma_wait3A_602 : memref<8x128xf32, #tpu.memory_space<hbm>>) dst(%dma_wait3A_598 : memref<8x128xf32, #tpu.memory_space<vmem>>)
    %dma_wait3A_603 = arith.constant 0 : i32
    %dma_wait3A_604 = arith.constant 0 : i32
    %dma_wait3A_605 = arith.constant 0 : i32
    %dma_wait3A_606 = arith.constant 1 : i32
    %dma_wait3A_607 = arith.constant 1 : i32
    %dma_wait3A_608 = arith.constant 0 : i32
    %dma_wait3A_609 = arith.constant 0 : i32
    %dma_wait3A_610 = tpu.memref_slice %arg9[%dma_wait3A_606, %dma_wait3A_607, %dma_wait3A_608, %dma_wait3A_609] : memref<5x4x8x128xf32, #tpu.memory_space<vmem>> -> memref<1x1x8x128xf32, #tpu.memory_space<vmem>>
    %dma_wait3A_611 = tpu.memref_squeeze %dma_wait3A_610 : memref<1x1x8x128xf32, #tpu.memory_space<vmem>> -> memref<8x128xf32, #tpu.memory_space<vmem>>
    %dma_wait3A_612 = arith.constant 0 : i32
    %dma_wait3A_613 = arith.constant 0 : i32
    %dma_wait3A_614 = tpu.memref_slice %arg4[%dma_wait3A_603, %dma_wait3A_604, %dma_wait3A_605, %dma_wait3A_612, %dma_wait3A_613] : memref<50x4x32x8x128xf32, #tpu.memory_space<hbm>> -> memref<1x1x1x8x128xf32, #tpu.memory_space<hbm>>
    %dma_wait3A_615 = tpu.memref_squeeze %dma_wait3A_614 : memref<1x1x1x8x128xf32, #tpu.memory_space<hbm>> -> memref<8x128xf32, #tpu.memory_space<hbm>>
    %dma_wait3A_616 = arith.constant 0 : i32
    %dma_wait3A_617 = arith.constant 0 : i32
    %dma_wait3A_618 = tpu.memref_slice %arg9[%dma_wait3A_606, %dma_wait3A_607, %dma_wait3A_616, %dma_wait3A_617] : memref<5x4x8x128xf32, #tpu.memory_space<vmem>> -> memref<1x1x8x128xf32, #tpu.memory_space<vmem>>
    %dma_wait3A_619 = tpu.memref_squeeze %dma_wait3A_618 : memref<1x1x8x128xf32, #tpu.memory_space<vmem>> -> memref<8x128xf32, #tpu.memory_space<vmem>>
    %dma_wait3A_620 = arith.constant 0 : i32
    %dma_wait3A_621 = arith.constant 0 : i32
    %dma_wait3A_622 = tpu.memref_slice %arg4[%dma_wait3A_603, %dma_wait3A_604, %dma_wait3A_605, %dma_wait3A_620, %dma_wait3A_621] : memref<50x4x32x8x128xf32, #tpu.memory_space<hbm>> -> memref<1x1x1x8x128xf32, #tpu.memory_space<hbm>>
    %dma_wait3A_623 = tpu.memref_squeeze %dma_wait3A_622 : memref<1x1x1x8x128xf32, #tpu.memory_space<hbm>> -> memref<8x128xf32, #tpu.memory_space<hbm>>
    tpu.wait_dma2 semaphore(%arg13 : memref<!tpu.dma_semaphore, #tpu.memory_space<semaphore_mem>>) src(%dma_wait3A_623 : memref<8x128xf32, #tpu.memory_space<hbm>>) dst(%dma_wait3A_619 : memref<8x128xf32, #tpu.memory_space<vmem>>)
    %dma_wait3A_624 = arith.constant 0 : i32
    %dma_wait3A_625 = arith.constant 0 : i32
    %dma_wait3A_626 = arith.constant 0 : i32
    %dma_wait3A_627 = arith.constant 1 : i32
    %dma_wait3A_628 = arith.constant 2 : i32
    %dma_wait3A_629 = arith.constant 0 : i32
    %dma_wait3A_630 = arith.constant 0 : i32
    %dma_wait3A_631 = tpu.memref_slice %arg9[%dma_wait3A_627, %dma_wait3A_628, %dma_wait3A_629, %dma_wait3A_630] : memref<5x4x8x128xf32, #tpu.memory_space<vmem>> -> memref<1x1x8x128xf32, #tpu.memory_space<vmem>>
    %dma_wait3A_632 = tpu.memref_squeeze %dma_wait3A_631 : memref<1x1x8x128xf32, #tpu.memory_space<vmem>> -> memref<8x128xf32, #tpu.memory_space<vmem>>
    %dma_wait3A_633 = arith.constant 0 : i32
    %dma_wait3A_634 = arith.constant 0 : i32
    %dma_wait3A_635 = tpu.memref_slice %arg4[%dma_wait3A_624, %dma_wait3A_625, %dma_wait3A_626, %dma_wait3A_633, %dma_wait3A_634] : memref<50x4x32x8x128xf32, #tpu.memory_space<hbm>> -> memref<1x1x1x8x128xf32, #tpu.memory_space<hbm>>
    %dma_wait3A_636 = tpu.memref_squeeze %dma_wait3A_635 : memref<1x1x1x8x128xf32, #tpu.memory_space<hbm>> -> memref<8x128xf32, #tpu.memory_space<hbm>>
    %dma_wait3A_637 = arith.constant 0 : i32
    %dma_wait3A_638 = arith.constant 0 : i32
    %dma_wait3A_639 = tpu.memref_slice %arg9[%dma_wait3A_627, %dma_wait3A_628, %dma_wait3A_637, %dma_wait3A_638] : memref<5x4x8x128xf32, #tpu.memory_space<vmem>> -> memref<1x1x8x128xf32, #tpu.memory_space<vmem>>
    %dma_wait3A_640 = tpu.memref_squeeze %dma_wait3A_639 : memref<1x1x8x128xf32, #tpu.memory_space<vmem>> -> memref<8x128xf32, #tpu.memory_space<vmem>>
    %dma_wait3A_641 = arith.constant 0 : i32
    %dma_wait3A_642 = arith.constant 0 : i32
    %dma_wait3A_643 = tpu.memref_slice %arg4[%dma_wait3A_624, %dma_wait3A_625, %dma_wait3A_626, %dma_wait3A_641, %dma_wait3A_642] : memref<50x4x32x8x128xf32, #tpu.memory_space<hbm>> -> memref<1x1x1x8x128xf32, #tpu.memory_space<hbm>>
    %dma_wait3A_644 = tpu.memref_squeeze %dma_wait3A_643 : memref<1x1x1x8x128xf32, #tpu.memory_space<hbm>> -> memref<8x128xf32, #tpu.memory_space<hbm>>
    tpu.wait_dma2 semaphore(%arg13 : memref<!tpu.dma_semaphore, #tpu.memory_space<semaphore_mem>>) src(%dma_wait3A_644 : memref<8x128xf32, #tpu.memory_space<hbm>>) dst(%dma_wait3A_640 : memref<8x128xf32, #tpu.memory_space<vmem>>)
    %dma_wait3A_645 = arith.constant 0 : i32
    %dma_wait3A_646 = arith.constant 0 : i32
    %dma_wait3A_647 = arith.constant 0 : i32
    %dma_wait3A_648 = arith.constant 1 : i32
    %dma_wait3A_649 = arith.constant 3 : i32
    %dma_wait3A_650 = arith.constant 0 : i32
    %dma_wait3A_651 = arith.constant 0 : i32
    %dma_wait3A_652 = tpu.memref_slice %arg9[%dma_wait3A_648, %dma_wait3A_649, %dma_wait3A_650, %dma_wait3A_651] : memref<5x4x8x128xf32, #tpu.memory_space<vmem>> -> memref<1x1x8x128xf32, #tpu.memory_space<vmem>>
    %dma_wait3A_653 = tpu.memref_squeeze %dma_wait3A_652 : memref<1x1x8x128xf32, #tpu.memory_space<vmem>> -> memref<8x128xf32, #tpu.memory_space<vmem>>
    %dma_wait3A_654 = arith.constant 0 : i32
    %dma_wait3A_655 = arith.constant 0 : i32
    %dma_wait3A_656 = tpu.memref_slice %arg4[%dma_wait3A_645, %dma_wait3A_646, %dma_wait3A_647, %dma_wait3A_654, %dma_wait3A_655] : memref<50x4x32x8x128xf32, #tpu.memory_space<hbm>> -> memref<1x1x1x8x128xf32, #tpu.memory_space<hbm>>
    %dma_wait3A_657 = tpu.memref_squeeze %dma_wait3A_656 : memref<1x1x1x8x128xf32, #tpu.memory_space<hbm>> -> memref<8x128xf32, #tpu.memory_space<hbm>>
    %dma_wait3A_658 = arith.constant 0 : i32
    %dma_wait3A_659 = arith.constant 0 : i32
    %dma_wait3A_660 = tpu.memref_slice %arg9[%dma_wait3A_648, %dma_wait3A_649, %dma_wait3A_658, %dma_wait3A_659] : memref<5x4x8x128xf32, #tpu.memory_space<vmem>> -> memref<1x1x8x128xf32, #tpu.memory_space<vmem>>
    %dma_wait3A_661 = tpu.memref_squeeze %dma_wait3A_660 : memref<1x1x8x128xf32, #tpu.memory_space<vmem>> -> memref<8x128xf32, #tpu.memory_space<vmem>>
    %dma_wait3A_662 = arith.constant 0 : i32
    %dma_wait3A_663 = arith.constant 0 : i32
    %dma_wait3A_664 = tpu.memref_slice %arg4[%dma_wait3A_645, %dma_wait3A_646, %dma_wait3A_647, %dma_wait3A_662, %dma_wait3A_663] : memref<50x4x32x8x128xf32, #tpu.memory_space<hbm>> -> memref<1x1x1x8x128xf32, #tpu.memory_space<hbm>>
    %dma_wait3A_665 = tpu.memref_squeeze %dma_wait3A_664 : memref<1x1x1x8x128xf32, #tpu.memory_space<hbm>> -> memref<8x128xf32, #tpu.memory_space<hbm>>
    tpu.wait_dma2 semaphore(%arg13 : memref<!tpu.dma_semaphore, #tpu.memory_space<semaphore_mem>>) src(%dma_wait3A_665 : memref<8x128xf32, #tpu.memory_space<hbm>>) dst(%dma_wait3A_661 : memref<8x128xf32, #tpu.memory_space<vmem>>)
    %dma_wait3A_666 = arith.constant 0 : i32
    %dma_wait3A_667 = arith.constant 0 : i32
    %dma_wait3A_668 = arith.constant 0 : i32
    %dma_wait3A_669 = arith.constant 2 : i32
    %dma_wait3A_670 = arith.constant 0 : i32
    %dma_wait3A_671 = arith.constant 0 : i32
    %dma_wait3A_672 = arith.constant 0 : i32
    %dma_wait3A_673 = tpu.memref_slice %arg9[%dma_wait3A_669, %dma_wait3A_670, %dma_wait3A_671, %dma_wait3A_672] : memref<5x4x8x128xf32, #tpu.memory_space<vmem>> -> memref<1x1x8x128xf32, #tpu.memory_space<vmem>>
    %dma_wait3A_674 = tpu.memref_squeeze %dma_wait3A_673 : memref<1x1x8x128xf32, #tpu.memory_space<vmem>> -> memref<8x128xf32, #tpu.memory_space<vmem>>
    %dma_wait3A_675 = arith.constant 0 : i32
    %dma_wait3A_676 = arith.constant 0 : i32
    %dma_wait3A_677 = tpu.memref_slice %arg4[%dma_wait3A_666, %dma_wait3A_667, %dma_wait3A_668, %dma_wait3A_675, %dma_wait3A_676] : memref<50x4x32x8x128xf32, #tpu.memory_space<hbm>> -> memref<1x1x1x8x128xf32, #tpu.memory_space<hbm>>
    %dma_wait3A_678 = tpu.memref_squeeze %dma_wait3A_677 : memref<1x1x1x8x128xf32, #tpu.memory_space<hbm>> -> memref<8x128xf32, #tpu.memory_space<hbm>>
    %dma_wait3A_679 = arith.constant 0 : i32
    %dma_wait3A_680 = arith.constant 0 : i32
    %dma_wait3A_681 = tpu.memref_slice %arg9[%dma_wait3A_669, %dma_wait3A_670, %dma_wait3A_679, %dma_wait3A_680] : memref<5x4x8x128xf32, #tpu.memory_space<vmem>> -> memref<1x1x8x128xf32, #tpu.memory_space<vmem>>
    %dma_wait3A_682 = tpu.memref_squeeze %dma_wait3A_681 : memref<1x1x8x128xf32, #tpu.memory_space<vmem>> -> memref<8x128xf32, #tpu.memory_space<vmem>>
    %dma_wait3A_683 = arith.constant 0 : i32
    %dma_wait3A_684 = arith.constant 0 : i32
    %dma_wait3A_685 = tpu.memref_slice %arg4[%dma_wait3A_666, %dma_wait3A_667, %dma_wait3A_668, %dma_wait3A_683, %dma_wait3A_684] : memref<50x4x32x8x128xf32, #tpu.memory_space<hbm>> -> memref<1x1x1x8x128xf32, #tpu.memory_space<hbm>>
    %dma_wait3A_686 = tpu.memref_squeeze %dma_wait3A_685 : memref<1x1x1x8x128xf32, #tpu.memory_space<hbm>> -> memref<8x128xf32, #tpu.memory_space<hbm>>
    tpu.wait_dma2 semaphore(%arg13 : memref<!tpu.dma_semaphore, #tpu.memory_space<semaphore_mem>>) src(%dma_wait3A_686 : memref<8x128xf32, #tpu.memory_space<hbm>>) dst(%dma_wait3A_682 : memref<8x128xf32, #tpu.memory_space<vmem>>)
    %dma_wait3A_687 = arith.constant 0 : i32
    %dma_wait3A_688 = arith.constant 0 : i32
    %dma_wait3A_689 = arith.constant 0 : i32
    %dma_wait3A_690 = arith.constant 2 : i32
    %dma_wait3A_691 = arith.constant 1 : i32
    %dma_wait3A_692 = arith.constant 0 : i32
    %dma_wait3A_693 = arith.constant 0 : i32
    %dma_wait3A_694 = tpu.memref_slice %arg9[%dma_wait3A_690, %dma_wait3A_691, %dma_wait3A_692, %dma_wait3A_693] : memref<5x4x8x128xf32, #tpu.memory_space<vmem>> -> memref<1x1x8x128xf32, #tpu.memory_space<vmem>>
    %dma_wait3A_695 = tpu.memref_squeeze %dma_wait3A_694 : memref<1x1x8x128xf32, #tpu.memory_space<vmem>> -> memref<8x128xf32, #tpu.memory_space<vmem>>
    %dma_wait3A_696 = arith.constant 0 : i32
    %dma_wait3A_697 = arith.constant 0 : i32
    %dma_wait3A_698 = tpu.memref_slice %arg4[%dma_wait3A_687, %dma_wait3A_688, %dma_wait3A_689, %dma_wait3A_696, %dma_wait3A_697] : memref<50x4x32x8x128xf32, #tpu.memory_space<hbm>> -> memref<1x1x1x8x128xf32, #tpu.memory_space<hbm>>
    %dma_wait3A_699 = tpu.memref_squeeze %dma_wait3A_698 : memref<1x1x1x8x128xf32, #tpu.memory_space<hbm>> -> memref<8x128xf32, #tpu.memory_space<hbm>>
    %dma_wait3A_700 = arith.constant 0 : i32
    %dma_wait3A_701 = arith.constant 0 : i32
    %dma_wait3A_702 = tpu.memref_slice %arg9[%dma_wait3A_690, %dma_wait3A_691, %dma_wait3A_700, %dma_wait3A_701] : memref<5x4x8x128xf32, #tpu.memory_space<vmem>> -> memref<1x1x8x128xf32, #tpu.memory_space<vmem>>
    %dma_wait3A_703 = tpu.memref_squeeze %dma_wait3A_702 : memref<1x1x8x128xf32, #tpu.memory_space<vmem>> -> memref<8x128xf32, #tpu.memory_space<vmem>>
    %dma_wait3A_704 = arith.constant 0 : i32
    %dma_wait3A_705 = arith.constant 0 : i32
    %dma_wait3A_706 = tpu.memref_slice %arg4[%dma_wait3A_687, %dma_wait3A_688, %dma_wait3A_689, %dma_wait3A_704, %dma_wait3A_705] : memref<50x4x32x8x128xf32, #tpu.memory_space<hbm>> -> memref<1x1x1x8x128xf32, #tpu.memory_space<hbm>>
    %dma_wait3A_707 = tpu.memref_squeeze %dma_wait3A_706 : memref<1x1x1x8x128xf32, #tpu.memory_space<hbm>> -> memref<8x128xf32, #tpu.memory_space<hbm>>
    tpu.wait_dma2 semaphore(%arg13 : memref<!tpu.dma_semaphore, #tpu.memory_space<semaphore_mem>>) src(%dma_wait3A_707 : memref<8x128xf32, #tpu.memory_space<hbm>>) dst(%dma_wait3A_703 : memref<8x128xf32, #tpu.memory_space<vmem>>)
    %dma_wait3A_708 = arith.constant 0 : i32
    %dma_wait3A_709 = arith.constant 0 : i32
    %dma_wait3A_710 = arith.constant 0 : i32
    %dma_wait3A_711 = arith.constant 2 : i32
    %dma_wait3A_712 = arith.constant 2 : i32
    %dma_wait3A_713 = arith.constant 0 : i32
    %dma_wait3A_714 = arith.constant 0 : i32
    %dma_wait3A_715 = tpu.memref_slice %arg9[%dma_wait3A_711, %dma_wait3A_712, %dma_wait3A_713, %dma_wait3A_714] : memref<5x4x8x128xf32, #tpu.memory_space<vmem>> -> memref<1x1x8x128xf32, #tpu.memory_space<vmem>>
    %dma_wait3A_716 = tpu.memref_squeeze %dma_wait3A_715 : memref<1x1x8x128xf32, #tpu.memory_space<vmem>> -> memref<8x128xf32, #tpu.memory_space<vmem>>
    %dma_wait3A_717 = arith.constant 0 : i32
    %dma_wait3A_718 = arith.constant 0 : i32
    %dma_wait3A_719 = tpu.memref_slice %arg4[%dma_wait3A_708, %dma_wait3A_709, %dma_wait3A_710, %dma_wait3A_717, %dma_wait3A_718] : memref<50x4x32x8x128xf32, #tpu.memory_space<hbm>> -> memref<1x1x1x8x128xf32, #tpu.memory_space<hbm>>
    %dma_wait3A_720 = tpu.memref_squeeze %dma_wait3A_719 : memref<1x1x1x8x128xf32, #tpu.memory_space<hbm>> -> memref<8x128xf32, #tpu.memory_space<hbm>>
    %dma_wait3A_721 = arith.constant 0 : i32
    %dma_wait3A_722 = arith.constant 0 : i32
    %dma_wait3A_723 = tpu.memref_slice %arg9[%dma_wait3A_711, %dma_wait3A_712, %dma_wait3A_721, %dma_wait3A_722] : memref<5x4x8x128xf32, #tpu.memory_space<vmem>> -> memref<1x1x8x128xf32, #tpu.memory_space<vmem>>
    %dma_wait3A_724 = tpu.memref_squeeze %dma_wait3A_723 : memref<1x1x8x128xf32, #tpu.memory_space<vmem>> -> memref<8x128xf32, #tpu.memory_space<vmem>>
    %dma_wait3A_725 = arith.constant 0 : i32
    %dma_wait3A_726 = arith.constant 0 : i32
    %dma_wait3A_727 = tpu.memref_slice %arg4[%dma_wait3A_708, %dma_wait3A_709, %dma_wait3A_710, %dma_wait3A_725, %dma_wait3A_726] : memref<50x4x32x8x128xf32, #tpu.memory_space<hbm>> -> memref<1x1x1x8x128xf32, #tpu.memory_space<hbm>>
    %dma_wait3A_728 = tpu.memref_squeeze %dma_wait3A_727 : memref<1x1x1x8x128xf32, #tpu.memory_space<hbm>> -> memref<8x128xf32, #tpu.memory_space<hbm>>
    tpu.wait_dma2 semaphore(%arg13 : memref<!tpu.dma_semaphore, #tpu.memory_space<semaphore_mem>>) src(%dma_wait3A_728 : memref<8x128xf32, #tpu.memory_space<hbm>>) dst(%dma_wait3A_724 : memref<8x128xf32, #tpu.memory_space<vmem>>)
    %dma_wait3A_729 = arith.constant 0 : i32
    %dma_wait3A_730 = arith.constant 0 : i32
    %dma_wait3A_731 = arith.constant 0 : i32
    %dma_wait3A_732 = arith.constant 2 : i32
    %dma_wait3A_733 = arith.constant 3 : i32
    %dma_wait3A_734 = arith.constant 0 : i32
    %dma_wait3A_735 = arith.constant 0 : i32
    %dma_wait3A_736 = tpu.memref_slice %arg9[%dma_wait3A_732, %dma_wait3A_733, %dma_wait3A_734, %dma_wait3A_735] : memref<5x4x8x128xf32, #tpu.memory_space<vmem>> -> memref<1x1x8x128xf32, #tpu.memory_space<vmem>>
    %dma_wait3A_737 = tpu.memref_squeeze %dma_wait3A_736 : memref<1x1x8x128xf32, #tpu.memory_space<vmem>> -> memref<8x128xf32, #tpu.memory_space<vmem>>
    %dma_wait3A_738 = arith.constant 0 : i32
    %dma_wait3A_739 = arith.constant 0 : i32
    %dma_wait3A_740 = tpu.memref_slice %arg4[%dma_wait3A_729, %dma_wait3A_730, %dma_wait3A_731, %dma_wait3A_738, %dma_wait3A_739] : memref<50x4x32x8x128xf32, #tpu.memory_space<hbm>> -> memref<1x1x1x8x128xf32, #tpu.memory_space<hbm>>
    %dma_wait3A_741 = tpu.memref_squeeze %dma_wait3A_740 : memref<1x1x1x8x128xf32, #tpu.memory_space<hbm>> -> memref<8x128xf32, #tpu.memory_space<hbm>>
    %dma_wait3A_742 = arith.constant 0 : i32
    %dma_wait3A_743 = arith.constant 0 : i32
    %dma_wait3A_744 = tpu.memref_slice %arg9[%dma_wait3A_732, %dma_wait3A_733, %dma_wait3A_742, %dma_wait3A_743] : memref<5x4x8x128xf32, #tpu.memory_space<vmem>> -> memref<1x1x8x128xf32, #tpu.memory_space<vmem>>
    %dma_wait3A_745 = tpu.memref_squeeze %dma_wait3A_744 : memref<1x1x8x128xf32, #tpu.memory_space<vmem>> -> memref<8x128xf32, #tpu.memory_space<vmem>>
    %dma_wait3A_746 = arith.constant 0 : i32
    %dma_wait3A_747 = arith.constant 0 : i32
    %dma_wait3A_748 = tpu.memref_slice %arg4[%dma_wait3A_729, %dma_wait3A_730, %dma_wait3A_731, %dma_wait3A_746, %dma_wait3A_747] : memref<50x4x32x8x128xf32, #tpu.memory_space<hbm>> -> memref<1x1x1x8x128xf32, #tpu.memory_space<hbm>>
    %dma_wait3A_749 = tpu.memref_squeeze %dma_wait3A_748 : memref<1x1x1x8x128xf32, #tpu.memory_space<hbm>> -> memref<8x128xf32, #tpu.memory_space<hbm>>
    tpu.wait_dma2 semaphore(%arg13 : memref<!tpu.dma_semaphore, #tpu.memory_space<semaphore_mem>>) src(%dma_wait3A_749 : memref<8x128xf32, #tpu.memory_space<hbm>>) dst(%dma_wait3A_745 : memref<8x128xf32, #tpu.memory_space<vmem>>)
    %dma_wait3A_750 = arith.constant 0 : i32
    %dma_wait3A_751 = arith.constant 0 : i32
    %dma_wait3A_752 = arith.constant 0 : i32
    %dma_wait3A_753 = arith.constant 3 : i32
    %dma_wait3A_754 = arith.constant 0 : i32
    %dma_wait3A_755 = arith.constant 0 : i32
    %dma_wait3A_756 = arith.constant 0 : i32
    %dma_wait3A_757 = tpu.memref_slice %arg9[%dma_wait3A_753, %dma_wait3A_754, %dma_wait3A_755, %dma_wait3A_756] : memref<5x4x8x128xf32, #tpu.memory_space<vmem>> -> memref<1x1x8x128xf32, #tpu.memory_space<vmem>>
    %dma_wait3A_758 = tpu.memref_squeeze %dma_wait3A_757 : memref<1x1x8x128xf32, #tpu.memory_space<vmem>> -> memref<8x128xf32, #tpu.memory_space<vmem>>
    %dma_wait3A_759 = arith.constant 0 : i32
    %dma_wait3A_760 = arith.constant 0 : i32
    %dma_wait3A_761 = tpu.memref_slice %arg4[%dma_wait3A_750, %dma_wait3A_751, %dma_wait3A_752, %dma_wait3A_759, %dma_wait3A_760] : memref<50x4x32x8x128xf32, #tpu.memory_space<hbm>> -> memref<1x1x1x8x128xf32, #tpu.memory_space<hbm>>
    %dma_wait3A_762 = tpu.memref_squeeze %dma_wait3A_761 : memref<1x1x1x8x128xf32, #tpu.memory_space<hbm>> -> memref<8x128xf32, #tpu.memory_space<hbm>>
    %dma_wait3A_763 = arith.constant 0 : i32
    %dma_wait3A_764 = arith.constant 0 : i32
    %dma_wait3A_765 = tpu.memref_slice %arg9[%dma_wait3A_753, %dma_wait3A_754, %dma_wait3A_763, %dma_wait3A_764] : memref<5x4x8x128xf32, #tpu.memory_space<vmem>> -> memref<1x1x8x128xf32, #tpu.memory_space<vmem>>
    %dma_wait3A_766 = tpu.memref_squeeze %dma_wait3A_765 : memref<1x1x8x128xf32, #tpu.memory_space<vmem>> -> memref<8x128xf32, #tpu.memory_space<vmem>>
    %dma_wait3A_767 = arith.constant 0 : i32
    %dma_wait3A_768 = arith.constant 0 : i32
    %dma_wait3A_769 = tpu.memref_slice %arg4[%dma_wait3A_750, %dma_wait3A_751, %dma_wait3A_752, %dma_wait3A_767, %dma_wait3A_768] : memref<50x4x32x8x128xf32, #tpu.memory_space<hbm>> -> memref<1x1x1x8x128xf32, #tpu.memory_space<hbm>>
    %dma_wait3A_770 = tpu.memref_squeeze %dma_wait3A_769 : memref<1x1x1x8x128xf32, #tpu.memory_space<hbm>> -> memref<8x128xf32, #tpu.memory_space<hbm>>
    tpu.wait_dma2 semaphore(%arg13 : memref<!tpu.dma_semaphore, #tpu.memory_space<semaphore_mem>>) src(%dma_wait3A_770 : memref<8x128xf32, #tpu.memory_space<hbm>>) dst(%dma_wait3A_766 : memref<8x128xf32, #tpu.memory_space<vmem>>)
    %dma_wait3A_771 = arith.constant 0 : i32
    %dma_wait3A_772 = arith.constant 0 : i32
    %dma_wait3A_773 = arith.constant 0 : i32
    %dma_wait3A_774 = arith.constant 3 : i32
    %dma_wait3A_775 = arith.constant 1 : i32
    %dma_wait3A_776 = arith.constant 0 : i32
    %dma_wait3A_777 = arith.constant 0 : i32
    %dma_wait3A_778 = tpu.memref_slice %arg9[%dma_wait3A_774, %dma_wait3A_775, %dma_wait3A_776, %dma_wait3A_777] : memref<5x4x8x128xf32, #tpu.memory_space<vmem>> -> memref<1x1x8x128xf32, #tpu.memory_space<vmem>>
    %dma_wait3A_779 = tpu.memref_squeeze %dma_wait3A_778 : memref<1x1x8x128xf32, #tpu.memory_space<vmem>> -> memref<8x128xf32, #tpu.memory_space<vmem>>
    %dma_wait3A_780 = arith.constant 0 : i32
    %dma_wait3A_781 = arith.constant 0 : i32
    %dma_wait3A_782 = tpu.memref_slice %arg4[%dma_wait3A_771, %dma_wait3A_772, %dma_wait3A_773, %dma_wait3A_780, %dma_wait3A_781] : memref<50x4x32x8x128xf32, #tpu.memory_space<hbm>> -> memref<1x1x1x8x128xf32, #tpu.memory_space<hbm>>
    %dma_wait3A_783 = tpu.memref_squeeze %dma_wait3A_782 : memref<1x1x1x8x128xf32, #tpu.memory_space<hbm>> -> memref<8x128xf32, #tpu.memory_space<hbm>>
    %dma_wait3A_784 = arith.constant 0 : i32
    %dma_wait3A_785 = arith.constant 0 : i32
    %dma_wait3A_786 = tpu.memref_slice %arg9[%dma_wait3A_774, %dma_wait3A_775, %dma_wait3A_784, %dma_wait3A_785] : memref<5x4x8x128xf32, #tpu.memory_space<vmem>> -> memref<1x1x8x128xf32, #tpu.memory_space<vmem>>
    %dma_wait3A_787 = tpu.memref_squeeze %dma_wait3A_786 : memref<1x1x8x128xf32, #tpu.memory_space<vmem>> -> memref<8x128xf32, #tpu.memory_space<vmem>>
    %dma_wait3A_788 = arith.constant 0 : i32
    %dma_wait3A_789 = arith.constant 0 : i32
    %dma_wait3A_790 = tpu.memref_slice %arg4[%dma_wait3A_771, %dma_wait3A_772, %dma_wait3A_773, %dma_wait3A_788, %dma_wait3A_789] : memref<50x4x32x8x128xf32, #tpu.memory_space<hbm>> -> memref<1x1x1x8x128xf32, #tpu.memory_space<hbm>>
    %dma_wait3A_791 = tpu.memref_squeeze %dma_wait3A_790 : memref<1x1x1x8x128xf32, #tpu.memory_space<hbm>> -> memref<8x128xf32, #tpu.memory_space<hbm>>
    tpu.wait_dma2 semaphore(%arg13 : memref<!tpu.dma_semaphore, #tpu.memory_space<semaphore_mem>>) src(%dma_wait3A_791 : memref<8x128xf32, #tpu.memory_space<hbm>>) dst(%dma_wait3A_787 : memref<8x128xf32, #tpu.memory_space<vmem>>)
    %dma_wait3A_792 = arith.constant 0 : i32
    %dma_wait3A_793 = arith.constant 0 : i32
    %dma_wait3A_794 = arith.constant 0 : i32
    %dma_wait3A_795 = arith.constant 3 : i32
    %dma_wait3A_796 = arith.constant 2 : i32
    %dma_wait3A_797 = arith.constant 0 : i32
    %dma_wait3A_798 = arith.constant 0 : i32
    %dma_wait3A_799 = tpu.memref_slice %arg9[%dma_wait3A_795, %dma_wait3A_796, %dma_wait3A_797, %dma_wait3A_798] : memref<5x4x8x128xf32, #tpu.memory_space<vmem>> -> memref<1x1x8x128xf32, #tpu.memory_space<vmem>>
    %dma_wait3A_800 = tpu.memref_squeeze %dma_wait3A_799 : memref<1x1x8x128xf32, #tpu.memory_space<vmem>> -> memref<8x128xf32, #tpu.memory_space<vmem>>
    %dma_wait3A_801 = arith.constant 0 : i32
    %dma_wait3A_802 = arith.constant 0 : i32
    %dma_wait3A_803 = tpu.memref_slice %arg4[%dma_wait3A_792, %dma_wait3A_793, %dma_wait3A_794, %dma_wait3A_801, %dma_wait3A_802] : memref<50x4x32x8x128xf32, #tpu.memory_space<hbm>> -> memref<1x1x1x8x128xf32, #tpu.memory_space<hbm>>
    %dma_wait3A_804 = tpu.memref_squeeze %dma_wait3A_803 : memref<1x1x1x8x128xf32, #tpu.memory_space<hbm>> -> memref<8x128xf32, #tpu.memory_space<hbm>>
    %dma_wait3A_805 = arith.constant 0 : i32
    %dma_wait3A_806 = arith.constant 0 : i32
    %dma_wait3A_807 = tpu.memref_slice %arg9[%dma_wait3A_795, %dma_wait3A_796, %dma_wait3A_805, %dma_wait3A_806] : memref<5x4x8x128xf32, #tpu.memory_space<vmem>> -> memref<1x1x8x128xf32, #tpu.memory_space<vmem>>
    %dma_wait3A_808 = tpu.memref_squeeze %dma_wait3A_807 : memref<1x1x8x128xf32, #tpu.memory_space<vmem>> -> memref<8x128xf32, #tpu.memory_space<vmem>>
    %dma_wait3A_809 = arith.constant 0 : i32
    %dma_wait3A_810 = arith.constant 0 : i32
    %dma_wait3A_811 = tpu.memref_slice %arg4[%dma_wait3A_792, %dma_wait3A_793, %dma_wait3A_794, %dma_wait3A_809, %dma_wait3A_810] : memref<50x4x32x8x128xf32, #tpu.memory_space<hbm>> -> memref<1x1x1x8x128xf32, #tpu.memory_space<hbm>>
    %dma_wait3A_812 = tpu.memref_squeeze %dma_wait3A_811 : memref<1x1x1x8x128xf32, #tpu.memory_space<hbm>> -> memref<8x128xf32, #tpu.memory_space<hbm>>
    tpu.wait_dma2 semaphore(%arg13 : memref<!tpu.dma_semaphore, #tpu.memory_space<semaphore_mem>>) src(%dma_wait3A_812 : memref<8x128xf32, #tpu.memory_space<hbm>>) dst(%dma_wait3A_808 : memref<8x128xf32, #tpu.memory_space<vmem>>)
    %dma_wait3A_813 = arith.constant 0 : i32
    %dma_wait3A_814 = arith.constant 0 : i32
    %dma_wait3A_815 = arith.constant 0 : i32
    %dma_wait3A_816 = arith.constant 3 : i32
    %dma_wait3A_817 = arith.constant 3 : i32
    %dma_wait3A_818 = arith.constant 0 : i32
    %dma_wait3A_819 = arith.constant 0 : i32
    %dma_wait3A_820 = tpu.memref_slice %arg9[%dma_wait3A_816, %dma_wait3A_817, %dma_wait3A_818, %dma_wait3A_819] : memref<5x4x8x128xf32, #tpu.memory_space<vmem>> -> memref<1x1x8x128xf32, #tpu.memory_space<vmem>>
    %dma_wait3A_821 = tpu.memref_squeeze %dma_wait3A_820 : memref<1x1x8x128xf32, #tpu.memory_space<vmem>> -> memref<8x128xf32, #tpu.memory_space<vmem>>
    %dma_wait3A_822 = arith.constant 0 : i32
    %dma_wait3A_823 = arith.constant 0 : i32
    %dma_wait3A_824 = tpu.memref_slice %arg4[%dma_wait3A_813, %dma_wait3A_814, %dma_wait3A_815, %dma_wait3A_822, %dma_wait3A_823] : memref<50x4x32x8x128xf32, #tpu.memory_space<hbm>> -> memref<1x1x1x8x128xf32, #tpu.memory_space<hbm>>
    %dma_wait3A_825 = tpu.memref_squeeze %dma_wait3A_824 : memref<1x1x1x8x128xf32, #tpu.memory_space<hbm>> -> memref<8x128xf32, #tpu.memory_space<hbm>>
    %dma_wait3A_826 = arith.constant 0 : i32
    %dma_wait3A_827 = arith.constant 0 : i32
    %dma_wait3A_828 = tpu.memref_slice %arg9[%dma_wait3A_816, %dma_wait3A_817, %dma_wait3A_826, %dma_wait3A_827] : memref<5x4x8x128xf32, #tpu.memory_space<vmem>> -> memref<1x1x8x128xf32, #tpu.memory_space<vmem>>
    %dma_wait3A_829 = tpu.memref_squeeze %dma_wait3A_828 : memref<1x1x8x128xf32, #tpu.memory_space<vmem>> -> memref<8x128xf32, #tpu.memory_space<vmem>>
    %dma_wait3A_830 = arith.constant 0 : i32
    %dma_wait3A_831 = arith.constant 0 : i32
    %dma_wait3A_832 = tpu.memref_slice %arg4[%dma_wait3A_813, %dma_wait3A_814, %dma_wait3A_815, %dma_wait3A_830, %dma_wait3A_831] : memref<50x4x32x8x128xf32, #tpu.memory_space<hbm>> -> memref<1x1x1x8x128xf32, #tpu.memory_space<hbm>>
    %dma_wait3A_833 = tpu.memref_squeeze %dma_wait3A_832 : memref<1x1x1x8x128xf32, #tpu.memory_space<hbm>> -> memref<8x128xf32, #tpu.memory_space<hbm>>
    tpu.wait_dma2 semaphore(%arg13 : memref<!tpu.dma_semaphore, #tpu.memory_space<semaphore_mem>>) src(%dma_wait3A_833 : memref<8x128xf32, #tpu.memory_space<hbm>>) dst(%dma_wait3A_829 : memref<8x128xf32, #tpu.memory_space<vmem>>)
    %dma_wait3A_834 = arith.constant 0 : i32
    %dma_wait3A_835 = arith.constant 0 : i32
    %dma_wait3A_836 = arith.constant 0 : i32
    %dma_wait3A_837 = arith.constant 4 : i32
    %dma_wait3A_838 = arith.constant 0 : i32
    %dma_wait3A_839 = arith.constant 0 : i32
    %dma_wait3A_840 = arith.constant 0 : i32
    %dma_wait3A_841 = tpu.memref_slice %arg9[%dma_wait3A_837, %dma_wait3A_838, %dma_wait3A_839, %dma_wait3A_840] : memref<5x4x8x128xf32, #tpu.memory_space<vmem>> -> memref<1x1x8x128xf32, #tpu.memory_space<vmem>>
    %dma_wait3A_842 = tpu.memref_squeeze %dma_wait3A_841 : memref<1x1x8x128xf32, #tpu.memory_space<vmem>> -> memref<8x128xf32, #tpu.memory_space<vmem>>
    %dma_wait3A_843 = arith.constant 0 : i32
    %dma_wait3A_844 = arith.constant 0 : i32
    %dma_wait3A_845 = tpu.memref_slice %arg4[%dma_wait3A_834, %dma_wait3A_835, %dma_wait3A_836, %dma_wait3A_843, %dma_wait3A_844] : memref<50x4x32x8x128xf32, #tpu.memory_space<hbm>> -> memref<1x1x1x8x128xf32, #tpu.memory_space<hbm>>
    %dma_wait3A_846 = tpu.memref_squeeze %dma_wait3A_845 : memref<1x1x1x8x128xf32, #tpu.memory_space<hbm>> -> memref<8x128xf32, #tpu.memory_space<hbm>>
    %dma_wait3A_847 = arith.constant 0 : i32
    %dma_wait3A_848 = arith.constant 0 : i32
    %dma_wait3A_849 = tpu.memref_slice %arg9[%dma_wait3A_837, %dma_wait3A_838, %dma_wait3A_847, %dma_wait3A_848] : memref<5x4x8x128xf32, #tpu.memory_space<vmem>> -> memref<1x1x8x128xf32, #tpu.memory_space<vmem>>
    %dma_wait3A_850 = tpu.memref_squeeze %dma_wait3A_849 : memref<1x1x8x128xf32, #tpu.memory_space<vmem>> -> memref<8x128xf32, #tpu.memory_space<vmem>>
    %dma_wait3A_851 = arith.constant 0 : i32
    %dma_wait3A_852 = arith.constant 0 : i32
    %dma_wait3A_853 = tpu.memref_slice %arg4[%dma_wait3A_834, %dma_wait3A_835, %dma_wait3A_836, %dma_wait3A_851, %dma_wait3A_852] : memref<50x4x32x8x128xf32, #tpu.memory_space<hbm>> -> memref<1x1x1x8x128xf32, #tpu.memory_space<hbm>>
    %dma_wait3A_854 = tpu.memref_squeeze %dma_wait3A_853 : memref<1x1x1x8x128xf32, #tpu.memory_space<hbm>> -> memref<8x128xf32, #tpu.memory_space<hbm>>
    tpu.wait_dma2 semaphore(%arg13 : memref<!tpu.dma_semaphore, #tpu.memory_space<semaphore_mem>>) src(%dma_wait3A_854 : memref<8x128xf32, #tpu.memory_space<hbm>>) dst(%dma_wait3A_850 : memref<8x128xf32, #tpu.memory_space<vmem>>)
    %dma_wait3A_855 = arith.constant 0 : i32
    %dma_wait3A_856 = arith.constant 0 : i32
    %dma_wait3A_857 = arith.constant 0 : i32
    %dma_wait3A_858 = arith.constant 4 : i32
    %dma_wait3A_859 = arith.constant 1 : i32
    %dma_wait3A_860 = arith.constant 0 : i32
    %dma_wait3A_861 = arith.constant 0 : i32
    %dma_wait3A_862 = tpu.memref_slice %arg9[%dma_wait3A_858, %dma_wait3A_859, %dma_wait3A_860, %dma_wait3A_861] : memref<5x4x8x128xf32, #tpu.memory_space<vmem>> -> memref<1x1x8x128xf32, #tpu.memory_space<vmem>>
    %dma_wait3A_863 = tpu.memref_squeeze %dma_wait3A_862 : memref<1x1x8x128xf32, #tpu.memory_space<vmem>> -> memref<8x128xf32, #tpu.memory_space<vmem>>
    %dma_wait3A_864 = arith.constant 0 : i32
    %dma_wait3A_865 = arith.constant 0 : i32
    %dma_wait3A_866 = tpu.memref_slice %arg4[%dma_wait3A_855, %dma_wait3A_856, %dma_wait3A_857, %dma_wait3A_864, %dma_wait3A_865] : memref<50x4x32x8x128xf32, #tpu.memory_space<hbm>> -> memref<1x1x1x8x128xf32, #tpu.memory_space<hbm>>
    %dma_wait3A_867 = tpu.memref_squeeze %dma_wait3A_866 : memref<1x1x1x8x128xf32, #tpu.memory_space<hbm>> -> memref<8x128xf32, #tpu.memory_space<hbm>>
    %dma_wait3A_868 = arith.constant 0 : i32
    %dma_wait3A_869 = arith.constant 0 : i32
    %dma_wait3A_870 = tpu.memref_slice %arg9[%dma_wait3A_858, %dma_wait3A_859, %dma_wait3A_868, %dma_wait3A_869] : memref<5x4x8x128xf32, #tpu.memory_space<vmem>> -> memref<1x1x8x128xf32, #tpu.memory_space<vmem>>
    %dma_wait3A_871 = tpu.memref_squeeze %dma_wait3A_870 : memref<1x1x8x128xf32, #tpu.memory_space<vmem>> -> memref<8x128xf32, #tpu.memory_space<vmem>>
    %dma_wait3A_872 = arith.constant 0 : i32
    %dma_wait3A_873 = arith.constant 0 : i32
    %dma_wait3A_874 = tpu.memref_slice %arg4[%dma_wait3A_855, %dma_wait3A_856, %dma_wait3A_857, %dma_wait3A_872, %dma_wait3A_873] : memref<50x4x32x8x128xf32, #tpu.memory_space<hbm>> -> memref<1x1x1x8x128xf32, #tpu.memory_space<hbm>>
    %dma_wait3A_875 = tpu.memref_squeeze %dma_wait3A_874 : memref<1x1x1x8x128xf32, #tpu.memory_space<hbm>> -> memref<8x128xf32, #tpu.memory_space<hbm>>
    tpu.wait_dma2 semaphore(%arg13 : memref<!tpu.dma_semaphore, #tpu.memory_space<semaphore_mem>>) src(%dma_wait3A_875 : memref<8x128xf32, #tpu.memory_space<hbm>>) dst(%dma_wait3A_871 : memref<8x128xf32, #tpu.memory_space<vmem>>)
    %dma_wait3A_876 = arith.constant 0 : i32
    %dma_wait3A_877 = arith.constant 0 : i32
    %dma_wait3A_878 = arith.constant 0 : i32
    %dma_wait3A_879 = arith.constant 4 : i32
    %dma_wait3A_880 = arith.constant 2 : i32
    %dma_wait3A_881 = arith.constant 0 : i32
    %dma_wait3A_882 = arith.constant 0 : i32
    %dma_wait3A_883 = tpu.memref_slice %arg9[%dma_wait3A_879, %dma_wait3A_880, %dma_wait3A_881, %dma_wait3A_882] : memref<5x4x8x128xf32, #tpu.memory_space<vmem>> -> memref<1x1x8x128xf32, #tpu.memory_space<vmem>>
    %dma_wait3A_884 = tpu.memref_squeeze %dma_wait3A_883 : memref<1x1x8x128xf32, #tpu.memory_space<vmem>> -> memref<8x128xf32, #tpu.memory_space<vmem>>
    %dma_wait3A_885 = arith.constant 0 : i32
    %dma_wait3A_886 = arith.constant 0 : i32
    %dma_wait3A_887 = tpu.memref_slice %arg4[%dma_wait3A_876, %dma_wait3A_877, %dma_wait3A_878, %dma_wait3A_885, %dma_wait3A_886] : memref<50x4x32x8x128xf32, #tpu.memory_space<hbm>> -> memref<1x1x1x8x128xf32, #tpu.memory_space<hbm>>
    %dma_wait3A_888 = tpu.memref_squeeze %dma_wait3A_887 : memref<1x1x1x8x128xf32, #tpu.memory_space<hbm>> -> memref<8x128xf32, #tpu.memory_space<hbm>>
    %dma_wait3A_889 = arith.constant 0 : i32
    %dma_wait3A_890 = arith.constant 0 : i32
    %dma_wait3A_891 = tpu.memref_slice %arg9[%dma_wait3A_879, %dma_wait3A_880, %dma_wait3A_889, %dma_wait3A_890] : memref<5x4x8x128xf32, #tpu.memory_space<vmem>> -> memref<1x1x8x128xf32, #tpu.memory_space<vmem>>
    %dma_wait3A_892 = tpu.memref_squeeze %dma_wait3A_891 : memref<1x1x8x128xf32, #tpu.memory_space<vmem>> -> memref<8x128xf32, #tpu.memory_space<vmem>>
    %dma_wait3A_893 = arith.constant 0 : i32
    %dma_wait3A_894 = arith.constant 0 : i32
    %dma_wait3A_895 = tpu.memref_slice %arg4[%dma_wait3A_876, %dma_wait3A_877, %dma_wait3A_878, %dma_wait3A_893, %dma_wait3A_894] : memref<50x4x32x8x128xf32, #tpu.memory_space<hbm>> -> memref<1x1x1x8x128xf32, #tpu.memory_space<hbm>>
    %dma_wait3A_896 = tpu.memref_squeeze %dma_wait3A_895 : memref<1x1x1x8x128xf32, #tpu.memory_space<hbm>> -> memref<8x128xf32, #tpu.memory_space<hbm>>
    tpu.wait_dma2 semaphore(%arg13 : memref<!tpu.dma_semaphore, #tpu.memory_space<semaphore_mem>>) src(%dma_wait3A_896 : memref<8x128xf32, #tpu.memory_space<hbm>>) dst(%dma_wait3A_892 : memref<8x128xf32, #tpu.memory_space<vmem>>)
    %dma_wait3A_897 = arith.constant 0 : i32
    %dma_wait3A_898 = arith.constant 0 : i32
    %dma_wait3A_899 = arith.constant 0 : i32
    %dma_wait3A_900 = arith.constant 4 : i32
    %dma_wait3A_901 = arith.constant 3 : i32
    %dma_wait3A_902 = arith.constant 0 : i32
    %dma_wait3A_903 = arith.constant 0 : i32
    %dma_wait3A_904 = tpu.memref_slice %arg9[%dma_wait3A_900, %dma_wait3A_901, %dma_wait3A_902, %dma_wait3A_903] : memref<5x4x8x128xf32, #tpu.memory_space<vmem>> -> memref<1x1x8x128xf32, #tpu.memory_space<vmem>>
    %dma_wait3A_905 = tpu.memref_squeeze %dma_wait3A_904 : memref<1x1x8x128xf32, #tpu.memory_space<vmem>> -> memref<8x128xf32, #tpu.memory_space<vmem>>
    %dma_wait3A_906 = arith.constant 0 : i32
    %dma_wait3A_907 = arith.constant 0 : i32
    %dma_wait3A_908 = tpu.memref_slice %arg4[%dma_wait3A_897, %dma_wait3A_898, %dma_wait3A_899, %dma_wait3A_906, %dma_wait3A_907] : memref<50x4x32x8x128xf32, #tpu.memory_space<hbm>> -> memref<1x1x1x8x128xf32, #tpu.memory_space<hbm>>
    %dma_wait3A_909 = tpu.memref_squeeze %dma_wait3A_908 : memref<1x1x1x8x128xf32, #tpu.memory_space<hbm>> -> memref<8x128xf32, #tpu.memory_space<hbm>>
    %dma_wait3A_910 = arith.constant 0 : i32
    %dma_wait3A_911 = arith.constant 0 : i32
    %dma_wait3A_912 = tpu.memref_slice %arg9[%dma_wait3A_900, %dma_wait3A_901, %dma_wait3A_910, %dma_wait3A_911] : memref<5x4x8x128xf32, #tpu.memory_space<vmem>> -> memref<1x1x8x128xf32, #tpu.memory_space<vmem>>
    %dma_wait3A_913 = tpu.memref_squeeze %dma_wait3A_912 : memref<1x1x8x128xf32, #tpu.memory_space<vmem>> -> memref<8x128xf32, #tpu.memory_space<vmem>>
    %dma_wait3A_914 = arith.constant 0 : i32
    %dma_wait3A_915 = arith.constant 0 : i32
    %dma_wait3A_916 = tpu.memref_slice %arg4[%dma_wait3A_897, %dma_wait3A_898, %dma_wait3A_899, %dma_wait3A_914, %dma_wait3A_915] : memref<50x4x32x8x128xf32, #tpu.memory_space<hbm>> -> memref<1x1x1x8x128xf32, #tpu.memory_space<hbm>>
    %dma_wait3A_917 = tpu.memref_squeeze %dma_wait3A_916 : memref<1x1x1x8x128xf32, #tpu.memory_space<hbm>> -> memref<8x128xf32, #tpu.memory_space<hbm>>
    tpu.wait_dma2 semaphore(%arg13 : memref<!tpu.dma_semaphore, #tpu.memory_space<semaphore_mem>>) src(%dma_wait3A_917 : memref<8x128xf32, #tpu.memory_space<hbm>>) dst(%dma_wait3A_913 : memref<8x128xf32, #tpu.memory_space<vmem>>)
    return
  }
}

module attributes {stable_mosaic.version = 14 : i64} {
  func.func @_fuse_body(%arg0: i32, %arg1: memref<32x8192xf32, #tpu.memory_space<vmem>>, %arg2: memref<16x8192xf32, #tpu.memory_space<vmem>>, %arg3: memref<128x48xf32, #tpu.memory_space<vmem>>, %arg4: memref<2048x128xf32, #tpu.memory_space<vmem>>) attributes {dimension_semantics = [#tpu.dimension_semantics<arbitrary>], iteration_bounds = array<i64: 123>, scalar_prefetch = 0 : i64, scratch_operands = 0 : i64, tpu.core_type = #tpu.core_type<tc>, window_params = [{transform_indices = @transform_0, window_bounds = array<i64: 32, 8192>}, {transform_indices = @transform_1, window_bounds = array<i64: 16, 8192>}, {pipeline_mode = #tpu.pipeline_mode<synchronous>, transform_indices = @transform_2, window_bounds = array<i64: 128, 48>}, {transform_indices = @transform_3, window_bounds = array<i64: 2048, 128>}]} {
    %get3A = arith.constant 0 : index
    %get3A_0 = arith.constant 0 : index
    %get3A_1 = vector.load %arg2[%get3A, %get3A_0] : memref<16x8192xf32, #tpu.memory_space<vmem>>, vector<16x8192xf32>
    %get3A_2 = arith.constant 0 : index
    %get3A_3 = arith.constant 0 : index
    %get3A_4 = vector.load %arg1[%get3A_2, %get3A_3] : memref<32x8192xf32, #tpu.memory_space<vmem>>, vector<32x8192xf32>
    %concatenate3A = tpu.concatenate %get3A_1, %get3A_4 in 0 : vector<16x8192xf32>, vector<32x8192xf32> -> vector<48x8192xf32>
    %get3A_5 = arith.constant 0 : index
    %get3A_6 = arith.constant 0 : index
    %get3A_7 = vector.load %arg3[%get3A_5, %get3A_6] : memref<128x48xf32, #tpu.memory_space<vmem>>, vector<128x48xf32>
    %convert_element_type3A = arith.truncf %concatenate3A : vector<48x8192xf32> to vector<48x8192xbf16>
    %convert_element_type3A_8 = arith.truncf %get3A_7 : vector<128x48xf32> to vector<128x48xbf16>
    %dot_general3A = arith.constant dense<0.000000e+00> : vector<8192x128xf32>
    %dot_general3A_9 = tpu.matmul %convert_element_type3A, %convert_element_type3A_8, %dot_general3A {dimension_numbers = #tpu.dot_dimension_numbers<[0], [1], [1], [0], [0, 1, 1, 0], [], []>, transpose_lhs_hint = false} : vector<48x8192xbf16>, vector<128x48xbf16>, vector<8192x128xf32> -> vector<8192x128xf32>
    %iota3A = tpu.iota {dimensions = array<i32: 1>} : vector<2048x128xi32>
    %slice3A = vector.extract_strided_slice %dot_general3A_9 {offsets = [0, 0], sizes = [2048, 128], strides = [1, 1]} : vector<8192x128xf32> to vector<2048x128xf32>
    %slice3A_10 = vector.extract_strided_slice %dot_general3A_9 {offsets = [2048, 0], sizes = [2048, 128], strides = [1, 1]} : vector<8192x128xf32> to vector<2048x128xf32>
    %slice3A_11 = vector.extract_strided_slice %dot_general3A_9 {offsets = [4096, 0], sizes = [2048, 128], strides = [1, 1]} : vector<8192x128xf32> to vector<2048x128xf32>
    %slice3A_12 = vector.extract_strided_slice %dot_general3A_9 {offsets = [6144, 0], sizes = [2048, 128], strides = [1, 1]} : vector<8192x128xf32> to vector<2048x128xf32>
    %lt3A = arith.constant 32 : i32
    %lt3A_13 = vector.broadcast %lt3A : i32 to vector<2048x128xi32>
    %lt3A_14 = arith.cmpi slt, %iota3A, %lt3A_13 : vector<2048x128xi32>
    %lt3A_15 = arith.constant 64 : i32
    %lt3A_16 = vector.broadcast %lt3A_15 : i32 to vector<2048x128xi32>
    %lt3A_17 = arith.cmpi slt, %iota3A, %lt3A_16 : vector<2048x128xi32>
    %lt3A_18 = arith.constant 96 : i32
    %lt3A_19 = vector.broadcast %lt3A_18 : i32 to vector<2048x128xi32>
    %lt3A_20 = arith.cmpi slt, %iota3A, %lt3A_19 : vector<2048x128xi32>
    %select_n3A = arith.select %lt3A_20, %slice3A_11, %slice3A_12 : vector<2048x128xi1>, vector<2048x128xf32>
    %select_n3A_21 = arith.select %lt3A_17, %slice3A_10, %select_n3A : vector<2048x128xi1>, vector<2048x128xf32>
    %select_n3A_22 = arith.select %lt3A_14, %slice3A, %select_n3A_21 : vector<2048x128xi1>, vector<2048x128xf32>
    %swap3A = arith.constant 0 : index
    %swap3A_23 = arith.constant 0 : index
    %swap3A_24 = vector.load %arg4[%swap3A, %swap3A_23] : memref<2048x128xf32, #tpu.memory_space<vmem>>, vector<2048x128xf32>
    tpu.vector_store %arg4[%swap3A, %swap3A_23], %select_n3A_22 {strides = array<i32>} : memref<2048x128xf32, #tpu.memory_space<vmem>>, vector<2048x128xf32>,
    return
  }
  func.func @transform_0(%arg0: i32) -> (i32, i32) {
    %c0_i32 = arith.constant 0 : i32
    %c0_i32_0 = arith.constant 0 : i32
    return %c0_i32, %arg0 : i32, i32
  }
  func.func @transform_1(%arg0: i32) -> (i32, i32) {
    %c0_i32 = arith.constant 0 : i32
    %c0_i32_0 = arith.constant 0 : i32
    return %c0_i32, %arg0 : i32, i32
  }
  func.func @transform_2(%arg0: i32) -> (i32, i32) {
    %c0_i32 = arith.constant 0 : i32
    %c0_i32_0 = arith.constant 0 : i32
    %c0_i32_1 = arith.constant 0 : i32
    return %c0_i32, %c0_i32_0 : i32, i32
  }
  func.func @transform_3(%arg0: i32) -> (i32, i32) {
    %c0_i32 = arith.constant 0 : i32
    %c0_i32_0 = arith.constant 0 : i32
    return %arg0, %c0_i32 : i32, i32
  }
}

</mosaic_0001>

<sc_bundles>
// kernel: kernel.4.cloned.1.call-start
scs
__scs_entry_jumppad:
0x0: {  	(pc) =	sbr.rel $0x88, $3  }
0x1: {  	(tag) =	ssettag $0x0;
	lr =	simm.s32 $0x1  }
0x2: {  	[smem:$0x3F9D] =	sst lr;
	_ =	strace $0xD0000000  }
0x3: {  	_ = 	snop  }
0x4: {  	_ = 	snop  }
0x5: {  	_ = 	snop  }
0x6: {  	_ = 	snop  }
0x7: {  	_ = 	snop  }
__scs_overlays_trampoline_lowered:
0x8: {  	[smem:$0x3FAC] =	sst s0  }
0x9: {  	[smem:$0x3FAD] =	sst s1  }
0xa: {  	[smem:$0x3FAE] =	sst s2  }
0xb: {  	[smem:$0x3FAF] =	sst s3  }
0xc: {  	[smem:$0x3FB0] =	sst s4  }
0xd: {  	[smem:$0x3FB1] =	sst s5  }
0xe: {  	[smem:$0x3FB2] =	sst s6  }
0xf: {  	[smem:$0x3FB3] =	sst s7  }
0x10: {  	[smem:$0x3FB4] =	sst s8  }
0x11: {  	[smem:$0x3FB5] =	sst s9;
	s0 =	simm.s32 @!p0 $0x0  }
0x12: {  	s1 =	sld [smem:$0x3F9B];
	s0 =	simm.s32 @p0 $0x1  }
0x13: {  	[smem:$0x3FB6] =	sst s0;
	s0 =	simm.s32 @!p1 $0x0  }
0x14: {  	s2 =	sld [smem:$0x3F9A];
	s0 =	simm.s32 @p1 $0x1  }
0x15: {  	[smem:$0x3FB7] =	sst s0;
	s0 =	simm.s32 @!p2 $0x0  }
0x16: {  	s3 =	sld [smem:$0x3FDB];
	s0 =	simm.s32 @p2 $0x1  }
0x17: {  	s4 =	simm.s32 $0x1BF5;
	[smem:$0x3FB9] =	sst s0  }
0x18: {  	s0 =	sld [smem:$0x3F9C];
	_ =	swait.ge [sflag:s4], $0x0  }
0x19: {  	s7 =	sld [smem:$0x3F9D]  }
0x1a: {  	s8 =	sadd.s32 $0xFFFFE003, lr  }
0x1b: {  	s9 =	sadd.s32 $0xFFFFFEF7, lr;
	s5 =	simm.s32 $0xFFFFFFFF;
	p2 =	slt.u32 s8, $0xFFFFF086  }
0x1c: {  	p1 =	slt.u32 s9, $0xF7A;
	s5 =	simm.s32 @!p2 $0x0  }
0x1d: {  	s5 =	simm.s32 @p1 $0x1;
	p0 =	seq.s32 s7, s2  }
0x1e: {  	s7 =	smul.u32 @!p0 $0xF7A, s2;
	p2 =	seq.s32 @!p0 s5, $0x0  }
0x1f: {  	s9 =	smul.u32 $0xF7A, s1;
	s8 =	simm.s32 @!p0 $0x1BF5;
	p2 =	por !p2, p0  }
0x20: {  	[sflag:s8] =	ssyncset.s32 @!p0 $0xFFFFF086;
	s6 =	sadd.s32 @!p0 s3, s7;
	s7 =	simm.s32 @!p0 $0x108  }
0x21: {  	s3 =	sadd.s32 s3, s9;
	s6 =	sadd.s32 @!p0 $0x88, s6;
	s7 =	simm.s32 @p2 $0x1082  }
0x22: {  	[simem:s7], [sflag:s8] =	dma.local @!p0 [hbm:s6], $0xF7A  }
0x23: {  	s9 =	sor.u32 $0xD0000000, s2;
	s6 =	simm.s32 $0x108;
	_ =	swait.ge @!p0 [sflag:s8], $0x0  }
0x24: {  	s3 =	sadd.s32 $0x88, s3;
	s6 =	simm.s32 @!p1 $0x1082;
	[sflag:s4] =	ssyncset.s32 $0xFFFFF086  }
0x25: {  	[simem:s6], [sflag:s4] =	dma.local [hbm:s3], $0xF7A  }
0x26: {  	[smem:$0x3F9D] =	sst s1;
	(tag) =	ssettag s2;
	_ =	strace s9  }
0x27: {  	s1 =	sld [smem:$0x3FAD]  }
0x28: {  	s2 =	sld [smem:$0x3FAE]  }
0x29: {  	s4 =	sld [smem:$0x3FB0]  }
0x2a: {  	p0 =	seq.s32 s5, $0x0;
	s5 =	sld [smem:$0x3FB1]  }
0x2b: {  	s6 =	sld [smem:$0x3FB2]  }
0x2c: {  	s7 =	sld [smem:$0x3FB3]  }
0x2d: {  	s3 =	simm.s32 $0x108;
	s8 =	sld [smem:$0x3FB4]  }
0x2e: {  	s3 =	simm.s32 @!p0 $0x1082;
	s9 =	sld [smem:$0x3FB5]  }
0x2f: {  	lr =	sadd.s32 s0, s3;
	s0 =	sld [smem:$0x3FAC]  }
0x30: {  	s3 =	sld [smem:$0x3FAF]  }
0x31: {  	[smem:$0x3FB8] =	sst s10  }
0x32: {  	s10 =	sld [smem:$0x3FB6];
	_ =	sdelay $0x3  }
0x33: {  	p0 =	seq.s32 s10, $0x1;
	s10 =	sld [smem:$0x3FB8];
	_ =	sdelay $0x3  }
0x34: {  	[smem:$0x3FB8] =	sst s10  }
0x35: {  	s10 =	sld [smem:$0x3FB7];
	_ =	sdelay $0x3  }
0x36: {  	p1 =	seq.s32 s10, $0x1;
	s10 =	sld [smem:$0x3FB8];
	_ =	sdelay $0x3  }
0x37: {  	[smem:$0x3FB8] =	sst s10  }
0x38: {  	s10 =	sld [smem:$0x3FB9]  }
0x39: {  	_ = 	snop;
	(pc) =	sbr.ind lr, $3  }
0x3a: {  	_ = 	snop  }
0x3b: {  	_ = 	snop  }
0x3c: {  	p2 =	seq.s32 s10, $0x1;
	s10 =	sld [smem:$0x3FB8]  }
0x3d: {  	_ =	shalt  }
0x3e: {  	_ =	shalt  }
0x3f: {  	_ =	shalt  }
0x40: {  	_ =	shalt  }
0x41: {  	_ =	shalt  }
0x42: {  	_ =	shalt  }
0x43: {  	_ =	shalt  }
0x44: {  	_ =	shalt  }
0x45: {  	_ =	shalt  }
0x46: {  	_ =	shalt  }
0x47: {  	_ =	shalt  }
0x48: {  	_ =	shalt  }
0x49: {  	_ =	shalt  }
0x4a: {  	_ =	shalt  }
0x4b: {  	_ =	shalt  }
0x4c: {  	_ =	shalt  }
0x4d: {  	_ =	shalt  }
0x4e: {  	_ =	shalt  }
0x4f: {  	_ =	shalt  }
0x50: {  	_ =	shalt  }
0x51: {  	_ =	shalt  }
0x52: {  	_ =	shalt  }
0x53: {  	_ =	shalt  }
0x54: {  	_ =	shalt  }
0x55: {  	_ =	shalt  }
0x56: {  	_ =	shalt  }
0x57: {  	_ =	shalt  }
0x58: {  	_ =	shalt  }
0x59: {  	_ =	shalt  }
0x5a: {  	_ =	shalt  }
0x5b: {  	_ =	shalt  }
0x5c: {  	_ =	shalt  }
0x5d: {  	_ =	shalt  }
0x5e: {  	_ =	shalt  }
0x5f: {  	_ =	shalt  }
0x60: {  	_ =	shalt  }
0x61: {  	_ =	shalt  }
0x62: {  	_ =	shalt  }
0x63: {  	_ =	shalt  }
0x64: {  	_ =	shalt  }
0x65: {  	_ =	shalt  }
0x66: {  	_ =	shalt  }
0x67: {  	_ =	shalt  }
0x68: {  	_ =	shalt  }
0x69: {  	_ =	shalt  }
0x6a: {  	_ =	shalt  }
0x6b: {  	_ =	shalt  }
0x6c: {  	_ =	shalt  }
0x6d: {  	_ =	shalt  }
0x6e: {  	_ =	shalt  }
0x6f: {  	_ =	shalt  }
0x70: {  	_ =	shalt  }
0x71: {  	_ =	shalt  }
0x72: {  	_ =	shalt  }
0x73: {  	_ =	shalt  }
0x74: {  	_ =	shalt  }
0x75: {  	_ =	shalt  }
0x76: {  	_ =	shalt  }
0x77: {  	_ =	shalt  }
0x78: {  	_ =	shalt  }
0x79: {  	_ =	shalt  }
0x7a: {  	_ =	shalt  }
0x7b: {  	_ =	shalt  }
0x7c: {  	_ =	shalt  }
0x7d: {  	_ =	shalt  }
0x7e: {  	_ =	shalt  }
0x7f: {  	_ =	shalt  }
0x80: {  	_ =	shalt  }
0x81: {  	_ =	shalt  }
0x82: {  	_ =	shalt  }
0x83: {  	_ =	shalt  }
0x84: {  	_ =	shalt  }
0x85: {  	_ =	shalt  }
0x86: {  	_ =	shalt  }
0x87: {  	_ =	shalt  }
.Lfunc_end0:
.L_simem_size_0:
called_computation_lowered:
.L_overlay_start_0:
0x88: {  	s2 =	sld [smem:$0x3FD9]  }
0x89: {  	s3 =	sld [smem:$0x3FFE];
	_ =	sdelay $0x1  }
0x8a: {  	s1 =	srdreg.scid  }
0x8b: {  	s0 =	sand.u32 $0x1, s1  }
0x8c: {  	s17 =	sshll.u32 s0, $0xA;
	s2 =	sadd.s32 s3, s2  }
0x8d: {  	s2 =	sadd.s32 s2, s17  }
0x8e: {  	[smem:$0x3FC4] =	sst s2  }
0x8f: {  	_ = 	snop  }
0x90: {  	s2 =	sld [smem:$0x3FD0];
	(tm) =	ssettm $0x1  }
0x91: {  	s18 =	sld [smem:$0x3FFB];
	_ =	sdelay $0x3  }
0x92: {  	_ =	strace s18  }
0x93: {  	s3 =	sld [smem:$0x3FFC];
	_ =	sdelay $0x3  }
0x94: {  	_ =	strace s3  }
0x95: {  	s3 =	sld [smem:$0x3FFD];
	_ =	sdelay $0x3  }
0x96: {  	_ =	strace s3  }
0x97: {  	_ =	strace $0x8FFFFFFF  }
0x98: {  	s19 =	sld [smem:$0x3FDB];
	_ =	sdelay $0x1  }
0x99: {  	s4 =	simm.s32 $_scs_section_size  }
0x9a: {  	s5 =	simm.s32 $_size__tile_overlayer_lowered;
	s6 =	simm.s32 $_tile_overlayer_lowered  }
0x9b: {  	s22 =	simm.s32 $0x1BFF;
	s21 =	sshll.u32 s6, $0x1;
	s3 =	sadd.s32 s4, s19  }
0x9c: {  	s7 =	simm.s32 $0x0;
	s20 =	sshll.u32 s5, $0x1;
	s5 =	sadd.s32 s21, s3  }
0x9d: {  	[timem:s7], [sflag:s22] =	dma.local [hbm:s5], s20  }
0x9e: {  	_ =	swait.ge [sflag:s22], s20  }
0x9f: {  	s4 =	ssub.s32 $0x0, s20;
	[sflag:s22] =	ssyncset.done $0x0  }
0xa0: {  	[sflag:s22] =	ssyncadd.s32 s4;
	_ =	sdelay $0x1  }
0xa1: {  	s23 =	simm.s32 $0x1B8B  }
0xa2: {  	_ =	swait.ge [sflag:s23], $0x1  }
0xa3: {  	[sflag:s23] =	ssyncset.done $0x0  }
0xa4: {  	s25 =	simm.s32 $0x1B8E;
	s24 =	sld [smem:$0x3FFE];
	[sflag:s23] =	ssyncadd.s32 $0xFFFFFFFF  }
0xa5: {  	s26 =	simm.s32 $execute0_lowered;
	[smem:$0x3FD2] =	sst s25  }
0xa6: {  	s5 =	sshll.u32 s26, $0x1;
	_ =	strace $0x80000046;
	[dreg:$0x1] =	wrdreg $0xFFFFFFFF  }
0xa7: {  	s28 =	simm.s32 $_size_execute0_lowered;
	s3 =	sadd.s32 s3, s5;
	[dreg:$0x0] =	wrdreg $0x0  }
0xa8: {  	s5 =	sshll.u32 s28, $0x1;
	[dreg:$0x2] =	wrdreg s3  }
0xa9: {  	[dreg:$0x3] =	wrdreg s5  }
0xaa: {  	[dreg:$0x4] =	wrdreg $0xC0  }
0xab: {  	_ =	task [dreg:s7], $0x5FFFF  }
0xac: {  	[dreg:$0x1] =	wrdreg $0xFFFFFFFF  }
0xad: {  	[dreg:$0x0] =	wrdreg $0x60  }
0xae: {  	[dreg:$0x2] =	wrdreg s24  }
0xaf: {  	[dreg:$0x3] =	wrdreg s2  }
0xb0: {  	[dreg:$0x4] =	wrdreg $0x9  }
0xb1: {  	_ =	task.clear_ibuf [dreg:s7], $0x5FFFF;
	_ =	strace $0x90000046  }
0xb2: {  	s29 =	simm.s32 $0x9;
	_ =	strace $0x80000048  }
0xb3: {  	_ =	swait.ge [sflag:s29], $0x1  }
0xb4: {  	[sflag:s29] =	ssyncadd.s32 $0xFFFFFFFF  }
0xb5: {  	_ =	strace $0x90000048  }
0xb6: {  	_ =	sfence  }
0xb7: {  	s30 =	sld [smem:$0x0];
	_ =	sdelay $0x2  }
0xb8: {  	s31 =	sshll.u32 s1, $0xD;
	s1 =	sshrl.u32 s1, $0x2  }
0xb9: {  	s3 =	sand.u32 $0x4000, s31;
	s1 =	sadd.s32 s1, s30  }
0xba: {  	s0 =	sor.u32 s3, s0;
	s1 =	sshll.u32 s1, $0x11  }
0xbb: {  	s0 =	sor.u32 s1, s0  }
0xbc: {  	s0 =	sadd.s32 $0x8F2B, s0  }
0xbd: {  	[sflag:s0] =	ssyncadd.remote.s32 $0x1  }
0xbe: {  	_ =	sfence.sel $0xFFFF  }
0xbf: {  	[dreg:$0x0] =	wrdreg $0xFFFFFFFF;
	(pc) =	sbr.abs _section_cstart, $3  }
0xc0: {  	[dreg:$0x1] =	wrdreg $0xFFFFFFFF  }
0xc1: {  	_ =	task.clear_ibuf [dreg:s7], $0x2FFFF;
	_ =	strace $0x9FFFFFFF  }
0xc2: {  	(tm) =	ssettm $0x7FFFFFFF  }
0xc3: {  	_ =	shalt  }
tec
execute0_lowered:
.L_overlay_start_1:
0x0: {  	(tag) =	ssettag $0x1  }
0x1: {  	v0 =	vimm.s32 $0xEDCBA987  }
0x2: {  	v1 =	vimm.s32 $0x6543210F;
	vm0 =	vcmask $0xB08;
	vm1 =	vcmask $0x300  }
0x3: {  	v2 =	vimm.s32 $0xFEDCBA9;
	v3 =	vimm.s32 $0x87654321;
	vm2 =	vcmask $0x1710  }
0x4: {  	v4 =	vimm.s32 $0x10FEDCBA;
	vm3 =	vcmask $0x700;
	v5 =	vimm.s32 $0x98765432  }
0x5: {  	v6 =	vimm.s32 $0xBA987654;
	v7 =	vimm.s32 $0x3210FEDC;
	v0 =	vunpack.c.l.s4.s8 v0  }
0x6: {  	v1 =	vunpack.c.l.s4.s8 v1;
	vm0 =	vmor vm1, vm0;
	vm1 =	vcmask $0x1310  }
0x7: {  	v2 =	vunpack.c.l.s4.s8 v2;
	v3 =	vunpack.c.l.s4.s8 v3;
	vm2 =	vmor vm3, vm2  }
0x8: {  	vm3 =	vcmask $0x2720;
	v4 =	vunpack.c.l.s4.s8 v4;
	v5 =	vunpack.c.l.s4.s8 v5  }
0x9: {  	v6 =	vunpack.c.l.s4.s8 v6;
	v7 =	vunpack.c.l.s4.s8 v7;
	vm0 =	vmor vm0, vm1  }
0xa: {  	vm1 =	vcmask $0x1B18;
	v0 =	vunpack.c.0.s8.s32 v0;
	v1 =	vunpack.c.0.s8.s32 v1  }
0xb: {  	vm2 =	vmor vm2, vm3;
	vm3 =	vcmask $0x3730;
	vm0 =	vmor vm0, vm1  }
0xc: {  	v0 =	vcombine.low v1, v0;
	v1 =	vunpack.c.0.s8.s32 v2;
	v2 =	vunpack.c.0.s8.s32 v3  }
0xd: {  	s0 =	rddreg [dreg:$0x0];
	vm1 =	vcmask $0x2320;
	v4 =	vunpack.c.0.s8.s32 v4;
	v3 =	vimm.s32 $0xDCBA9876  }
0xe: {  	s2 =	rddreg [dreg:$0x1];
	v1 =	vcombine.low v2, v1;
	v2 =	vunpack.c.l.s4.s8 v3;
	v3 =	vimm.s32 $0x543210FE  }
0xf: {  	s1 =	srdreg.scid;
	s4 =	stileid.u32;
	s3 =	simm.s32 $0x0;
	vm0 =	vmor vm0, vm1;
	vm1 =	vcmask $0x2B28;
	v3 =	vunpack.c.l.s4.s8 v3  }
0x10: {  	s12 =	simm.s32 $0x80;
	s29 =	simm.s32 $0x1;
	s28 =	simm.s32 $0x2;
	v5 =	vunpack.c.0.s8.s32 v5;
	v6 =	vunpack.c.0.s8.s32 v6;
	vm0 =	vmor vm0, vm1  }
0x11: {  	s10 =	simm.s32 $0x14100;
	s14 =	simm.s32 $0x14500;
	s23 =	simm.s32 $0x14900;
	vm1 =	vcmask $0x3330;
	v2 =	vunpack.c.0.s8.s32 v2;
	v3 =	vunpack.c.0.s8.s32 v3  }
0x12: {  	s24 =	simm.s32 $0x14D00;
	s30 =	simm.s32 $0x3;
	s31 =	simm.s32 $0x4;
	v7 =	vunpack.c.0.s8.s32 v7;
	vm0 =	vmor vm0, vm1;
	vm1 =	vcmask $0x3B38  }
0x13: {  	s1 =	sand.u32 $0x1, s1;
	s4 =	sshll.u32 s4, $0x1;
	[smem:$0x7FF] =	sst s3;
	vm0 =	vmor vm0, vm1;
	vm1 =	vmor vm2, vm3;
	v2 =	vcombine.low v3, v2  }
0x14: {  	s7 =	sadd.s32 $0x1000, s2;
	s8 =	sadd.s32 $0x2000, s2;
	s9 =	sadd.s32 $0x3000, s2;
	v3 =	vcombine.low v5, v4;
	v4 =	vcombine.low v7, v6;
	v5 =	vimm.s32 $0xFEDCBA98  }
0x15: {  	s5 =	sor.u32 s1, s4;
	_ =	strace $0x80000047;
	s1 =	ssub.s32 $0x2, s1;
	v6 =	vcombine.low v6, v7;
	v7 =	vimm.s32 $0x76543210;
	v5 =	vunpack.c.l.s4.s8 v5  }
0x16: {  	s4 =	sadd.s32 $0x6800, s0;
	s6 =	sshll.u32 s5, $0x4;
	s25 =	sshrl.u32 s1, $0x1;
	vm2 =	vcmask $0x2F20;
	vm3 =	vcmask $0xF00;
	v7 =	vunpack.c.l.s4.s8 v7  }
0x17: {  	s0 =	sadd.s32 s6, s0;
	s1 =	ssub.s32 s1, s25;
	s6 =	sshll.u32 s5, $0x7;
	v0 =	vand.u32 $0xF, v0;
	vm2 =	vmor vm3, vm2;
	v5 =	vunpack.c.0.s8.s32 v5  }
0x18: {  	s5 =	simm.s32 $0x13D00;
	s25 =	simm.s32 $0x15100;
	s0 =	sadd.s32 $0x400, s0;
	vm3 =	vmmov $0xff;
	v1 =	vand.u32 $0xF, v1;
	v7 =	vunpack.c.0.s8.s32 v7  }
0x19: {  	s26 =	smax.u32 s1, $0x1;
	s11 =	sor.u32 $0x4000, s6;
	[dreg:$0x3] =	wrdreg s0;
	v2 =	vand.u32 $0xF, v2;
	v3 =	vand.u32 $0xF, v3;
	v8 =	vand.u32 $0xF, v5  }
0x1a: {  	s1 =	simm.s32 $0x0;
	[dreg:$0x4] =	wrdreg s26;
	s26 =	simm.s32 $0x15500;
	v4 =	vand.u32 $0xF, v4;
	v5 =	vand.u32 $0xF, v6;
	v6 =	vcombine.low v8, v7  }
.LBB2_1:
0x1b: {  	[dreg:$0x5] =	wrdreg s1  }
0x1c: {  	s0 =	rddreg [dreg:$0x3];
	s22 =	simm.s32 $0x1000;
	s13 =	simm.s32 $0x5  }
0x1d: {  	[tilespmem:s3], [sflag:$0x5] =	stream.strided.gather [hbm4b:s0+s12], $0x1900, s22, s12, $0x38;
	[tilespmem:$0x15900] =	vst v63  }
0x1e: {  	_ =	swait.ge [sflag:s13], $0x1900  }
0x1f: {  	[sflag:s13] =	ssyncset.done $0x0  }
0x20: {  	s15 =	simm.s32 $0x1900;
	[sflag:s13] =	ssyncadd.s32 $0xFFFFE700  }
0x21: {  	[tilespmem:s15], [sflag:$0x1] =	stream.indirect.gather [hbm4b:s4+s12], $0x20, s3, s12, $0xb8;
	[tilespmem:$0x15900] =	vst v63  }
0x22: {  	s16 =	simm.s32 $0x2900  }
0x23: {  	[tilespmem:s16], [sflag:$0x1] =	stream.indirect.gather [hbm4b:s4+s12], $0x20, s12, s12, $0xb8;
	[tilespmem:$0x15900] =	vst v63  }
0x24: {  	s17 =	simm.s32 $0x100;
	s18 =	simm.s32 $0x3900  }
0x25: {  	[tilespmem:s18], [sflag:$0x1] =	stream.indirect.gather [hbm4b:s4+s12], $0x20, s17, s12, $0xb8;
	[tilespmem:$0x15900] =	vst v63  }
0x26: {  	s19 =	simm.s32 $0x180;
	s20 =	simm.s32 $0x4900  }
0x27: {  	[tilespmem:s20], [sflag:$0x1] =	stream.indirect.gather [hbm4b:s4+s12], $0x20, s19, s12, $0xb8;
	[tilespmem:$0x15900] =	vst v63  }
0x28: {  	s21 =	simm.s32 $0x200;
	s22 =	simm.s32 $0x5900;
	s0 =	simm.s32 $0x0  }
0x29: {  	[tilespmem:s22], [sflag:$0x1] =	stream.indirect.gather [hbm4b:s4+s12], $0x20, s21, s12, $0xb8;
	[tilespmem:$0x15900] =	vst v63  }
.LBB2_2:
0x2a: {  	s1 =	smul.u32 $0xA, s0;
	_ =	sdelay $0x1  }
0x2b: {  	s15 =	smul.u32 $0x1400, s0;
	s1 =	sadd.s32 $0x5, s1  }
0x2c: {  	s13 =	sshll.u32 s1, $0x7  }
0x2d: {  	s16 =	simm.s32 $0x6900;
	s15 =	sshra.s32 s15, $0x2;
	s13 =	sand.u32 $0x3FFFFF80, s13  }
0x2e: {  	[tilespmem:s16], [sflag:$0x2] =	stream.indirect.gather [hbm4b:s4+s12], $0x20, s13, s12, $0xb8;
	[tilespmem:$0x15900] =	vst v63  }
0x2f: {  	s22 =	simm.s32 $0x7900;
	s21 =	sadd.s32 $0x300, s15  }
0x30: {  	[tilespmem:s22], [sflag:$0x2] =	stream.indirect.gather [hbm4b:s4+s12], $0x20, s21, s12, $0xb8;
	[tilespmem:$0x15900] =	vst v63  }
0x31: {  	s17 =	simm.s32 $0x8900;
	s16 =	sadd.s32 $0x380, s15  }
0x32: {  	[tilespmem:s17], [sflag:$0x2] =	stream.indirect.gather [hbm4b:s4+s12], $0x20, s16, s12, $0xb8;
	[tilespmem:$0x15900] =	vst v63  }
0x33: {  	s19 =	simm.s32 $0x9900;
	s18 =	sadd.s32 $0x400, s15  }
0x34: {  	[tilespmem:s19], [sflag:$0x2] =	stream.indirect.gather [hbm4b:s4+s12], $0x20, s18, s12, $0xb8;
	[tilespmem:$0x15900] =	vst v63  }
0x35: {  	s20 =	sadd.s32 $0x480, s15;
	s21 =	simm.s32 $0xA900  }
0x36: {  	[tilespmem:s21], [sflag:$0x2] =	stream.indirect.gather [hbm4b:s4+s12], $0x20, s20, s12, $0xb8;
	[tilespmem:$0x15900] =	vst v63  }
0x37: {  	_ =	swait.ge [sflag:s29], $0x1000  }
0x38: {  	[sflag:s29] =	ssyncset.done $0x0  }
0x39: {  	[sflag:s29] =	ssyncadd.s32 $0xFFFFF000  }
0x3a: {  	_ =	swait.ge [sflag:s29], $0x1000  }
0x3b: {  	[sflag:s29] =	ssyncset.done $0x0  }
0x3c: {  	[sflag:s29] =	ssyncadd.s32 $0xFFFFF000  }
0x3d: {  	_ =	swait.ge [sflag:s29], $0x1000  }
0x3e: {  	[sflag:s29] =	ssyncset.done $0x0  }
0x3f: {  	[sflag:s29] =	ssyncadd.s32 $0xFFFFF000  }
0x40: {  	_ =	swait.ge [sflag:s29], $0x1000  }
0x41: {  	[sflag:s29] =	ssyncset.done $0x0  }
0x42: {  	[sflag:s29] =	ssyncadd.s32 $0xFFFFF000  }
0x43: {  	_ =	swait.ge [sflag:s29], $0x1000  }
0x44: {  	p0 =	seq.s32 s0, $0x0;
	[sflag:s29] =	ssyncset.done $0x0  }
0x45: {  	s16 =	simm.s32 @!p0 $0x3;
	[sflag:s29] =	ssyncadd.s32 $0xFFFFF000  }
0x46: {  	_ =	swait.ge @!p0 [sflag:s16], $0x400  }
0x47: {  	[sflag:s16] =	ssyncset.done @!p0 $0x0  }
0x48: {  	[sflag:s16] =	ssyncadd.s32 @!p0 $0xFFFFFC00  }
0x49: {  	_ =	swait.ge @!p0 [sflag:s16], $0x400  }
0x4a: {  	[sflag:s16] =	ssyncset.done @!p0 $0x0  }
0x4b: {  	[sflag:s16] =	ssyncadd.s32 @!p0 $0xFFFFFC00  }
0x4c: {  	_ =	swait.ge @!p0 [sflag:s16], $0x400  }
0x4d: {  	[sflag:s16] =	ssyncset.done @!p0 $0x0  }
0x4e: {  	[sflag:s16] =	ssyncadd.s32 @!p0 $0xFFFFFC00  }
0x4f: {  	_ =	swait.ge @!p0 [sflag:s16], $0x400  }
0x50: {  	[sflag:s16] =	ssyncset.done @!p0 $0x0  }
0x51: {  	[sflag:s16] =	ssyncadd.s32 @!p0 $0xFFFFFC00  }
0x52: {  	_ =	swait.ge @!p0 [sflag:s16], $0x400  }
0x53: {  	[sflag:s16] =	ssyncset.done @!p0 $0x0  }
0x54: {  	[sflag:s16] =	ssyncadd.s32 @!p0 $0xFFFFFC00  }
0x55: {  	_ =	swait.ge @!p0 [sflag:s16], $0x400  }
0x56: {  	[sflag:s16] =	ssyncset.done @!p0 $0x0  }
0x57: {  	[sflag:s16] =	ssyncadd.s32 @!p0 $0xFFFFFC00  }
0x58: {  	_ =	swait.ge @!p0 [sflag:s16], $0x400  }
0x59: {  	[sflag:s16] =	ssyncset.done @!p0 $0x0  }
0x5a: {  	[sflag:s16] =	ssyncadd.s32 @!p0 $0xFFFFFC00  }
0x5b: {  	_ =	swait.ge @!p0 [sflag:s16], $0x400  }
0x5c: {  	[sflag:s16] =	ssyncset.done @!p0 $0x0  }
0x5d: {  	[sflag:s16] =	ssyncadd.s32 @!p0 $0xFFFFFC00  }
0x5e: {  	_ =	swait.ge @!p0 [sflag:s16], $0x400  }
0x5f: {  	[sflag:s16] =	ssyncset.done @!p0 $0x0  }
0x60: {  	[sflag:s16] =	ssyncadd.s32 @!p0 $0xFFFFFC00  }
0x61: {  	_ =	swait.ge @!p0 [sflag:s16], $0x400  }
0x62: {  	[sflag:s16] =	ssyncset.done @!p0 $0x0  }
0x63: {  	[sflag:s16] =	ssyncadd.s32 @!p0 $0xFFFFFC00  }
0x64: {  	_ =	swait.ge @!p0 [sflag:s16], $0x400  }
0x65: {  	[sflag:s16] =	ssyncset.done @!p0 $0x0  }
0x66: {  	[sflag:s16] =	ssyncadd.s32 @!p0 $0xFFFFFC00  }
0x67: {  	_ =	swait.ge @!p0 [sflag:s16], $0x400  }
0x68: {  	[sflag:s16] =	ssyncset.done @!p0 $0x0  }
0x69: {  	[sflag:s16] =	ssyncadd.s32 @!p0 $0xFFFFFC00  }
0x6a: {  	_ =	swait.ge @!p0 [sflag:s16], $0x400  }
0x6b: {  	[sflag:s16] =	ssyncset.done @!p0 $0x0  }
0x6c: {  	[sflag:s16] =	ssyncadd.s32 @!p0 $0xFFFFFC00  }
0x6d: {  	_ =	swait.ge @!p0 [sflag:s16], $0x400  }
0x6e: {  	[sflag:s16] =	ssyncset.done @!p0 $0x0  }
0x6f: {  	[sflag:s16] =	ssyncadd.s32 @!p0 $0xFFFFFC00  }
0x70: {  	_ =	swait.ge @!p0 [sflag:s16], $0x400  }
0x71: {  	[sflag:s16] =	ssyncset.done @!p0 $0x0  }
0x72: {  	[sflag:s16] =	ssyncadd.s32 @!p0 $0xFFFFFC00  }
0x73: {  	_ =	swait.ge @!p0 [sflag:s16], $0x400  }
0x74: {  	[sflag:s16] =	ssyncset.done @!p0 $0x0  }
0x75: {  	[sflag:s16] =	ssyncadd.s32 @!p0 $0xFFFFFC00  }
0x76: {  	_ =	swait.ge @!p0 [sflag:s16], $0x400  }
0x77: {  	[sflag:s16] =	ssyncset.done @!p0 $0x0  }
0x78: {  	[sflag:s16] =	ssyncadd.s32 @!p0 $0xFFFFFC00  }
0x79: {  	_ =	swait.ge @!p0 [sflag:s16], $0x400  }
0x7a: {  	[sflag:s16] =	ssyncset.done @!p0 $0x0  }
0x7b: {  	[sflag:s16] =	ssyncadd.s32 @!p0 $0xFFFFFC00  }
0x7c: {  	_ =	swait.ge @!p0 [sflag:s16], $0x400  }
0x7d: {  	s13 =	simm.s32 $0x0;
	[sflag:s16] =	ssyncset.done @!p0 $0x0  }
0x7e: {  	s17 =	simm.s32 $0x0;
	s18 =	sand.u32 $0x70, s13;
	[sflag:s16] =	ssyncadd.s32 @!p0 $0xFFFFFC00  }
0x7f: {  	s19 =	sand.u32 $0x1FFFF000, s17;
	s22 =	sshll.u32 s18, $0x5;
	_ =	swait.ge @!p0 [sflag:s16], $0x400  }
0x80: {  	s20 =	sand.u32 $0x10, s13;
	s17 =	sor.u32 s22, s19;
	[sflag:s16] =	ssyncset.done @!p0 $0x0  }
0x81: {  	s22 =	sor.u32 s20, s17;
	[sflag:s16] =	ssyncadd.s32 @!p0 $0xFFFFFC00  }
0x82: {  	v10 =	vld [tilespmem:s22+$0x1900]  }
0x83: {  	v8 =	vld [tilespmem:s22+$0x1920]  }
0x84: {  	v9 =	vld [tilespmem:s22+$0x1940]  }
0x85: {  	v7 =	vld [tilespmem:s22+$0x1960]  }
0x86: {  	s17 =	simm.s32 $0x0;
	s16 =	simm.s32 $0x400;
	v11 =	vld [tilespmem:s22+$0x1980]  }
.LBB2_3:
0x87: {  	p1 =	sne.s32 s16, $0x13C00;
	v12 =	vld [tilespmem:s22+$0x19A0]  }
0x88: {  	v13 =	vld [tilespmem:s22+$0x19C0];
	v14 =	vperm.xlane v8, v0  }
0x89: {  	v15 =	vld [tilespmem:s22+$0x19E0]  }
0x8a: {  	v16 =	vld [tilespmem:s22+$0x1A00];
	v14 =	vsel vm0, v10, v14;
	v17 =	vperm.xlane v7, v0  }
0x8b: {  	v18 =	vld [tilespmem:s22+$0x1A40];
	v19 =	vperm.xlane v14, v3  }
0x8c: {  	v20 =	vld [tilespmem:s22+$0x1A80];
	v17 =	vsel vm0, v9, v17;
	v21 =	vperm.xlane v12, v0  }
0x8d: {  	v22 =	vld [tilespmem:s22+$0x1AC0];
	v23 =	vperm.xlane v17, v2;
	v17 =	vsel vm1, v19, v17  }
0x8e: {  	v10 =	vperm.xlane v10, v1;
	v19 =	vld [tilespmem:s22+$0x1A20];
	v21 =	vsel vm0, v11, v21;
	v24 =	vperm.xlane v15, v0  }
0x8f: {  	v9 =	vperm.xlane v9, v1;
	v11 =	vperm.xlane v11, v1;
	v25 =	vld [tilespmem:s22+$0x1A60];
	v14 =	vsel vm1, v14, v23  }
0x90: {  	v26 =	vperm.xlane v16, v1;
	v23 =	vld [tilespmem:s22+$0x1AA0];
	v24 =	vsel vm0, v13, v24;
	v13 =	vperm.xlane v13, v1  }
0x91: {  	v8 =	vsel vm0, v10, v8;
	v10 =	vperm.xlane v18, v1;
	v27 =	vperm.xlane v20, v1  }
0x92: {  	v29 =	vperm.xlane v8, v3;
	v9 =	vsel vm0, v9, v7;
	v28 =	vld [tilespmem:s22+$0x1AE0];
	v7 =	vperm.xlane v22, v1  }
0x93: {  	v11 =	vsel vm0, v11, v12;
	v12 =	vsel vm0, v13, v15;
	v13 =	vsel vm0, v26, v19  }
0x94: {  	v15 =	vsel vm1, v29, v9;
	v26 =	vperm.xlane v11, v3;
	v29 =	vperm.xlane v13, v3  }
0x95: {  	v30 =	vperm.xlane v15, v5;
	v10 =	vsel vm0, v10, v25;
	v27 =	vsel vm0, v27, v23  }
0x96: {  	v26 =	vsel vm1, v26, v12;
	v29 =	vsel vm1, v29, v10;
	v31 =	vperm.xlane v27, v3  }
0x97: {  	v32 =	vsel vm0, v7, v28;
	v7 =	vsel vm2, v30, v26;
	v30 =	vperm.xlane v29, v5  }
0x98: {  	s20 =	sshll.u32 s20, $0x7;
	v19 =	vperm.xlane v19, v0;
	v31 =	vsel vm1, v31, v32;
	v33 =	vperm.xlane v7, v6  }
0x99: {  	s19 =	sor.u32 s20, s19;
	v25 =	vperm.xlane v25, v0;
	v23 =	vperm.xlane v23, v0;
	v30 =	vsel vm2, v30, v31  }
0x9a: {  	s21 =	sor.u32 s18, s19;
	v16 =	vsel vm0, v16, v19;
	v19 =	vperm.xlane v28, v0;
	v28 =	vsel vm3, v33, v30  }
0x9b: {  	v9 =	vperm.xlane v9, v2;
	v18 =	vsel vm0, v18, v25;
	v20 =	vsel vm0, v20, v23;
	[tilespmem:s21+$0xC080] =	vst v28  }
0x9c: {  	v23 =	vperm.xlane v21, v3;
	v19 =	vsel vm0, v22, v19;
	v22 =	vperm.xlane v24, v2  }
0x9d: {  	v8 =	vsel vm1, v8, v9;
	v9 =	vperm.xlane v12, v2;
	v12 =	vperm.xlane v18, v2  }
0x9e: {  	v10 =	vperm.xlane v10, v2;
	v21 =	vsel vm1, v21, v22;
	v22 =	vperm.xlane v16, v3  }
0x9f: {  	v25 =	vperm.xlane v20, v3;
	v23 =	vsel vm1, v23, v24;
	v24 =	vperm.xlane v19, v2  }
0xa0: {  	v9 =	vsel vm1, v11, v9;
	v11 =	vsel vm1, v16, v12;
	v12 =	vperm.xlane v32, v2  }
0xa1: {  	v10 =	vsel vm1, v13, v10;
	v13 =	vsel vm1, v20, v24;
	v16 =	vsel vm1, v22, v18  }
0xa2: {  	v12 =	vsel vm1, v27, v12;
	v18 =	vsel vm1, v25, v19;
	v19 =	vperm.xlane v21, v4  }
0xa3: {  	v20 =	vperm.xlane v14, v5;
	v22 =	vperm.xlane v9, v4  }
0xa4: {  	v24 =	vperm.xlane v23, v4;
	v14 =	vsel vm2, v14, v19;
	v19 =	vperm.xlane v8, v5  }
0xa5: {  	v25 =	vperm.xlane v26, v4;
	v20 =	vsel vm2, v20, v21;
	v21 =	vperm.xlane v17, v5  }
0xa6: {  	v26 =	vperm.xlane v11, v5;
	v8 =	vsel vm2, v8, v22;
	v22 =	vperm.xlane v13, v4  }
0xa7: {  	v27 =	vperm.xlane v10, v5;
	v9 =	vsel vm2, v19, v9;
	v19 =	vperm.xlane v12, v4  }
0xa8: {  	v17 =	vsel vm2, v17, v24;
	v24 =	vperm.xlane v18, v4;
	v28 =	vperm.xlane v16, v5  }
0xa9: {  	v15 =	vsel vm2, v15, v25;
	v21 =	vsel vm2, v21, v23;
	v23 =	vperm.xlane v31, v4  }
0xaa: {  	v13 =	vsel vm2, v26, v13;
	v11 =	vsel vm2, v11, v22;
	v10 =	vsel vm2, v10, v19  }
0xab: {  	v16 =	vsel vm2, v16, v24;
	v18 =	vsel vm2, v28, v18;
	v12 =	vsel vm2, v27, v12  }
0xac: {  	v22 =	vperm.xlane v11, v6;
	v19 =	vsel vm2, v29, v23;
	v23 =	vperm.xlane v14, v6  }
0xad: {  	v25 =	vperm.xlane v8, v6;
	v24 =	vperm.xlane v10, v6  }
0xae: {  	v26 =	vperm.xlane v17, v6;
	v14 =	vsel vm3, v14, v22;
	v22 =	vperm.xlane v16, v6  }
0xaf: {  	v27 =	vperm.xlane v15, v6;
	v11 =	vsel vm3, v23, v11;
	v23 =	vperm.xlane v19, v6;
	[tilespmem:s21+$0xB900] =	vst v14  }
0xb0: {  	v8 =	vsel vm3, v8, v24;
	v24 =	vperm.xlane v20, v6;
	v14 =	vperm.xlane v13, v6;
	[tilespmem:s21+$0xBD00] =	vst v11  }
0xb1: {  	v10 =	vsel vm3, v25, v10;
	v25 =	vperm.xlane v9, v6;
	v11 =	vperm.xlane v12, v6;
	[tilespmem:s21+$0xB980] =	vst v8  }
0xb2: {  	v8 =	vsel vm3, v17, v22;
	v17 =	vperm.xlane v18, v6;
	v22 =	vperm.xlane v21, v6;
	[tilespmem:s21+$0xBD80] =	vst v10  }
0xb3: {  	v15 =	vsel vm3, v15, v23;
	v10 =	vsel vm3, v26, v16;
	v16 =	vperm.xlane v30, v6;
	[tilespmem:s21+$0xBA00] =	vst v8  }
0xb4: {  	v13 =	vsel vm3, v24, v13;
	v14 =	vsel vm3, v20, v14;
	v8 =	vsel vm3, v27, v19;
	[tilespmem:s21+$0xBA80] =	vst v15  }
0xb5: {  	v9 =	vsel vm3, v9, v11;
	v11 =	vsel vm3, v25, v12;
	v12 =	vsel vm3, v21, v17;
	[tilespmem:s21+$0xBB00] =	vst v14  }
0xb6: {  	v7 =	vsel vm3, v7, v16;
	v14 =	vsel vm3, v22, v18;
	[tilespmem:s21+$0xBB80] =	vst v9  }
0xb7: {  	[tilespmem:s21+$0xBC00] =	vst v12  }
0xb8: {  	[tilespmem:s21+$0xBC80] =	vst v7  }
0xb9: {  	s13 =	sadd.s32 $0x10, s13;
	[tilespmem:s21+$0xBE00] =	vst v10  }
0xba: {  	s18 =	sand.u32 $0x70, s13;
	s19 =	sshrl.u32 s16, $0x2;
	[tilespmem:s21+$0xBE80] =	vst v8  }
0xbb: {  	s17 =	sadd.s32 $0x2, s17;
	s19 =	sand.u32 $0x1FFFF000, s19;
	s22 =	sshll.u32 s18, $0x5;
	[tilespmem:s21+$0xBF00] =	vst v13  }
0xbc: {  	s20 =	sand.u32 $0x10, s17;
	s22 =	sor.u32 s22, s19;
	[tilespmem:s21+$0xBF80] =	vst v11  }
0xbd: {  	s22 =	sor.u32 s20, s22;
	[tilespmem:s21+$0xC000] =	vst v14  }
.Ltmp0:
0xbe: {  	v10 =	vld [tilespmem:s22+$0x1900];
	(pc) =	sbr.rel @p1 .LBB2_3-.Ltmp0, $4  }
0xbf: {  	v8 =	vld [tilespmem:s22+$0x1920]  }
0xc0: {  	v9 =	vld [tilespmem:s22+$0x1940]  }
0xc1: {  	v7 =	vld [tilespmem:s22+$0x1960]  }
0xc2: {  	s16 =	sadd.s32 $0x400, s16;
	v11 =	vld [tilespmem:s22+$0x1980]  }
0xc3: {  	v12 =	vld [tilespmem:s22+$0x19A0]  }
0xc4: {  	v15 =	vld [tilespmem:s22+$0x19E0]  }
0xc5: {  	v16 =	vld [tilespmem:s22+$0x1A00]  }
0xc6: {  	v18 =	vld [tilespmem:s22+$0x1A40];
	v14 =	vperm.xlane v8, v0  }
0xc7: {  	v20 =	vld [tilespmem:s22+$0x1A80]  }
0xc8: {  	v13 =	vld [tilespmem:s22+$0x19C0];
	v14 =	vsel vm0, v10, v14;
	v17 =	vperm.xlane v7, v0;
	v10 =	vperm.xlane v10, v1  }
0xc9: {  	v22 =	vld [tilespmem:s22+$0x1AC0];
	v19 =	vperm.xlane v14, v3;
	v21 =	vperm.xlane v12, v0  }
0xca: {  	v25 =	vld [tilespmem:s22+$0x1A60];
	v17 =	vsel vm0, v9, v17;
	v24 =	vperm.xlane v15, v0;
	v9 =	vperm.xlane v9, v1  }
0xcb: {  	v26 =	vperm.xlane v16, v1;
	v8 =	vsel vm0, v10, v8;
	v10 =	vperm.xlane v18, v1  }
0xcc: {  	v28 =	vld [tilespmem:s22+$0x1AE0];
	v27 =	vperm.xlane v20, v1;
	v23 =	vperm.xlane v17, v2;
	v17 =	vsel vm1, v19, v17  }
0xcd: {  	v19 =	vld [tilespmem:s22+$0x1A20];
	v29 =	vperm.xlane v8, v3;
	v21 =	vsel vm0, v11, v21;
	v11 =	vperm.xlane v11, v1  }
0xce: {  	v24 =	vsel vm0, v13, v24;
	v13 =	vperm.xlane v13, v1;
	v7 =	vsel vm0, v9, v7  }
0xcf: {  	v9 =	vperm.xlane v22, v1;
	v10 =	vsel vm0, v10, v25;
	v14 =	vsel vm1, v14, v23;
	v23 =	vld [tilespmem:s22+$0x1AA0]  }
0xd0: {  	v25 =	vperm.xlane v25, v0;
	v11 =	vsel vm0, v11, v12;
	v12 =	vsel vm0, v13, v15  }
0xd1: {  	v15 =	vsel vm1, v29, v7;
	v9 =	vsel vm0, v9, v28;
	v7 =	vperm.xlane v7, v2  }
0xd2: {  	v18 =	vsel vm0, v18, v25;
	v30 =	vperm.xlane v15, v5;
	v13 =	vsel vm0, v26, v19  }
0xd3: {  	v26 =	vperm.xlane v11, v3;
	v19 =	vperm.xlane v19, v0;
	v7 =	vsel vm1, v8, v7  }
0xd4: {  	v8 =	vperm.xlane v12, v2;
	v29 =	vperm.xlane v13, v3;
	v27 =	vsel vm0, v27, v23  }
0xd5: {  	v26 =	vsel vm1, v26, v12;
	v23 =	vperm.xlane v23, v0;
	v16 =	vsel vm0, v16, v19  }
0xd6: {  	v19 =	vperm.xlane v28, v0;
	v12 =	vperm.xlane v18, v2;
	v29 =	vsel vm1, v29, v10  }
0xd7: {  	v31 =	vperm.xlane v27, v3;
	v30 =	vsel vm2, v30, v26;
	v10 =	vperm.xlane v10, v2  }
0xd8: {  	v8 =	vsel vm1, v11, v8;
	v32 =	vperm.xlane v29, v5;
	v33 =	vperm.xlane v30, v6  }
0xd9: {  	v20 =	vsel vm0, v20, v23;
	v19 =	vsel vm0, v22, v19;
	v22 =	vperm.xlane v24, v2  }
0xda: {  	v23 =	vperm.xlane v21, v3;
	v11 =	vsel vm1, v16, v12;
	v31 =	vsel vm1, v31, v9  }
0xdb: {  	v25 =	vperm.xlane v20, v3;
	v9 =	vperm.xlane v9, v2;
	v10 =	vsel vm1, v13, v10  }
0xdc: {  	v21 =	vsel vm1, v21, v22;
	v22 =	vperm.xlane v16, v3;
	v23 =	vsel vm1, v23, v24  }
0xdd: {  	v24 =	vperm.xlane v19, v2;
	v16 =	vsel vm1, v25, v19;
	v19 =	vperm.xlane v14, v5  }
0xde: {  	v9 =	vsel vm1, v27, v9;
	v27 =	vperm.xlane v10, v5;
	v12 =	vsel vm1, v22, v18  }
0xdf: {  	v13 =	vsel vm1, v20, v24;
	v18 =	vperm.xlane v21, v4;
	v20 =	vperm.xlane v8, v4  }
0xe0: {  	v32 =	vsel vm2, v32, v31;
	v22 =	vperm.xlane v7, v5;
	v24 =	vperm.xlane v17, v5  }
0xe1: {  	v63 =	vperm.xlane v16, v4;
	v19 =	vsel vm2, v19, v21;
	v21 =	vperm.xlane v26, v4  }
0xe2: {  	v28 =	vsel vm3, v33, v32;
	v25 =	vperm.xlane v13, v4;
	v26 =	vperm.xlane v9, v4  }
0xe3: {  	v14 =	vsel vm2, v14, v18;
	v18 =	vperm.xlane v23, v4;
	v7 =	vsel vm2, v7, v20  }
0xe4: {  	s13 =	sshll.u32 s20, $0x7;
	v20 =	vperm.xlane v11, v5;
	v11 =	vsel vm2, v11, v25;
	v15 =	vsel vm2, v15, v21  }
0xe5: {  	s13 =	sor.u32 s13, s19;
	v10 =	vsel vm2, v10, v26;
	v21 =	vperm.xlane v14, v6;
	v26 =	vperm.xlane v31, v4  }
0xe6: {  	s16 =	sor.u32 s18, s13;
	v17 =	vsel vm2, v17, v18;
	v18 =	vperm.xlane v12, v5;
	v25 =	vperm.xlane v11, v6  }
0xe7: {  	[tilespmem:s16+$0xC080] =	vst v28;
	v28 =	vperm.xlane v10, v6;
	v12 =	vsel vm2, v12, v63;
	v11 =	vsel vm3, v21, v11  }
0xe8: {  	v21 =	vperm.xlane v12, v6;
	v14 =	vsel vm3, v14, v25;
	v25 =	vperm.xlane v7, v6;
	[tilespmem:s16+$0xBD00] =	vst v11  }
0xe9: {  	v7 =	vsel vm3, v7, v28;
	v11 =	vsel vm2, v20, v13;
	[tilespmem:s16+$0xB900] =	vst v14;
	v14 =	vsel vm2, v29, v26  }
0xea: {  	[tilespmem:s16+$0xB980] =	vst v7;
	v7 =	vsel vm2, v27, v9;
	v9 =	vperm.xlane v11, v6;
	v20 =	vsel vm3, v17, v21  }
0xeb: {  	v13 =	vperm.xlane v14, v6;
	v10 =	vsel vm3, v25, v10;
	[tilespmem:s16+$0xBA00] =	vst v20  }
0xec: {  	[tilespmem:s16+$0xBD80] =	vst v10;
	v10 =	vsel vm2, v18, v16;
	v16 =	vperm.xlane v7, v6;
	v9 =	vsel vm3, v19, v9  }
0xed: {  	v8 =	vsel vm2, v22, v8;
	v13 =	vsel vm3, v15, v13;
	v18 =	vperm.xlane v10, v6;
	[tilespmem:s16+$0xBB00] =	vst v9  }
0xee: {  	v20 =	vperm.xlane v32, v6;
	[tilespmem:s16+$0xBA80] =	vst v13;
	v13 =	vsel vm2, v24, v23;
	v16 =	vsel vm3, v8, v16  }
0xef: {  	v9 =	vperm.xlane v17, v6;
	v17 =	vsel vm3, v13, v18;
	[tilespmem:s16+$0xBB80] =	vst v16  }
0xf0: {  	v15 =	vperm.xlane v15, v6;
	v16 =	vsel vm3, v30, v20;
	[tilespmem:s16+$0xBC00] =	vst v17  }
0xf1: {  	v8 =	vperm.xlane v8, v6;
	v9 =	vsel vm3, v9, v12;
	[tilespmem:s16+$0xBC80] =	vst v16  }
0xf2: {  	v12 =	vsel vm3, v15, v14;
	v17 =	vperm.xlane v19, v6;
	[tilespmem:s16+$0xBE00] =	vst v9  }
0xf3: {  	s13 =	smul.u32 $0x28000, s0;
	v9 =	vperm.xlane v13, v6;
	[tilespmem:s16+$0xBE80] =	vst v12;
	v7 =	vsel vm3, v8, v7  }
0xf4: {  	[tilespmem:s16+$0xBF80] =	vst v7;
	v11 =	vsel vm3, v17, v11  }
0xf5: {  	s17 =	sor.u32 s6, s13;
	v8 =	vsel vm3, v9, v10;
	[tilespmem:s16+$0xBF00] =	vst v11  }
0xf6: {  	s20 =	simm.s32 $0xB900;
	s19 =	sadd.s32 s2, s17;
	[tilespmem:s16+$0xC000] =	vst v8  }
0xf7: {  	[hbm4b:s19+s3] =	stream.linear.scatter [tilespmem:s20], [sflag:$0x3], $0x400, $0x38;
	[tilespmem:$0x15900] =	vst v63  }
0xf8: {  	s21 =	sadd.s32 s17, s7;
	s22 =	simm.s32 $0xBD00  }
0xf9: {  	[hbm4b:s21+s3] =	stream.linear.scatter [tilespmem:s22], [sflag:$0x3], $0x400, $0x38;
	[tilespmem:$0x15900] =	vst v63  }
0xfa: {  	s19 =	sadd.s32 s17, s8;
	s20 =	simm.s32 $0xC100  }
0xfb: {  	[hbm4b:s19+s3] =	stream.linear.scatter [tilespmem:s20], [sflag:$0x3], $0x400, $0x38;
	[tilespmem:$0x15900] =	vst v63  }
0xfc: {  	s16 =	sor.u32 s11, s13;
	s21 =	sadd.s32 s17, s9;
	s22 =	simm.s32 $0xC500  }
0xfd: {  	[hbm4b:s21+s3] =	stream.linear.scatter [tilespmem:s22], [sflag:$0x3], $0x400, $0x38;
	[tilespmem:$0x15900] =	vst v63  }
0xfe: {  	s19 =	sadd.s32 s2, s16;
	s20 =	simm.s32 $0xC900  }
0xff: {  	[hbm4b:s19+s3] =	stream.linear.scatter [tilespmem:s20], [sflag:$0x3], $0x400, $0x38;
	[tilespmem:$0x15900] =	vst v63  }
0x100: {  	s21 =	sadd.s32 s16, s7;
	s22 =	simm.s32 $0xCD00  }
0x101: {  	[hbm4b:s21+s3] =	stream.linear.scatter [tilespmem:s22], [sflag:$0x3], $0x400, $0x38;
	[tilespmem:$0x15900] =	vst v63  }
0x102: {  	s20 =	sadd.s32 s16, s8;
	s21 =	simm.s32 $0xD100  }
0x103: {  	[hbm4b:s20+s3] =	stream.linear.scatter [tilespmem:s21], [sflag:$0x3], $0x400, $0x38;
	[tilespmem:$0x15900] =	vst v63  }
0x104: {  	s16 =	sadd.s32 s16, s9;
	s22 =	simm.s32 $0xD500  }
0x105: {  	[hbm4b:s16+s3] =	stream.linear.scatter [tilespmem:s22], [sflag:$0x3], $0x400, $0x38;
	[tilespmem:$0x15900] =	vst v63  }
0x106: {  	s16 =	sadd.s32 $0x8000, s17  }
0x107: {  	s20 =	simm.s32 $0xD900;
	s19 =	sadd.s32 s2, s16  }
0x108: {  	[hbm4b:s19+s3] =	stream.linear.scatter [tilespmem:s20], [sflag:$0x3], $0x400, $0x38;
	[tilespmem:$0x15900] =	vst v63  }
0x109: {  	s22 =	simm.s32 $0xDD00;
	s21 =	sadd.s32 s16, s7  }
0x10a: {  	[hbm4b:s21+s3] =	stream.linear.scatter [tilespmem:s22], [sflag:$0x3], $0x400, $0x38;
	[tilespmem:$0x15900] =	vst v63  }
0x10b: {  	s20 =	sadd.s32 s16, s8;
	s21 =	simm.s32 $0xE100  }
0x10c: {  	[hbm4b:s20+s3] =	stream.linear.scatter [tilespmem:s21], [sflag:$0x3], $0x400, $0x38;
	[tilespmem:$0x15900] =	vst v63  }
0x10d: {  	s16 =	sadd.s32 s16, s9;
	s22 =	simm.s32 $0xE500  }
0x10e: {  	[hbm4b:s16+s3] =	stream.linear.scatter [tilespmem:s22], [sflag:$0x3], $0x400, $0x38;
	[tilespmem:$0x15900] =	vst v63  }
0x10f: {  	s16 =	sadd.s32 $0xC000, s17  }
0x110: {  	s20 =	simm.s32 $0xE900;
	s19 =	sadd.s32 s2, s16  }
0x111: {  	[hbm4b:s19+s3] =	stream.linear.scatter [tilespmem:s20], [sflag:$0x3], $0x400, $0x38;
	[tilespmem:$0x15900] =	vst v63  }
0x112: {  	s22 =	simm.s32 $0xED00;
	s21 =	sadd.s32 s16, s7  }
0x113: {  	[hbm4b:s21+s3] =	stream.linear.scatter [tilespmem:s22], [sflag:$0x3], $0x400, $0x38;
	[tilespmem:$0x15900] =	vst v63  }
0x114: {  	s19 =	sadd.s32 s16, s8;
	s20 =	simm.s32 $0xF100  }
0x115: {  	[hbm4b:s19+s3] =	stream.linear.scatter [tilespmem:s20], [sflag:$0x3], $0x400, $0x38;
	[tilespmem:$0x15900] =	vst v63  }
0x116: {  	s16 =	sadd.s32 s16, s9;
	s21 =	simm.s32 $0xF500  }
0x117: {  	[hbm4b:s16+s3] =	stream.linear.scatter [tilespmem:s21], [sflag:$0x3], $0x400, $0x38;
	[tilespmem:$0x15900] =	vst v63  }
0x118: {  	s16 =	sadd.s32 $0x10000, s17  }
0x119: {  	s22 =	simm.s32 $0xF900;
	s17 =	sadd.s32 s2, s16  }
0x11a: {  	[hbm4b:s17+s3] =	stream.linear.scatter [tilespmem:s22], [sflag:$0x3], $0x400, $0x38;
	[tilespmem:$0x15900] =	vst v63  }
0x11b: {  	s20 =	simm.s32 $0xFD00;
	s19 =	sadd.s32 s16, s7  }
0x11c: {  	[hbm4b:s19+s3] =	stream.linear.scatter [tilespmem:s20], [sflag:$0x3], $0x400, $0x38;
	[tilespmem:$0x15900] =	vst v63  }
0x11d: {  	s21 =	sadd.s32 s16, s8;
	s22 =	simm.s32 $0x10100  }
0x11e: {  	[hbm4b:s21+s3] =	stream.linear.scatter [tilespmem:s22], [sflag:$0x3], $0x400, $0x38;
	[tilespmem:$0x15900] =	vst v63  }
0x11f: {  	p1 =	seq.s32 s0, $0x4;
	s18 =	simm.s32 $0x10500;
	s16 =	sadd.s32 s16, s9  }
0x120: {  	[hbm4b:s16+s3] =	stream.linear.scatter [tilespmem:s18], [sflag:$0x3], $0x400, $0x38;
	[tilespmem:$0x15900] =	vst v63  }
0x121: {  	s17 =	simm.s32 @!p1 $0x80;
	s16 =	sadd.s32 @!p1 $0x500, s15;
	s18 =	simm.s32 @!p1 $0x1900  }
0x122: {  	[tilespmem:s18], [sflag:$0x1] =	stream.indirect.gather @!p1 [hbm4b:s4+s17], $0x20, s16, s17, $0xb8;
	[tilespmem:$0x15900] =	vst v63  }
0x123: {  	s16 =	sadd.s32 @!p1 $0x580, s15;
	s18 =	simm.s32 @!p1 $0x2900  }
0x124: {  	[tilespmem:s18], [sflag:$0x1] =	stream.indirect.gather @!p1 [hbm4b:s4+s17], $0x20, s16, s17, $0xb8;
	[tilespmem:$0x15900] =	vst v63  }
0x125: {  	s16 =	sadd.s32 @!p1 $0x600, s15;
	s18 =	simm.s32 @!p1 $0x3900  }
0x126: {  	[tilespmem:s18], [sflag:$0x1] =	stream.indirect.gather @!p1 [hbm4b:s4+s17], $0x20, s16, s17, $0xb8;
	[tilespmem:$0x15900] =	vst v63  }
0x127: {  	s16 =	sadd.s32 @!p1 $0x680, s15;
	s18 =	simm.s32 @!p1 $0x4900  }
0x128: {  	[tilespmem:s18], [sflag:$0x1] =	stream.indirect.gather @!p1 [hbm4b:s4+s17], $0x20, s16, s17, $0xb8;
	[tilespmem:$0x15900] =	vst v63  }
0x129: {  	s15 =	sadd.s32 @!p1 $0x700, s15;
	s16 =	simm.s32 @!p1 $0x5900  }
0x12a: {  	[tilespmem:s16], [sflag:$0x1] =	stream.indirect.gather @!p1 [hbm4b:s4+s17], $0x20, s15, s17, $0xb8;
	[tilespmem:$0x15900] =	vst v63  }
0x12b: {  	_ =	swait.ge [sflag:s28], $0x1000  }
0x12c: {  	[sflag:s28] =	ssyncset.done $0x0  }
0x12d: {  	[sflag:s28] =	ssyncadd.s32 $0xFFFFF000  }
0x12e: {  	_ =	swait.ge [sflag:s28], $0x1000  }
0x12f: {  	[sflag:s28] =	ssyncset.done $0x0  }
0x130: {  	[sflag:s28] =	ssyncadd.s32 $0xFFFFF000  }
0x131: {  	_ =	swait.ge [sflag:s28], $0x1000  }
0x132: {  	[sflag:s28] =	ssyncset.done $0x0  }
0x133: {  	[sflag:s28] =	ssyncadd.s32 $0xFFFFF000  }
0x134: {  	_ =	swait.ge [sflag:s28], $0x1000  }
0x135: {  	[sflag:s28] =	ssyncset.done $0x0  }
0x136: {  	[sflag:s28] =	ssyncadd.s32 $0xFFFFF000  }
0x137: {  	_ =	swait.ge [sflag:s28], $0x1000  }
0x138: {  	[sflag:s28] =	ssyncset.done $0x0  }
0x139: {  	s16 =	simm.s32 @!p0 $0x4;
	[sflag:s28] =	ssyncadd.s32 $0xFFFFF000  }
0x13a: {  	_ =	swait.ge @!p0 [sflag:s16], $0x400  }
0x13b: {  	[sflag:s16] =	ssyncset.done @!p0 $0x0  }
0x13c: {  	[sflag:s16] =	ssyncadd.s32 @!p0 $0xFFFFFC00  }
0x13d: {  	_ =	swait.ge @!p0 [sflag:s16], $0x400  }
0x13e: {  	[sflag:s16] =	ssyncset.done @!p0 $0x0  }
0x13f: {  	[sflag:s16] =	ssyncadd.s32 @!p0 $0xFFFFFC00  }
0x140: {  	_ =	swait.ge @!p0 [sflag:s16], $0x400  }
0x141: {  	[sflag:s16] =	ssyncset.done @!p0 $0x0  }
0x142: {  	[sflag:s16] =	ssyncadd.s32 @!p0 $0xFFFFFC00  }
0x143: {  	_ =	swait.ge @!p0 [sflag:s16], $0x400  }
0x144: {  	[sflag:s16] =	ssyncset.done @!p0 $0x0  }
0x145: {  	[sflag:s16] =	ssyncadd.s32 @!p0 $0xFFFFFC00  }
0x146: {  	_ =	swait.ge @!p0 [sflag:s16], $0x400  }
0x147: {  	[sflag:s16] =	ssyncset.done @!p0 $0x0  }
0x148: {  	[sflag:s16] =	ssyncadd.s32 @!p0 $0xFFFFFC00  }
0x149: {  	_ =	swait.ge @!p0 [sflag:s16], $0x400  }
0x14a: {  	[sflag:s16] =	ssyncset.done @!p0 $0x0  }
0x14b: {  	[sflag:s16] =	ssyncadd.s32 @!p0 $0xFFFFFC00  }
0x14c: {  	_ =	swait.ge @!p0 [sflag:s16], $0x400  }
0x14d: {  	[sflag:s16] =	ssyncset.done @!p0 $0x0  }
0x14e: {  	[sflag:s16] =	ssyncadd.s32 @!p0 $0xFFFFFC00  }
0x14f: {  	_ =	swait.ge @!p0 [sflag:s16], $0x400  }
0x150: {  	[sflag:s16] =	ssyncset.done @!p0 $0x0  }
0x151: {  	[sflag:s16] =	ssyncadd.s32 @!p0 $0xFFFFFC00  }
0x152: {  	_ =	swait.ge @!p0 [sflag:s16], $0x400  }
0x153: {  	[sflag:s16] =	ssyncset.done @!p0 $0x0  }
0x154: {  	[sflag:s16] =	ssyncadd.s32 @!p0 $0xFFFFFC00  }
0x155: {  	_ =	swait.ge @!p0 [sflag:s16], $0x400  }
0x156: {  	[sflag:s16] =	ssyncset.done @!p0 $0x0  }
0x157: {  	[sflag:s16] =	ssyncadd.s32 @!p0 $0xFFFFFC00  }
0x158: {  	_ =	swait.ge @!p0 [sflag:s16], $0x400  }
0x159: {  	[sflag:s16] =	ssyncset.done @!p0 $0x0  }
0x15a: {  	[sflag:s16] =	ssyncadd.s32 @!p0 $0xFFFFFC00  }
0x15b: {  	_ =	swait.ge @!p0 [sflag:s16], $0x400  }
0x15c: {  	[sflag:s16] =	ssyncset.done @!p0 $0x0  }
0x15d: {  	[sflag:s16] =	ssyncadd.s32 @!p0 $0xFFFFFC00  }
0x15e: {  	_ =	swait.ge @!p0 [sflag:s16], $0x400  }
0x15f: {  	[sflag:s16] =	ssyncset.done @!p0 $0x0  }
0x160: {  	[sflag:s16] =	ssyncadd.s32 @!p0 $0xFFFFFC00  }
0x161: {  	_ =	swait.ge @!p0 [sflag:s16], $0x400  }
0x162: {  	[sflag:s16] =	ssyncset.done @!p0 $0x0  }
0x163: {  	[sflag:s16] =	ssyncadd.s32 @!p0 $0xFFFFFC00  }
0x164: {  	_ =	swait.ge @!p0 [sflag:s16], $0x400  }
0x165: {  	[sflag:s16] =	ssyncset.done @!p0 $0x0  }
0x166: {  	[sflag:s16] =	ssyncadd.s32 @!p0 $0xFFFFFC00  }
0x167: {  	_ =	swait.ge @!p0 [sflag:s16], $0x400  }
0x168: {  	[sflag:s16] =	ssyncset.done @!p0 $0x0  }
0x169: {  	[sflag:s16] =	ssyncadd.s32 @!p0 $0xFFFFFC00  }
0x16a: {  	_ =	swait.ge @!p0 [sflag:s16], $0x400  }
0x16b: {  	[sflag:s16] =	ssyncset.done @!p0 $0x0  }
0x16c: {  	[sflag:s16] =	ssyncadd.s32 @!p0 $0xFFFFFC00  }
0x16d: {  	_ =	swait.ge @!p0 [sflag:s16], $0x400  }
0x16e: {  	[sflag:s16] =	ssyncset.done @!p0 $0x0  }
0x16f: {  	[sflag:s16] =	ssyncadd.s32 @!p0 $0xFFFFFC00  }
0x170: {  	_ =	swait.ge @!p0 [sflag:s16], $0x400  }
0x171: {  	s15 =	simm.s32 $0x0;
	[sflag:s16] =	ssyncset.done @!p0 $0x0  }
0x172: {  	s19 =	simm.s32 $0x0;
	s18 =	sand.u32 $0x70, s15;
	[sflag:s16] =	ssyncadd.s32 @!p0 $0xFFFFFC00  }
0x173: {  	s17 =	sand.u32 $0x1FFFF000, s19;
	s20 =	sshll.u32 s18, $0x5;
	_ =	swait.ge @!p0 [sflag:s16], $0x400  }
0x174: {  	s21 =	sand.u32 $0x10, s15;
	s19 =	sor.u32 s20, s17;
	[sflag:s16] =	ssyncset.done @!p0 $0x0  }
0x175: {  	s19 =	sor.u32 s21, s19;
	[sflag:s16] =	ssyncadd.s32 @!p0 $0xFFFFFC00  }
0x176: {  	v18 =	vld [tilespmem:s19+$0x6AE0]  }
0x177: {  	v7 =	vld [tilespmem:s19+$0x6940]  }
0x178: {  	v8 =	vld [tilespmem:s19+$0x6980]  }
0x179: {  	v11 =	vld [tilespmem:s19+$0x6AA0]  }
0x17a: {  	v9 =	vld [tilespmem:s19+$0x69A0]  }
0x17b: {  	v14 =	vld [tilespmem:s19+$0x6A80]  }
0x17c: {  	v10 =	vld [tilespmem:s19+$0x69E0]  }
0x17d: {  	v13 =	vld [tilespmem:s19+$0x6920]  }
0x17e: {  	v16 =	vld [tilespmem:s19+$0x6AC0]  }
0x17f: {  	v12 =	vperm.xlane v8, v1;
	v19 =	vperm.xlane v7, v1  }
0x180: {  	v15 =	vld [tilespmem:s19+$0x6A60];
	v17 =	vperm.xlane v11, v0;
	v20 =	vperm.xlane v9, v0  }
0x181: {  	v21 =	vld [tilespmem:s19+$0x69C0];
	v23 =	vperm.xlane v14, v1;
	v24 =	vperm.xlane v18, v0  }
0x182: {  	v22 =	vld [tilespmem:s19+$0x6900];
	v27 =	vperm.xlane v10, v0;
	v25 =	vperm.xlane v13, v0;
	v14 =	vsel vm0, v14, v17  }
0x183: {  	s22 =	sshll.u32 s21, $0x7;
	v28 =	vperm.xlane v16, v1;
	v9 =	vsel vm0, v12, v9;
	v12 =	vld [tilespmem:s19+$0x6960];
	v29 =	vperm.xlane v14, v3  }
0x184: {  	s16 =	sor.u32 s22, s17;
	v8 =	vsel vm0, v8, v20;
	v20 =	vsel vm0, v23, v11;
	v24 =	vsel vm0, v16, v24;
	v23 =	vld [tilespmem:s19+$0x6A40]  }
0x185: {  	s17 =	simm.s32 $0x400;
	s16 =	sor.u32 s18, s16;
	s18 =	simm.s32 $0x0;
	v26 =	vperm.xlane v15, v0;
	v17 =	vld [tilespmem:s19+$0x6A00];
	v16 =	vperm.xlane v9, v3;
	v11 =	vsel vm1, v29, v24  }
.LBB2_5:
0x186: {  	p0 =	sne.s32 s17, $0x13C00;
	v27 =	vsel vm0, v21, v27;
	v21 =	vperm.xlane v21, v1;
	v18 =	vsel vm0, v28, v18;
	s15 =	sadd.s32 $0x10, s15;
	s18 =	sadd.s32 $0x2, s18  }
0x187: {  	v30 =	vperm.xlane v20, v3;
	v28 =	vld [tilespmem:s19+$0x6A20];
	v25 =	vsel vm0, v22, v25;
	v29 =	vperm.xlane v27, v2;
	s19 =	smov.u32 s17;
	s17 =	sadd.s32 $0x400, s17  }
0x188: {  	v19 =	vsel vm0, v19, v12;
	v22 =	vperm.xlane v22, v1;
	v31 =	vperm.xlane v18, v2  }
0x189: {  	v24 =	vperm.xlane v24, v2;
	v32 =	vperm.xlane v19, v2;
	v26 =	vsel vm0, v23, v26  }
0x18a: {  	v33 =	vperm.xlane v11, v4;
	v13 =	vsel vm0, v22, v13;
	v22 =	vperm.xlane v17, v1  }
0x18b: {  	v18 =	vsel vm1, v30, v18;
	v23 =	vperm.xlane v23, v1;
	v20 =	vsel vm1, v20, v31  }
0x18c: {  	v30 =	vsel vm1, v13, v32;
	v13 =	vperm.xlane v13, v3;
	v22 =	vsel vm0, v22, v28  }
0x18d: {  	v31 =	vperm.xlane v20, v4;
	v15 =	vsel vm0, v23, v15;
	v23 =	vperm.xlane v22, v3  }
0x18e: {  	v28 =	vperm.xlane v28, v0;
	v32 =	vperm.xlane v15, v2  }
0x18f: {  	v14 =	vsel vm1, v14, v24;
	v15 =	vsel vm1, v23, v15;
	v23 =	vperm.xlane v18, v4  }
0x190: {  	v10 =	vsel vm0, v21, v10;
	v21 =	vperm.xlane v14, v4;
	v17 =	vsel vm0, v17, v28  }
0x191: {  	v13 =	vsel vm1, v13, v19;
	v19 =	vperm.xlane v26, v2;
	v22 =	vsel vm1, v22, v32  }
0x192: {  	v12 =	vperm.xlane v12, v0;
	v24 =	vperm.xlane v10, v2  }
0x193: {  	v10 =	vsel vm1, v16, v10;
	v28 =	vperm.xlane v25, v3;
	v16 =	vperm.xlane v17, v3  }
0x194: {  	v9 =	vsel vm1, v9, v24;
	v17 =	vsel vm1, v17, v19;
	v19 =	vperm.xlane v13, v5  }
0x195: {  	v24 =	vperm.xlane v30, v5;
	v16 =	vsel vm1, v16, v26;
	v26 =	vsel vm2, v22, v31  }
0x196: {  	v7 =	vsel vm0, v7, v12;
	v12 =	vsel vm2, v17, v21;
	v21 =	vperm.xlane v16, v5  }
0x197: {  	v32 =	vperm.xlane v15, v5;
	v31 =	vperm.xlane v8, v3;
	v19 =	vsel vm2, v19, v10  }
0x198: {  	v28 =	vsel vm1, v28, v7;
	v10 =	vperm.xlane v10, v4;
	v11 =	vsel vm2, v21, v11  }
0x199: {  	v17 =	vperm.xlane v17, v5;
	v22 =	vperm.xlane v22, v5;
	v21 =	vsel vm1, v31, v27  }
0x19a: {  	v10 =	vsel vm2, v13, v10;
	v31 =	vperm.xlane v28, v5;
	v27 =	vperm.xlane v21, v4  }
0x19b: {  	v8 =	vsel vm1, v8, v29;
	v14 =	vsel vm2, v17, v14;
	v13 =	vsel vm2, v24, v9  }
0x19c: {  	v7 =	vperm.xlane v7, v2;
	v17 =	vsel vm2, v22, v20;
	v20 =	vperm.xlane v13, v6  }
0x19d: {  	v16 =	vsel vm2, v16, v33;
	v22 =	vperm.xlane v12, v6;
	v24 =	vperm.xlane v10, v6  }
0x19e: {  	v15 =	vsel vm2, v15, v23;
	v7 =	vsel vm1, v25, v7;
	v25 =	vperm.xlane v8, v4  }
0x19f: {  	s20 =	sadd.s32 $0x10900, s16;
	v24 =	vsel vm3, v24, v15;
	v23 =	vsel vm2, v28, v27;
	v27 =	vperm.xlane v16, v6  }
0x1a0: {  	v25 =	vsel vm2, v7, v25;
	v7 =	vperm.xlane v7, v5;
	v28 =	vperm.xlane v26, v6;
	[tilespmem:s20+$0x580] =	vst v24  }
0x1a1: {  	v20 =	vsel vm3, v20, v17;
	v24 =	vsel vm3, v23, v27;
	v23 =	vperm.xlane v23, v6  }
0x1a2: {  	v22 =	vsel vm3, v25, v22;
	v25 =	vperm.xlane v25, v6;
	v27 =	vperm.xlane v11, v6;
	[tilespmem:s20+$0x100] =	vst v24  }
0x1a3: {  	v9 =	vperm.xlane v9, v4;
	v21 =	vsel vm2, v31, v21;
	v16 =	vsel vm3, v23, v16;
	[tilespmem:s16+$0x10900] =	vst v22  }
0x1a4: {  	v15 =	vperm.xlane v15, v6;
	v22 =	vsel vm3, v21, v27;
	v21 =	vperm.xlane v21, v6;
	[tilespmem:s20+$0x500] =	vst v16  }
0x1a5: {  	v9 =	vsel vm2, v30, v9;
	v12 =	vsel vm3, v25, v12;
	v16 =	vperm.xlane v14, v6;
	[tilespmem:s20+$0x300] =	vst v22  }
0x1a6: {  	v7 =	vsel vm2, v7, v8;
	v8 =	vsel vm3, v10, v15;
	v10 =	vsel vm3, v21, v11;
	[tilespmem:s20+$0x680] =	vst v20  }
0x1a7: {  	v11 =	vperm.xlane v9, v6;
	v15 =	vsel vm3, v7, v16;
	v7 =	vperm.xlane v7, v6;
	[tilespmem:s20+$0x180] =	vst v8  }
0x1a8: {  	v9 =	vsel vm3, v9, v28;
	v16 =	vperm.xlane v19, v6;
	v8 =	vsel vm2, v32, v18;
	[tilespmem:s20+$0x200] =	vst v15  }
0x1a9: {  	v11 =	vsel vm3, v11, v26;
	v7 =	vsel vm3, v7, v14;
	v14 =	vperm.xlane v17, v6;
	[tilespmem:s20+$0x700] =	vst v10  }
0x1aa: {  	v10 =	vperm.xlane v8, v6;
	v8 =	vsel vm3, v16, v8;
	[tilespmem:s20+$0x600] =	vst v7  }
0x1ab: {  	v7 =	vsel vm3, v13, v14;
	[tilespmem:s20+$0x400] =	vst v12  }
0x1ac: {  	s19 =	sshrl.u32 s19, $0x2;
	s16 =	sand.u32 $0x70, s15;
	v10 =	vsel vm3, v19, v10;
	[tilespmem:s20+$0x280] =	vst v7  }
0x1ad: {  	s21 =	sand.u32 $0x1FFFF000, s19;
	s19 =	sshll.u32 s16, $0x5;
	[tilespmem:s20+$0x480] =	vst v11  }
0x1ae: {  	s22 =	sand.u32 $0x10, s18;
	s19 =	sor.u32 s19, s21;
	[tilespmem:s20+$0x80] =	vst v9  }
0x1af: {  	s19 =	sor.u32 s22, s19;
	s22 =	sshll.u32 s22, $0x7;
	[tilespmem:s20+$0x780] =	vst v8  }
0x1b0: {  	s21 =	sor.u32 s22, s21;
	[tilespmem:s20+$0x380] =	vst v10  }
0x1b1: {  	s16 =	sor.u32 s16, s21;
	v13 =	vld [tilespmem:s19+$0x6920]  }
0x1b2: {  	v18 =	vld [tilespmem:s19+$0x6AE0]  }
0x1b3: {  	v7 =	vld [tilespmem:s19+$0x6940]  }
0x1b4: {  	v8 =	vld [tilespmem:s19+$0x6980]  }
0x1b5: {  	v11 =	vld [tilespmem:s19+$0x6AA0]  }
0x1b6: {  	v9 =	vld [tilespmem:s19+$0x69A0]  }
0x1b7: {  	v16 =	vld [tilespmem:s19+$0x6A80]  }
0x1b8: {  	v10 =	vld [tilespmem:s19+$0x69E0]  }
0x1b9: {  	v19 =	vperm.xlane v7, v1;
	v21 =	vld [tilespmem:s19+$0x69C0];
	v12 =	vperm.xlane v8, v1  }
0x1ba: {  	v26 =	vld [tilespmem:s19+$0x6AC0];
	v14 =	vperm.xlane v11, v0  }
0x1bb: {  	v15 =	vld [tilespmem:s19+$0x6A60];
	v17 =	vperm.xlane v9, v0;
	v9 =	vsel vm0, v12, v9  }
.Ltmp1:
0x1bc: {  	v24 =	vperm.xlane v18, v0;
	v12 =	vld [tilespmem:s19+$0x6960];
	v14 =	vsel vm0, v16, v14;
	v16 =	vperm.xlane v16, v1;
	(pc) =	sbr.rel @p0 .LBB2_5-.Ltmp1, $4  }
0x1bd: {  	v22 =	vld [tilespmem:s19+$0x6900];
	v8 =	vsel vm0, v8, v17;
	v27 =	vperm.xlane v10, v0;
	v29 =	vperm.xlane v14, v3  }
0x1be: {  	v25 =	vperm.xlane v13, v0;
	v17 =	vld [tilespmem:s19+$0x6A00];
	v20 =	vsel vm0, v16, v11  }
0x1bf: {  	v23 =	vld [tilespmem:s19+$0x6A40];
	v24 =	vsel vm0, v26, v24;
	v28 =	vperm.xlane v26, v1  }
0x1c0: {  	v16 =	vperm.xlane v9, v3;
	v26 =	vperm.xlane v15, v0;
	v11 =	vsel vm1, v29, v24  }
0x1c1: {  	v43 =	vperm.xlane v21, v1;
	v30 =	vperm.xlane v20, v3  }
0x1c2: {  	v27 =	vsel vm0, v21, v27;
	v24 =	vperm.xlane v24, v2;
	v47 =	vperm.xlane v11, v4  }
0x1c3: {  	v18 =	vsel vm0, v28, v18;
	v59 =	vperm.xlane v12, v0;
	v36 =	vperm.xlane v8, v3  }
0x1c4: {  	v19 =	vsel vm0, v19, v12;
	v44 =	vperm.xlane v27, v2;
	v31 =	vperm.xlane v22, v1  }
0x1c5: {  	v45 =	vsel vm0, v22, v25;
	v46 =	vperm.xlane v18, v2;
	v32 =	vperm.xlane v19, v2  }
0x1c6: {  	v33 =	vperm.xlane v17, v1;
	v18 =	vsel vm1, v30, v18;
	v14 =	vsel vm1, v14, v24  }
0x1c7: {  	v10 =	vsel vm0, v43, v10;
	v60 =	vperm.xlane v45, v3;
	v7 =	vsel vm0, v7, v59  }
0x1c8: {  	v12 =	vsel vm1, v36, v27;
	v26 =	vsel vm0, v23, v26;
	v13 =	vsel vm0, v31, v13  }
0x1c9: {  	v29 =	vld [tilespmem:s19+$0x6A20];
	v48 =	vperm.xlane v23, v1;
	v49 =	vsel vm1, v20, v46;
	v53 =	vperm.xlane v18, v4  }
0x1ca: {  	v55 =	vperm.xlane v14, v4;
	v57 =	vperm.xlane v10, v2;
	v10 =	vsel vm1, v16, v10  }
0x1cb: {  	v27 =	vperm.xlane v12, v4;
	v30 =	vsel vm1, v13, v32;
	v13 =	vperm.xlane v13, v3  }
0x1cc: {  	v8 =	vsel vm1, v8, v44;
	v23 =	vperm.xlane v49, v4;
	v56 =	vperm.xlane v26, v2  }
0x1cd: {  	v37 =	vsel vm1, v60, v7;
	v38 =	vperm.xlane v10, v4;
	v7 =	vperm.xlane v7, v2  }
0x1ce: {  	v42 =	vperm.xlane v8, v4;
	v50 =	vsel vm0, v33, v29;
	v15 =	vsel vm0, v48, v15  }
0x1cf: {  	v29 =	vperm.xlane v29, v0;
	v9 =	vsel vm1, v9, v57;
	v63 =	vperm.xlane v30, v5  }
0x1d0: {  	v33 =	vperm.xlane v37, v5;
	v27 =	vsel vm2, v37, v27;
	v51 =	vperm.xlane v50, v3  }
0x1d1: {  	v52 =	vperm.xlane v15, v2;
	v13 =	vsel vm1, v13, v19;
	v7 =	vsel vm1, v45, v7  }
0x1d2: {  	v54 =	vsel vm0, v17, v29;
	v41 =	vsel vm2, v13, v38;
	v19 =	vsel vm2, v63, v9  }
0x1d3: {  	v32 =	vsel vm2, v7, v42;
	v12 =	vsel vm2, v33, v12;
	v7 =	vperm.xlane v7, v5  }
0x1d4: {  	v9 =	vperm.xlane v9, v4;
	v15 =	vsel vm1, v51, v15;
	v25 =	vsel vm1, v50, v52  }
0x1d5: {  	v58 =	vperm.xlane v54, v3;
	v61 =	vsel vm1, v54, v56;
	v44 =	vperm.xlane v41, v6  }
0x1d6: {  	v50 =	vperm.xlane v19, v6;
	v57 =	vperm.xlane v32, v6;
	v21 =	vsel vm2, v61, v55  }
0x1d7: {  	v16 =	vperm.xlane v61, v5;
	v40 =	vperm.xlane v25, v5;
	v24 =	vsel vm2, v15, v53  }
0x1d8: {  	s15 =	sadd.s32 $0x10900, s16;
	v7 =	vsel vm2, v7, v8;
	v43 =	vperm.xlane v21, v6;
	v46 =	vsel vm3, v44, v24  }
0x1d9: {  	v62 =	vsel vm1, v58, v26;
	v52 =	vperm.xlane v24, v6;
	v60 =	vsel vm3, v57, v21;
	[tilespmem:s15+$0x580] =	vst v46  }
0x1da: {  	v26 =	vperm.xlane v62, v5;
	v20 =	vsel vm2, v40, v49;
	[tilespmem:s15+$0x400] =	vst v60;
	v31 =	vsel vm3, v32, v43  }
0x1db: {  	v17 =	vsel vm2, v62, v47;
	v47 =	vperm.xlane v27, v6;
	v54 =	vsel vm3, v50, v20;
	[tilespmem:s16+$0x10900] =	vst v31  }
0x1dc: {  	v14 =	vsel vm2, v16, v14;
	v45 =	vperm.xlane v17, v6;
	v8 =	vsel vm3, v41, v52;
	[tilespmem:s15+$0x680] =	vst v54  }
0x1dd: {  	v9 =	vsel vm2, v30, v9;
	v55 =	vperm.xlane v14, v6;
	v51 =	vsel vm3, v47, v17;
	[tilespmem:s15+$0x180] =	vst v8  }
0x1de: {  	v61 =	vperm.xlane v9, v6;
	v39 =	vsel vm2, v26, v11;
	v48 =	vsel vm3, v27, v45;
	[tilespmem:s15+$0x500] =	vst v51  }
0x1df: {  	v8 =	vsel vm2, v25, v23;
	v49 =	vperm.xlane v39, v6;
	v56 =	vsel vm3, v7, v55;
	[tilespmem:s15+$0x100] =	vst v48  }
0x1e0: {  	v7 =	vperm.xlane v7, v6;
	v62 =	vperm.xlane v8, v6;
	v8 =	vsel vm3, v61, v8;
	[tilespmem:s15+$0x200] =	vst v56  }
0x1e1: {  	v13 =	vperm.xlane v13, v5;
	[tilespmem:s15+$0x480] =	vst v8;
	v53 =	vsel vm3, v12, v49;
	v12 =	vperm.xlane v12, v6  }
0x1e2: {  	v59 =	vperm.xlane v15, v5;
	v7 =	vsel vm3, v7, v14;
	[tilespmem:s15+$0x300] =	vst v53  }
0x1e3: {  	v58 =	vperm.xlane v20, v6;
	[tilespmem:s15+$0x600] =	vst v7;
	v7 =	vsel vm2, v13, v10;
	v11 =	vsel vm3, v12, v39  }
0x1e4: {  	v9 =	vsel vm3, v9, v62;
	v13 =	vperm.xlane v7, v6;
	[tilespmem:s15+$0x700] =	vst v11;
	v11 =	vsel vm2, v59, v18  }
0x1e5: {  	[tilespmem:s15+$0x80] =	vst v9;
	v12 =	vsel vm3, v19, v58;
	v63 =	vperm.xlane v11, v6  }
0x1e6: {  	s1 =	sshll.u32 s1, $0xE;
	[tilespmem:s15+$0x280] =	vst v12;
	v8 =	vsel vm3, v13, v11  }
0x1e7: {  	s1 =	sor.u32 s6, s1;
	[tilespmem:s15+$0x780] =	vst v8;
	v7 =	vsel vm3, v7, v63  }
0x1e8: {  	s22 =	simm.s32 $0x10900;
	s21 =	sadd.s32 s2, s1;
	[tilespmem:s15+$0x380] =	vst v7  }
0x1e9: {  	[hbm4b:s21+s3] =	stream.linear.scatter [tilespmem:s22], [sflag:$0x4], $0x400, $0x38;
	[tilespmem:$0x15900] =	vst v63  }
0x1ea: {  	s17 =	simm.s32 $0x10D00;
	s16 =	sadd.s32 s1, s7  }
0x1eb: {  	[hbm4b:s16+s3] =	stream.linear.scatter [tilespmem:s17], [sflag:$0x4], $0x400, $0x38;
	[tilespmem:$0x15900] =	vst v63  }
0x1ec: {  	s19 =	simm.s32 $0x11100;
	s18 =	sadd.s32 s1, s8  }
0x1ed: {  	[hbm4b:s18+s3] =	stream.linear.scatter [tilespmem:s19], [sflag:$0x4], $0x400, $0x38;
	[tilespmem:$0x15900] =	vst v63  }
0x1ee: {  	s20 =	simm.s32 $0x11500;
	s1 =	sadd.s32 s1, s9  }
0x1ef: {  	[hbm4b:s1+s3] =	stream.linear.scatter [tilespmem:s20], [sflag:$0x4], $0x400, $0x38;
	[tilespmem:$0x15900] =	vst v63  }
0x1f0: {  	s1 =	sadd.s32 s6, s13  }
0x1f1: {  	s13 =	sadd.s32 $0x18000, s1  }
0x1f2: {  	s22 =	simm.s32 $0x11900;
	s21 =	sadd.s32 s2, s13  }
0x1f3: {  	[hbm4b:s21+s3] =	stream.linear.scatter [tilespmem:s22], [sflag:$0x4], $0x400, $0x38;
	[tilespmem:$0x15900] =	vst v63  }
0x1f4: {  	s17 =	simm.s32 $0x11D00;
	s16 =	sadd.s32 s13, s7  }
0x1f5: {  	[hbm4b:s16+s3] =	stream.linear.scatter [tilespmem:s17], [sflag:$0x4], $0x400, $0x38;
	[tilespmem:$0x15900] =	vst v63  }
0x1f6: {  	s19 =	simm.s32 $0x12100;
	s18 =	sadd.s32 s13, s8  }
0x1f7: {  	[hbm4b:s18+s3] =	stream.linear.scatter [tilespmem:s19], [sflag:$0x4], $0x400, $0x38;
	[tilespmem:$0x15900] =	vst v63  }
0x1f8: {  	s20 =	simm.s32 $0x12500;
	s13 =	sadd.s32 s13, s9  }
0x1f9: {  	[hbm4b:s13+s3] =	stream.linear.scatter [tilespmem:s20], [sflag:$0x4], $0x400, $0x38;
	[tilespmem:$0x15900] =	vst v63  }
0x1fa: {  	s13 =	sadd.s32 $0x1C000, s1  }
0x1fb: {  	s22 =	simm.s32 $0x12900;
	s21 =	sadd.s32 s2, s13  }
0x1fc: {  	[hbm4b:s21+s3] =	stream.linear.scatter [tilespmem:s22], [sflag:$0x4], $0x400, $0x38;
	[tilespmem:$0x15900] =	vst v63  }
0x1fd: {  	s18 =	simm.s32 $0x12D00;
	s17 =	sadd.s32 s13, s7  }
0x1fe: {  	[hbm4b:s17+s3] =	stream.linear.scatter [tilespmem:s18], [sflag:$0x4], $0x400, $0x38;
	[tilespmem:$0x15900] =	vst v63  }
0x1ff: {  	s20 =	simm.s32 $0x13100;
	s19 =	sadd.s32 s13, s8  }
0x200: {  	[hbm4b:s19+s3] =	stream.linear.scatter [tilespmem:s20], [sflag:$0x4], $0x400, $0x38;
	[tilespmem:$0x15900] =	vst v63  }
0x201: {  	s13 =	sadd.s32 s13, s9;
	s21 =	simm.s32 $0x13500;
	s22 =	sadd.s32 $0x20000, s1  }
0x202: {  	[hbm4b:s13+s3] =	stream.linear.scatter [tilespmem:s21], [sflag:$0x4], $0x400, $0x38;
	[tilespmem:$0x15900] =	vst v63  }
0x203: {  	s16 =	sadd.s32 s2, s22;
	s17 =	simm.s32 $0x13900  }
0x204: {  	[hbm4b:s16+s3] =	stream.linear.scatter [tilespmem:s17], [sflag:$0x4], $0x400, $0x38;
	[tilespmem:$0x15900] =	vst v63  }
0x205: {  	s18 =	sadd.s32 s22, s7  }
0x206: {  	[hbm4b:s18+s3] =	stream.linear.scatter [tilespmem:s5], [sflag:$0x4], $0x400, $0x38;
	[tilespmem:$0x15900] =	vst v63  }
0x207: {  	s19 =	sadd.s32 s22, s8  }
0x208: {  	[hbm4b:s19+s3] =	stream.linear.scatter [tilespmem:s10], [sflag:$0x4], $0x400, $0x38;
	[tilespmem:$0x15900] =	vst v63  }
0x209: {  	s1 =	sadd.s32 $0x24000, s1;
	s13 =	sadd.s32 s22, s9  }
0x20a: {  	[hbm4b:s13+s3] =	stream.linear.scatter [tilespmem:s14], [sflag:$0x4], $0x400, $0x38;
	[tilespmem:$0x15900] =	vst v63  }
0x20b: {  	s0 =	sadd.s32 $0x1, s0;
	s20 =	sadd.s32 s2, s1  }
0x20c: {  	[hbm4b:s20+s3] =	stream.linear.scatter [tilespmem:s23], [sflag:$0x4], $0x400, $0x38;
	[tilespmem:$0x15900] =	vst v63  }
0x20d: {  	p0 =	sne.s32 s0, $0x5;
	s21 =	sadd.s32 s1, s7  }
0x20e: {  	[hbm4b:s21+s3] =	stream.linear.scatter [tilespmem:s24], [sflag:$0x4], $0x400, $0x38;
	[tilespmem:$0x15900] =	vst v63  }
.Ltmp2:
0x20f: {  	_ = 	snop;
	(pc) =	sbr.rel @p0 .LBB2_2-.Ltmp2, $4  }
0x210: {  	s22 =	sadd.s32 s1, s8  }
0x211: {  	[hbm4b:s22+s3] =	stream.linear.scatter [tilespmem:s25], [sflag:$0x4], $0x400, $0x38;
	[tilespmem:$0x15900] =	vst v63  }
0x212: {  	s1 =	sadd.s32 s1, s9  }
0x213: {  	[hbm4b:s1+s3] =	stream.linear.scatter [tilespmem:s26], [sflag:$0x4], $0x400, $0x38;
	[tilespmem:$0x15900] =	vst v63  }
0x214: {  	_ =	swait.ge [sflag:s30], $0x400  }
0x215: {  	[sflag:s30] =	ssyncset.done $0x0  }
0x216: {  	[sflag:s30] =	ssyncadd.s32 $0xFFFFFC00  }
0x217: {  	_ =	swait.ge [sflag:s30], $0x400  }
0x218: {  	[sflag:s30] =	ssyncset.done $0x0  }
0x219: {  	[sflag:s30] =	ssyncadd.s32 $0xFFFFFC00  }
0x21a: {  	_ =	swait.ge [sflag:s30], $0x400  }
0x21b: {  	[sflag:s30] =	ssyncset.done $0x0  }
0x21c: {  	[sflag:s30] =	ssyncadd.s32 $0xFFFFFC00  }
0x21d: {  	_ =	swait.ge [sflag:s30], $0x400  }
0x21e: {  	[sflag:s30] =	ssyncset.done $0x0  }
0x21f: {  	[sflag:s30] =	ssyncadd.s32 $0xFFFFFC00  }
0x220: {  	_ =	swait.ge [sflag:s30], $0x400  }
0x221: {  	[sflag:s30] =	ssyncset.done $0x0  }
0x222: {  	[sflag:s30] =	ssyncadd.s32 $0xFFFFFC00  }
0x223: {  	_ =	swait.ge [sflag:s30], $0x400  }
0x224: {  	[sflag:s30] =	ssyncset.done $0x0  }
0x225: {  	[sflag:s30] =	ssyncadd.s32 $0xFFFFFC00  }
0x226: {  	_ =	swait.ge [sflag:s30], $0x400  }
0x227: {  	[sflag:s30] =	ssyncset.done $0x0  }
0x228: {  	[sflag:s30] =	ssyncadd.s32 $0xFFFFFC00  }
0x229: {  	_ =	swait.ge [sflag:s30], $0x400  }
0x22a: {  	[sflag:s30] =	ssyncset.done $0x0  }
0x22b: {  	[sflag:s30] =	ssyncadd.s32 $0xFFFFFC00  }
0x22c: {  	_ =	swait.ge [sflag:s30], $0x400  }
0x22d: {  	[sflag:s30] =	ssyncset.done $0x0  }
0x22e: {  	[sflag:s30] =	ssyncadd.s32 $0xFFFFFC00  }
0x22f: {  	_ =	swait.ge [sflag:s30], $0x400  }
0x230: {  	[sflag:s30] =	ssyncset.done $0x0  }
0x231: {  	[sflag:s30] =	ssyncadd.s32 $0xFFFFFC00  }
0x232: {  	_ =	swait.ge [sflag:s30], $0x400  }
0x233: {  	[sflag:s30] =	ssyncset.done $0x0  }
0x234: {  	[sflag:s30] =	ssyncadd.s32 $0xFFFFFC00  }
0x235: {  	_ =	swait.ge [sflag:s30], $0x400  }
0x236: {  	[sflag:s30] =	ssyncset.done $0x0  }
0x237: {  	[sflag:s30] =	ssyncadd.s32 $0xFFFFFC00  }
0x238: {  	_ =	swait.ge [sflag:s30], $0x400  }
0x239: {  	[sflag:s30] =	ssyncset.done $0x0  }
0x23a: {  	[sflag:s30] =	ssyncadd.s32 $0xFFFFFC00  }
0x23b: {  	_ =	swait.ge [sflag:s30], $0x400  }
0x23c: {  	[sflag:s30] =	ssyncset.done $0x0  }
0x23d: {  	[sflag:s30] =	ssyncadd.s32 $0xFFFFFC00  }
0x23e: {  	_ =	swait.ge [sflag:s30], $0x400  }
0x23f: {  	[sflag:s30] =	ssyncset.done $0x0  }
0x240: {  	[sflag:s30] =	ssyncadd.s32 $0xFFFFFC00  }
0x241: {  	_ =	swait.ge [sflag:s30], $0x400  }
0x242: {  	[sflag:s30] =	ssyncset.done $0x0  }
0x243: {  	[sflag:s30] =	ssyncadd.s32 $0xFFFFFC00  }
0x244: {  	_ =	swait.ge [sflag:s30], $0x400  }
0x245: {  	[sflag:s30] =	ssyncset.done $0x0  }
0x246: {  	[sflag:s30] =	ssyncadd.s32 $0xFFFFFC00  }
0x247: {  	_ =	swait.ge [sflag:s30], $0x400  }
0x248: {  	[sflag:s30] =	ssyncset.done $0x0  }
0x249: {  	[sflag:s30] =	ssyncadd.s32 $0xFFFFFC00  }
0x24a: {  	_ =	swait.ge [sflag:s30], $0x400  }
0x24b: {  	[sflag:s30] =	ssyncset.done $0x0  }
0x24c: {  	[sflag:s30] =	ssyncadd.s32 $0xFFFFFC00  }
0x24d: {  	_ =	swait.ge [sflag:s30], $0x400  }
0x24e: {  	[sflag:s30] =	ssyncset.done $0x0  }
0x24f: {  	[sflag:s30] =	ssyncadd.s32 $0xFFFFFC00  }
0x250: {  	_ =	swait.ge [sflag:s31], $0x400  }
0x251: {  	[sflag:s31] =	ssyncset.done $0x0  }
0x252: {  	[sflag:s31] =	ssyncadd.s32 $0xFFFFFC00  }
0x253: {  	_ =	swait.ge [sflag:s31], $0x400  }
0x254: {  	[sflag:s31] =	ssyncset.done $0x0  }
0x255: {  	[sflag:s31] =	ssyncadd.s32 $0xFFFFFC00  }
0x256: {  	_ =	swait.ge [sflag:s31], $0x400  }
0x257: {  	[sflag:s31] =	ssyncset.done $0x0  }
0x258: {  	[sflag:s31] =	ssyncadd.s32 $0xFFFFFC00  }
0x259: {  	_ =	swait.ge [sflag:s31], $0x400  }
0x25a: {  	[sflag:s31] =	ssyncset.done $0x0  }
0x25b: {  	[sflag:s31] =	ssyncadd.s32 $0xFFFFFC00  }
0x25c: {  	_ =	swait.ge [sflag:s31], $0x400  }
0x25d: {  	[sflag:s31] =	ssyncset.done $0x0  }
0x25e: {  	[sflag:s31] =	ssyncadd.s32 $0xFFFFFC00  }
0x25f: {  	_ =	swait.ge [sflag:s31], $0x400  }
0x260: {  	[sflag:s31] =	ssyncset.done $0x0  }
0x261: {  	[sflag:s31] =	ssyncadd.s32 $0xFFFFFC00  }
0x262: {  	_ =	swait.ge [sflag:s31], $0x400  }
0x263: {  	[sflag:s31] =	ssyncset.done $0x0  }
0x264: {  	[sflag:s31] =	ssyncadd.s32 $0xFFFFFC00  }
0x265: {  	_ =	swait.ge [sflag:s31], $0x400  }
0x266: {  	[sflag:s31] =	ssyncset.done $0x0  }
0x267: {  	[sflag:s31] =	ssyncadd.s32 $0xFFFFFC00  }
0x268: {  	_ =	swait.ge [sflag:s31], $0x400  }
0x269: {  	[sflag:s31] =	ssyncset.done $0x0  }
0x26a: {  	[sflag:s31] =	ssyncadd.s32 $0xFFFFFC00  }
0x26b: {  	_ =	swait.ge [sflag:s31], $0x400  }
0x26c: {  	[sflag:s31] =	ssyncset.done $0x0  }
0x26d: {  	[sflag:s31] =	ssyncadd.s32 $0xFFFFFC00  }
0x26e: {  	_ =	swait.ge [sflag:s31], $0x400  }
0x26f: {  	[sflag:s31] =	ssyncset.done $0x0  }
0x270: {  	[sflag:s31] =	ssyncadd.s32 $0xFFFFFC00  }
0x271: {  	_ =	swait.ge [sflag:s31], $0x400  }
0x272: {  	[sflag:s31] =	ssyncset.done $0x0  }
0x273: {  	[sflag:s31] =	ssyncadd.s32 $0xFFFFFC00  }
0x274: {  	_ =	swait.ge [sflag:s31], $0x400  }
0x275: {  	[sflag:s31] =	ssyncset.done $0x0  }
0x276: {  	[sflag:s31] =	ssyncadd.s32 $0xFFFFFC00  }
0x277: {  	_ =	swait.ge [sflag:s31], $0x400  }
0x278: {  	[sflag:s31] =	ssyncset.done $0x0  }
0x279: {  	[sflag:s31] =	ssyncadd.s32 $0xFFFFFC00  }
0x27a: {  	_ =	swait.ge [sflag:s31], $0x400  }
0x27b: {  	[sflag:s31] =	ssyncset.done $0x0  }
0x27c: {  	[sflag:s31] =	ssyncadd.s32 $0xFFFFFC00  }
0x27d: {  	_ =	swait.ge [sflag:s31], $0x400  }
0x27e: {  	[sflag:s31] =	ssyncset.done $0x0  }
0x27f: {  	[sflag:s31] =	ssyncadd.s32 $0xFFFFFC00  }
0x280: {  	_ =	swait.ge [sflag:s31], $0x400  }
0x281: {  	[sflag:s31] =	ssyncset.done $0x0  }
0x282: {  	[sflag:s31] =	ssyncadd.s32 $0xFFFFFC00  }
0x283: {  	_ =	swait.ge [sflag:s31], $0x400  }
0x284: {  	[sflag:s31] =	ssyncset.done $0x0  }
0x285: {  	[sflag:s31] =	ssyncadd.s32 $0xFFFFFC00  }
0x286: {  	_ =	swait.ge [sflag:s31], $0x400  }
0x287: {  	[sflag:s31] =	ssyncset.done $0x0  }
0x288: {  	[sflag:s31] =	ssyncadd.s32 $0xFFFFFC00  }
0x289: {  	_ =	swait.ge [sflag:s31], $0x400  }
0x28a: {  	s1 =	rddreg [dreg:$0x5]  }
0x28b: {  	s0 =	rddreg [dreg:$0x4];
	s1 =	sadd.s32 $0x1, s1  }
0x28c: {  	p0 =	sne.s32 s1, s0  }
.Ltmp3:
0x28d: {  	_ = 	snop;
	(pc) =	sbr.rel @p0 .LBB2_1-.Ltmp3, $3  }
0x28e: {  	_ =	sdelay $0x1  }
0x28f: {  	[sflag:s31] =	ssyncset.done $0x0  }
0x290: {  	[sflag:s31] =	ssyncadd.s32 $0xFFFFFC00  }
0x291: {  	_ =	sfence.sel $0x180000  }
0x292: {  	[bflag:$0x0] =	sbarrier.arrive $0xFFFF  }
0x293: {  	_ =	strace $0x90000047  }
0x294: {  	s0 =	stileid.u32;
	[bflag:$0x2] =	sbarrier.arrive $0xFFFF  }
0x295: {  	p0 =	sne.s32 s0, $0x0;
	s0 =	rddreg [dreg:$0x2]  }
0x296: {  	s0 =	sadd.s32 @!p0 $0x100000, s0  }
0x297: {  	[sflag:s0] =	ssyncadd.tile.s32 @!p0 $0x1;
	_ =	shalt  }
.Lfunc_end2:
_tile_overlayer_lowered:
.L_overlay_start_2:
0x298: {  	(tag) =	ssettag $0x2  }
0x299: {  	s0 =	rddreg [dreg:$0x0];
	s2 =	stileid.u32  }
0x29a: {  	s1 =	rddreg [dreg:$0x1];
	p0 =	sne.s32 s2, $0x0  }
0x29b: {  	s3 =	rddreg [dreg:$0x2];
	[bflag:$0x3] =	sbarrier.arrive $0xFFFF;
	s2 =	simm.s32 @!p0 $0x1C05  }
0x29c: {  	[timem:s3], [sflag:s2] =	dma.local @!p0 [hbm:s0], s1  }
0x29d: {  	s0 =	simm.s32 @!p0 $0x5  }
0x29e: {  	_ =	swait.ge @!p0 [sflag:s0], s1  }
0x29f: {  	s1 =	ssub.s32 @!p0 $0x0, s1;
	[sflag:s0] =	ssyncset.done @!p0 $0x0  }
0x2a0: {  	[sflag:s0] =	ssyncadd.s32 @!p0 s1  }
0x2a1: {  	[bflag:$0x3] =	sbarrier.arrive $0xFFFF  }
0x2a2: {  	_ =	shalt  }

</sc_bundles>
